<compile_context>
chip_gen: v7x
topology: tpu7x:2x2x1
jax: 0.10.2.dev20260603
libtpu: 0.0.44.dev20260713+nightly
codegen_flags: <defaults>
</compile_context>

<pallas_src>
import jax
import jax.numpy as jnp
from jax import lax
from jax.experimental import pallas as pl
from jax.experimental.pallas import tpu as pltpu
from jax.experimental.pallas import tpu_sc as plsc

N = 10000
DF = 128
E_RAW = 320000
E_TOT = E_RAW + N
E_PAD = 331776
NW = 32
N_ACC = 10016
RPT = N_ACC // 16

_HIGH = lax.Precision.HIGHEST


def _mesh():
    return plsc.VectorSubcoreMesh(core_axis_name="c", subcore_axis_name="s")


_SC_PARAMS = pltpu.CompilerParams(use_tc_tiling_on_sc=False,
                                  needs_layout_passes=False)


def _vperm(v, idx):
    return lax.gather(
        v, idx.reshape(16, 1),
        lax.GatherDimensionNumbers(offset_dims=(), collapsed_slice_dims=(0,),
                                   start_index_map=(0,)),
        (1,), mode=lax.GatherScatterMode.PROMISE_IN_BOUNDS)


def _sc_layer0(q, k, v, row, row_s, col, z8, z64):
    ca = 144
    per_w = E_PAD // NW
    n_ch = per_w // ca

    i32 = jnp.int32
    f32 = jnp.float32
    scr = ([pltpu.VMEM((ca,), i32)] * 6 +
           [pltpu.VMEM((ca, 64), f32)] * 7 +
           [pltpu.VMEM((ca, 8), f32)] +
           [pltpu.VMEM_SHARED((N_ACC, 8), f32),
            pltpu.VMEM_SHARED((N_ACC, 64), f32)] +
           [pltpu.SemaphoreType.DMA] * 6)

    @pl.kernel(out_type=(jax.ShapeDtypeStruct((2, N_ACC, 64), f32),
                         jax.ShapeDtypeStruct((2, N_ACC, 8), f32)),
               mesh=_mesh(), compiler_params=_SC_PARAMS, scratch_types=scr)
    def l0_kernel(q_hbm, k_hbm, v_hbm, row_hbm, rs_hbm, col_hbm,
                  z8_hbm, z64_hbm, out_hbm, dh_hbm,
                  ir0, ir1, is0, is1, ic0, ic1,
                  qe0, qe1, ke0, ke1, ve0, ve1, ct_v, pv_v,
                  den, acc, sq0, sq1, sk0, sk1, sv0, sv1):
        c = lax.axis_index("c")
        s = lax.axis_index("s")
        base_w = (s * 2 + c) * per_w
        IR = (ir0, ir1)
        IS = (is0, is1)
        IC = (ic0, ic1)
        QE = (qe0, qe1)
        KE = (ke0, ke1)
        VE = (ve0, ve1)
        SQ = (sq0, sq1)
        SK = (sk0, sk1)
        SV = (sv0, sv1)
        io16 = lax.iota(i32, 16)
        p8x = io16 ^ 8
        h8 = io16 & 7
        lo8 = io16 < 8
        hi1 = jnp.where(io16 >= 8, 1, 0).astype(i32)

        rows = pl.ds(s * RPT, RPT)
        pltpu.sync_copy(z8_hbm, den.at[rows])
        pltpu.sync_copy(z64_hbm, acc.at[rows])
        plsc.subcore_barrier()

        def issue(b, ch):
            base = base_w + ch * ca
            pltpu.sync_copy(row_hbm.at[pl.ds(base, ca)], IR[b])
            pltpu.sync_copy(rs_hbm.at[pl.ds(base, ca)], IS[b])
            pltpu.sync_copy(col_hbm.at[pl.ds(base, ca)], IC[b])
            pltpu.async_copy(q_hbm.at[IR[b]], QE[b], SQ[b])
            pltpu.async_copy(k_hbm.at[IC[b]], KE[b], SK[b])
            pltpu.async_copy(v_hbm.at[IC[b]], VE[b], SV[b])

        for b in range(2):
            issue(b, b)

        @pl.loop(0, n_ch // 2)
        def _(gg):
            for b in range(2):
                ch = gg * 2 + b
                pltpu.make_async_copy(q_hbm.at[IR[b]], QE[b], SQ[b]).wait()
                pltpu.make_async_copy(k_hbm.at[IC[b]], KE[b], SK[b]).wait()
                pltpu.make_async_copy(v_hbm.at[IC[b]], VE[b], SV[b]).wait()

                qe_v, ke_v, ve_v = QE[b], KE[b], VE[b]

                @plsc.parallel_loop(0, ca, unroll=8)
                def _(e):
                    acc_r = None
                    for j in range(4):
                        qv = qe_v[e, pl.ds(j * 16, 16)]
                        kv = ke_v[e, pl.ds(j * 16, 16)]
                        pr = qv * kv
                        acc_r = pr if acc_r is None else acc_r + pr
                    att = acc_r + _vperm(acc_r, p8x)
                    t = jnp.exp(att)
                    plsc.store_scatter(pv_v, [jnp.full((16,), e, i32), h8],
                                       t, mask=lo8)
                    for j in range(4):
                        tj = _vperm(t, jnp.full((16,), 2 * j, i32) + hi1)
                        sl = pl.ds(j * 16, 16)
                        ct_v[e, sl] = ve_v[e, sl] * tj

                pltpu.sync_copy(pv_v, den.at[IS[b]], add=True)
                pltpu.sync_copy(ct_v, acc.at[IS[b]], add=True)

                @pl.when(ch + 2 < n_ch)
                def _():
                    issue(b, ch + 2)

        plsc.subcore_barrier()
        pltpu.sync_copy(den.at[rows], dh_hbm.at[c, rows])
        pltpu.sync_copy(acc.at[rows], out_hbm.at[c, rows])

    return l0_kernel(q, k, v, row, row_s, col, z8, z64)


def _sc_layer1(q1t, k1t, v1t, row, row_s, col, z8):
    ca = 1296
    per_w = E_PAD // NW
    n_ch = per_w // ca

    i32 = jnp.int32
    f32 = jnp.float32
    scr = ([pltpu.VMEM((ca,), i32)] * 6 +
           [pltpu.VMEM((ca, 8), f32)] * 8 +
           [pltpu.VMEM_SHARED((N_ACC, 8), f32),
            pltpu.VMEM_SHARED((N_ACC, 8), f32)] +
           [pltpu.SemaphoreType.DMA] * 6)

    @pl.kernel(out_type=(jax.ShapeDtypeStruct((2, N_ACC, 8), f32),
                         jax.ShapeDtypeStruct((2, N_ACC, 8), f32)),
               mesh=_mesh(), compiler_params=_SC_PARAMS, scratch_types=scr)
    def l1_kernel(q_hbm, k_hbm, v_hbm, row_hbm, rs_hbm, col_hbm,
                  z8_hbm, out_hbm, dh_hbm,
                  ir0, ir1, is0, is1, ic0, ic1,
                  qe0, qe1, ke0, ke1, ve0, ve1, ct_v, pv_v,
                  den, acc, sq0, sq1, sk0, sk1, sv0, sv1):
        c = lax.axis_index("c")
        s = lax.axis_index("s")
        base_w = (s * 2 + c) * per_w
        IR = (ir0, ir1)
        IS = (is0, is1)
        IC = (ic0, ic1)
        QE = (qe0, qe1)
        KE = (ke0, ke1)
        VE = (ve0, ve1)
        SQ = (sq0, sq1)
        SK = (sk0, sk1)
        SV = (sv0, sv1)
        io16 = lax.iota(i32, 16)
        h8 = io16 & 7
        hi1 = jnp.where(io16 >= 8, 1, 0).astype(i32)

        rows = pl.ds(s * RPT, RPT)
        pltpu.sync_copy(z8_hbm, den.at[rows])
        pltpu.sync_copy(z8_hbm, acc.at[rows])
        plsc.subcore_barrier()

        def issue(b, ch):
            base = base_w + ch * ca
            pltpu.sync_copy(row_hbm.at[pl.ds(base, ca)], IR[b])
            pltpu.sync_copy(rs_hbm.at[pl.ds(base, ca)], IS[b])
            pltpu.sync_copy(col_hbm.at[pl.ds(base, ca)], IC[b])
            pltpu.async_copy(q_hbm.at[IR[b]], QE[b], SQ[b])
            pltpu.async_copy(k_hbm.at[IC[b]], KE[b], SK[b])
            pltpu.async_copy(v_hbm.at[IC[b]], VE[b], SV[b])

        for b in range(2):
            issue(b, b)

        @pl.loop(0, n_ch // 2)
        def _(gg):
            for b in range(2):
                ch = gg * 2 + b
                pltpu.make_async_copy(q_hbm.at[IR[b]], QE[b], SQ[b]).wait()
                pltpu.make_async_copy(k_hbm.at[IC[b]], KE[b], SK[b]).wait()
                pltpu.make_async_copy(v_hbm.at[IC[b]], VE[b], SV[b]).wait()

                qe_v, ke_v, ve_v = QE[b], KE[b], VE[b]

                @plsc.parallel_loop(0, ca // 2, unroll=8)
                def _(ee):
                    e2 = jnp.full((16,), 2 * ee, i32) + hi1
                    qv = plsc.load_gather(qe_v, [e2, h8])
                    kv = plsc.load_gather(ke_v, [e2, h8])
                    vv = plsc.load_gather(ve_v, [e2, h8])
                    t = jnp.exp(qv * kv)
                    plsc.store_scatter(pv_v, [e2, h8], t)
                    plsc.store_scatter(ct_v, [e2, h8], t * vv)

                pltpu.sync_copy(pv_v, den.at[IS[b]], add=True)
                pltpu.sync_copy(ct_v, acc.at[IS[b]], add=True)

                @pl.when(ch + 2 < n_ch)
                def _():
                    issue(b, ch + 2)

        plsc.subcore_barrier()
        pltpu.sync_copy(den.at[rows], dh_hbm.at[c, rows])
        pltpu.sync_copy(acc.at[rows], out_hbm.at[c, rows])

    return l1_kernel(q1t, k1t, v1t, row, row_s, col, z8)


def _tc_qkv(x, Wq, bq, Wk, bk, Wv):
    blk = 2000

    def body(x_ref, wq_ref, bq_ref, wk_ref, bk_ref, wv_ref, q_ref, k_ref, v_ref):
        xb = x_ref[...]
        q_ref[...] = jax.nn.relu(
            jnp.dot(xb, wq_ref[...], preferred_element_type=jnp.float32,
                    precision=_HIGH) + bq_ref[...])
        k_ref[...] = jax.nn.relu(
            jnp.dot(xb, wk_ref[...], preferred_element_type=jnp.float32,
                    precision=_HIGH) + bk_ref[...])
        v_ref[...] = jnp.dot(xb, wv_ref[...], preferred_element_type=jnp.float32,
                             precision=_HIGH)

    full = lambda i: (0, 0)
    o64 = jax.ShapeDtypeStruct((N, 64), jnp.float32)
    return pl.pallas_call(
        body,
        grid=(N // blk,),
        in_specs=[
            pl.BlockSpec((blk, DF), lambda i: (i, 0)),
            pl.BlockSpec((DF, 64), full),
            pl.BlockSpec((1, 64), full),
            pl.BlockSpec((DF, 64), full),
            pl.BlockSpec((1, 64), full),
            pl.BlockSpec((DF, 64), full),
        ],
        out_specs=[pl.BlockSpec((blk, 64), lambda i: (i, 0))] * 3,
        out_shape=[o64, o64, o64],
    )(x, Wq, bq.reshape(1, 64), Wk, bk.reshape(1, 64), Wv)


def _tc_layer1_tables(oa, ob, dparts, b0, Wq1b, bq1b, Wk1b, bk1b, W1p):
    blk = 2000

    def body(a_ref, b_ref, dp_ref, b0_ref, wq_ref, bq_ref, wk_ref, bk_ref,
             wv_ref, q_ref, k_ref, v_ref):
        d = dp_ref[0] + dp_ref[1] + 1e-16
        d64 = jnp.broadcast_to(d[:, :, None], (blk, 8, 8)).reshape(blk, 64)
        h = jax.nn.relu((a_ref[...] + b_ref[...]) / d64 + b0_ref[...])
        q_ref[...] = jax.nn.relu(
            jnp.dot(h, wq_ref[...], preferred_element_type=jnp.float32,
                    precision=_HIGH) + bq_ref[...])
        k_ref[...] = jax.nn.relu(
            jnp.dot(h, wk_ref[...], preferred_element_type=jnp.float32,
                    precision=_HIGH) + bk_ref[...])
        v_ref[...] = jnp.dot(h, wv_ref[...], preferred_element_type=jnp.float32,
                             precision=_HIGH)

    full = lambda i: (0, 0)
    o8 = jax.ShapeDtypeStruct((N, 8), jnp.float32)
    return pl.pallas_call(
        body,
        grid=(N // blk,),
        in_specs=[
            pl.BlockSpec((blk, 64), lambda i: (i, 0)),
            pl.BlockSpec((blk, 64), lambda i: (i, 0)),
            pl.BlockSpec((2, blk, 8), lambda i: (0, i, 0)),
            pl.BlockSpec((1, 64), full),
            pl.BlockSpec((64, 8), full),
            pl.BlockSpec((1, 8), full),
            pl.BlockSpec((64, 8), full),
            pl.BlockSpec((1, 8), full),
            pl.BlockSpec((64, 8), full),
        ],
        out_specs=[pl.BlockSpec((blk, 8), lambda i: (i, 0))] * 3,
        out_shape=[o8, o8, o8],
    )(oa, ob, dparts, b0.reshape(1, 64), Wq1b, bq1b, Wk1b, bk1b, W1p)


def _tc_final(o1a, o1b, dparts, b1p):
    blk = 2000

    def body(a_ref, b_ref, dp_ref, bias_ref, o_ref):
        d = dp_ref[0] + dp_ref[1] + 1e-16
        o_ref[...] = (a_ref[...] + b_ref[...]) / d + bias_ref[...]

    return pl.pallas_call(
        body,
        grid=(N // blk,),
        in_specs=[
            pl.BlockSpec((blk, 8), lambda i: (i, 0)),
            pl.BlockSpec((blk, 8), lambda i: (i, 0)),
            pl.BlockSpec((2, blk, 8), lambda i: (0, i, 0)),
            pl.BlockSpec((1, 8), lambda i: (0, 0)),
        ],
        out_specs=pl.BlockSpec((blk, 8), lambda i: (i, 0)),
        out_shape=jax.ShapeDtypeStruct((N, 8), jnp.float32),
    )(o1a, o1b, dparts, b1p)


def kernel(x, edge_index, Wq0, bq0, Wk0, bk0, W0, b0, Wq1, bq1, Wk1, bk1, W1, b1):
    loops = jnp.arange(N, dtype=jnp.int32)
    pad = jnp.zeros((E_PAD - E_TOT,), jnp.int32)
    row = jnp.concatenate([edge_index[0].astype(jnp.int32), loops, pad])
    col = jnp.concatenate([edge_index[1].astype(jnp.int32), loops, pad])
    row_s = jnp.concatenate([edge_index[0].astype(jnp.int32), loops,
                             jnp.full((E_PAD - E_TOT,), N, jnp.int32)])

    z8 = jnp.zeros((RPT, 8), jnp.float32)
    z64 = jnp.zeros((RPT, 64), jnp.float32)

    perm = (jnp.arange(64) % 8) * 8 + jnp.arange(64) // 8
    Q, K, V = _tc_qkv(x, Wq0[:, perm], bq0[perm], Wk0[:, perm], bk0[perm], W0)
    opart, dpart = _sc_layer0(Q, K, V, row, row_s, col, z8, z64)

    Wq1b = jnp.broadcast_to(Wq1, (64, 8))
    bq1b = jnp.broadcast_to(bq1, (1, 8))
    Wk1b = jnp.broadcast_to(Wk1, (64, 8))
    bk1b = jnp.broadcast_to(bk1, (1, 8))
    W1p = jnp.pad(W1, ((0, 0), (0, 1)))
    q1t, k1t, v1t = _tc_layer1_tables(opart[0], opart[1], dpart, b0,
                                      Wq1b, bq1b, Wk1b, bk1b, W1p)
    o1part, d1part = _sc_layer1(q1t, k1t, v1t, row, row_s, col, z8)
    out8 = _tc_final(o1part[0], o1part[1], d1part,
                     jnp.pad(b1, (0, 1)).reshape(1, 8))
    return out8[:, :7]

# --- scband reference (transcript-rebuilt; emitter-appended) ---
"""Pipeline reference for scband-gcnnetwork-41772851921527 (READ-ONLY COPY).

The authoritative reference and input builder live on the scoring server;
editing this copy changes nothing except your own understanding.
"""

import jax, jax.numpy as jnp
import numpy as np

N_NODES = 10000
D_FEAT = 128
N_EDGES = 320000
NUM_CLASSES = 7  # stand-in for graph.y.max() + 1 (Cora-like)


def _gat_layer(x, edge_index, Wq, bq, Wk, bk, W, b, num_heads, activation=None):
    # Faithful jax translation of tf_geometric-style GAT forward (inference: dropout off).
    N = x.shape[0]
    loops = jnp.arange(N, dtype=edge_index.dtype)
    row = jnp.concatenate([edge_index[0], loops])  # dst (+ self loops)
    col = jnp.concatenate([edge_index[1], loops])  # src (+ self loops)
    Q = jax.nn.relu(x @ Wq + bq)  # [N, H*att_units], query_activation=relu
    K = jax.nn.relu(x @ Wk + bk)  # [N, H*att_units], key_activation=relu
    V = x @ W                     # [N, units]
    E = row.shape[0]
    H = num_heads
    Qe = Q[row].reshape(E, H, -1)
    Ke = K[col].reshape(E, H, -1)
    att = jnp.sum(Qe * Ke, axis=-1)  # [E, H]
    # segment softmax over destination nodes (per head)
    att_max = jax.ops.segment_max(att, row, num_segments=N)
    att = jnp.exp(att - att_max[row])
    denom = jax.ops.segment_sum(att, row, num_segments=N)
    alpha = att / (denom[row] + 1e-16)  # [E, H]
    Vh = V[col].reshape(E, H, -1)       # split_value_heads=True
    out = jax.ops.segment_sum(Vh * alpha[:, :, None], row, num_segments=N)
    out = out.reshape(N, -1) + b
    if activation is not None:
        out = activation(out)
    return out


def setup_inputs(seed: int = 0) -> dict:
    key = jax.random.key(seed)
    ks = jax.random.split(key, 16)
    x = jax.random.normal(ks[0], (N_NODES, D_FEAT), dtype=jnp.float32)
    edge_index = jax.random.randint(ks[1], (2, N_EDGES), 0, N_NODES, dtype=jnp.int32)
    # Layer 0: GAT(64, num_heads=8, attention_units=8) -> H*att_units = 64, units = 64
    Wq0 = jax.random.normal(ks[2], (D_FEAT, 64), dtype=jnp.float32) * 0.1
    bq0 = jnp.zeros((64,), dtype=jnp.float32)
    Wk0 = jax.random.normal(ks[3], (D_FEAT, 64), dtype=jnp.float32) * 0.1
    bk0 = jnp.zeros((64,), dtype=jnp.float32)
    W0 = jax.random.normal(ks[4], (D_FEAT, 64), dtype=jnp.float32) * 0.1
    b0 = jnp.zeros((64,), dtype=jnp.float32)
    # Layer 1: GAT(num_classes, num_heads=1, attention_units=1)
    Wq1 = jax.random.normal(ks[5], (64, 1), dtype=jnp.float32) * 0.1
    bq1 = jnp.zeros((1,), dtype=jnp.float32)
    Wk1 = jax.random.normal(ks[6], (64, 1), dtype=jnp.float32) * 0.1
    bk1 = jnp.zeros((1,), dtype=jnp.float32)
    W1 = jax.random.normal(ks[7], (64, NUM_CLASSES), dtype=jnp.float32) * 0.1
    b1 = jnp.zeros((NUM_CLASSES,), dtype=jnp.float32)
    return {"x": x, "edge_index": edge_index,
            "Wq0": Wq0, "bq0": bq0, "Wk0": Wk0, "bk0": bk0, "W0": W0, "b0": b0,
            "Wq1": Wq1, "bq1": bq1, "Wk1": Wk1, "bk1": bk1, "W1": W1, "b1": b1}


def reference(x, edge_index, Wq0, bq0, Wk0, bk0, W0, b0, Wq1, bq1, Wk1, bk1, W1, b1):
    # Dropout layers are identity at inference (training=None).
    h = _gat_layer(x, edge_index, Wq0, bq0, Wk0, bk0, W0, b0, num_heads=8, activation=jax.nn.relu)
    h = _gat_layer(h, edge_index, Wq1, bq1, Wk1, bk1, W1, b1, num_heads=1, activation=None)
    return h

if __name__ == "__main__":
    import jax
    _d = setup_inputs()
    print(jax.jit(kernel)(*tuple(_d.values())))

</pallas_src>

<mosaic_0001>
#map = affine_map<(d0, d1) -> (0, 0)>
#map1 = affine_map<(d0, d1) -> (0)>
#map2 = affine_map<(d0, d1) -> (0, 0, 0)>
module attributes {stable_mosaic.version = 14 : i64} {
  func.func @l0_kernel(%arg0: i32, %arg1: i32, %arg2: memref<10000x64xf32, #tpu.memory_space<hbm>>, %arg3: memref<10000x64xf32, #tpu.memory_space<hbm>>, %arg4: memref<10000x64xf32, #tpu.memory_space<hbm>>, %arg5: memref<331776xi32, #tpu.memory_space<hbm>>, %arg6: memref<331776xi32, #tpu.memory_space<hbm>>, %arg7: memref<331776xi32, #tpu.memory_space<hbm>>, %arg8: memref<626x8xf32, #tpu.memory_space<hbm>>, %arg9: memref<626x64xf32, #tpu.memory_space<hbm>>, %arg10: memref<2x10016x64xf32, #tpu.memory_space<hbm>>, %arg11: memref<2x10016x8xf32, #tpu.memory_space<hbm>>, %arg12: memref<144xi32, #tpu.memory_space<vmem>>, %arg13: memref<144xi32, #tpu.memory_space<vmem>>, %arg14: memref<144xi32, #tpu.memory_space<vmem>>, %arg15: memref<144xi32, #tpu.memory_space<vmem>>, %arg16: memref<144xi32, #tpu.memory_space<vmem>>, %arg17: memref<144xi32, #tpu.memory_space<vmem>>, %arg18: memref<144x64xf32, #tpu.memory_space<vmem>>, %arg19: memref<144x64xf32, #tpu.memory_space<vmem>>, %arg20: memref<144x64xf32, #tpu.memory_space<vmem>>, %arg21: memref<144x64xf32, #tpu.memory_space<vmem>>, %arg22: memref<144x64xf32, #tpu.memory_space<vmem>>, %arg23: memref<144x64xf32, #tpu.memory_space<vmem>>, %arg24: memref<144x64xf32, #tpu.memory_space<vmem>>, %arg25: memref<144x8xf32, #tpu.memory_space<vmem>>, %arg26: memref<10016x8xf32, #tpu.memory_space<vmem_shared>>, %arg27: memref<10016x64xf32, #tpu.memory_space<vmem_shared>>, %arg28: memref<!tpu.dma_semaphore, #tpu.memory_space<semaphore_mem>>, %arg29: memref<!tpu.dma_semaphore, #tpu.memory_space<semaphore_mem>>, %arg30: memref<!tpu.dma_semaphore, #tpu.memory_space<semaphore_mem>>, %arg31: memref<!tpu.dma_semaphore, #tpu.memory_space<semaphore_mem>>, %arg32: memref<!tpu.dma_semaphore, #tpu.memory_space<semaphore_mem>>, %arg33: memref<!tpu.dma_semaphore, #tpu.memory_space<semaphore_mem>>) attributes {dimension_semantics = [#tpu.dimension_semantics<core_parallel>, #tpu.dimension_semantics<subcore_parallel>], iteration_bounds = array<i64: 2, 16>, scalar_prefetch = 0 : i64, scratch_operands = 22 : i64, tpu.core_type = #tpu.core_type<sc_vector_subcore>, window_params = [{transform_indices = #map}, {transform_indices = #map}, {transform_indices = #map}, {transform_indices = #map1}, {transform_indices = #map1}, {transform_indices = #map1}, {transform_indices = #map}, {transform_indices = #map}, {transform_indices = #map2}, {transform_indices = #map2}]} {
    %mul3A = arith.constant 2 : i32
    %mul3A_0 = arith.muli %arg1, %mul3A : i32
    %add3A = arith.addi %mul3A_0, %arg0 : i32
    %mul3A_1 = arith.constant 10368 : i32
    %mul3A_2 = arith.muli %add3A, %mul3A_1 : i32
    %iota3A = tpu.iota {dimensions = array<i32: 0>} : vector<16xi32>
    %xor3A = arith.constant 8 : i32
    %xor3A_3 = vector.broadcast %xor3A : i32 to vector<16xi32>
    %xor3A_4 = arith.xori %iota3A, %xor3A_3 : vector<16xi32>
    %and3A = arith.constant 7 : i32
    %and3A_5 = vector.broadcast %and3A : i32 to vector<16xi32>
    %and3A_6 = arith.andi %iota3A, %and3A_5 : vector<16xi32>
    %lt3A = arith.constant 8 : i32
    %lt3A_7 = vector.broadcast %lt3A : i32 to vector<16xi32>
    %lt3A_8 = arith.cmpi slt, %iota3A, %lt3A_7 : vector<16xi32>
    %ge3A = arith.constant 8 : i32
    %ge3A_9 = vector.broadcast %ge3A : i32 to vector<16xi32>
    %ge3A_10 = arith.cmpi sge, %iota3A, %ge3A_9 : vector<16xi32>
    %jit3A = arith.constant 1 : i32
    %jit3A_11 = arith.constant 0 : i32
    %broadcast_in_dim3A = vector.broadcast %jit3A : i32 to vector<16xi32>
    %broadcast_in_dim3A_12 = vector.broadcast %jit3A_11 : i32 to vector<16xi32>
    %select_n3A = arith.select %ge3A_10, %broadcast_in_dim3A, %broadcast_in_dim3A_12 : vector<16xi1>, vector<16xi32>
    %mul3A_13 = arith.constant 626 : i32
    %mul3A_14 = arith.muli %arg1, %mul3A_13 : i32
    "tpu.region"() ({
      %run_scoped3A = tpu.sem_alloc : memref<!tpu.dma_semaphore, #tpu.memory_space<semaphore_mem>>
      %dma_start3A_41 = arith.constant 0 : i32
      %dma_start3A_42 = tpu.memref_slice %arg26[%mul3A_14, %dma_start3A_41] : memref<10016x8xf32, #tpu.memory_space<vmem_shared>> -> memref<626x8xf32, #tpu.memory_space<vmem_shared>>
      tpu.enqueue_dma source(%arg8 : memref<626x8xf32, #tpu.memory_space<hbm>>) target(%dma_start3A_42 : memref<626x8xf32, #tpu.memory_space<vmem_shared>>) target_semaphore(%run_scoped3A : memref<!tpu.dma_semaphore, #tpu.memory_space<semaphore_mem>>)
      %dma_wait3A = arith.constant 0 : i32
      %dma_wait3A_43 = tpu.memref_slice %arg26[%mul3A_14, %dma_wait3A] : memref<10016x8xf32, #tpu.memory_space<vmem_shared>> -> memref<626x8xf32, #tpu.memory_space<vmem_shared>>
      tpu.wait_dma2 semaphore(%run_scoped3A : memref<!tpu.dma_semaphore, #tpu.memory_space<semaphore_mem>>) src(%arg8 : memref<626x8xf32, #tpu.memory_space<hbm>>) dst(%dma_wait3A_43 : memref<626x8xf32, #tpu.memory_space<vmem_shared>>)
      tpu.yield
    }) : () -> ()
    "tpu.region"() ({
      %run_scoped3A = tpu.sem_alloc : memref<!tpu.dma_semaphore, #tpu.memory_space<semaphore_mem>>
      %dma_start3A_41 = arith.constant 0 : i32
      %dma_start3A_42 = tpu.memref_slice %arg27[%mul3A_14, %dma_start3A_41] : memref<10016x64xf32, #tpu.memory_space<vmem_shared>> -> memref<626x64xf32, #tpu.memory_space<vmem_shared>>
      tpu.enqueue_dma source(%arg9 : memref<626x64xf32, #tpu.memory_space<hbm>>) target(%dma_start3A_42 : memref<626x64xf32, #tpu.memory_space<vmem_shared>>) target_semaphore(%run_scoped3A : memref<!tpu.dma_semaphore, #tpu.memory_space<semaphore_mem>>)
      %dma_wait3A = arith.constant 0 : i32
      %dma_wait3A_43 = tpu.memref_slice %arg27[%mul3A_14, %dma_wait3A] : memref<10016x64xf32, #tpu.memory_space<vmem_shared>> -> memref<626x64xf32, #tpu.memory_space<vmem_shared>>
      tpu.wait_dma2 semaphore(%run_scoped3A : memref<!tpu.dma_semaphore, #tpu.memory_space<semaphore_mem>>) src(%arg9 : memref<626x64xf32, #tpu.memory_space<hbm>>) dst(%dma_wait3A_43 : memref<626x64xf32, #tpu.memory_space<vmem_shared>>)
      tpu.yield
    }) : () -> ()
    %barrier3A = arith.constant 0 : index
    tpu.barrier barrier_id(%barrier3A)
    %add3A_15 = arith.constant 0 : i32
    %add3A_16 = arith.addi %mul3A_2, %add3A_15 : i32
    "tpu.region"() ({
      %run_scoped3A = tpu.sem_alloc : memref<!tpu.dma_semaphore, #tpu.memory_space<semaphore_mem>>
      %dma_start3A_41 = tpu.memref_slice %arg5[%add3A_16] : memref<331776xi32, #tpu.memory_space<hbm>> -> memref<144xi32, #tpu.memory_space<hbm>>
      %dma_start3A_42 = tpu.memref_slice %arg5[%add3A_16] : memref<331776xi32, #tpu.memory_space<hbm>> -> memref<144xi32, #tpu.memory_space<hbm>>
      tpu.enqueue_dma source(%dma_start3A_42 : memref<144xi32, #tpu.memory_space<hbm>>) target(%arg12 : memref<144xi32, #tpu.memory_space<vmem>>) target_semaphore(%run_scoped3A : memref<!tpu.dma_semaphore, #tpu.memory_space<semaphore_mem>>)
      %dma_wait3A = tpu.memref_slice %arg5[%add3A_16] : memref<331776xi32, #tpu.memory_space<hbm>> -> memref<144xi32, #tpu.memory_space<hbm>>
      %dma_wait3A_43 = tpu.memref_slice %arg5[%add3A_16] : memref<331776xi32, #tpu.memory_space<hbm>> -> memref<144xi32, #tpu.memory_space<hbm>>
      tpu.wait_dma2 semaphore(%run_scoped3A : memref<!tpu.dma_semaphore, #tpu.memory_space<semaphore_mem>>) src(%dma_wait3A_43 : memref<144xi32, #tpu.memory_space<hbm>>) dst(%arg12 : memref<144xi32, #tpu.memory_space<vmem>>)
      tpu.yield
    }) : () -> ()
    "tpu.region"() ({
      %run_scoped3A = tpu.sem_alloc : memref<!tpu.dma_semaphore, #tpu.memory_space<semaphore_mem>>
      %dma_start3A_41 = tpu.memref_slice %arg6[%add3A_16] : memref<331776xi32, #tpu.memory_space<hbm>> -> memref<144xi32, #tpu.memory_space<hbm>>
      %dma_start3A_42 = tpu.memref_slice %arg6[%add3A_16] : memref<331776xi32, #tpu.memory_space<hbm>> -> memref<144xi32, #tpu.memory_space<hbm>>
      tpu.enqueue_dma source(%dma_start3A_42 : memref<144xi32, #tpu.memory_space<hbm>>) target(%arg14 : memref<144xi32, #tpu.memory_space<vmem>>) target_semaphore(%run_scoped3A : memref<!tpu.dma_semaphore, #tpu.memory_space<semaphore_mem>>)
      %dma_wait3A = tpu.memref_slice %arg6[%add3A_16] : memref<331776xi32, #tpu.memory_space<hbm>> -> memref<144xi32, #tpu.memory_space<hbm>>
      %dma_wait3A_43 = tpu.memref_slice %arg6[%add3A_16] : memref<331776xi32, #tpu.memory_space<hbm>> -> memref<144xi32, #tpu.memory_space<hbm>>
      tpu.wait_dma2 semaphore(%run_scoped3A : memref<!tpu.dma_semaphore, #tpu.memory_space<semaphore_mem>>) src(%dma_wait3A_43 : memref<144xi32, #tpu.memory_space<hbm>>) dst(%arg14 : memref<144xi32, #tpu.memory_space<vmem>>)
      tpu.yield
    }) : () -> ()
    "tpu.region"() ({
      %run_scoped3A = tpu.sem_alloc : memref<!tpu.dma_semaphore, #tpu.memory_space<semaphore_mem>>
      %dma_start3A_41 = tpu.memref_slice %arg7[%add3A_16] : memref<331776xi32, #tpu.memory_space<hbm>> -> memref<144xi32, #tpu.memory_space<hbm>>
      %dma_start3A_42 = tpu.memref_slice %arg7[%add3A_16] : memref<331776xi32, #tpu.memory_space<hbm>> -> memref<144xi32, #tpu.memory_space<hbm>>
      tpu.enqueue_dma source(%dma_start3A_42 : memref<144xi32, #tpu.memory_space<hbm>>) target(%arg16 : memref<144xi32, #tpu.memory_space<vmem>>) target_semaphore(%run_scoped3A : memref<!tpu.dma_semaphore, #tpu.memory_space<semaphore_mem>>)
      %dma_wait3A = tpu.memref_slice %arg7[%add3A_16] : memref<331776xi32, #tpu.memory_space<hbm>> -> memref<144xi32, #tpu.memory_space<hbm>>
      %dma_wait3A_43 = tpu.memref_slice %arg7[%add3A_16] : memref<331776xi32, #tpu.memory_space<hbm>> -> memref<144xi32, #tpu.memory_space<hbm>>
      tpu.wait_dma2 semaphore(%run_scoped3A : memref<!tpu.dma_semaphore, #tpu.memory_space<semaphore_mem>>) src(%dma_wait3A_43 : memref<144xi32, #tpu.memory_space<hbm>>) dst(%arg16 : memref<144xi32, #tpu.memory_space<vmem>>)
      tpu.yield
    }) : () -> ()
    %dma_start3A = arith.constant 0 : i32
    %dma_start3A_17 = arith.constant 0 : i32
    %dma_start3A_18 = tpu.memref_slice %arg2[%dma_start3A, %dma_start3A_17] : memref<10000x64xf32, #tpu.memory_space<hbm>> -> memref<10000x64xf32, #tpu.memory_space<hbm>>
    tpu.enqueue_indirect_dma source(%dma_start3A_18 : memref<10000x64xf32, #tpu.memory_space<hbm>>) target(%arg18 : memref<144x64xf32, #tpu.memory_space<vmem>>) offsets(%arg12 : memref<144xi32, #tpu.memory_space<vmem>>) semaphore(%arg28 : memref<!tpu.dma_semaphore, #tpu.memory_space<semaphore_mem>>)
    %dma_start3A_19 = arith.constant 0 : i32
    %dma_start3A_20 = arith.constant 0 : i32
    %dma_start3A_21 = tpu.memref_slice %arg3[%dma_start3A_19, %dma_start3A_20] : memref<10000x64xf32, #tpu.memory_space<hbm>> -> memref<10000x64xf32, #tpu.memory_space<hbm>>
    tpu.enqueue_indirect_dma source(%dma_start3A_21 : memref<10000x64xf32, #tpu.memory_space<hbm>>) target(%arg20 : memref<144x64xf32, #tpu.memory_space<vmem>>) offsets(%arg16 : memref<144xi32, #tpu.memory_space<vmem>>) semaphore(%arg30 : memref<!tpu.dma_semaphore, #tpu.memory_space<semaphore_mem>>)
    %dma_start3A_22 = arith.constant 0 : i32
    %dma_start3A_23 = arith.constant 0 : i32
    %dma_start3A_24 = tpu.memref_slice %arg4[%dma_start3A_22, %dma_start3A_23] : memref<10000x64xf32, #tpu.memory_space<hbm>> -> memref<10000x64xf32, #tpu.memory_space<hbm>>
    tpu.enqueue_indirect_dma source(%dma_start3A_24 : memref<10000x64xf32, #tpu.memory_space<hbm>>) target(%arg22 : memref<144x64xf32, #tpu.memory_space<vmem>>) offsets(%arg16 : memref<144xi32, #tpu.memory_space<vmem>>) semaphore(%arg32 : memref<!tpu.dma_semaphore, #tpu.memory_space<semaphore_mem>>)
    %add3A_25 = arith.constant 144 : i32
    %add3A_26 = arith.addi %mul3A_2, %add3A_25 : i32
    "tpu.region"() ({
      %run_scoped3A = tpu.sem_alloc : memref<!tpu.dma_semaphore, #tpu.memory_space<semaphore_mem>>
      %dma_start3A_41 = tpu.memref_slice %arg5[%add3A_26] : memref<331776xi32, #tpu.memory_space<hbm>> -> memref<144xi32, #tpu.memory_space<hbm>>
      %dma_start3A_42 = tpu.memref_slice %arg5[%add3A_26] : memref<331776xi32, #tpu.memory_space<hbm>> -> memref<144xi32, #tpu.memory_space<hbm>>
      tpu.enqueue_dma source(%dma_start3A_42 : memref<144xi32, #tpu.memory_space<hbm>>) target(%arg13 : memref<144xi32, #tpu.memory_space<vmem>>) target_semaphore(%run_scoped3A : memref<!tpu.dma_semaphore, #tpu.memory_space<semaphore_mem>>)
      %dma_wait3A = tpu.memref_slice %arg5[%add3A_26] : memref<331776xi32, #tpu.memory_space<hbm>> -> memref<144xi32, #tpu.memory_space<hbm>>
      %dma_wait3A_43 = tpu.memref_slice %arg5[%add3A_26] : memref<331776xi32, #tpu.memory_space<hbm>> -> memref<144xi32, #tpu.memory_space<hbm>>
      tpu.wait_dma2 semaphore(%run_scoped3A : memref<!tpu.dma_semaphore, #tpu.memory_space<semaphore_mem>>) src(%dma_wait3A_43 : memref<144xi32, #tpu.memory_space<hbm>>) dst(%arg13 : memref<144xi32, #tpu.memory_space<vmem>>)
      tpu.yield
    }) : () -> ()
    "tpu.region"() ({
      %run_scoped3A = tpu.sem_alloc : memref<!tpu.dma_semaphore, #tpu.memory_space<semaphore_mem>>
      %dma_start3A_41 = tpu.memref_slice %arg6[%add3A_26] : memref<331776xi32, #tpu.memory_space<hbm>> -> memref<144xi32, #tpu.memory_space<hbm>>
      %dma_start3A_42 = tpu.memref_slice %arg6[%add3A_26] : memref<331776xi32, #tpu.memory_space<hbm>> -> memref<144xi32, #tpu.memory_space<hbm>>
      tpu.enqueue_dma source(%dma_start3A_42 : memref<144xi32, #tpu.memory_space<hbm>>) target(%arg15 : memref<144xi32, #tpu.memory_space<vmem>>) target_semaphore(%run_scoped3A : memref<!tpu.dma_semaphore, #tpu.memory_space<semaphore_mem>>)
      %dma_wait3A = tpu.memref_slice %arg6[%add3A_26] : memref<331776xi32, #tpu.memory_space<hbm>> -> memref<144xi32, #tpu.memory_space<hbm>>
      %dma_wait3A_43 = tpu.memref_slice %arg6[%add3A_26] : memref<331776xi32, #tpu.memory_space<hbm>> -> memref<144xi32, #tpu.memory_space<hbm>>
      tpu.wait_dma2 semaphore(%run_scoped3A : memref<!tpu.dma_semaphore, #tpu.memory_space<semaphore_mem>>) src(%dma_wait3A_43 : memref<144xi32, #tpu.memory_space<hbm>>) dst(%arg15 : memref<144xi32, #tpu.memory_space<vmem>>)
      tpu.yield
    }) : () -> ()
    "tpu.region"() ({
      %run_scoped3A = tpu.sem_alloc : memref<!tpu.dma_semaphore, #tpu.memory_space<semaphore_mem>>
      %dma_start3A_41 = tpu.memref_slice %arg7[%add3A_26] : memref<331776xi32, #tpu.memory_space<hbm>> -> memref<144xi32, #tpu.memory_space<hbm>>
      %dma_start3A_42 = tpu.memref_slice %arg7[%add3A_26] : memref<331776xi32, #tpu.memory_space<hbm>> -> memref<144xi32, #tpu.memory_space<hbm>>
      tpu.enqueue_dma source(%dma_start3A_42 : memref<144xi32, #tpu.memory_space<hbm>>) target(%arg17 : memref<144xi32, #tpu.memory_space<vmem>>) target_semaphore(%run_scoped3A : memref<!tpu.dma_semaphore, #tpu.memory_space<semaphore_mem>>)
      %dma_wait3A = tpu.memref_slice %arg7[%add3A_26] : memref<331776xi32, #tpu.memory_space<hbm>> -> memref<144xi32, #tpu.memory_space<hbm>>
      %dma_wait3A_43 = tpu.memref_slice %arg7[%add3A_26] : memref<331776xi32, #tpu.memory_space<hbm>> -> memref<144xi32, #tpu.memory_space<hbm>>
      tpu.wait_dma2 semaphore(%run_scoped3A : memref<!tpu.dma_semaphore, #tpu.memory_space<semaphore_mem>>) src(%dma_wait3A_43 : memref<144xi32, #tpu.memory_space<hbm>>) dst(%arg17 : memref<144xi32, #tpu.memory_space<vmem>>)
      tpu.yield
    }) : () -> ()
    %dma_start3A_27 = arith.constant 0 : i32
    %dma_start3A_28 = arith.constant 0 : i32
    %dma_start3A_29 = tpu.memref_slice %arg2[%dma_start3A_27, %dma_start3A_28] : memref<10000x64xf32, #tpu.memory_space<hbm>> -> memref<10000x64xf32, #tpu.memory_space<hbm>>
    tpu.enqueue_indirect_dma source(%dma_start3A_29 : memref<10000x64xf32, #tpu.memory_space<hbm>>) target(%arg19 : memref<144x64xf32, #tpu.memory_space<vmem>>) offsets(%arg13 : memref<144xi32, #tpu.memory_space<vmem>>) semaphore(%arg29 : memref<!tpu.dma_semaphore, #tpu.memory_space<semaphore_mem>>)
    %dma_start3A_30 = arith.constant 0 : i32
    %dma_start3A_31 = arith.constant 0 : i32
    %dma_start3A_32 = tpu.memref_slice %arg3[%dma_start3A_30, %dma_start3A_31] : memref<10000x64xf32, #tpu.memory_space<hbm>> -> memref<10000x64xf32, #tpu.memory_space<hbm>>
    tpu.enqueue_indirect_dma source(%dma_start3A_32 : memref<10000x64xf32, #tpu.memory_space<hbm>>) target(%arg21 : memref<144x64xf32, #tpu.memory_space<vmem>>) offsets(%arg17 : memref<144xi32, #tpu.memory_space<vmem>>) semaphore(%arg31 : memref<!tpu.dma_semaphore, #tpu.memory_space<semaphore_mem>>)
    %dma_start3A_33 = arith.constant 0 : i32
    %dma_start3A_34 = arith.constant 0 : i32
    %dma_start3A_35 = tpu.memref_slice %arg4[%dma_start3A_33, %dma_start3A_34] : memref<10000x64xf32, #tpu.memory_space<hbm>> -> memref<10000x64xf32, #tpu.memory_space<hbm>>
    tpu.enqueue_indirect_dma source(%dma_start3A_35 : memref<10000x64xf32, #tpu.memory_space<hbm>>) target(%arg23 : memref<144x64xf32, #tpu.memory_space<vmem>>) offsets(%arg17 : memref<144xi32, #tpu.memory_space<vmem>>) semaphore(%arg33 : memref<!tpu.dma_semaphore, #tpu.memory_space<semaphore_mem>>)
    %scan3A = arith.constant 0 : i32
    %scan3A_36 = arith.constant 36 : i32
    %scan3A_37 = arith.addi %scan3A, %scan3A_36 : i32
    %scan3A_38 = arith.constant 1 : i32
    scf.for %scan3A_41 = %scan3A to %scan3A_37 step %scan3A_38  : i32 {
      %mul3A_42 = arith.constant 1 : i32
      %mul3A_43 = arith.muli %scan3A_41, %mul3A_42 : i32
      %add3A_44 = arith.constant 0 : i32
      %add3A_45 = arith.addi %add3A_44, %mul3A_43 : i32
      %mul3A_46 = arith.constant 2 : i32
      %mul3A_47 = arith.muli %add3A_45, %mul3A_46 : i32
      %add3A_48 = arith.constant 0 : i32
      %add3A_49 = arith.addi %mul3A_47, %add3A_48 : i32
      %dma_wait3A = arith.constant 0 : i32
      %dma_wait3A_50 = arith.constant 0 : i32
      %dma_wait3A_51 = tpu.memref_slice %arg2[%dma_wait3A, %dma_wait3A_50] : memref<10000x64xf32, #tpu.memory_space<hbm>> -> memref<10000x64xf32, #tpu.memory_space<hbm>>
      tpu.wait_indirect_dma semaphore(%arg28 : memref<!tpu.dma_semaphore, #tpu.memory_space<semaphore_mem>>) src(%dma_wait3A_51 : memref<10000x64xf32, #tpu.memory_space<hbm>>) dst(%arg18 : memref<144x64xf32, #tpu.memory_space<vmem>>)
      %dma_wait3A_52 = arith.constant 0 : i32
      %dma_wait3A_53 = arith.constant 0 : i32
      %dma_wait3A_54 = tpu.memref_slice %arg3[%dma_wait3A_52, %dma_wait3A_53] : memref<10000x64xf32, #tpu.memory_space<hbm>> -> memref<10000x64xf32, #tpu.memory_space<hbm>>
      tpu.wait_indirect_dma semaphore(%arg30 : memref<!tpu.dma_semaphore, #tpu.memory_space<semaphore_mem>>) src(%dma_wait3A_54 : memref<10000x64xf32, #tpu.memory_space<hbm>>) dst(%arg20 : memref<144x64xf32, #tpu.memory_space<vmem>>)
      %dma_wait3A_55 = arith.constant 0 : i32
      %dma_wait3A_56 = arith.constant 0 : i32
      %dma_wait3A_57 = tpu.memref_slice %arg4[%dma_wait3A_55, %dma_wait3A_56] : memref<10000x64xf32, #tpu.memory_space<hbm>> -> memref<10000x64xf32, #tpu.memory_space<hbm>>
      tpu.wait_indirect_dma semaphore(%arg32 : memref<!tpu.dma_semaphore, #tpu.memory_space<semaphore_mem>>) src(%dma_wait3A_57 : memref<10000x64xf32, #tpu.memory_space<hbm>>) dst(%arg22 : memref<144x64xf32, #tpu.memory_space<vmem>>)
      %parallel_loop3A = arith.constant 0 : i32
      %parallel_loop3A_58 = arith.constant 144 : i32
      %parallel_loop3A_59 = arith.constant 1 : i32
      scf.for %parallel_loop3A_88 = %parallel_loop3A to %parallel_loop3A_58 step %parallel_loop3A_59  : i32 {
        %parallel_loop3A_89 = arith.index_cast %parallel_loop3A_88 : i32 to index
        %parallel_loop3A_90 = arith.constant 0 : index
        %parallel_loop3A_91 = tpu.vector_load %arg18[%parallel_loop3A_89, %parallel_loop3A_90] {strides = array<i32>} : memref<144x64xf32, #tpu.memory_space<vmem>>, vector<16xf32>,
        %parallel_loop3A_92 = arith.index_cast %parallel_loop3A_88 : i32 to index
        %parallel_loop3A_93 = arith.constant 0 : index
        %parallel_loop3A_94 = tpu.vector_load %arg20[%parallel_loop3A_92, %parallel_loop3A_93] {strides = array<i32>} : memref<144x64xf32, #tpu.memory_space<vmem>>, vector<16xf32>,
        %parallel_loop3A_95 = arith.mulf %parallel_loop3A_91, %parallel_loop3A_94 : vector<16xf32>
        %parallel_loop3A_96 = arith.index_cast %parallel_loop3A_88 : i32 to index
        %parallel_loop3A_97 = arith.constant 16 : index
        %parallel_loop3A_98 = tpu.vector_load %arg18[%parallel_loop3A_96, %parallel_loop3A_97] {strides = array<i32>} : memref<144x64xf32, #tpu.memory_space<vmem>>, vector<16xf32>,
        %parallel_loop3A_99 = arith.index_cast %parallel_loop3A_88 : i32 to index
        %parallel_loop3A_100 = arith.constant 16 : index
        %parallel_loop3A_101 = tpu.vector_load %arg20[%parallel_loop3A_99, %parallel_loop3A_100] {strides = array<i32>} : memref<144x64xf32, #tpu.memory_space<vmem>>, vector<16xf32>,
        %parallel_loop3A_102 = arith.mulf %parallel_loop3A_98, %parallel_loop3A_101 : vector<16xf32>
        %parallel_loop3A_103 = arith.addf %parallel_loop3A_95, %parallel_loop3A_102 : vector<16xf32>
        %parallel_loop3A_104 = arith.index_cast %parallel_loop3A_88 : i32 to index
        %parallel_loop3A_105 = arith.constant 32 : index
        %parallel_loop3A_106 = tpu.vector_load %arg18[%parallel_loop3A_104, %parallel_loop3A_105] {strides = array<i32>} : memref<144x64xf32, #tpu.memory_space<vmem>>, vector<16xf32>,
        %parallel_loop3A_107 = arith.index_cast %parallel_loop3A_88 : i32 to index
        %parallel_loop3A_108 = arith.constant 32 : index
        %parallel_loop3A_109 = tpu.vector_load %arg20[%parallel_loop3A_107, %parallel_loop3A_108] {strides = array<i32>} : memref<144x64xf32, #tpu.memory_space<vmem>>, vector<16xf32>,
        %parallel_loop3A_110 = arith.mulf %parallel_loop3A_106, %parallel_loop3A_109 : vector<16xf32>
        %parallel_loop3A_111 = arith.addf %parallel_loop3A_103, %parallel_loop3A_110 : vector<16xf32>
        %parallel_loop3A_112 = arith.index_cast %parallel_loop3A_88 : i32 to index
        %parallel_loop3A_113 = arith.constant 48 : index
        %parallel_loop3A_114 = tpu.vector_load %arg18[%parallel_loop3A_112, %parallel_loop3A_113] {strides = array<i32>} : memref<144x64xf32, #tpu.memory_space<vmem>>, vector<16xf32>,
        %parallel_loop3A_115 = arith.index_cast %parallel_loop3A_88 : i32 to index
        %parallel_loop3A_116 = arith.constant 48 : index
        %parallel_loop3A_117 = tpu.vector_load %arg20[%parallel_loop3A_115, %parallel_loop3A_116] {strides = array<i32>} : memref<144x64xf32, #tpu.memory_space<vmem>>, vector<16xf32>,
        %parallel_loop3A_118 = arith.mulf %parallel_loop3A_114, %parallel_loop3A_117 : vector<16xf32>
        %parallel_loop3A_119 = arith.addf %parallel_loop3A_111, %parallel_loop3A_118 : vector<16xf32>
        %parallel_loop3A_120 = vector.shape_cast %xor3A_4 : vector<16xi32> to vector<16x1xi32>
        %parallel_loop3A_121 = vector.shape_cast %parallel_loop3A_120 : vector<16x1xi32> to vector<16xi32>
        %parallel_loop3A_122 = tpu.dynamic_gather %parallel_loop3A_119[%parallel_loop3A_121] in [0] : vector<16xf32>, vector<16xi32> -> vector<16xf32>
        %parallel_loop3A_123 = arith.addf %parallel_loop3A_119, %parallel_loop3A_122 : vector<16xf32>
        %parallel_loop3A_124 = math.exp %parallel_loop3A_123 : vector<16xf32>
        %parallel_loop3A_125 = vector.broadcast %parallel_loop3A_88 : i32 to vector<16xi32>
        tpu.vector_store_idx %arg25[%parallel_loop3A_125, %and3A_6], %parallel_loop3A_124 masked %lt3A_8 : memref<144x8xf32, #tpu.memory_space<vmem>>[vector<16xi32>, vector<16xi32>], vector<16xf32>, vector<16xi1>
        %parallel_loop3A_126 = arith.constant 0 : i32
        %parallel_loop3A_127 = vector.broadcast %parallel_loop3A_126 : i32 to vector<16xi32>
        %parallel_loop3A_128 = arith.addi %parallel_loop3A_127, %select_n3A : vector<16xi32>
        %parallel_loop3A_129 = vector.shape_cast %parallel_loop3A_128 : vector<16xi32> to vector<16x1xi32>
        %parallel_loop3A_130 = vector.shape_cast %parallel_loop3A_129 : vector<16x1xi32> to vector<16xi32>
        %parallel_loop3A_131 = tpu.dynamic_gather %parallel_loop3A_124[%parallel_loop3A_130] in [0] : vector<16xf32>, vector<16xi32> -> vector<16xf32>
        %parallel_loop3A_132 = arith.index_cast %parallel_loop3A_88 : i32 to index
        %parallel_loop3A_133 = arith.constant 0 : index
        %parallel_loop3A_134 = tpu.vector_load %arg22[%parallel_loop3A_132, %parallel_loop3A_133] {strides = array<i32>} : memref<144x64xf32, #tpu.memory_space<vmem>>, vector<16xf32>,
        %parallel_loop3A_135 = arith.mulf %parallel_loop3A_134, %parallel_loop3A_131 : vector<16xf32>
        %parallel_loop3A_136 = arith.index_cast %parallel_loop3A_88 : i32 to index
        %parallel_loop3A_137 = arith.constant 0 : index
        %parallel_loop3A_138 = tpu.vector_load %arg24[%parallel_loop3A_136, %parallel_loop3A_137] {strides = array<i32>} : memref<144x64xf32, #tpu.memory_space<vmem>>, vector<16xf32>,
        tpu.vector_store %arg24[%parallel_loop3A_136, %parallel_loop3A_137], %parallel_loop3A_135 {strides = array<i32>} : memref<144x64xf32, #tpu.memory_space<vmem>>, vector<16xf32>,
        %parallel_loop3A_139 = arith.constant 2 : i32
        %parallel_loop3A_140 = vector.broadcast %parallel_loop3A_139 : i32 to vector<16xi32>
        %parallel_loop3A_141 = arith.addi %parallel_loop3A_140, %select_n3A : vector<16xi32>
        %parallel_loop3A_142 = vector.shape_cast %parallel_loop3A_141 : vector<16xi32> to vector<16x1xi32>
        %parallel_loop3A_143 = vector.shape_cast %parallel_loop3A_142 : vector<16x1xi32> to vector<16xi32>
        %parallel_loop3A_144 = tpu.dynamic_gather %parallel_loop3A_124[%parallel_loop3A_143] in [0] : vector<16xf32>, vector<16xi32> -> vector<16xf32>
        %parallel_loop3A_145 = arith.index_cast %parallel_loop3A_88 : i32 to index
        %parallel_loop3A_146 = arith.constant 16 : index
        %parallel_loop3A_147 = tpu.vector_load %arg22[%parallel_loop3A_145, %parallel_loop3A_146] {strides = array<i32>} : memref<144x64xf32, #tpu.memory_space<vmem>>, vector<16xf32>,
        %parallel_loop3A_148 = arith.mulf %parallel_loop3A_147, %parallel_loop3A_144 : vector<16xf32>
        %parallel_loop3A_149 = arith.index_cast %parallel_loop3A_88 : i32 to index
        %parallel_loop3A_150 = arith.constant 16 : index
        %parallel_loop3A_151 = tpu.vector_load %arg24[%parallel_loop3A_149, %parallel_loop3A_150] {strides = array<i32>} : memref<144x64xf32, #tpu.memory_space<vmem>>, vector<16xf32>,
        tpu.vector_store %arg24[%parallel_loop3A_149, %parallel_loop3A_150], %parallel_loop3A_148 {strides = array<i32>} : memref<144x64xf32, #tpu.memory_space<vmem>>, vector<16xf32>,
        %parallel_loop3A_152 = arith.constant 4 : i32
        %parallel_loop3A_153 = vector.broadcast %parallel_loop3A_152 : i32 to vector<16xi32>
        %parallel_loop3A_154 = arith.addi %parallel_loop3A_153, %select_n3A : vector<16xi32>
        %parallel_loop3A_155 = vector.shape_cast %parallel_loop3A_154 : vector<16xi32> to vector<16x1xi32>
        %parallel_loop3A_156 = vector.shape_cast %parallel_loop3A_155 : vector<16x1xi32> to vector<16xi32>
        %parallel_loop3A_157 = tpu.dynamic_gather %parallel_loop3A_124[%parallel_loop3A_156] in [0] : vector<16xf32>, vector<16xi32> -> vector<16xf32>
        %parallel_loop3A_158 = arith.index_cast %parallel_loop3A_88 : i32 to index
        %parallel_loop3A_159 = arith.constant 32 : index
        %parallel_loop3A_160 = tpu.vector_load %arg22[%parallel_loop3A_158, %parallel_loop3A_159] {strides = array<i32>} : memref<144x64xf32, #tpu.memory_space<vmem>>, vector<16xf32>,
        %parallel_loop3A_161 = arith.mulf %parallel_loop3A_160, %parallel_loop3A_157 : vector<16xf32>
        %parallel_loop3A_162 = arith.index_cast %parallel_loop3A_88 : i32 to index
        %parallel_loop3A_163 = arith.constant 32 : index
        %parallel_loop3A_164 = tpu.vector_load %arg24[%parallel_loop3A_162, %parallel_loop3A_163] {strides = array<i32>} : memref<144x64xf32, #tpu.memory_space<vmem>>, vector<16xf32>,
        tpu.vector_store %arg24[%parallel_loop3A_162, %parallel_loop3A_163], %parallel_loop3A_161 {strides = array<i32>} : memref<144x64xf32, #tpu.memory_space<vmem>>, vector<16xf32>,
        %parallel_loop3A_165 = arith.constant 6 : i32
        %parallel_loop3A_166 = vector.broadcast %parallel_loop3A_165 : i32 to vector<16xi32>
        %parallel_loop3A_167 = arith.addi %parallel_loop3A_166, %select_n3A : vector<16xi32>
        %parallel_loop3A_168 = vector.shape_cast %parallel_loop3A_167 : vector<16xi32> to vector<16x1xi32>
        %parallel_loop3A_169 = vector.shape_cast %parallel_loop3A_168 : vector<16x1xi32> to vector<16xi32>
        %parallel_loop3A_170 = tpu.dynamic_gather %parallel_loop3A_124[%parallel_loop3A_169] in [0] : vector<16xf32>, vector<16xi32> -> vector<16xf32>
        %parallel_loop3A_171 = arith.index_cast %parallel_loop3A_88 : i32 to index
        %parallel_loop3A_172 = arith.constant 48 : index
        %parallel_loop3A_173 = tpu.vector_load %arg22[%parallel_loop3A_171, %parallel_loop3A_172] {strides = array<i32>} : memref<144x64xf32, #tpu.memory_space<vmem>>, vector<16xf32>,
        %parallel_loop3A_174 = arith.mulf %parallel_loop3A_173, %parallel_loop3A_170 : vector<16xf32>
        %parallel_loop3A_175 = arith.index_cast %parallel_loop3A_88 : i32 to index
        %parallel_loop3A_176 = arith.constant 48 : index
        %parallel_loop3A_177 = tpu.vector_load %arg24[%parallel_loop3A_175, %parallel_loop3A_176] {strides = array<i32>} : memref<144x64xf32, #tpu.memory_space<vmem>>, vector<16xf32>,
        tpu.vector_store %arg24[%parallel_loop3A_175, %parallel_loop3A_176], %parallel_loop3A_174 {strides = array<i32>} : memref<144x64xf32, #tpu.memory_space<vmem>>, vector<16xf32>,
      } {sc.loop_unroll_factor = 8 : i64, sc.parallel_access}
      "tpu.region"() ({
        %run_scoped3A = tpu.sem_alloc : memref<!tpu.dma_semaphore, #tpu.memory_space<semaphore_mem>>
        %dma_start3A_88 = arith.constant 0 : i32
        %dma_start3A_89 = arith.constant 0 : i32
        %dma_start3A_90 = tpu.memref_slice %arg26[%dma_start3A_88, %dma_start3A_89] : memref<10016x8xf32, #tpu.memory_space<vmem_shared>> -> memref<10016x8xf32, #tpu.memory_space<vmem_shared>>
        tpu.enqueue_indirect_dma source(%arg25 : memref<144x8xf32, #tpu.memory_space<vmem>>) target(%dma_start3A_90 : memref<10016x8xf32, #tpu.memory_space<vmem_shared>>) offsets(%arg14 : memref<144xi32, #tpu.memory_space<vmem>>) semaphore(%run_scoped3A : memref<!tpu.dma_semaphore, #tpu.memory_space<semaphore_mem>>) {add = true}
        %dma_wait3A_91 = arith.constant 0 : i32
        %dma_wait3A_92 = arith.constant 0 : i32
        %dma_wait3A_93 = tpu.memref_slice %arg26[%dma_wait3A_91, %dma_wait3A_92] : memref<10016x8xf32, #tpu.memory_space<vmem_shared>> -> memref<10016x8xf32, #tpu.memory_space<vmem_shared>>
        tpu.wait_indirect_dma semaphore(%run_scoped3A : memref<!tpu.dma_semaphore, #tpu.memory_space<semaphore_mem>>) src(%arg25 : memref<144x8xf32, #tpu.memory_space<vmem>>) dst(%dma_wait3A_93 : memref<10016x8xf32, #tpu.memory_space<vmem_shared>>)
        tpu.yield
      }) : () -> ()
      "tpu.region"() ({
        %run_scoped3A = tpu.sem_alloc : memref<!tpu.dma_semaphore, #tpu.memory_space<semaphore_mem>>
        %dma_start3A_88 = arith.constant 0 : i32
        %dma_start3A_89 = arith.constant 0 : i32
        %dma_start3A_90 = tpu.memref_slice %arg27[%dma_start3A_88, %dma_start3A_89] : memref<10016x64xf32, #tpu.memory_space<vmem_shared>> -> memref<10016x64xf32, #tpu.memory_space<vmem_shared>>
        tpu.enqueue_indirect_dma source(%arg24 : memref<144x64xf32, #tpu.memory_space<vmem>>) target(%dma_start3A_90 : memref<10016x64xf32, #tpu.memory_space<vmem_shared>>) offsets(%arg14 : memref<144xi32, #tpu.memory_space<vmem>>) semaphore(%run_scoped3A : memref<!tpu.dma_semaphore, #tpu.memory_space<semaphore_mem>>) {add = true}
        %dma_wait3A_91 = arith.constant 0 : i32
        %dma_wait3A_92 = arith.constant 0 : i32
        %dma_wait3A_93 = tpu.memref_slice %arg27[%dma_wait3A_91, %dma_wait3A_92] : memref<10016x64xf32, #tpu.memory_space<vmem_shared>> -> memref<10016x64xf32, #tpu.memory_space<vmem_shared>>
        tpu.wait_indirect_dma semaphore(%run_scoped3A : memref<!tpu.dma_semaphore, #tpu.memory_space<semaphore_mem>>) src(%arg24 : memref<144x64xf32, #tpu.memory_space<vmem>>) dst(%dma_wait3A_93 : memref<10016x64xf32, #tpu.memory_space<vmem_shared>>)
        tpu.yield
      }) : () -> ()
      %add3A_60 = arith.constant 2 : i32
      %add3A_61 = arith.addi %add3A_49, %add3A_60 : i32
      %lt3A_62 = arith.constant 72 : i32
      %lt3A_63 = arith.cmpi slt, %add3A_61, %lt3A_62 : i32
      %convert_element_type3A = arith.extui %lt3A_63 : i1 to i32
      %cond3A = arith.constant 0 : i32
      %cond3A_64 = arith.cmpi ne, %convert_element_type3A, %cond3A : i32
      scf.if %cond3A_64 {
        %add3A_88 = arith.constant 2 : i32
        %add3A_89 = arith.addi %add3A_49, %add3A_88 : i32
        %mul3A_90 = arith.constant 144 : i32
        %mul3A_91 = arith.muli %add3A_89, %mul3A_90 : i32
        %add3A_92 = arith.addi %mul3A_2, %mul3A_91 : i32
        "tpu.region"() ({
          %run_scoped3A = tpu.sem_alloc : memref<!tpu.dma_semaphore, #tpu.memory_space<semaphore_mem>>
          %dma_start3A_102 = tpu.memref_slice %arg5[%add3A_92] : memref<331776xi32, #tpu.memory_space<hbm>> -> memref<144xi32, #tpu.memory_space<hbm>>
          %dma_start3A_103 = tpu.memref_slice %arg5[%add3A_92] : memref<331776xi32, #tpu.memory_space<hbm>> -> memref<144xi32, #tpu.memory_space<hbm>>
          tpu.enqueue_dma source(%dma_start3A_103 : memref<144xi32, #tpu.memory_space<hbm>>) target(%arg12 : memref<144xi32, #tpu.memory_space<vmem>>) target_semaphore(%run_scoped3A : memref<!tpu.dma_semaphore, #tpu.memory_space<semaphore_mem>>)
          %dma_wait3A_104 = tpu.memref_slice %arg5[%add3A_92] : memref<331776xi32, #tpu.memory_space<hbm>> -> memref<144xi32, #tpu.memory_space<hbm>>
          %dma_wait3A_105 = tpu.memref_slice %arg5[%add3A_92] : memref<331776xi32, #tpu.memory_space<hbm>> -> memref<144xi32, #tpu.memory_space<hbm>>
          tpu.wait_dma2 semaphore(%run_scoped3A : memref<!tpu.dma_semaphore, #tpu.memory_space<semaphore_mem>>) src(%dma_wait3A_105 : memref<144xi32, #tpu.memory_space<hbm>>) dst(%arg12 : memref<144xi32, #tpu.memory_space<vmem>>)
          tpu.yield
        }) : () -> ()
        "tpu.region"() ({
          %run_scoped3A = tpu.sem_alloc : memref<!tpu.dma_semaphore, #tpu.memory_space<semaphore_mem>>
          %dma_start3A_102 = tpu.memref_slice %arg6[%add3A_92] : memref<331776xi32, #tpu.memory_space<hbm>> -> memref<144xi32, #tpu.memory_space<hbm>>
          %dma_start3A_103 = tpu.memref_slice %arg6[%add3A_92] : memref<331776xi32, #tpu.memory_space<hbm>> -> memref<144xi32, #tpu.memory_space<hbm>>
          tpu.enqueue_dma source(%dma_start3A_103 : memref<144xi32, #tpu.memory_space<hbm>>) target(%arg14 : memref<144xi32, #tpu.memory_space<vmem>>) target_semaphore(%run_scoped3A : memref<!tpu.dma_semaphore, #tpu.memory_space<semaphore_mem>>)
          %dma_wait3A_104 = tpu.memref_slice %arg6[%add3A_92] : memref<331776xi32, #tpu.memory_space<hbm>> -> memref<144xi32, #tpu.memory_space<hbm>>
          %dma_wait3A_105 = tpu.memref_slice %arg6[%add3A_92] : memref<331776xi32, #tpu.memory_space<hbm>> -> memref<144xi32, #tpu.memory_space<hbm>>
          tpu.wait_dma2 semaphore(%run_scoped3A : memref<!tpu.dma_semaphore, #tpu.memory_space<semaphore_mem>>) src(%dma_wait3A_105 : memref<144xi32, #tpu.memory_space<hbm>>) dst(%arg14 : memref<144xi32, #tpu.memory_space<vmem>>)
          tpu.yield
        }) : () -> ()
        "tpu.region"() ({
          %run_scoped3A = tpu.sem_alloc : memref<!tpu.dma_semaphore, #tpu.memory_space<semaphore_mem>>
          %dma_start3A_102 = tpu.memref_slice %arg7[%add3A_92] : memref<331776xi32, #tpu.memory_space<hbm>> -> memref<144xi32, #tpu.memory_space<hbm>>
          %dma_start3A_103 = tpu.memref_slice %arg7[%add3A_92] : memref<331776xi32, #tpu.memory_space<hbm>> -> memref<144xi32, #tpu.memory_space<hbm>>
          tpu.enqueue_dma source(%dma_start3A_103 : memref<144xi32, #tpu.memory_space<hbm>>) target(%arg16 : memref<144xi32, #tpu.memory_space<vmem>>) target_semaphore(%run_scoped3A : memref<!tpu.dma_semaphore, #tpu.memory_space<semaphore_mem>>)
          %dma_wait3A_104 = tpu.memref_slice %arg7[%add3A_92] : memref<331776xi32, #tpu.memory_space<hbm>> -> memref<144xi32, #tpu.memory_space<hbm>>
          %dma_wait3A_105 = tpu.memref_slice %arg7[%add3A_92] : memref<331776xi32, #tpu.memory_space<hbm>> -> memref<144xi32, #tpu.memory_space<hbm>>
          tpu.wait_dma2 semaphore(%run_scoped3A : memref<!tpu.dma_semaphore, #tpu.memory_space<semaphore_mem>>) src(%dma_wait3A_105 : memref<144xi32, #tpu.memory_space<hbm>>) dst(%arg16 : memref<144xi32, #tpu.memory_space<vmem>>)
          tpu.yield
        }) : () -> ()
        %dma_start3A_93 = arith.constant 0 : i32
        %dma_start3A_94 = arith.constant 0 : i32
        %dma_start3A_95 = tpu.memref_slice %arg2[%dma_start3A_93, %dma_start3A_94] : memref<10000x64xf32, #tpu.memory_space<hbm>> -> memref<10000x64xf32, #tpu.memory_space<hbm>>
        tpu.enqueue_indirect_dma source(%dma_start3A_95 : memref<10000x64xf32, #tpu.memory_space<hbm>>) target(%arg18 : memref<144x64xf32, #tpu.memory_space<vmem>>) offsets(%arg12 : memref<144xi32, #tpu.memory_space<vmem>>) semaphore(%arg28 : memref<!tpu.dma_semaphore, #tpu.memory_space<semaphore_mem>>)
        %dma_start3A_96 = arith.constant 0 : i32
        %dma_start3A_97 = arith.constant 0 : i32
        %dma_start3A_98 = tpu.memref_slice %arg3[%dma_start3A_96, %dma_start3A_97] : memref<10000x64xf32, #tpu.memory_space<hbm>> -> memref<10000x64xf32, #tpu.memory_space<hbm>>
        tpu.enqueue_indirect_dma source(%dma_start3A_98 : memref<10000x64xf32, #tpu.memory_space<hbm>>) target(%arg20 : memref<144x64xf32, #tpu.memory_space<vmem>>) offsets(%arg16 : memref<144xi32, #tpu.memory_space<vmem>>) semaphore(%arg30 : memref<!tpu.dma_semaphore, #tpu.memory_space<semaphore_mem>>)
        %dma_start3A_99 = arith.constant 0 : i32
        %dma_start3A_100 = arith.constant 0 : i32
        %dma_start3A_101 = tpu.memref_slice %arg4[%dma_start3A_99, %dma_start3A_100] : memref<10000x64xf32, #tpu.memory_space<hbm>> -> memref<10000x64xf32, #tpu.memory_space<hbm>>
        tpu.enqueue_indirect_dma source(%dma_start3A_101 : memref<10000x64xf32, #tpu.memory_space<hbm>>) target(%arg22 : memref<144x64xf32, #tpu.memory_space<vmem>>) offsets(%arg16 : memref<144xi32, #tpu.memory_space<vmem>>) semaphore(%arg32 : memref<!tpu.dma_semaphore, #tpu.memory_space<semaphore_mem>>)
      } else {
      }
      %mul3A_65 = arith.constant 2 : i32
      %mul3A_66 = arith.muli %add3A_45, %mul3A_65 : i32
      %add3A_67 = arith.constant 1 : i32
      %add3A_68 = arith.addi %mul3A_66, %add3A_67 : i32
      %dma_wait3A_69 = arith.constant 0 : i32
      %dma_wait3A_70 = arith.constant 0 : i32
      %dma_wait3A_71 = tpu.memref_slice %arg2[%dma_wait3A_69, %dma_wait3A_70] : memref<10000x64xf32, #tpu.memory_space<hbm>> -> memref<10000x64xf32, #tpu.memory_space<hbm>>
      tpu.wait_indirect_dma semaphore(%arg29 : memref<!tpu.dma_semaphore, #tpu.memory_space<semaphore_mem>>) src(%dma_wait3A_71 : memref<10000x64xf32, #tpu.memory_space<hbm>>) dst(%arg19 : memref<144x64xf32, #tpu.memory_space<vmem>>)
      %dma_wait3A_72 = arith.constant 0 : i32
      %dma_wait3A_73 = arith.constant 0 : i32
      %dma_wait3A_74 = tpu.memref_slice %arg3[%dma_wait3A_72, %dma_wait3A_73] : memref<10000x64xf32, #tpu.memory_space<hbm>> -> memref<10000x64xf32, #tpu.memory_space<hbm>>
      tpu.wait_indirect_dma semaphore(%arg31 : memref<!tpu.dma_semaphore, #tpu.memory_space<semaphore_mem>>) src(%dma_wait3A_74 : memref<10000x64xf32, #tpu.memory_space<hbm>>) dst(%arg21 : memref<144x64xf32, #tpu.memory_space<vmem>>)
      %dma_wait3A_75 = arith.constant 0 : i32
      %dma_wait3A_76 = arith.constant 0 : i32
      %dma_wait3A_77 = tpu.memref_slice %arg4[%dma_wait3A_75, %dma_wait3A_76] : memref<10000x64xf32, #tpu.memory_space<hbm>> -> memref<10000x64xf32, #tpu.memory_space<hbm>>
      tpu.wait_indirect_dma semaphore(%arg33 : memref<!tpu.dma_semaphore, #tpu.memory_space<semaphore_mem>>) src(%dma_wait3A_77 : memref<10000x64xf32, #tpu.memory_space<hbm>>) dst(%arg23 : memref<144x64xf32, #tpu.memory_space<vmem>>)
      %parallel_loop3A_78 = arith.constant 0 : i32
      %parallel_loop3A_79 = arith.constant 144 : i32
      %parallel_loop3A_80 = arith.constant 1 : i32
      scf.for %parallel_loop3A_88 = %parallel_loop3A_78 to %parallel_loop3A_79 step %parallel_loop3A_80  : i32 {
        %parallel_loop3A_89 = arith.index_cast %parallel_loop3A_88 : i32 to index
        %parallel_loop3A_90 = arith.constant 0 : index
        %parallel_loop3A_91 = tpu.vector_load %arg19[%parallel_loop3A_89, %parallel_loop3A_90] {strides = array<i32>} : memref<144x64xf32, #tpu.memory_space<vmem>>, vector<16xf32>,
        %parallel_loop3A_92 = arith.index_cast %parallel_loop3A_88 : i32 to index
        %parallel_loop3A_93 = arith.constant 0 : index
        %parallel_loop3A_94 = tpu.vector_load %arg21[%parallel_loop3A_92, %parallel_loop3A_93] {strides = array<i32>} : memref<144x64xf32, #tpu.memory_space<vmem>>, vector<16xf32>,
        %parallel_loop3A_95 = arith.mulf %parallel_loop3A_91, %parallel_loop3A_94 : vector<16xf32>
        %parallel_loop3A_96 = arith.index_cast %parallel_loop3A_88 : i32 to index
        %parallel_loop3A_97 = arith.constant 16 : index
        %parallel_loop3A_98 = tpu.vector_load %arg19[%parallel_loop3A_96, %parallel_loop3A_97] {strides = array<i32>} : memref<144x64xf32, #tpu.memory_space<vmem>>, vector<16xf32>,
        %parallel_loop3A_99 = arith.index_cast %parallel_loop3A_88 : i32 to index
        %parallel_loop3A_100 = arith.constant 16 : index
        %parallel_loop3A_101 = tpu.vector_load %arg21[%parallel_loop3A_99, %parallel_loop3A_100] {strides = array<i32>} : memref<144x64xf32, #tpu.memory_space<vmem>>, vector<16xf32>,
        %parallel_loop3A_102 = arith.mulf %parallel_loop3A_98, %parallel_loop3A_101 : vector<16xf32>
        %parallel_loop3A_103 = arith.addf %parallel_loop3A_95, %parallel_loop3A_102 : vector<16xf32>
        %parallel_loop3A_104 = arith.index_cast %parallel_loop3A_88 : i32 to index
        %parallel_loop3A_105 = arith.constant 32 : index
        %parallel_loop3A_106 = tpu.vector_load %arg19[%parallel_loop3A_104, %parallel_loop3A_105] {strides = array<i32>} : memref<144x64xf32, #tpu.memory_space<vmem>>, vector<16xf32>,
        %parallel_loop3A_107 = arith.index_cast %parallel_loop3A_88 : i32 to index
        %parallel_loop3A_108 = arith.constant 32 : index
        %parallel_loop3A_109 = tpu.vector_load %arg21[%parallel_loop3A_107, %parallel_loop3A_108] {strides = array<i32>} : memref<144x64xf32, #tpu.memory_space<vmem>>, vector<16xf32>,
        %parallel_loop3A_110 = arith.mulf %parallel_loop3A_106, %parallel_loop3A_109 : vector<16xf32>
        %parallel_loop3A_111 = arith.addf %parallel_loop3A_103, %parallel_loop3A_110 : vector<16xf32>
        %parallel_loop3A_112 = arith.index_cast %parallel_loop3A_88 : i32 to index
        %parallel_loop3A_113 = arith.constant 48 : index
        %parallel_loop3A_114 = tpu.vector_load %arg19[%parallel_loop3A_112, %parallel_loop3A_113] {strides = array<i32>} : memref<144x64xf32, #tpu.memory_space<vmem>>, vector<16xf32>,
        %parallel_loop3A_115 = arith.index_cast %parallel_loop3A_88 : i32 to index
        %parallel_loop3A_116 = arith.constant 48 : index
        %parallel_loop3A_117 = tpu.vector_load %arg21[%parallel_loop3A_115, %parallel_loop3A_116] {strides = array<i32>} : memref<144x64xf32, #tpu.memory_space<vmem>>, vector<16xf32>,
        %parallel_loop3A_118 = arith.mulf %parallel_loop3A_114, %parallel_loop3A_117 : vector<16xf32>
        %parallel_loop3A_119 = arith.addf %parallel_loop3A_111, %parallel_loop3A_118 : vector<16xf32>
        %parallel_loop3A_120 = vector.shape_cast %xor3A_4 : vector<16xi32> to vector<16x1xi32>
        %parallel_loop3A_121 = vector.shape_cast %parallel_loop3A_120 : vector<16x1xi32> to vector<16xi32>
        %parallel_loop3A_122 = tpu.dynamic_gather %parallel_loop3A_119[%parallel_loop3A_121] in [0] : vector<16xf32>, vector<16xi32> -> vector<16xf32>
        %parallel_loop3A_123 = arith.addf %parallel_loop3A_119, %parallel_loop3A_122 : vector<16xf32>
        %parallel_loop3A_124 = math.exp %parallel_loop3A_123 : vector<16xf32>
        %parallel_loop3A_125 = vector.broadcast %parallel_loop3A_88 : i32 to vector<16xi32>
        tpu.vector_store_idx %arg25[%parallel_loop3A_125, %and3A_6], %parallel_loop3A_124 masked %lt3A_8 : memref<144x8xf32, #tpu.memory_space<vmem>>[vector<16xi32>, vector<16xi32>], vector<16xf32>, vector<16xi1>
        %parallel_loop3A_126 = arith.constant 0 : i32
        %parallel_loop3A_127 = vector.broadcast %parallel_loop3A_126 : i32 to vector<16xi32>
        %parallel_loop3A_128 = arith.addi %parallel_loop3A_127, %select_n3A : vector<16xi32>
        %parallel_loop3A_129 = vector.shape_cast %parallel_loop3A_128 : vector<16xi32> to vector<16x1xi32>
        %parallel_loop3A_130 = vector.shape_cast %parallel_loop3A_129 : vector<16x1xi32> to vector<16xi32>
        %parallel_loop3A_131 = tpu.dynamic_gather %parallel_loop3A_124[%parallel_loop3A_130] in [0] : vector<16xf32>, vector<16xi32> -> vector<16xf32>
        %parallel_loop3A_132 = arith.index_cast %parallel_loop3A_88 : i32 to index
        %parallel_loop3A_133 = arith.constant 0 : index
        %parallel_loop3A_134 = tpu.vector_load %arg23[%parallel_loop3A_132, %parallel_loop3A_133] {strides = array<i32>} : memref<144x64xf32, #tpu.memory_space<vmem>>, vector<16xf32>,
        %parallel_loop3A_135 = arith.mulf %parallel_loop3A_134, %parallel_loop3A_131 : vector<16xf32>
        %parallel_loop3A_136 = arith.index_cast %parallel_loop3A_88 : i32 to index
        %parallel_loop3A_137 = arith.constant 0 : index
        %parallel_loop3A_138 = tpu.vector_load %arg24[%parallel_loop3A_136, %parallel_loop3A_137] {strides = array<i32>} : memref<144x64xf32, #tpu.memory_space<vmem>>, vector<16xf32>,
        tpu.vector_store %arg24[%parallel_loop3A_136, %parallel_loop3A_137], %parallel_loop3A_135 {strides = array<i32>} : memref<144x64xf32, #tpu.memory_space<vmem>>, vector<16xf32>,
        %parallel_loop3A_139 = arith.constant 2 : i32
        %parallel_loop3A_140 = vector.broadcast %parallel_loop3A_139 : i32 to vector<16xi32>
        %parallel_loop3A_141 = arith.addi %parallel_loop3A_140, %select_n3A : vector<16xi32>
        %parallel_loop3A_142 = vector.shape_cast %parallel_loop3A_141 : vector<16xi32> to vector<16x1xi32>
        %parallel_loop3A_143 = vector.shape_cast %parallel_loop3A_142 : vector<16x1xi32> to vector<16xi32>
        %parallel_loop3A_144 = tpu.dynamic_gather %parallel_loop3A_124[%parallel_loop3A_143] in [0] : vector<16xf32>, vector<16xi32> -> vector<16xf32>
        %parallel_loop3A_145 = arith.index_cast %parallel_loop3A_88 : i32 to index
        %parallel_loop3A_146 = arith.constant 16 : index
        %parallel_loop3A_147 = tpu.vector_load %arg23[%parallel_loop3A_145, %parallel_loop3A_146] {strides = array<i32>} : memref<144x64xf32, #tpu.memory_space<vmem>>, vector<16xf32>,
        %parallel_loop3A_148 = arith.mulf %parallel_loop3A_147, %parallel_loop3A_144 : vector<16xf32>
        %parallel_loop3A_149 = arith.index_cast %parallel_loop3A_88 : i32 to index
        %parallel_loop3A_150 = arith.constant 16 : index
        %parallel_loop3A_151 = tpu.vector_load %arg24[%parallel_loop3A_149, %parallel_loop3A_150] {strides = array<i32>} : memref<144x64xf32, #tpu.memory_space<vmem>>, vector<16xf32>,
        tpu.vector_store %arg24[%parallel_loop3A_149, %parallel_loop3A_150], %parallel_loop3A_148 {strides = array<i32>} : memref<144x64xf32, #tpu.memory_space<vmem>>, vector<16xf32>,
        %parallel_loop3A_152 = arith.constant 4 : i32
        %parallel_loop3A_153 = vector.broadcast %parallel_loop3A_152 : i32 to vector<16xi32>
        %parallel_loop3A_154 = arith.addi %parallel_loop3A_153, %select_n3A : vector<16xi32>
        %parallel_loop3A_155 = vector.shape_cast %parallel_loop3A_154 : vector<16xi32> to vector<16x1xi32>
        %parallel_loop3A_156 = vector.shape_cast %parallel_loop3A_155 : vector<16x1xi32> to vector<16xi32>
        %parallel_loop3A_157 = tpu.dynamic_gather %parallel_loop3A_124[%parallel_loop3A_156] in [0] : vector<16xf32>, vector<16xi32> -> vector<16xf32>
        %parallel_loop3A_158 = arith.index_cast %parallel_loop3A_88 : i32 to index
        %parallel_loop3A_159 = arith.constant 32 : index
        %parallel_loop3A_160 = tpu.vector_load %arg23[%parallel_loop3A_158, %parallel_loop3A_159] {strides = array<i32>} : memref<144x64xf32, #tpu.memory_space<vmem>>, vector<16xf32>,
        %parallel_loop3A_161 = arith.mulf %parallel_loop3A_160, %parallel_loop3A_157 : vector<16xf32>
        %parallel_loop3A_162 = arith.index_cast %parallel_loop3A_88 : i32 to index
        %parallel_loop3A_163 = arith.constant 32 : index
        %parallel_loop3A_164 = tpu.vector_load %arg24[%parallel_loop3A_162, %parallel_loop3A_163] {strides = array<i32>} : memref<144x64xf32, #tpu.memory_space<vmem>>, vector<16xf32>,
        tpu.vector_store %arg24[%parallel_loop3A_162, %parallel_loop3A_163], %parallel_loop3A_161 {strides = array<i32>} : memref<144x64xf32, #tpu.memory_space<vmem>>, vector<16xf32>,
        %parallel_loop3A_165 = arith.constant 6 : i32
        %parallel_loop3A_166 = vector.broadcast %parallel_loop3A_165 : i32 to vector<16xi32>
        %parallel_loop3A_167 = arith.addi %parallel_loop3A_166, %select_n3A : vector<16xi32>
        %parallel_loop3A_168 = vector.shape_cast %parallel_loop3A_167 : vector<16xi32> to vector<16x1xi32>
        %parallel_loop3A_169 = vector.shape_cast %parallel_loop3A_168 : vector<16x1xi32> to vector<16xi32>
        %parallel_loop3A_170 = tpu.dynamic_gather %parallel_loop3A_124[%parallel_loop3A_169] in [0] : vector<16xf32>, vector<16xi32> -> vector<16xf32>
        %parallel_loop3A_171 = arith.index_cast %parallel_loop3A_88 : i32 to index
        %parallel_loop3A_172 = arith.constant 48 : index
        %parallel_loop3A_173 = tpu.vector_load %arg23[%parallel_loop3A_171, %parallel_loop3A_172] {strides = array<i32>} : memref<144x64xf32, #tpu.memory_space<vmem>>, vector<16xf32>,
        %parallel_loop3A_174 = arith.mulf %parallel_loop3A_173, %parallel_loop3A_170 : vector<16xf32>
        %parallel_loop3A_175 = arith.index_cast %parallel_loop3A_88 : i32 to index
        %parallel_loop3A_176 = arith.constant 48 : index
        %parallel_loop3A_177 = tpu.vector_load %arg24[%parallel_loop3A_175, %parallel_loop3A_176] {strides = array<i32>} : memref<144x64xf32, #tpu.memory_space<vmem>>, vector<16xf32>,
        tpu.vector_store %arg24[%parallel_loop3A_175, %parallel_loop3A_176], %parallel_loop3A_174 {strides = array<i32>} : memref<144x64xf32, #tpu.memory_space<vmem>>, vector<16xf32>,
      } {sc.loop_unroll_factor = 8 : i64, sc.parallel_access}
      "tpu.region"() ({
        %run_scoped3A = tpu.sem_alloc : memref<!tpu.dma_semaphore, #tpu.memory_space<semaphore_mem>>
        %dma_start3A_88 = arith.constant 0 : i32
        %dma_start3A_89 = arith.constant 0 : i32
        %dma_start3A_90 = tpu.memref_slice %arg26[%dma_start3A_88, %dma_start3A_89] : memref<10016x8xf32, #tpu.memory_space<vmem_shared>> -> memref<10016x8xf32, #tpu.memory_space<vmem_shared>>
        tpu.enqueue_indirect_dma source(%arg25 : memref<144x8xf32, #tpu.memory_space<vmem>>) target(%dma_start3A_90 : memref<10016x8xf32, #tpu.memory_space<vmem_shared>>) offsets(%arg15 : memref<144xi32, #tpu.memory_space<vmem>>) semaphore(%run_scoped3A : memref<!tpu.dma_semaphore, #tpu.memory_space<semaphore_mem>>) {add = true}
        %dma_wait3A_91 = arith.constant 0 : i32
        %dma_wait3A_92 = arith.constant 0 : i32
        %dma_wait3A_93 = tpu.memref_slice %arg26[%dma_wait3A_91, %dma_wait3A_92] : memref<10016x8xf32, #tpu.memory_space<vmem_shared>> -> memref<10016x8xf32, #tpu.memory_space<vmem_shared>>
        tpu.wait_indirect_dma semaphore(%run_scoped3A : memref<!tpu.dma_semaphore, #tpu.memory_space<semaphore_mem>>) src(%arg25 : memref<144x8xf32, #tpu.memory_space<vmem>>) dst(%dma_wait3A_93 : memref<10016x8xf32, #tpu.memory_space<vmem_shared>>)
        tpu.yield
      }) : () -> ()
      "tpu.region"() ({
        %run_scoped3A = tpu.sem_alloc : memref<!tpu.dma_semaphore, #tpu.memory_space<semaphore_mem>>
        %dma_start3A_88 = arith.constant 0 : i32
        %dma_start3A_89 = arith.constant 0 : i32
        %dma_start3A_90 = tpu.memref_slice %arg27[%dma_start3A_88, %dma_start3A_89] : memref<10016x64xf32, #tpu.memory_space<vmem_shared>> -> memref<10016x64xf32, #tpu.memory_space<vmem_shared>>
        tpu.enqueue_indirect_dma source(%arg24 : memref<144x64xf32, #tpu.memory_space<vmem>>) target(%dma_start3A_90 : memref<10016x64xf32, #tpu.memory_space<vmem_shared>>) offsets(%arg15 : memref<144xi32, #tpu.memory_space<vmem>>) semaphore(%run_scoped3A : memref<!tpu.dma_semaphore, #tpu.memory_space<semaphore_mem>>) {add = true}
        %dma_wait3A_91 = arith.constant 0 : i32
        %dma_wait3A_92 = arith.constant 0 : i32
        %dma_wait3A_93 = tpu.memref_slice %arg27[%dma_wait3A_91, %dma_wait3A_92] : memref<10016x64xf32, #tpu.memory_space<vmem_shared>> -> memref<10016x64xf32, #tpu.memory_space<vmem_shared>>
        tpu.wait_indirect_dma semaphore(%run_scoped3A : memref<!tpu.dma_semaphore, #tpu.memory_space<semaphore_mem>>) src(%arg24 : memref<144x64xf32, #tpu.memory_space<vmem>>) dst(%dma_wait3A_93 : memref<10016x64xf32, #tpu.memory_space<vmem_shared>>)
        tpu.yield
      }) : () -> ()
      %add3A_81 = arith.constant 2 : i32
      %add3A_82 = arith.addi %add3A_68, %add3A_81 : i32
      %lt3A_83 = arith.constant 72 : i32
      %lt3A_84 = arith.cmpi slt, %add3A_82, %lt3A_83 : i32
      %convert_element_type3A_85 = arith.extui %lt3A_84 : i1 to i32
      %cond3A_86 = arith.constant 0 : i32
      %cond3A_87 = arith.cmpi ne, %convert_element_type3A_85, %cond3A_86 : i32
      scf.if %cond3A_87 {
        %add3A_88 = arith.constant 2 : i32
        %add3A_89 = arith.addi %add3A_68, %add3A_88 : i32
        %mul3A_90 = arith.constant 144 : i32
        %mul3A_91 = arith.muli %add3A_89, %mul3A_90 : i32
        %add3A_92 = arith.addi %mul3A_2, %mul3A_91 : i32
        "tpu.region"() ({
          %run_scoped3A = tpu.sem_alloc : memref<!tpu.dma_semaphore, #tpu.memory_space<semaphore_mem>>
          %dma_start3A_102 = tpu.memref_slice %arg5[%add3A_92] : memref<331776xi32, #tpu.memory_space<hbm>> -> memref<144xi32, #tpu.memory_space<hbm>>
          %dma_start3A_103 = tpu.memref_slice %arg5[%add3A_92] : memref<331776xi32, #tpu.memory_space<hbm>> -> memref<144xi32, #tpu.memory_space<hbm>>
          tpu.enqueue_dma source(%dma_start3A_103 : memref<144xi32, #tpu.memory_space<hbm>>) target(%arg13 : memref<144xi32, #tpu.memory_space<vmem>>) target_semaphore(%run_scoped3A : memref<!tpu.dma_semaphore, #tpu.memory_space<semaphore_mem>>)
          %dma_wait3A_104 = tpu.memref_slice %arg5[%add3A_92] : memref<331776xi32, #tpu.memory_space<hbm>> -> memref<144xi32, #tpu.memory_space<hbm>>
          %dma_wait3A_105 = tpu.memref_slice %arg5[%add3A_92] : memref<331776xi32, #tpu.memory_space<hbm>> -> memref<144xi32, #tpu.memory_space<hbm>>
          tpu.wait_dma2 semaphore(%run_scoped3A : memref<!tpu.dma_semaphore, #tpu.memory_space<semaphore_mem>>) src(%dma_wait3A_105 : memref<144xi32, #tpu.memory_space<hbm>>) dst(%arg13 : memref<144xi32, #tpu.memory_space<vmem>>)
          tpu.yield
        }) : () -> ()
        "tpu.region"() ({
          %run_scoped3A = tpu.sem_alloc : memref<!tpu.dma_semaphore, #tpu.memory_space<semaphore_mem>>
          %dma_start3A_102 = tpu.memref_slice %arg6[%add3A_92] : memref<331776xi32, #tpu.memory_space<hbm>> -> memref<144xi32, #tpu.memory_space<hbm>>
          %dma_start3A_103 = tpu.memref_slice %arg6[%add3A_92] : memref<331776xi32, #tpu.memory_space<hbm>> -> memref<144xi32, #tpu.memory_space<hbm>>
          tpu.enqueue_dma source(%dma_start3A_103 : memref<144xi32, #tpu.memory_space<hbm>>) target(%arg15 : memref<144xi32, #tpu.memory_space<vmem>>) target_semaphore(%run_scoped3A : memref<!tpu.dma_semaphore, #tpu.memory_space<semaphore_mem>>)
          %dma_wait3A_104 = tpu.memref_slice %arg6[%add3A_92] : memref<331776xi32, #tpu.memory_space<hbm>> -> memref<144xi32, #tpu.memory_space<hbm>>
          %dma_wait3A_105 = tpu.memref_slice %arg6[%add3A_92] : memref<331776xi32, #tpu.memory_space<hbm>> -> memref<144xi32, #tpu.memory_space<hbm>>
          tpu.wait_dma2 semaphore(%run_scoped3A : memref<!tpu.dma_semaphore, #tpu.memory_space<semaphore_mem>>) src(%dma_wait3A_105 : memref<144xi32, #tpu.memory_space<hbm>>) dst(%arg15 : memref<144xi32, #tpu.memory_space<vmem>>)
          tpu.yield
        }) : () -> ()
        "tpu.region"() ({
          %run_scoped3A = tpu.sem_alloc : memref<!tpu.dma_semaphore, #tpu.memory_space<semaphore_mem>>
          %dma_start3A_102 = tpu.memref_slice %arg7[%add3A_92] : memref<331776xi32, #tpu.memory_space<hbm>> -> memref<144xi32, #tpu.memory_space<hbm>>
          %dma_start3A_103 = tpu.memref_slice %arg7[%add3A_92] : memref<331776xi32, #tpu.memory_space<hbm>> -> memref<144xi32, #tpu.memory_space<hbm>>
          tpu.enqueue_dma source(%dma_start3A_103 : memref<144xi32, #tpu.memory_space<hbm>>) target(%arg17 : memref<144xi32, #tpu.memory_space<vmem>>) target_semaphore(%run_scoped3A : memref<!tpu.dma_semaphore, #tpu.memory_space<semaphore_mem>>)
          %dma_wait3A_104 = tpu.memref_slice %arg7[%add3A_92] : memref<331776xi32, #tpu.memory_space<hbm>> -> memref<144xi32, #tpu.memory_space<hbm>>
          %dma_wait3A_105 = tpu.memref_slice %arg7[%add3A_92] : memref<331776xi32, #tpu.memory_space<hbm>> -> memref<144xi32, #tpu.memory_space<hbm>>
          tpu.wait_dma2 semaphore(%run_scoped3A : memref<!tpu.dma_semaphore, #tpu.memory_space<semaphore_mem>>) src(%dma_wait3A_105 : memref<144xi32, #tpu.memory_space<hbm>>) dst(%arg17 : memref<144xi32, #tpu.memory_space<vmem>>)
          tpu.yield
        }) : () -> ()
        %dma_start3A_93 = arith.constant 0 : i32
        %dma_start3A_94 = arith.constant 0 : i32
        %dma_start3A_95 = tpu.memref_slice %arg2[%dma_start3A_93, %dma_start3A_94] : memref<10000x64xf32, #tpu.memory_space<hbm>> -> memref<10000x64xf32, #tpu.memory_space<hbm>>
        tpu.enqueue_indirect_dma source(%dma_start3A_95 : memref<10000x64xf32, #tpu.memory_space<hbm>>) target(%arg19 : memref<144x64xf32, #tpu.memory_space<vmem>>) offsets(%arg13 : memref<144xi32, #tpu.memory_space<vmem>>) semaphore(%arg29 : memref<!tpu.dma_semaphore, #tpu.memory_space<semaphore_mem>>)
        %dma_start3A_96 = arith.constant 0 : i32
        %dma_start3A_97 = arith.constant 0 : i32
        %dma_start3A_98 = tpu.memref_slice %arg3[%dma_start3A_96, %dma_start3A_97] : memref<10000x64xf32, #tpu.memory_space<hbm>> -> memref<10000x64xf32, #tpu.memory_space<hbm>>
        tpu.enqueue_indirect_dma source(%dma_start3A_98 : memref<10000x64xf32, #tpu.memory_space<hbm>>) target(%arg21 : memref<144x64xf32, #tpu.memory_space<vmem>>) offsets(%arg17 : memref<144xi32, #tpu.memory_space<vmem>>) semaphore(%arg31 : memref<!tpu.dma_semaphore, #tpu.memory_space<semaphore_mem>>)
        %dma_start3A_99 = arith.constant 0 : i32
        %dma_start3A_100 = arith.constant 0 : i32
        %dma_start3A_101 = tpu.memref_slice %arg4[%dma_start3A_99, %dma_start3A_100] : memref<10000x64xf32, #tpu.memory_space<hbm>> -> memref<10000x64xf32, #tpu.memory_space<hbm>>
        tpu.enqueue_indirect_dma source(%dma_start3A_101 : memref<10000x64xf32, #tpu.memory_space<hbm>>) target(%arg23 : memref<144x64xf32, #tpu.memory_space<vmem>>) offsets(%arg17 : memref<144xi32, #tpu.memory_space<vmem>>) semaphore(%arg33 : memref<!tpu.dma_semaphore, #tpu.memory_space<semaphore_mem>>)
      } else {
      }
    }
    %scan3A_39 = arith.constant 36 : i32
    %barrier3A_40 = arith.constant 0 : index
    tpu.barrier barrier_id(%barrier3A_40)
    "tpu.region"() ({
      %run_scoped3A = tpu.sem_alloc : memref<!tpu.dma_semaphore, #tpu.memory_space<semaphore_mem>>
      %dma_start3A_41 = arith.constant 0 : i32
      %dma_start3A_42 = tpu.memref_slice %arg11[%arg0, %mul3A_14, %dma_start3A_41] : memref<2x10016x8xf32, #tpu.memory_space<hbm>> -> memref<1x626x8xf32, #tpu.memory_space<hbm>>
      %dma_start3A_43 = tpu.memref_squeeze %dma_start3A_42 : memref<1x626x8xf32, #tpu.memory_space<hbm>> -> memref<626x8xf32, #tpu.memory_space<hbm>>
      %dma_start3A_44 = arith.constant 0 : i32
      %dma_start3A_45 = tpu.memref_slice %arg26[%mul3A_14, %dma_start3A_44] : memref<10016x8xf32, #tpu.memory_space<vmem_shared>> -> memref<626x8xf32, #tpu.memory_space<vmem_shared>>
      tpu.enqueue_dma source(%dma_start3A_45 : memref<626x8xf32, #tpu.memory_space<vmem_shared>>) target(%dma_start3A_43 : memref<626x8xf32, #tpu.memory_space<hbm>>) target_semaphore(%run_scoped3A : memref<!tpu.dma_semaphore, #tpu.memory_space<semaphore_mem>>)
      %dma_wait3A = arith.constant 0 : i32
      %dma_wait3A_46 = tpu.memref_slice %arg11[%arg0, %mul3A_14, %dma_wait3A] : memref<2x10016x8xf32, #tpu.memory_space<hbm>> -> memref<1x626x8xf32, #tpu.memory_space<hbm>>
      %dma_wait3A_47 = tpu.memref_squeeze %dma_wait3A_46 : memref<1x626x8xf32, #tpu.memory_space<hbm>> -> memref<626x8xf32, #tpu.memory_space<hbm>>
      %dma_wait3A_48 = arith.constant 0 : i32
      %dma_wait3A_49 = tpu.memref_slice %arg26[%mul3A_14, %dma_wait3A_48] : memref<10016x8xf32, #tpu.memory_space<vmem_shared>> -> memref<626x8xf32, #tpu.memory_space<vmem_shared>>
      tpu.wait_dma2 semaphore(%run_scoped3A : memref<!tpu.dma_semaphore, #tpu.memory_space<semaphore_mem>>) src(%dma_wait3A_49 : memref<626x8xf32, #tpu.memory_space<vmem_shared>>) dst(%dma_wait3A_47 : memref<626x8xf32, #tpu.memory_space<hbm>>)
      tpu.yield
    }) : () -> ()
    "tpu.region"() ({
      %run_scoped3A = tpu.sem_alloc : memref<!tpu.dma_semaphore, #tpu.memory_space<semaphore_mem>>
      %dma_start3A_41 = arith.constant 0 : i32
      %dma_start3A_42 = tpu.memref_slice %arg10[%arg0, %mul3A_14, %dma_start3A_41] : memref<2x10016x64xf32, #tpu.memory_space<hbm>> -> memref<1x626x64xf32, #tpu.memory_space<hbm>>
      %dma_start3A_43 = tpu.memref_squeeze %dma_start3A_42 : memref<1x626x64xf32, #tpu.memory_space<hbm>> -> memref<626x64xf32, #tpu.memory_space<hbm>>
      %dma_start3A_44 = arith.constant 0 : i32
      %dma_start3A_45 = tpu.memref_slice %arg27[%mul3A_14, %dma_start3A_44] : memref<10016x64xf32, #tpu.memory_space<vmem_shared>> -> memref<626x64xf32, #tpu.memory_space<vmem_shared>>
      tpu.enqueue_dma source(%dma_start3A_45 : memref<626x64xf32, #tpu.memory_space<vmem_shared>>) target(%dma_start3A_43 : memref<626x64xf32, #tpu.memory_space<hbm>>) target_semaphore(%run_scoped3A : memref<!tpu.dma_semaphore, #tpu.memory_space<semaphore_mem>>)
      %dma_wait3A = arith.constant 0 : i32
      %dma_wait3A_46 = tpu.memref_slice %arg10[%arg0, %mul3A_14, %dma_wait3A] : memref<2x10016x64xf32, #tpu.memory_space<hbm>> -> memref<1x626x64xf32, #tpu.memory_space<hbm>>
      %dma_wait3A_47 = tpu.memref_squeeze %dma_wait3A_46 : memref<1x626x64xf32, #tpu.memory_space<hbm>> -> memref<626x64xf32, #tpu.memory_space<hbm>>
      %dma_wait3A_48 = arith.constant 0 : i32
      %dma_wait3A_49 = tpu.memref_slice %arg27[%mul3A_14, %dma_wait3A_48] : memref<10016x64xf32, #tpu.memory_space<vmem_shared>> -> memref<626x64xf32, #tpu.memory_space<vmem_shared>>
      tpu.wait_dma2 semaphore(%run_scoped3A : memref<!tpu.dma_semaphore, #tpu.memory_space<semaphore_mem>>) src(%dma_wait3A_49 : memref<626x64xf32, #tpu.memory_space<vmem_shared>>) dst(%dma_wait3A_47 : memref<626x64xf32, #tpu.memory_space<hbm>>)
      tpu.yield
    }) : () -> ()
    return
  }
}

#map = affine_map<(d0, d1) -> (0, 0)>
#map1 = affine_map<(d0, d1) -> (0)>
#map2 = affine_map<(d0, d1) -> (0, 0, 0)>
module attributes {stable_mosaic.version = 14 : i64} {
  func.func @l1_kernel(%arg0: i32, %arg1: i32, %arg2: memref<10000x8xf32, #tpu.memory_space<hbm>>, %arg3: memref<10000x8xf32, #tpu.memory_space<hbm>>, %arg4: memref<10000x8xf32, #tpu.memory_space<hbm>>, %arg5: memref<331776xi32, #tpu.memory_space<hbm>>, %arg6: memref<331776xi32, #tpu.memory_space<hbm>>, %arg7: memref<331776xi32, #tpu.memory_space<hbm>>, %arg8: memref<626x8xf32, #tpu.memory_space<hbm>>, %arg9: memref<2x10016x8xf32, #tpu.memory_space<hbm>>, %arg10: memref<2x10016x8xf32, #tpu.memory_space<hbm>>, %arg11: memref<1296xi32, #tpu.memory_space<vmem>>, %arg12: memref<1296xi32, #tpu.memory_space<vmem>>, %arg13: memref<1296xi32, #tpu.memory_space<vmem>>, %arg14: memref<1296xi32, #tpu.memory_space<vmem>>, %arg15: memref<1296xi32, #tpu.memory_space<vmem>>, %arg16: memref<1296xi32, #tpu.memory_space<vmem>>, %arg17: memref<1296x8xf32, #tpu.memory_space<vmem>>, %arg18: memref<1296x8xf32, #tpu.memory_space<vmem>>, %arg19: memref<1296x8xf32, #tpu.memory_space<vmem>>, %arg20: memref<1296x8xf32, #tpu.memory_space<vmem>>, %arg21: memref<1296x8xf32, #tpu.memory_space<vmem>>, %arg22: memref<1296x8xf32, #tpu.memory_space<vmem>>, %arg23: memref<1296x8xf32, #tpu.memory_space<vmem>>, %arg24: memref<1296x8xf32, #tpu.memory_space<vmem>>, %arg25: memref<10016x8xf32, #tpu.memory_space<vmem_shared>>, %arg26: memref<10016x8xf32, #tpu.memory_space<vmem_shared>>, %arg27: memref<!tpu.dma_semaphore, #tpu.memory_space<semaphore_mem>>, %arg28: memref<!tpu.dma_semaphore, #tpu.memory_space<semaphore_mem>>, %arg29: memref<!tpu.dma_semaphore, #tpu.memory_space<semaphore_mem>>, %arg30: memref<!tpu.dma_semaphore, #tpu.memory_space<semaphore_mem>>, %arg31: memref<!tpu.dma_semaphore, #tpu.memory_space<semaphore_mem>>, %arg32: memref<!tpu.dma_semaphore, #tpu.memory_space<semaphore_mem>>) attributes {dimension_semantics = [#tpu.dimension_semantics<core_parallel>, #tpu.dimension_semantics<subcore_parallel>], iteration_bounds = array<i64: 2, 16>, scalar_prefetch = 0 : i64, scratch_operands = 22 : i64, tpu.core_type = #tpu.core_type<sc_vector_subcore>, window_params = [{transform_indices = #map}, {transform_indices = #map}, {transform_indices = #map}, {transform_indices = #map1}, {transform_indices = #map1}, {transform_indices = #map1}, {transform_indices = #map}, {transform_indices = #map2}, {transform_indices = #map2}]} {
    %mul3A = arith.constant 2 : i32
    %mul3A_0 = arith.muli %arg1, %mul3A : i32
    %add3A = arith.addi %mul3A_0, %arg0 : i32
    %mul3A_1 = arith.constant 10368 : i32
    %mul3A_2 = arith.muli %add3A, %mul3A_1 : i32
    %iota3A = tpu.iota {dimensions = array<i32: 0>} : vector<16xi32>
    %and3A = arith.constant 7 : i32
    %and3A_3 = vector.broadcast %and3A : i32 to vector<16xi32>
    %and3A_4 = arith.andi %iota3A, %and3A_3 : vector<16xi32>
    %ge3A = arith.constant 8 : i32
    %ge3A_5 = vector.broadcast %ge3A : i32 to vector<16xi32>
    %ge3A_6 = arith.cmpi sge, %iota3A, %ge3A_5 : vector<16xi32>
    %jit3A = arith.constant 1 : i32
    %jit3A_7 = arith.constant 0 : i32
    %broadcast_in_dim3A = vector.broadcast %jit3A : i32 to vector<16xi32>
    %broadcast_in_dim3A_8 = vector.broadcast %jit3A_7 : i32 to vector<16xi32>
    %select_n3A = arith.select %ge3A_6, %broadcast_in_dim3A, %broadcast_in_dim3A_8 : vector<16xi1>, vector<16xi32>
    %mul3A_9 = arith.constant 626 : i32
    %mul3A_10 = arith.muli %arg1, %mul3A_9 : i32
    "tpu.region"() ({
      %run_scoped3A = tpu.sem_alloc : memref<!tpu.dma_semaphore, #tpu.memory_space<semaphore_mem>>
      %dma_start3A_37 = arith.constant 0 : i32
      %dma_start3A_38 = tpu.memref_slice %arg25[%mul3A_10, %dma_start3A_37] : memref<10016x8xf32, #tpu.memory_space<vmem_shared>> -> memref<626x8xf32, #tpu.memory_space<vmem_shared>>
      tpu.enqueue_dma source(%arg8 : memref<626x8xf32, #tpu.memory_space<hbm>>) target(%dma_start3A_38 : memref<626x8xf32, #tpu.memory_space<vmem_shared>>) target_semaphore(%run_scoped3A : memref<!tpu.dma_semaphore, #tpu.memory_space<semaphore_mem>>)
      %dma_wait3A = arith.constant 0 : i32
      %dma_wait3A_39 = tpu.memref_slice %arg25[%mul3A_10, %dma_wait3A] : memref<10016x8xf32, #tpu.memory_space<vmem_shared>> -> memref<626x8xf32, #tpu.memory_space<vmem_shared>>
      tpu.wait_dma2 semaphore(%run_scoped3A : memref<!tpu.dma_semaphore, #tpu.memory_space<semaphore_mem>>) src(%arg8 : memref<626x8xf32, #tpu.memory_space<hbm>>) dst(%dma_wait3A_39 : memref<626x8xf32, #tpu.memory_space<vmem_shared>>)
      tpu.yield
    }) : () -> ()
    "tpu.region"() ({
      %run_scoped3A = tpu.sem_alloc : memref<!tpu.dma_semaphore, #tpu.memory_space<semaphore_mem>>
      %dma_start3A_37 = arith.constant 0 : i32
      %dma_start3A_38 = tpu.memref_slice %arg26[%mul3A_10, %dma_start3A_37] : memref<10016x8xf32, #tpu.memory_space<vmem_shared>> -> memref<626x8xf32, #tpu.memory_space<vmem_shared>>
      tpu.enqueue_dma source(%arg8 : memref<626x8xf32, #tpu.memory_space<hbm>>) target(%dma_start3A_38 : memref<626x8xf32, #tpu.memory_space<vmem_shared>>) target_semaphore(%run_scoped3A : memref<!tpu.dma_semaphore, #tpu.memory_space<semaphore_mem>>)
      %dma_wait3A = arith.constant 0 : i32
      %dma_wait3A_39 = tpu.memref_slice %arg26[%mul3A_10, %dma_wait3A] : memref<10016x8xf32, #tpu.memory_space<vmem_shared>> -> memref<626x8xf32, #tpu.memory_space<vmem_shared>>
      tpu.wait_dma2 semaphore(%run_scoped3A : memref<!tpu.dma_semaphore, #tpu.memory_space<semaphore_mem>>) src(%arg8 : memref<626x8xf32, #tpu.memory_space<hbm>>) dst(%dma_wait3A_39 : memref<626x8xf32, #tpu.memory_space<vmem_shared>>)
      tpu.yield
    }) : () -> ()
    %barrier3A = arith.constant 0 : index
    tpu.barrier barrier_id(%barrier3A)
    %add3A_11 = arith.constant 0 : i32
    %add3A_12 = arith.addi %mul3A_2, %add3A_11 : i32
    "tpu.region"() ({
      %run_scoped3A = tpu.sem_alloc : memref<!tpu.dma_semaphore, #tpu.memory_space<semaphore_mem>>
      %dma_start3A_37 = tpu.memref_slice %arg5[%add3A_12] : memref<331776xi32, #tpu.memory_space<hbm>> -> memref<1296xi32, #tpu.memory_space<hbm>>
      %dma_start3A_38 = tpu.memref_slice %arg5[%add3A_12] : memref<331776xi32, #tpu.memory_space<hbm>> -> memref<1296xi32, #tpu.memory_space<hbm>>
      tpu.enqueue_dma source(%dma_start3A_38 : memref<1296xi32, #tpu.memory_space<hbm>>) target(%arg11 : memref<1296xi32, #tpu.memory_space<vmem>>) target_semaphore(%run_scoped3A : memref<!tpu.dma_semaphore, #tpu.memory_space<semaphore_mem>>)
      %dma_wait3A = tpu.memref_slice %arg5[%add3A_12] : memref<331776xi32, #tpu.memory_space<hbm>> -> memref<1296xi32, #tpu.memory_space<hbm>>
      %dma_wait3A_39 = tpu.memref_slice %arg5[%add3A_12] : memref<331776xi32, #tpu.memory_space<hbm>> -> memref<1296xi32, #tpu.memory_space<hbm>>
      tpu.wait_dma2 semaphore(%run_scoped3A : memref<!tpu.dma_semaphore, #tpu.memory_space<semaphore_mem>>) src(%dma_wait3A_39 : memref<1296xi32, #tpu.memory_space<hbm>>) dst(%arg11 : memref<1296xi32, #tpu.memory_space<vmem>>)
      tpu.yield
    }) : () -> ()
    "tpu.region"() ({
      %run_scoped3A = tpu.sem_alloc : memref<!tpu.dma_semaphore, #tpu.memory_space<semaphore_mem>>
      %dma_start3A_37 = tpu.memref_slice %arg6[%add3A_12] : memref<331776xi32, #tpu.memory_space<hbm>> -> memref<1296xi32, #tpu.memory_space<hbm>>
      %dma_start3A_38 = tpu.memref_slice %arg6[%add3A_12] : memref<331776xi32, #tpu.memory_space<hbm>> -> memref<1296xi32, #tpu.memory_space<hbm>>
      tpu.enqueue_dma source(%dma_start3A_38 : memref<1296xi32, #tpu.memory_space<hbm>>) target(%arg13 : memref<1296xi32, #tpu.memory_space<vmem>>) target_semaphore(%run_scoped3A : memref<!tpu.dma_semaphore, #tpu.memory_space<semaphore_mem>>)
      %dma_wait3A = tpu.memref_slice %arg6[%add3A_12] : memref<331776xi32, #tpu.memory_space<hbm>> -> memref<1296xi32, #tpu.memory_space<hbm>>
      %dma_wait3A_39 = tpu.memref_slice %arg6[%add3A_12] : memref<331776xi32, #tpu.memory_space<hbm>> -> memref<1296xi32, #tpu.memory_space<hbm>>
      tpu.wait_dma2 semaphore(%run_scoped3A : memref<!tpu.dma_semaphore, #tpu.memory_space<semaphore_mem>>) src(%dma_wait3A_39 : memref<1296xi32, #tpu.memory_space<hbm>>) dst(%arg13 : memref<1296xi32, #tpu.memory_space<vmem>>)
      tpu.yield
    }) : () -> ()
    "tpu.region"() ({
      %run_scoped3A = tpu.sem_alloc : memref<!tpu.dma_semaphore, #tpu.memory_space<semaphore_mem>>
      %dma_start3A_37 = tpu.memref_slice %arg7[%add3A_12] : memref<331776xi32, #tpu.memory_space<hbm>> -> memref<1296xi32, #tpu.memory_space<hbm>>
      %dma_start3A_38 = tpu.memref_slice %arg7[%add3A_12] : memref<331776xi32, #tpu.memory_space<hbm>> -> memref<1296xi32, #tpu.memory_space<hbm>>
      tpu.enqueue_dma source(%dma_start3A_38 : memref<1296xi32, #tpu.memory_space<hbm>>) target(%arg15 : memref<1296xi32, #tpu.memory_space<vmem>>) target_semaphore(%run_scoped3A : memref<!tpu.dma_semaphore, #tpu.memory_space<semaphore_mem>>)
      %dma_wait3A = tpu.memref_slice %arg7[%add3A_12] : memref<331776xi32, #tpu.memory_space<hbm>> -> memref<1296xi32, #tpu.memory_space<hbm>>
      %dma_wait3A_39 = tpu.memref_slice %arg7[%add3A_12] : memref<331776xi32, #tpu.memory_space<hbm>> -> memref<1296xi32, #tpu.memory_space<hbm>>
      tpu.wait_dma2 semaphore(%run_scoped3A : memref<!tpu.dma_semaphore, #tpu.memory_space<semaphore_mem>>) src(%dma_wait3A_39 : memref<1296xi32, #tpu.memory_space<hbm>>) dst(%arg15 : memref<1296xi32, #tpu.memory_space<vmem>>)
      tpu.yield
    }) : () -> ()
    %dma_start3A = arith.constant 0 : i32
    %dma_start3A_13 = arith.constant 0 : i32
    %dma_start3A_14 = tpu.memref_slice %arg2[%dma_start3A, %dma_start3A_13] : memref<10000x8xf32, #tpu.memory_space<hbm>> -> memref<10000x8xf32, #tpu.memory_space<hbm>>
    tpu.enqueue_indirect_dma source(%dma_start3A_14 : memref<10000x8xf32, #tpu.memory_space<hbm>>) target(%arg17 : memref<1296x8xf32, #tpu.memory_space<vmem>>) offsets(%arg11 : memref<1296xi32, #tpu.memory_space<vmem>>) semaphore(%arg27 : memref<!tpu.dma_semaphore, #tpu.memory_space<semaphore_mem>>)
    %dma_start3A_15 = arith.constant 0 : i32
    %dma_start3A_16 = arith.constant 0 : i32
    %dma_start3A_17 = tpu.memref_slice %arg3[%dma_start3A_15, %dma_start3A_16] : memref<10000x8xf32, #tpu.memory_space<hbm>> -> memref<10000x8xf32, #tpu.memory_space<hbm>>
    tpu.enqueue_indirect_dma source(%dma_start3A_17 : memref<10000x8xf32, #tpu.memory_space<hbm>>) target(%arg19 : memref<1296x8xf32, #tpu.memory_space<vmem>>) offsets(%arg15 : memref<1296xi32, #tpu.memory_space<vmem>>) semaphore(%arg29 : memref<!tpu.dma_semaphore, #tpu.memory_space<semaphore_mem>>)
    %dma_start3A_18 = arith.constant 0 : i32
    %dma_start3A_19 = arith.constant 0 : i32
    %dma_start3A_20 = tpu.memref_slice %arg4[%dma_start3A_18, %dma_start3A_19] : memref<10000x8xf32, #tpu.memory_space<hbm>> -> memref<10000x8xf32, #tpu.memory_space<hbm>>
    tpu.enqueue_indirect_dma source(%dma_start3A_20 : memref<10000x8xf32, #tpu.memory_space<hbm>>) target(%arg21 : memref<1296x8xf32, #tpu.memory_space<vmem>>) offsets(%arg15 : memref<1296xi32, #tpu.memory_space<vmem>>) semaphore(%arg31 : memref<!tpu.dma_semaphore, #tpu.memory_space<semaphore_mem>>)
    %add3A_21 = arith.constant 1296 : i32
    %add3A_22 = arith.addi %mul3A_2, %add3A_21 : i32
    "tpu.region"() ({
      %run_scoped3A = tpu.sem_alloc : memref<!tpu.dma_semaphore, #tpu.memory_space<semaphore_mem>>
      %dma_start3A_37 = tpu.memref_slice %arg5[%add3A_22] : memref<331776xi32, #tpu.memory_space<hbm>> -> memref<1296xi32, #tpu.memory_space<hbm>>
      %dma_start3A_38 = tpu.memref_slice %arg5[%add3A_22] : memref<331776xi32, #tpu.memory_space<hbm>> -> memref<1296xi32, #tpu.memory_space<hbm>>
      tpu.enqueue_dma source(%dma_start3A_38 : memref<1296xi32, #tpu.memory_space<hbm>>) target(%arg12 : memref<1296xi32, #tpu.memory_space<vmem>>) target_semaphore(%run_scoped3A : memref<!tpu.dma_semaphore, #tpu.memory_space<semaphore_mem>>)
      %dma_wait3A = tpu.memref_slice %arg5[%add3A_22] : memref<331776xi32, #tpu.memory_space<hbm>> -> memref<1296xi32, #tpu.memory_space<hbm>>
      %dma_wait3A_39 = tpu.memref_slice %arg5[%add3A_22] : memref<331776xi32, #tpu.memory_space<hbm>> -> memref<1296xi32, #tpu.memory_space<hbm>>
      tpu.wait_dma2 semaphore(%run_scoped3A : memref<!tpu.dma_semaphore, #tpu.memory_space<semaphore_mem>>) src(%dma_wait3A_39 : memref<1296xi32, #tpu.memory_space<hbm>>) dst(%arg12 : memref<1296xi32, #tpu.memory_space<vmem>>)
      tpu.yield
    }) : () -> ()
    "tpu.region"() ({
      %run_scoped3A = tpu.sem_alloc : memref<!tpu.dma_semaphore, #tpu.memory_space<semaphore_mem>>
      %dma_start3A_37 = tpu.memref_slice %arg6[%add3A_22] : memref<331776xi32, #tpu.memory_space<hbm>> -> memref<1296xi32, #tpu.memory_space<hbm>>
      %dma_start3A_38 = tpu.memref_slice %arg6[%add3A_22] : memref<331776xi32, #tpu.memory_space<hbm>> -> memref<1296xi32, #tpu.memory_space<hbm>>
      tpu.enqueue_dma source(%dma_start3A_38 : memref<1296xi32, #tpu.memory_space<hbm>>) target(%arg14 : memref<1296xi32, #tpu.memory_space<vmem>>) target_semaphore(%run_scoped3A : memref<!tpu.dma_semaphore, #tpu.memory_space<semaphore_mem>>)
      %dma_wait3A = tpu.memref_slice %arg6[%add3A_22] : memref<331776xi32, #tpu.memory_space<hbm>> -> memref<1296xi32, #tpu.memory_space<hbm>>
      %dma_wait3A_39 = tpu.memref_slice %arg6[%add3A_22] : memref<331776xi32, #tpu.memory_space<hbm>> -> memref<1296xi32, #tpu.memory_space<hbm>>
      tpu.wait_dma2 semaphore(%run_scoped3A : memref<!tpu.dma_semaphore, #tpu.memory_space<semaphore_mem>>) src(%dma_wait3A_39 : memref<1296xi32, #tpu.memory_space<hbm>>) dst(%arg14 : memref<1296xi32, #tpu.memory_space<vmem>>)
      tpu.yield
    }) : () -> ()
    "tpu.region"() ({
      %run_scoped3A = tpu.sem_alloc : memref<!tpu.dma_semaphore, #tpu.memory_space<semaphore_mem>>
      %dma_start3A_37 = tpu.memref_slice %arg7[%add3A_22] : memref<331776xi32, #tpu.memory_space<hbm>> -> memref<1296xi32, #tpu.memory_space<hbm>>
      %dma_start3A_38 = tpu.memref_slice %arg7[%add3A_22] : memref<331776xi32, #tpu.memory_space<hbm>> -> memref<1296xi32, #tpu.memory_space<hbm>>
      tpu.enqueue_dma source(%dma_start3A_38 : memref<1296xi32, #tpu.memory_space<hbm>>) target(%arg16 : memref<1296xi32, #tpu.memory_space<vmem>>) target_semaphore(%run_scoped3A : memref<!tpu.dma_semaphore, #tpu.memory_space<semaphore_mem>>)
      %dma_wait3A = tpu.memref_slice %arg7[%add3A_22] : memref<331776xi32, #tpu.memory_space<hbm>> -> memref<1296xi32, #tpu.memory_space<hbm>>
      %dma_wait3A_39 = tpu.memref_slice %arg7[%add3A_22] : memref<331776xi32, #tpu.memory_space<hbm>> -> memref<1296xi32, #tpu.memory_space<hbm>>
      tpu.wait_dma2 semaphore(%run_scoped3A : memref<!tpu.dma_semaphore, #tpu.memory_space<semaphore_mem>>) src(%dma_wait3A_39 : memref<1296xi32, #tpu.memory_space<hbm>>) dst(%arg16 : memref<1296xi32, #tpu.memory_space<vmem>>)
      tpu.yield
    }) : () -> ()
    %dma_start3A_23 = arith.constant 0 : i32
    %dma_start3A_24 = arith.constant 0 : i32
    %dma_start3A_25 = tpu.memref_slice %arg2[%dma_start3A_23, %dma_start3A_24] : memref<10000x8xf32, #tpu.memory_space<hbm>> -> memref<10000x8xf32, #tpu.memory_space<hbm>>
    tpu.enqueue_indirect_dma source(%dma_start3A_25 : memref<10000x8xf32, #tpu.memory_space<hbm>>) target(%arg18 : memref<1296x8xf32, #tpu.memory_space<vmem>>) offsets(%arg12 : memref<1296xi32, #tpu.memory_space<vmem>>) semaphore(%arg28 : memref<!tpu.dma_semaphore, #tpu.memory_space<semaphore_mem>>)
    %dma_start3A_26 = arith.constant 0 : i32
    %dma_start3A_27 = arith.constant 0 : i32
    %dma_start3A_28 = tpu.memref_slice %arg3[%dma_start3A_26, %dma_start3A_27] : memref<10000x8xf32, #tpu.memory_space<hbm>> -> memref<10000x8xf32, #tpu.memory_space<hbm>>
    tpu.enqueue_indirect_dma source(%dma_start3A_28 : memref<10000x8xf32, #tpu.memory_space<hbm>>) target(%arg20 : memref<1296x8xf32, #tpu.memory_space<vmem>>) offsets(%arg16 : memref<1296xi32, #tpu.memory_space<vmem>>) semaphore(%arg30 : memref<!tpu.dma_semaphore, #tpu.memory_space<semaphore_mem>>)
    %dma_start3A_29 = arith.constant 0 : i32
    %dma_start3A_30 = arith.constant 0 : i32
    %dma_start3A_31 = tpu.memref_slice %arg4[%dma_start3A_29, %dma_start3A_30] : memref<10000x8xf32, #tpu.memory_space<hbm>> -> memref<10000x8xf32, #tpu.memory_space<hbm>>
    tpu.enqueue_indirect_dma source(%dma_start3A_31 : memref<10000x8xf32, #tpu.memory_space<hbm>>) target(%arg22 : memref<1296x8xf32, #tpu.memory_space<vmem>>) offsets(%arg16 : memref<1296xi32, #tpu.memory_space<vmem>>) semaphore(%arg32 : memref<!tpu.dma_semaphore, #tpu.memory_space<semaphore_mem>>)
    %scan3A = arith.constant 0 : i32
    %scan3A_32 = arith.constant 4 : i32
    %scan3A_33 = arith.addi %scan3A, %scan3A_32 : i32
    %scan3A_34 = arith.constant 1 : i32
    scf.for %scan3A_37 = %scan3A to %scan3A_33 step %scan3A_34  : i32 {
      %mul3A_38 = arith.constant 1 : i32
      %mul3A_39 = arith.muli %scan3A_37, %mul3A_38 : i32
      %add3A_40 = arith.constant 0 : i32
      %add3A_41 = arith.addi %add3A_40, %mul3A_39 : i32
      %mul3A_42 = arith.constant 2 : i32
      %mul3A_43 = arith.muli %add3A_41, %mul3A_42 : i32
      %add3A_44 = arith.constant 0 : i32
      %add3A_45 = arith.addi %mul3A_43, %add3A_44 : i32
      %dma_wait3A = arith.constant 0 : i32
      %dma_wait3A_46 = arith.constant 0 : i32
      %dma_wait3A_47 = tpu.memref_slice %arg2[%dma_wait3A, %dma_wait3A_46] : memref<10000x8xf32, #tpu.memory_space<hbm>> -> memref<10000x8xf32, #tpu.memory_space<hbm>>
      tpu.wait_indirect_dma semaphore(%arg27 : memref<!tpu.dma_semaphore, #tpu.memory_space<semaphore_mem>>) src(%dma_wait3A_47 : memref<10000x8xf32, #tpu.memory_space<hbm>>) dst(%arg17 : memref<1296x8xf32, #tpu.memory_space<vmem>>)
      %dma_wait3A_48 = arith.constant 0 : i32
      %dma_wait3A_49 = arith.constant 0 : i32
      %dma_wait3A_50 = tpu.memref_slice %arg3[%dma_wait3A_48, %dma_wait3A_49] : memref<10000x8xf32, #tpu.memory_space<hbm>> -> memref<10000x8xf32, #tpu.memory_space<hbm>>
      tpu.wait_indirect_dma semaphore(%arg29 : memref<!tpu.dma_semaphore, #tpu.memory_space<semaphore_mem>>) src(%dma_wait3A_50 : memref<10000x8xf32, #tpu.memory_space<hbm>>) dst(%arg19 : memref<1296x8xf32, #tpu.memory_space<vmem>>)
      %dma_wait3A_51 = arith.constant 0 : i32
      %dma_wait3A_52 = arith.constant 0 : i32
      %dma_wait3A_53 = tpu.memref_slice %arg4[%dma_wait3A_51, %dma_wait3A_52] : memref<10000x8xf32, #tpu.memory_space<hbm>> -> memref<10000x8xf32, #tpu.memory_space<hbm>>
      tpu.wait_indirect_dma semaphore(%arg31 : memref<!tpu.dma_semaphore, #tpu.memory_space<semaphore_mem>>) src(%dma_wait3A_53 : memref<10000x8xf32, #tpu.memory_space<hbm>>) dst(%arg21 : memref<1296x8xf32, #tpu.memory_space<vmem>>)
      %parallel_loop3A = arith.constant 0 : i32
      %parallel_loop3A_54 = arith.constant 648 : i32
      %parallel_loop3A_55 = arith.constant 1 : i32
      scf.for %parallel_loop3A_83 = %parallel_loop3A to %parallel_loop3A_54 step %parallel_loop3A_55  : i32 {
        %parallel_loop3A_84 = arith.constant 2 : i32
        %parallel_loop3A_85 = arith.muli %parallel_loop3A_84, %parallel_loop3A_83 : i32
        %parallel_loop3A_86 = vector.broadcast %parallel_loop3A_85 : i32 to vector<16xi32>
        %parallel_loop3A_87 = arith.addi %parallel_loop3A_86, %select_n3A : vector<16xi32>
        %parallel_loop3A_88 = tpu.vector_load_idx %arg17[%parallel_loop3A_87, %and3A_4] : memref<1296x8xf32, #tpu.memory_space<vmem>>[vector<16xi32>, vector<16xi32>], vector<16xf32>,
        %parallel_loop3A_89 = tpu.vector_load_idx %arg19[%parallel_loop3A_87, %and3A_4] : memref<1296x8xf32, #tpu.memory_space<vmem>>[vector<16xi32>, vector<16xi32>], vector<16xf32>,
        %parallel_loop3A_90 = tpu.vector_load_idx %arg21[%parallel_loop3A_87, %and3A_4] : memref<1296x8xf32, #tpu.memory_space<vmem>>[vector<16xi32>, vector<16xi32>], vector<16xf32>,
        %parallel_loop3A_91 = arith.mulf %parallel_loop3A_88, %parallel_loop3A_89 : vector<16xf32>
        %parallel_loop3A_92 = math.exp %parallel_loop3A_91 : vector<16xf32>
        tpu.vector_store_idx %arg24[%parallel_loop3A_87, %and3A_4], %parallel_loop3A_92 : memref<1296x8xf32, #tpu.memory_space<vmem>>[vector<16xi32>, vector<16xi32>], vector<16xf32>,
        %parallel_loop3A_93 = arith.mulf %parallel_loop3A_92, %parallel_loop3A_90 : vector<16xf32>
        tpu.vector_store_idx %arg23[%parallel_loop3A_87, %and3A_4], %parallel_loop3A_93 : memref<1296x8xf32, #tpu.memory_space<vmem>>[vector<16xi32>, vector<16xi32>], vector<16xf32>,
      } {sc.loop_unroll_factor = 8 : i64, sc.parallel_access}
      "tpu.region"() ({
        %run_scoped3A = tpu.sem_alloc : memref<!tpu.dma_semaphore, #tpu.memory_space<semaphore_mem>>
        %dma_start3A_83 = arith.constant 0 : i32
        %dma_start3A_84 = arith.constant 0 : i32
        %dma_start3A_85 = tpu.memref_slice %arg25[%dma_start3A_83, %dma_start3A_84] : memref<10016x8xf32, #tpu.memory_space<vmem_shared>> -> memref<10016x8xf32, #tpu.memory_space<vmem_shared>>
        tpu.enqueue_indirect_dma source(%arg24 : memref<1296x8xf32, #tpu.memory_space<vmem>>) target(%dma_start3A_85 : memref<10016x8xf32, #tpu.memory_space<vmem_shared>>) offsets(%arg13 : memref<1296xi32, #tpu.memory_space<vmem>>) semaphore(%run_scoped3A : memref<!tpu.dma_semaphore, #tpu.memory_space<semaphore_mem>>) {add = true}
        %dma_wait3A_86 = arith.constant 0 : i32
        %dma_wait3A_87 = arith.constant 0 : i32
        %dma_wait3A_88 = tpu.memref_slice %arg25[%dma_wait3A_86, %dma_wait3A_87] : memref<10016x8xf32, #tpu.memory_space<vmem_shared>> -> memref<10016x8xf32, #tpu.memory_space<vmem_shared>>
        tpu.wait_indirect_dma semaphore(%run_scoped3A : memref<!tpu.dma_semaphore, #tpu.memory_space<semaphore_mem>>) src(%arg24 : memref<1296x8xf32, #tpu.memory_space<vmem>>) dst(%dma_wait3A_88 : memref<10016x8xf32, #tpu.memory_space<vmem_shared>>)
        tpu.yield
      }) : () -> ()
      "tpu.region"() ({
        %run_scoped3A = tpu.sem_alloc : memref<!tpu.dma_semaphore, #tpu.memory_space<semaphore_mem>>
        %dma_start3A_83 = arith.constant 0 : i32
        %dma_start3A_84 = arith.constant 0 : i32
        %dma_start3A_85 = tpu.memref_slice %arg26[%dma_start3A_83, %dma_start3A_84] : memref<10016x8xf32, #tpu.memory_space<vmem_shared>> -> memref<10016x8xf32, #tpu.memory_space<vmem_shared>>
        tpu.enqueue_indirect_dma source(%arg23 : memref<1296x8xf32, #tpu.memory_space<vmem>>) target(%dma_start3A_85 : memref<10016x8xf32, #tpu.memory_space<vmem_shared>>) offsets(%arg13 : memref<1296xi32, #tpu.memory_space<vmem>>) semaphore(%run_scoped3A : memref<!tpu.dma_semaphore, #tpu.memory_space<semaphore_mem>>) {add = true}
        %dma_wait3A_86 = arith.constant 0 : i32
        %dma_wait3A_87 = arith.constant 0 : i32
        %dma_wait3A_88 = tpu.memref_slice %arg26[%dma_wait3A_86, %dma_wait3A_87] : memref<10016x8xf32, #tpu.memory_space<vmem_shared>> -> memref<10016x8xf32, #tpu.memory_space<vmem_shared>>
        tpu.wait_indirect_dma semaphore(%run_scoped3A : memref<!tpu.dma_semaphore, #tpu.memory_space<semaphore_mem>>) src(%arg23 : memref<1296x8xf32, #tpu.memory_space<vmem>>) dst(%dma_wait3A_88 : memref<10016x8xf32, #tpu.memory_space<vmem_shared>>)
        tpu.yield
      }) : () -> ()
      %add3A_56 = arith.constant 2 : i32
      %add3A_57 = arith.addi %add3A_45, %add3A_56 : i32
      %lt3A = arith.constant 8 : i32
      %lt3A_58 = arith.cmpi slt, %add3A_57, %lt3A : i32
      %convert_element_type3A = arith.extui %lt3A_58 : i1 to i32
      %cond3A = arith.constant 0 : i32
      %cond3A_59 = arith.cmpi ne, %convert_element_type3A, %cond3A : i32
      scf.if %cond3A_59 {
        %add3A_83 = arith.constant 2 : i32
        %add3A_84 = arith.addi %add3A_45, %add3A_83 : i32
        %mul3A_85 = arith.constant 1296 : i32
        %mul3A_86 = arith.muli %add3A_84, %mul3A_85 : i32
        %add3A_87 = arith.addi %mul3A_2, %mul3A_86 : i32
        "tpu.region"() ({
          %run_scoped3A = tpu.sem_alloc : memref<!tpu.dma_semaphore, #tpu.memory_space<semaphore_mem>>
          %dma_start3A_97 = tpu.memref_slice %arg5[%add3A_87] : memref<331776xi32, #tpu.memory_space<hbm>> -> memref<1296xi32, #tpu.memory_space<hbm>>
          %dma_start3A_98 = tpu.memref_slice %arg5[%add3A_87] : memref<331776xi32, #tpu.memory_space<hbm>> -> memref<1296xi32, #tpu.memory_space<hbm>>
          tpu.enqueue_dma source(%dma_start3A_98 : memref<1296xi32, #tpu.memory_space<hbm>>) target(%arg11 : memref<1296xi32, #tpu.memory_space<vmem>>) target_semaphore(%run_scoped3A : memref<!tpu.dma_semaphore, #tpu.memory_space<semaphore_mem>>)
          %dma_wait3A_99 = tpu.memref_slice %arg5[%add3A_87] : memref<331776xi32, #tpu.memory_space<hbm>> -> memref<1296xi32, #tpu.memory_space<hbm>>
          %dma_wait3A_100 = tpu.memref_slice %arg5[%add3A_87] : memref<331776xi32, #tpu.memory_space<hbm>> -> memref<1296xi32, #tpu.memory_space<hbm>>
          tpu.wait_dma2 semaphore(%run_scoped3A : memref<!tpu.dma_semaphore, #tpu.memory_space<semaphore_mem>>) src(%dma_wait3A_100 : memref<1296xi32, #tpu.memory_space<hbm>>) dst(%arg11 : memref<1296xi32, #tpu.memory_space<vmem>>)
          tpu.yield
        }) : () -> ()
        "tpu.region"() ({
          %run_scoped3A = tpu.sem_alloc : memref<!tpu.dma_semaphore, #tpu.memory_space<semaphore_mem>>
          %dma_start3A_97 = tpu.memref_slice %arg6[%add3A_87] : memref<331776xi32, #tpu.memory_space<hbm>> -> memref<1296xi32, #tpu.memory_space<hbm>>
          %dma_start3A_98 = tpu.memref_slice %arg6[%add3A_87] : memref<331776xi32, #tpu.memory_space<hbm>> -> memref<1296xi32, #tpu.memory_space<hbm>>
          tpu.enqueue_dma source(%dma_start3A_98 : memref<1296xi32, #tpu.memory_space<hbm>>) target(%arg13 : memref<1296xi32, #tpu.memory_space<vmem>>) target_semaphore(%run_scoped3A : memref<!tpu.dma_semaphore, #tpu.memory_space<semaphore_mem>>)
          %dma_wait3A_99 = tpu.memref_slice %arg6[%add3A_87] : memref<331776xi32, #tpu.memory_space<hbm>> -> memref<1296xi32, #tpu.memory_space<hbm>>
          %dma_wait3A_100 = tpu.memref_slice %arg6[%add3A_87] : memref<331776xi32, #tpu.memory_space<hbm>> -> memref<1296xi32, #tpu.memory_space<hbm>>
          tpu.wait_dma2 semaphore(%run_scoped3A : memref<!tpu.dma_semaphore, #tpu.memory_space<semaphore_mem>>) src(%dma_wait3A_100 : memref<1296xi32, #tpu.memory_space<hbm>>) dst(%arg13 : memref<1296xi32, #tpu.memory_space<vmem>>)
          tpu.yield
        }) : () -> ()
        "tpu.region"() ({
          %run_scoped3A = tpu.sem_alloc : memref<!tpu.dma_semaphore, #tpu.memory_space<semaphore_mem>>
          %dma_start3A_97 = tpu.memref_slice %arg7[%add3A_87] : memref<331776xi32, #tpu.memory_space<hbm>> -> memref<1296xi32, #tpu.memory_space<hbm>>
          %dma_start3A_98 = tpu.memref_slice %arg7[%add3A_87] : memref<331776xi32, #tpu.memory_space<hbm>> -> memref<1296xi32, #tpu.memory_space<hbm>>
          tpu.enqueue_dma source(%dma_start3A_98 : memref<1296xi32, #tpu.memory_space<hbm>>) target(%arg15 : memref<1296xi32, #tpu.memory_space<vmem>>) target_semaphore(%run_scoped3A : memref<!tpu.dma_semaphore, #tpu.memory_space<semaphore_mem>>)
          %dma_wait3A_99 = tpu.memref_slice %arg7[%add3A_87] : memref<331776xi32, #tpu.memory_space<hbm>> -> memref<1296xi32, #tpu.memory_space<hbm>>
          %dma_wait3A_100 = tpu.memref_slice %arg7[%add3A_87] : memref<331776xi32, #tpu.memory_space<hbm>> -> memref<1296xi32, #tpu.memory_space<hbm>>
          tpu.wait_dma2 semaphore(%run_scoped3A : memref<!tpu.dma_semaphore, #tpu.memory_space<semaphore_mem>>) src(%dma_wait3A_100 : memref<1296xi32, #tpu.memory_space<hbm>>) dst(%arg15 : memref<1296xi32, #tpu.memory_space<vmem>>)
          tpu.yield
        }) : () -> ()
        %dma_start3A_88 = arith.constant 0 : i32
        %dma_start3A_89 = arith.constant 0 : i32
        %dma_start3A_90 = tpu.memref_slice %arg2[%dma_start3A_88, %dma_start3A_89] : memref<10000x8xf32, #tpu.memory_space<hbm>> -> memref<10000x8xf32, #tpu.memory_space<hbm>>
        tpu.enqueue_indirect_dma source(%dma_start3A_90 : memref<10000x8xf32, #tpu.memory_space<hbm>>) target(%arg17 : memref<1296x8xf32, #tpu.memory_space<vmem>>) offsets(%arg11 : memref<1296xi32, #tpu.memory_space<vmem>>) semaphore(%arg27 : memref<!tpu.dma_semaphore, #tpu.memory_space<semaphore_mem>>)
        %dma_start3A_91 = arith.constant 0 : i32
        %dma_start3A_92 = arith.constant 0 : i32
        %dma_start3A_93 = tpu.memref_slice %arg3[%dma_start3A_91, %dma_start3A_92] : memref<10000x8xf32, #tpu.memory_space<hbm>> -> memref<10000x8xf32, #tpu.memory_space<hbm>>
        tpu.enqueue_indirect_dma source(%dma_start3A_93 : memref<10000x8xf32, #tpu.memory_space<hbm>>) target(%arg19 : memref<1296x8xf32, #tpu.memory_space<vmem>>) offsets(%arg15 : memref<1296xi32, #tpu.memory_space<vmem>>) semaphore(%arg29 : memref<!tpu.dma_semaphore, #tpu.memory_space<semaphore_mem>>)
        %dma_start3A_94 = arith.constant 0 : i32
        %dma_start3A_95 = arith.constant 0 : i32
        %dma_start3A_96 = tpu.memref_slice %arg4[%dma_start3A_94, %dma_start3A_95] : memref<10000x8xf32, #tpu.memory_space<hbm>> -> memref<10000x8xf32, #tpu.memory_space<hbm>>
        tpu.enqueue_indirect_dma source(%dma_start3A_96 : memref<10000x8xf32, #tpu.memory_space<hbm>>) target(%arg21 : memref<1296x8xf32, #tpu.memory_space<vmem>>) offsets(%arg15 : memref<1296xi32, #tpu.memory_space<vmem>>) semaphore(%arg31 : memref<!tpu.dma_semaphore, #tpu.memory_space<semaphore_mem>>)
      } else {
      }
      %mul3A_60 = arith.constant 2 : i32
      %mul3A_61 = arith.muli %add3A_41, %mul3A_60 : i32
      %add3A_62 = arith.constant 1 : i32
      %add3A_63 = arith.addi %mul3A_61, %add3A_62 : i32
      %dma_wait3A_64 = arith.constant 0 : i32
      %dma_wait3A_65 = arith.constant 0 : i32
      %dma_wait3A_66 = tpu.memref_slice %arg2[%dma_wait3A_64, %dma_wait3A_65] : memref<10000x8xf32, #tpu.memory_space<hbm>> -> memref<10000x8xf32, #tpu.memory_space<hbm>>
      tpu.wait_indirect_dma semaphore(%arg28 : memref<!tpu.dma_semaphore, #tpu.memory_space<semaphore_mem>>) src(%dma_wait3A_66 : memref<10000x8xf32, #tpu.memory_space<hbm>>) dst(%arg18 : memref<1296x8xf32, #tpu.memory_space<vmem>>)
      %dma_wait3A_67 = arith.constant 0 : i32
      %dma_wait3A_68 = arith.constant 0 : i32
      %dma_wait3A_69 = tpu.memref_slice %arg3[%dma_wait3A_67, %dma_wait3A_68] : memref<10000x8xf32, #tpu.memory_space<hbm>> -> memref<10000x8xf32, #tpu.memory_space<hbm>>
      tpu.wait_indirect_dma semaphore(%arg30 : memref<!tpu.dma_semaphore, #tpu.memory_space<semaphore_mem>>) src(%dma_wait3A_69 : memref<10000x8xf32, #tpu.memory_space<hbm>>) dst(%arg20 : memref<1296x8xf32, #tpu.memory_space<vmem>>)
      %dma_wait3A_70 = arith.constant 0 : i32
      %dma_wait3A_71 = arith.constant 0 : i32
      %dma_wait3A_72 = tpu.memref_slice %arg4[%dma_wait3A_70, %dma_wait3A_71] : memref<10000x8xf32, #tpu.memory_space<hbm>> -> memref<10000x8xf32, #tpu.memory_space<hbm>>
      tpu.wait_indirect_dma semaphore(%arg32 : memref<!tpu.dma_semaphore, #tpu.memory_space<semaphore_mem>>) src(%dma_wait3A_72 : memref<10000x8xf32, #tpu.memory_space<hbm>>) dst(%arg22 : memref<1296x8xf32, #tpu.memory_space<vmem>>)
      %parallel_loop3A_73 = arith.constant 0 : i32
      %parallel_loop3A_74 = arith.constant 648 : i32
      %parallel_loop3A_75 = arith.constant 1 : i32
      scf.for %parallel_loop3A_83 = %parallel_loop3A_73 to %parallel_loop3A_74 step %parallel_loop3A_75  : i32 {
        %parallel_loop3A_84 = arith.constant 2 : i32
        %parallel_loop3A_85 = arith.muli %parallel_loop3A_84, %parallel_loop3A_83 : i32
        %parallel_loop3A_86 = vector.broadcast %parallel_loop3A_85 : i32 to vector<16xi32>
        %parallel_loop3A_87 = arith.addi %parallel_loop3A_86, %select_n3A : vector<16xi32>
        %parallel_loop3A_88 = tpu.vector_load_idx %arg18[%parallel_loop3A_87, %and3A_4] : memref<1296x8xf32, #tpu.memory_space<vmem>>[vector<16xi32>, vector<16xi32>], vector<16xf32>,
        %parallel_loop3A_89 = tpu.vector_load_idx %arg20[%parallel_loop3A_87, %and3A_4] : memref<1296x8xf32, #tpu.memory_space<vmem>>[vector<16xi32>, vector<16xi32>], vector<16xf32>,
        %parallel_loop3A_90 = tpu.vector_load_idx %arg22[%parallel_loop3A_87, %and3A_4] : memref<1296x8xf32, #tpu.memory_space<vmem>>[vector<16xi32>, vector<16xi32>], vector<16xf32>,
        %parallel_loop3A_91 = arith.mulf %parallel_loop3A_88, %parallel_loop3A_89 : vector<16xf32>
        %parallel_loop3A_92 = math.exp %parallel_loop3A_91 : vector<16xf32>
        tpu.vector_store_idx %arg24[%parallel_loop3A_87, %and3A_4], %parallel_loop3A_92 : memref<1296x8xf32, #tpu.memory_space<vmem>>[vector<16xi32>, vector<16xi32>], vector<16xf32>,
        %parallel_loop3A_93 = arith.mulf %parallel_loop3A_92, %parallel_loop3A_90 : vector<16xf32>
        tpu.vector_store_idx %arg23[%parallel_loop3A_87, %and3A_4], %parallel_loop3A_93 : memref<1296x8xf32, #tpu.memory_space<vmem>>[vector<16xi32>, vector<16xi32>], vector<16xf32>,
      } {sc.loop_unroll_factor = 8 : i64, sc.parallel_access}
      "tpu.region"() ({
        %run_scoped3A = tpu.sem_alloc : memref<!tpu.dma_semaphore, #tpu.memory_space<semaphore_mem>>
        %dma_start3A_83 = arith.constant 0 : i32
        %dma_start3A_84 = arith.constant 0 : i32
        %dma_start3A_85 = tpu.memref_slice %arg25[%dma_start3A_83, %dma_start3A_84] : memref<10016x8xf32, #tpu.memory_space<vmem_shared>> -> memref<10016x8xf32, #tpu.memory_space<vmem_shared>>
        tpu.enqueue_indirect_dma source(%arg24 : memref<1296x8xf32, #tpu.memory_space<vmem>>) target(%dma_start3A_85 : memref<10016x8xf32, #tpu.memory_space<vmem_shared>>) offsets(%arg14 : memref<1296xi32, #tpu.memory_space<vmem>>) semaphore(%run_scoped3A : memref<!tpu.dma_semaphore, #tpu.memory_space<semaphore_mem>>) {add = true}
        %dma_wait3A_86 = arith.constant 0 : i32
        %dma_wait3A_87 = arith.constant 0 : i32
        %dma_wait3A_88 = tpu.memref_slice %arg25[%dma_wait3A_86, %dma_wait3A_87] : memref<10016x8xf32, #tpu.memory_space<vmem_shared>> -> memref<10016x8xf32, #tpu.memory_space<vmem_shared>>
        tpu.wait_indirect_dma semaphore(%run_scoped3A : memref<!tpu.dma_semaphore, #tpu.memory_space<semaphore_mem>>) src(%arg24 : memref<1296x8xf32, #tpu.memory_space<vmem>>) dst(%dma_wait3A_88 : memref<10016x8xf32, #tpu.memory_space<vmem_shared>>)
        tpu.yield
      }) : () -> ()
      "tpu.region"() ({
        %run_scoped3A = tpu.sem_alloc : memref<!tpu.dma_semaphore, #tpu.memory_space<semaphore_mem>>
        %dma_start3A_83 = arith.constant 0 : i32
        %dma_start3A_84 = arith.constant 0 : i32
        %dma_start3A_85 = tpu.memref_slice %arg26[%dma_start3A_83, %dma_start3A_84] : memref<10016x8xf32, #tpu.memory_space<vmem_shared>> -> memref<10016x8xf32, #tpu.memory_space<vmem_shared>>
        tpu.enqueue_indirect_dma source(%arg23 : memref<1296x8xf32, #tpu.memory_space<vmem>>) target(%dma_start3A_85 : memref<10016x8xf32, #tpu.memory_space<vmem_shared>>) offsets(%arg14 : memref<1296xi32, #tpu.memory_space<vmem>>) semaphore(%run_scoped3A : memref<!tpu.dma_semaphore, #tpu.memory_space<semaphore_mem>>) {add = true}
        %dma_wait3A_86 = arith.constant 0 : i32
        %dma_wait3A_87 = arith.constant 0 : i32
        %dma_wait3A_88 = tpu.memref_slice %arg26[%dma_wait3A_86, %dma_wait3A_87] : memref<10016x8xf32, #tpu.memory_space<vmem_shared>> -> memref<10016x8xf32, #tpu.memory_space<vmem_shared>>
        tpu.wait_indirect_dma semaphore(%run_scoped3A : memref<!tpu.dma_semaphore, #tpu.memory_space<semaphore_mem>>) src(%arg23 : memref<1296x8xf32, #tpu.memory_space<vmem>>) dst(%dma_wait3A_88 : memref<10016x8xf32, #tpu.memory_space<vmem_shared>>)
        tpu.yield
      }) : () -> ()
      %add3A_76 = arith.constant 2 : i32
      %add3A_77 = arith.addi %add3A_63, %add3A_76 : i32
      %lt3A_78 = arith.constant 8 : i32
      %lt3A_79 = arith.cmpi slt, %add3A_77, %lt3A_78 : i32
      %convert_element_type3A_80 = arith.extui %lt3A_79 : i1 to i32
      %cond3A_81 = arith.constant 0 : i32
      %cond3A_82 = arith.cmpi ne, %convert_element_type3A_80, %cond3A_81 : i32
      scf.if %cond3A_82 {
        %add3A_83 = arith.constant 2 : i32
        %add3A_84 = arith.addi %add3A_63, %add3A_83 : i32
        %mul3A_85 = arith.constant 1296 : i32
        %mul3A_86 = arith.muli %add3A_84, %mul3A_85 : i32
        %add3A_87 = arith.addi %mul3A_2, %mul3A_86 : i32
        "tpu.region"() ({
          %run_scoped3A = tpu.sem_alloc : memref<!tpu.dma_semaphore, #tpu.memory_space<semaphore_mem>>
          %dma_start3A_97 = tpu.memref_slice %arg5[%add3A_87] : memref<331776xi32, #tpu.memory_space<hbm>> -> memref<1296xi32, #tpu.memory_space<hbm>>
          %dma_start3A_98 = tpu.memref_slice %arg5[%add3A_87] : memref<331776xi32, #tpu.memory_space<hbm>> -> memref<1296xi32, #tpu.memory_space<hbm>>
          tpu.enqueue_dma source(%dma_start3A_98 : memref<1296xi32, #tpu.memory_space<hbm>>) target(%arg12 : memref<1296xi32, #tpu.memory_space<vmem>>) target_semaphore(%run_scoped3A : memref<!tpu.dma_semaphore, #tpu.memory_space<semaphore_mem>>)
          %dma_wait3A_99 = tpu.memref_slice %arg5[%add3A_87] : memref<331776xi32, #tpu.memory_space<hbm>> -> memref<1296xi32, #tpu.memory_space<hbm>>
          %dma_wait3A_100 = tpu.memref_slice %arg5[%add3A_87] : memref<331776xi32, #tpu.memory_space<hbm>> -> memref<1296xi32, #tpu.memory_space<hbm>>
          tpu.wait_dma2 semaphore(%run_scoped3A : memref<!tpu.dma_semaphore, #tpu.memory_space<semaphore_mem>>) src(%dma_wait3A_100 : memref<1296xi32, #tpu.memory_space<hbm>>) dst(%arg12 : memref<1296xi32, #tpu.memory_space<vmem>>)
          tpu.yield
        }) : () -> ()
        "tpu.region"() ({
          %run_scoped3A = tpu.sem_alloc : memref<!tpu.dma_semaphore, #tpu.memory_space<semaphore_mem>>
          %dma_start3A_97 = tpu.memref_slice %arg6[%add3A_87] : memref<331776xi32, #tpu.memory_space<hbm>> -> memref<1296xi32, #tpu.memory_space<hbm>>
          %dma_start3A_98 = tpu.memref_slice %arg6[%add3A_87] : memref<331776xi32, #tpu.memory_space<hbm>> -> memref<1296xi32, #tpu.memory_space<hbm>>
          tpu.enqueue_dma source(%dma_start3A_98 : memref<1296xi32, #tpu.memory_space<hbm>>) target(%arg14 : memref<1296xi32, #tpu.memory_space<vmem>>) target_semaphore(%run_scoped3A : memref<!tpu.dma_semaphore, #tpu.memory_space<semaphore_mem>>)
          %dma_wait3A_99 = tpu.memref_slice %arg6[%add3A_87] : memref<331776xi32, #tpu.memory_space<hbm>> -> memref<1296xi32, #tpu.memory_space<hbm>>
          %dma_wait3A_100 = tpu.memref_slice %arg6[%add3A_87] : memref<331776xi32, #tpu.memory_space<hbm>> -> memref<1296xi32, #tpu.memory_space<hbm>>
          tpu.wait_dma2 semaphore(%run_scoped3A : memref<!tpu.dma_semaphore, #tpu.memory_space<semaphore_mem>>) src(%dma_wait3A_100 : memref<1296xi32, #tpu.memory_space<hbm>>) dst(%arg14 : memref<1296xi32, #tpu.memory_space<vmem>>)
          tpu.yield
        }) : () -> ()
        "tpu.region"() ({
          %run_scoped3A = tpu.sem_alloc : memref<!tpu.dma_semaphore, #tpu.memory_space<semaphore_mem>>
          %dma_start3A_97 = tpu.memref_slice %arg7[%add3A_87] : memref<331776xi32, #tpu.memory_space<hbm>> -> memref<1296xi32, #tpu.memory_space<hbm>>
          %dma_start3A_98 = tpu.memref_slice %arg7[%add3A_87] : memref<331776xi32, #tpu.memory_space<hbm>> -> memref<1296xi32, #tpu.memory_space<hbm>>
          tpu.enqueue_dma source(%dma_start3A_98 : memref<1296xi32, #tpu.memory_space<hbm>>) target(%arg16 : memref<1296xi32, #tpu.memory_space<vmem>>) target_semaphore(%run_scoped3A : memref<!tpu.dma_semaphore, #tpu.memory_space<semaphore_mem>>)
          %dma_wait3A_99 = tpu.memref_slice %arg7[%add3A_87] : memref<331776xi32, #tpu.memory_space<hbm>> -> memref<1296xi32, #tpu.memory_space<hbm>>
          %dma_wait3A_100 = tpu.memref_slice %arg7[%add3A_87] : memref<331776xi32, #tpu.memory_space<hbm>> -> memref<1296xi32, #tpu.memory_space<hbm>>
          tpu.wait_dma2 semaphore(%run_scoped3A : memref<!tpu.dma_semaphore, #tpu.memory_space<semaphore_mem>>) src(%dma_wait3A_100 : memref<1296xi32, #tpu.memory_space<hbm>>) dst(%arg16 : memref<1296xi32, #tpu.memory_space<vmem>>)
          tpu.yield
        }) : () -> ()
        %dma_start3A_88 = arith.constant 0 : i32
        %dma_start3A_89 = arith.constant 0 : i32
        %dma_start3A_90 = tpu.memref_slice %arg2[%dma_start3A_88, %dma_start3A_89] : memref<10000x8xf32, #tpu.memory_space<hbm>> -> memref<10000x8xf32, #tpu.memory_space<hbm>>
        tpu.enqueue_indirect_dma source(%dma_start3A_90 : memref<10000x8xf32, #tpu.memory_space<hbm>>) target(%arg18 : memref<1296x8xf32, #tpu.memory_space<vmem>>) offsets(%arg12 : memref<1296xi32, #tpu.memory_space<vmem>>) semaphore(%arg28 : memref<!tpu.dma_semaphore, #tpu.memory_space<semaphore_mem>>)
        %dma_start3A_91 = arith.constant 0 : i32
        %dma_start3A_92 = arith.constant 0 : i32
        %dma_start3A_93 = tpu.memref_slice %arg3[%dma_start3A_91, %dma_start3A_92] : memref<10000x8xf32, #tpu.memory_space<hbm>> -> memref<10000x8xf32, #tpu.memory_space<hbm>>
        tpu.enqueue_indirect_dma source(%dma_start3A_93 : memref<10000x8xf32, #tpu.memory_space<hbm>>) target(%arg20 : memref<1296x8xf32, #tpu.memory_space<vmem>>) offsets(%arg16 : memref<1296xi32, #tpu.memory_space<vmem>>) semaphore(%arg30 : memref<!tpu.dma_semaphore, #tpu.memory_space<semaphore_mem>>)
        %dma_start3A_94 = arith.constant 0 : i32
        %dma_start3A_95 = arith.constant 0 : i32
        %dma_start3A_96 = tpu.memref_slice %arg4[%dma_start3A_94, %dma_start3A_95] : memref<10000x8xf32, #tpu.memory_space<hbm>> -> memref<10000x8xf32, #tpu.memory_space<hbm>>
        tpu.enqueue_indirect_dma source(%dma_start3A_96 : memref<10000x8xf32, #tpu.memory_space<hbm>>) target(%arg22 : memref<1296x8xf32, #tpu.memory_space<vmem>>) offsets(%arg16 : memref<1296xi32, #tpu.memory_space<vmem>>) semaphore(%arg32 : memref<!tpu.dma_semaphore, #tpu.memory_space<semaphore_mem>>)
      } else {
      }
    }
    %scan3A_35 = arith.constant 4 : i32
    %barrier3A_36 = arith.constant 0 : index
    tpu.barrier barrier_id(%barrier3A_36)
    "tpu.region"() ({
      %run_scoped3A = tpu.sem_alloc : memref<!tpu.dma_semaphore, #tpu.memory_space<semaphore_mem>>
      %dma_start3A_37 = arith.constant 0 : i32
      %dma_start3A_38 = tpu.memref_slice %arg10[%arg0, %mul3A_10, %dma_start3A_37] : memref<2x10016x8xf32, #tpu.memory_space<hbm>> -> memref<1x626x8xf32, #tpu.memory_space<hbm>>
      %dma_start3A_39 = tpu.memref_squeeze %dma_start3A_38 : memref<1x626x8xf32, #tpu.memory_space<hbm>> -> memref<626x8xf32, #tpu.memory_space<hbm>>
      %dma_start3A_40 = arith.constant 0 : i32
      %dma_start3A_41 = tpu.memref_slice %arg25[%mul3A_10, %dma_start3A_40] : memref<10016x8xf32, #tpu.memory_space<vmem_shared>> -> memref<626x8xf32, #tpu.memory_space<vmem_shared>>
      tpu.enqueue_dma source(%dma_start3A_41 : memref<626x8xf32, #tpu.memory_space<vmem_shared>>) target(%dma_start3A_39 : memref<626x8xf32, #tpu.memory_space<hbm>>) target_semaphore(%run_scoped3A : memref<!tpu.dma_semaphore, #tpu.memory_space<semaphore_mem>>)
      %dma_wait3A = arith.constant 0 : i32
      %dma_wait3A_42 = tpu.memref_slice %arg10[%arg0, %mul3A_10, %dma_wait3A] : memref<2x10016x8xf32, #tpu.memory_space<hbm>> -> memref<1x626x8xf32, #tpu.memory_space<hbm>>
      %dma_wait3A_43 = tpu.memref_squeeze %dma_wait3A_42 : memref<1x626x8xf32, #tpu.memory_space<hbm>> -> memref<626x8xf32, #tpu.memory_space<hbm>>
      %dma_wait3A_44 = arith.constant 0 : i32
      %dma_wait3A_45 = tpu.memref_slice %arg25[%mul3A_10, %dma_wait3A_44] : memref<10016x8xf32, #tpu.memory_space<vmem_shared>> -> memref<626x8xf32, #tpu.memory_space<vmem_shared>>
      tpu.wait_dma2 semaphore(%run_scoped3A : memref<!tpu.dma_semaphore, #tpu.memory_space<semaphore_mem>>) src(%dma_wait3A_45 : memref<626x8xf32, #tpu.memory_space<vmem_shared>>) dst(%dma_wait3A_43 : memref<626x8xf32, #tpu.memory_space<hbm>>)
      tpu.yield
    }) : () -> ()
    "tpu.region"() ({
      %run_scoped3A = tpu.sem_alloc : memref<!tpu.dma_semaphore, #tpu.memory_space<semaphore_mem>>
      %dma_start3A_37 = arith.constant 0 : i32
      %dma_start3A_38 = tpu.memref_slice %arg9[%arg0, %mul3A_10, %dma_start3A_37] : memref<2x10016x8xf32, #tpu.memory_space<hbm>> -> memref<1x626x8xf32, #tpu.memory_space<hbm>>
      %dma_start3A_39 = tpu.memref_squeeze %dma_start3A_38 : memref<1x626x8xf32, #tpu.memory_space<hbm>> -> memref<626x8xf32, #tpu.memory_space<hbm>>
      %dma_start3A_40 = arith.constant 0 : i32
      %dma_start3A_41 = tpu.memref_slice %arg26[%mul3A_10, %dma_start3A_40] : memref<10016x8xf32, #tpu.memory_space<vmem_shared>> -> memref<626x8xf32, #tpu.memory_space<vmem_shared>>
      tpu.enqueue_dma source(%dma_start3A_41 : memref<626x8xf32, #tpu.memory_space<vmem_shared>>) target(%dma_start3A_39 : memref<626x8xf32, #tpu.memory_space<hbm>>) target_semaphore(%run_scoped3A : memref<!tpu.dma_semaphore, #tpu.memory_space<semaphore_mem>>)
      %dma_wait3A = arith.constant 0 : i32
      %dma_wait3A_42 = tpu.memref_slice %arg9[%arg0, %mul3A_10, %dma_wait3A] : memref<2x10016x8xf32, #tpu.memory_space<hbm>> -> memref<1x626x8xf32, #tpu.memory_space<hbm>>
      %dma_wait3A_43 = tpu.memref_squeeze %dma_wait3A_42 : memref<1x626x8xf32, #tpu.memory_space<hbm>> -> memref<626x8xf32, #tpu.memory_space<hbm>>
      %dma_wait3A_44 = arith.constant 0 : i32
      %dma_wait3A_45 = tpu.memref_slice %arg26[%mul3A_10, %dma_wait3A_44] : memref<10016x8xf32, #tpu.memory_space<vmem_shared>> -> memref<626x8xf32, #tpu.memory_space<vmem_shared>>
      tpu.wait_dma2 semaphore(%run_scoped3A : memref<!tpu.dma_semaphore, #tpu.memory_space<semaphore_mem>>) src(%dma_wait3A_45 : memref<626x8xf32, #tpu.memory_space<vmem_shared>>) dst(%dma_wait3A_43 : memref<626x8xf32, #tpu.memory_space<hbm>>)
      tpu.yield
    }) : () -> ()
    return
  }
}

module attributes {stable_mosaic.version = 14 : i64} {
  func.func @body(%arg0: i32, %arg1: memref<2000x128xf32, #tpu.memory_space<vmem>>, %arg2: memref<128x64xf32, #tpu.memory_space<vmem>>, %arg3: memref<1x64xf32, #tpu.memory_space<vmem>>, %arg4: memref<128x64xf32, #tpu.memory_space<vmem>>, %arg5: memref<1x64xf32, #tpu.memory_space<vmem>>, %arg6: memref<128x64xf32, #tpu.memory_space<vmem>>, %arg7: memref<2000x64xf32, #tpu.memory_space<vmem>>, %arg8: memref<2000x64xf32, #tpu.memory_space<vmem>>, %arg9: memref<2000x64xf32, #tpu.memory_space<vmem>>) attributes {dimension_semantics = [#tpu.dimension_semantics<arbitrary>], iteration_bounds = array<i64: 5>, scalar_prefetch = 0 : i64, scratch_operands = 0 : i64, tpu.core_type = #tpu.core_type<tc>, window_params = [{transform_indices = @transform_0, window_bounds = array<i64: 2000, 128>}, {pipeline_mode = #tpu.pipeline_mode<synchronous>, transform_indices = @transform_1, window_bounds = array<i64: 128, 64>}, {pipeline_mode = #tpu.pipeline_mode<synchronous>, transform_indices = @transform_2, window_bounds = array<i64: 1, 64>}, {pipeline_mode = #tpu.pipeline_mode<synchronous>, transform_indices = @transform_3, window_bounds = array<i64: 128, 64>}, {pipeline_mode = #tpu.pipeline_mode<synchronous>, transform_indices = @transform_4, window_bounds = array<i64: 1, 64>}, {pipeline_mode = #tpu.pipeline_mode<synchronous>, transform_indices = @transform_5, window_bounds = array<i64: 128, 64>}, {transform_indices = @transform_6, window_bounds = array<i64: 2000, 64>}, {transform_indices = @transform_7, window_bounds = array<i64: 2000, 64>}, {transform_indices = @transform_8, window_bounds = array<i64: 2000, 64>}]} {
    %get3A = arith.constant 0 : index
    %get3A_0 = arith.constant 0 : index
    %get3A_1 = vector.load %arg1[%get3A, %get3A_0] : memref<2000x128xf32, #tpu.memory_space<vmem>>, vector<2000x128xf32>
    %get3A_2 = arith.constant 0 : index
    %get3A_3 = arith.constant 0 : index
    %get3A_4 = vector.load %arg2[%get3A_2, %get3A_3] : memref<128x64xf32, #tpu.memory_space<vmem>>, vector<128x64xf32>
    %dot_general3A = arith.constant dense<0.000000e+00> : vector<2000x64xf32>
    %dot_general3A_5 = tpu.matmul %get3A_1, %get3A_4, %dot_general3A {dimension_numbers = #tpu.dot_dimension_numbers<[1], [0], [0], [1], [0, 0, 1, 1], [], []>, precision = #tpu.contract_precision<fp32>, transpose_lhs_hint = false} : vector<2000x128xf32>, vector<128x64xf32>, vector<2000x64xf32> -> vector<2000x64xf32>
    %get3A_6 = arith.constant 0 : index
    %get3A_7 = arith.constant 0 : index
    %get3A_8 = vector.load %arg3[%get3A_6, %get3A_7] : memref<1x64xf32, #tpu.memory_space<vmem>>, vector<1x64xf32>
    %add3A = vector.broadcast %get3A_8 : vector<1x64xf32> to vector<2000x64xf32>
    %add3A_9 = arith.addf %dot_general3A_5, %add3A : vector<2000x64xf32>
    %max3A = arith.constant 0.000000e+00 : f32
    %max3A_10 = vector.broadcast %max3A : f32 to vector<2000x64xf32>
    %max3A_11 = arith.maximumf %add3A_9, %max3A_10 : vector<2000x64xf32>
    %swap3A = arith.constant 0 : index
    %swap3A_12 = arith.constant 0 : index
    %swap3A_13 = vector.load %arg7[%swap3A, %swap3A_12] : memref<2000x64xf32, #tpu.memory_space<vmem>>, vector<2000x64xf32>
    tpu.vector_store %arg7[%swap3A, %swap3A_12], %max3A_11 {strides = array<i32>} : memref<2000x64xf32, #tpu.memory_space<vmem>>, vector<2000x64xf32>,
    %get3A_14 = arith.constant 0 : index
    %get3A_15 = arith.constant 0 : index
    %get3A_16 = vector.load %arg4[%get3A_14, %get3A_15] : memref<128x64xf32, #tpu.memory_space<vmem>>, vector<128x64xf32>
    %dot_general3A_17 = arith.constant dense<0.000000e+00> : vector<2000x64xf32>
    %dot_general3A_18 = tpu.matmul %get3A_1, %get3A_16, %dot_general3A_17 {dimension_numbers = #tpu.dot_dimension_numbers<[1], [0], [0], [1], [0, 0, 1, 1], [], []>, precision = #tpu.contract_precision<fp32>, transpose_lhs_hint = false} : vector<2000x128xf32>, vector<128x64xf32>, vector<2000x64xf32> -> vector<2000x64xf32>
    %get3A_19 = arith.constant 0 : index
    %get3A_20 = arith.constant 0 : index
    %get3A_21 = vector.load %arg5[%get3A_19, %get3A_20] : memref<1x64xf32, #tpu.memory_space<vmem>>, vector<1x64xf32>
    %add3A_22 = vector.broadcast %get3A_21 : vector<1x64xf32> to vector<2000x64xf32>
    %add3A_23 = arith.addf %dot_general3A_18, %add3A_22 : vector<2000x64xf32>
    %max3A_24 = arith.constant 0.000000e+00 : f32
    %max3A_25 = vector.broadcast %max3A_24 : f32 to vector<2000x64xf32>
    %max3A_26 = arith.maximumf %add3A_23, %max3A_25 : vector<2000x64xf32>
    %swap3A_27 = arith.constant 0 : index
    %swap3A_28 = arith.constant 0 : index
    %swap3A_29 = vector.load %arg8[%swap3A_27, %swap3A_28] : memref<2000x64xf32, #tpu.memory_space<vmem>>, vector<2000x64xf32>
    tpu.vector_store %arg8[%swap3A_27, %swap3A_28], %max3A_26 {strides = array<i32>} : memref<2000x64xf32, #tpu.memory_space<vmem>>, vector<2000x64xf32>,
    %get3A_30 = arith.constant 0 : index
    %get3A_31 = arith.constant 0 : index
    %get3A_32 = vector.load %arg6[%get3A_30, %get3A_31] : memref<128x64xf32, #tpu.memory_space<vmem>>, vector<128x64xf32>
    %dot_general3A_33 = arith.constant dense<0.000000e+00> : vector<2000x64xf32>
    %dot_general3A_34 = tpu.matmul %get3A_1, %get3A_32, %dot_general3A_33 {dimension_numbers = #tpu.dot_dimension_numbers<[1], [0], [0], [1], [0, 0, 1, 1], [], []>, precision = #tpu.contract_precision<fp32>, transpose_lhs_hint = false} : vector<2000x128xf32>, vector<128x64xf32>, vector<2000x64xf32> -> vector<2000x64xf32>
    %swap3A_35 = arith.constant 0 : index
    %swap3A_36 = arith.constant 0 : index
    %swap3A_37 = vector.load %arg9[%swap3A_35, %swap3A_36] : memref<2000x64xf32, #tpu.memory_space<vmem>>, vector<2000x64xf32>
    tpu.vector_store %arg9[%swap3A_35, %swap3A_36], %dot_general3A_34 {strides = array<i32>} : memref<2000x64xf32, #tpu.memory_space<vmem>>, vector<2000x64xf32>,
    return
  }
  func.func @transform_0(%arg0: i32) -> (i32, i32) {
    %c0_i32 = arith.constant 0 : i32
    %c0_i32_0 = arith.constant 0 : i32
    return %arg0, %c0_i32 : i32, i32
  }
  func.func @transform_1(%arg0: i32) -> (i32, i32) {
    %c0_i32 = arith.constant 0 : i32
    %c0_i32_0 = arith.constant 0 : i32
    %c0_i32_1 = arith.constant 0 : i32
    return %c0_i32, %c0_i32_0 : i32, i32
  }
  func.func @transform_2(%arg0: i32) -> (i32, i32) {
    %c0_i32 = arith.constant 0 : i32
    %c0_i32_0 = arith.constant 0 : i32
    %c0_i32_1 = arith.constant 0 : i32
    return %c0_i32, %c0_i32_0 : i32, i32
  }
  func.func @transform_3(%arg0: i32) -> (i32, i32) {
    %c0_i32 = arith.constant 0 : i32
    %c0_i32_0 = arith.constant 0 : i32
    %c0_i32_1 = arith.constant 0 : i32
    return %c0_i32, %c0_i32_0 : i32, i32
  }
  func.func @transform_4(%arg0: i32) -> (i32, i32) {
    %c0_i32 = arith.constant 0 : i32
    %c0_i32_0 = arith.constant 0 : i32
    %c0_i32_1 = arith.constant 0 : i32
    return %c0_i32, %c0_i32_0 : i32, i32
  }
  func.func @transform_5(%arg0: i32) -> (i32, i32) {
    %c0_i32 = arith.constant 0 : i32
    %c0_i32_0 = arith.constant 0 : i32
    %c0_i32_1 = arith.constant 0 : i32
    return %c0_i32, %c0_i32_0 : i32, i32
  }
  func.func @transform_6(%arg0: i32) -> (i32, i32) {
    %c0_i32 = arith.constant 0 : i32
    %c0_i32_0 = arith.constant 0 : i32
    return %arg0, %c0_i32 : i32, i32
  }
  func.func @transform_7(%arg0: i32) -> (i32, i32) {
    %c0_i32 = arith.constant 0 : i32
    %c0_i32_0 = arith.constant 0 : i32
    return %arg0, %c0_i32 : i32, i32
  }
  func.func @transform_8(%arg0: i32) -> (i32, i32) {
    %c0_i32 = arith.constant 0 : i32
    %c0_i32_0 = arith.constant 0 : i32
    return %arg0, %c0_i32 : i32, i32
  }
}

module attributes {stable_mosaic.version = 14 : i64} {
  func.func @body(%arg0: i32, %arg1: memref<2000x64xf32, #tpu.memory_space<vmem>>, %arg2: memref<2000x64xf32, #tpu.memory_space<vmem>>, %arg3: memref<2x2000x8xf32, #tpu.memory_space<vmem>>, %arg4: memref<1x64xf32, #tpu.memory_space<vmem>>, %arg5: memref<64x8xf32, #tpu.memory_space<vmem>>, %arg6: memref<1x8xf32, #tpu.memory_space<vmem>>, %arg7: memref<64x8xf32, #tpu.memory_space<vmem>>, %arg8: memref<1x8xf32, #tpu.memory_space<vmem>>, %arg9: memref<64x8xf32, #tpu.memory_space<vmem>>, %arg10: memref<2000x8xf32, #tpu.memory_space<vmem>>, %arg11: memref<2000x8xf32, #tpu.memory_space<vmem>>, %arg12: memref<2000x8xf32, #tpu.memory_space<vmem>>) attributes {dimension_semantics = [#tpu.dimension_semantics<arbitrary>], iteration_bounds = array<i64: 5>, scalar_prefetch = 0 : i64, scratch_operands = 0 : i64, tpu.core_type = #tpu.core_type<tc>, window_params = [{transform_indices = @transform_0, window_bounds = array<i64: 2000, 64>}, {transform_indices = @transform_1, window_bounds = array<i64: 2000, 64>}, {transform_indices = @transform_2, window_bounds = array<i64: 2, 2000, 8>}, {pipeline_mode = #tpu.pipeline_mode<synchronous>, transform_indices = @transform_3, window_bounds = array<i64: 1, 64>}, {pipeline_mode = #tpu.pipeline_mode<synchronous>, transform_indices = @transform_4, window_bounds = array<i64: 64, 8>}, {pipeline_mode = #tpu.pipeline_mode<synchronous>, transform_indices = @transform_5, window_bounds = array<i64: 1, 8>}, {pipeline_mode = #tpu.pipeline_mode<synchronous>, transform_indices = @transform_6, window_bounds = array<i64: 64, 8>}, {pipeline_mode = #tpu.pipeline_mode<synchronous>, transform_indices = @transform_7, window_bounds = array<i64: 1, 8>}, {pipeline_mode = #tpu.pipeline_mode<synchronous>, transform_indices = @transform_8, window_bounds = array<i64: 64, 8>}, {transform_indices = @transform_9, window_bounds = array<i64: 2000, 8>}, {transform_indices = @transform_10, window_bounds = array<i64: 2000, 8>}, {transform_indices = @transform_11, window_bounds = array<i64: 2000, 8>}]} {
    %get3A = arith.constant 0 : index
    %get3A_0 = arith.constant 0 : index
    %get3A_1 = arith.constant 0 : index
    %get3A_2 = vector.load %arg3[%get3A, %get3A_0, %get3A_1] : memref<2x2000x8xf32, #tpu.memory_space<vmem>>, vector<1x2000x8xf32>
    %get3A_3 = vector.shape_cast %get3A_2 : vector<1x2000x8xf32> to vector<2000x8xf32>
    %get3A_4 = arith.constant 1 : index
    %get3A_5 = arith.constant 0 : index
    %get3A_6 = arith.constant 0 : index
    %get3A_7 = vector.load %arg3[%get3A_4, %get3A_5, %get3A_6] : memref<2x2000x8xf32, #tpu.memory_space<vmem>>, vector<1x2000x8xf32>
    %get3A_8 = vector.shape_cast %get3A_7 : vector<1x2000x8xf32> to vector<2000x8xf32>
    %add3A = arith.addf %get3A_3, %get3A_8 : vector<2000x8xf32>
    %add3A_9 = arith.constant 1.000000e-16 : f32
    %add3A_10 = vector.broadcast %add3A_9 : f32 to vector<2000x8xf32>
    %add3A_11 = arith.addf %add3A, %add3A_10 : vector<2000x8xf32>
    %broadcast_in_dim3A = vector.shape_cast %add3A_11 : vector<2000x8xf32> to vector<2000x8x1xf32>
    %broadcast_in_dim3A_12 = vector.shape_cast %broadcast_in_dim3A : vector<2000x8x1xf32> to vector<2000x8x1xf32>
    %broadcast_in_dim3A_13 = vector.broadcast %broadcast_in_dim3A_12 : vector<2000x8x1xf32> to vector<2000x8x8xf32>
    %reshape3A = vector.shape_cast %broadcast_in_dim3A_13 : vector<2000x8x8xf32> to vector<2000x64xf32>
    %get3A_14 = arith.constant 0 : index
    %get3A_15 = arith.constant 0 : index
    %get3A_16 = vector.load %arg1[%get3A_14, %get3A_15] : memref<2000x64xf32, #tpu.memory_space<vmem>>, vector<2000x64xf32>
    %get3A_17 = arith.constant 0 : index
    %get3A_18 = arith.constant 0 : index
    %get3A_19 = vector.load %arg2[%get3A_17, %get3A_18] : memref<2000x64xf32, #tpu.memory_space<vmem>>, vector<2000x64xf32>
    %add3A_20 = arith.addf %get3A_16, %get3A_19 : vector<2000x64xf32>
    %div3A = arith.divf %add3A_20, %reshape3A : vector<2000x64xf32>
    %get3A_21 = arith.constant 0 : index
    %get3A_22 = arith.constant 0 : index
    %get3A_23 = vector.load %arg4[%get3A_21, %get3A_22] : memref<1x64xf32, #tpu.memory_space<vmem>>, vector<1x64xf32>
    %add3A_24 = vector.broadcast %get3A_23 : vector<1x64xf32> to vector<2000x64xf32>
    %add3A_25 = arith.addf %div3A, %add3A_24 : vector<2000x64xf32>
    %max3A = arith.constant 0.000000e+00 : f32
    %max3A_26 = vector.broadcast %max3A : f32 to vector<2000x64xf32>
    %max3A_27 = arith.maximumf %add3A_25, %max3A_26 : vector<2000x64xf32>
    %get3A_28 = arith.constant 0 : index
    %get3A_29 = arith.constant 0 : index
    %get3A_30 = vector.load %arg5[%get3A_28, %get3A_29] : memref<64x8xf32, #tpu.memory_space<vmem>>, vector<64x8xf32>
    %dot_general3A = arith.constant dense<0.000000e+00> : vector<2000x8xf32>
    %dot_general3A_31 = tpu.matmul %max3A_27, %get3A_30, %dot_general3A {dimension_numbers = #tpu.dot_dimension_numbers<[1], [0], [0], [1], [0, 0, 1, 1], [], []>, precision = #tpu.contract_precision<fp32>, transpose_lhs_hint = false} : vector<2000x64xf32>, vector<64x8xf32>, vector<2000x8xf32> -> vector<2000x8xf32>
    %get3A_32 = arith.constant 0 : index
    %get3A_33 = arith.constant 0 : index
    %get3A_34 = vector.load %arg6[%get3A_32, %get3A_33] : memref<1x8xf32, #tpu.memory_space<vmem>>, vector<1x8xf32>
    %add3A_35 = vector.broadcast %get3A_34 : vector<1x8xf32> to vector<2000x8xf32>
    %add3A_36 = arith.addf %dot_general3A_31, %add3A_35 : vector<2000x8xf32>
    %max3A_37 = arith.constant 0.000000e+00 : f32
    %max3A_38 = vector.broadcast %max3A_37 : f32 to vector<2000x8xf32>
    %max3A_39 = arith.maximumf %add3A_36, %max3A_38 : vector<2000x8xf32>
    %swap3A = arith.constant 0 : index
    %swap3A_40 = arith.constant 0 : index
    %swap3A_41 = vector.load %arg10[%swap3A, %swap3A_40] : memref<2000x8xf32, #tpu.memory_space<vmem>>, vector<2000x8xf32>
    tpu.vector_store %arg10[%swap3A, %swap3A_40], %max3A_39 {strides = array<i32>} : memref<2000x8xf32, #tpu.memory_space<vmem>>, vector<2000x8xf32>,
    %get3A_42 = arith.constant 0 : index
    %get3A_43 = arith.constant 0 : index
    %get3A_44 = vector.load %arg7[%get3A_42, %get3A_43] : memref<64x8xf32, #tpu.memory_space<vmem>>, vector<64x8xf32>
    %dot_general3A_45 = arith.constant dense<0.000000e+00> : vector<2000x8xf32>
    %dot_general3A_46 = tpu.matmul %max3A_27, %get3A_44, %dot_general3A_45 {dimension_numbers = #tpu.dot_dimension_numbers<[1], [0], [0], [1], [0, 0, 1, 1], [], []>, precision = #tpu.contract_precision<fp32>, transpose_lhs_hint = false} : vector<2000x64xf32>, vector<64x8xf32>, vector<2000x8xf32> -> vector<2000x8xf32>
    %get3A_47 = arith.constant 0 : index
    %get3A_48 = arith.constant 0 : index
    %get3A_49 = vector.load %arg8[%get3A_47, %get3A_48] : memref<1x8xf32, #tpu.memory_space<vmem>>, vector<1x8xf32>
    %add3A_50 = vector.broadcast %get3A_49 : vector<1x8xf32> to vector<2000x8xf32>
    %add3A_51 = arith.addf %dot_general3A_46, %add3A_50 : vector<2000x8xf32>
    %max3A_52 = arith.constant 0.000000e+00 : f32
    %max3A_53 = vector.broadcast %max3A_52 : f32 to vector<2000x8xf32>
    %max3A_54 = arith.maximumf %add3A_51, %max3A_53 : vector<2000x8xf32>
    %swap3A_55 = arith.constant 0 : index
    %swap3A_56 = arith.constant 0 : index
    %swap3A_57 = vector.load %arg11[%swap3A_55, %swap3A_56] : memref<2000x8xf32, #tpu.memory_space<vmem>>, vector<2000x8xf32>
    tpu.vector_store %arg11[%swap3A_55, %swap3A_56], %max3A_54 {strides = array<i32>} : memref<2000x8xf32, #tpu.memory_space<vmem>>, vector<2000x8xf32>,
    %get3A_58 = arith.constant 0 : index
    %get3A_59 = arith.constant 0 : index
    %get3A_60 = vector.load %arg9[%get3A_58, %get3A_59] : memref<64x8xf32, #tpu.memory_space<vmem>>, vector<64x8xf32>
    %dot_general3A_61 = arith.constant dense<0.000000e+00> : vector<2000x8xf32>
    %dot_general3A_62 = tpu.matmul %max3A_27, %get3A_60, %dot_general3A_61 {dimension_numbers = #tpu.dot_dimension_numbers<[1], [0], [0], [1], [0, 0, 1, 1], [], []>, precision = #tpu.contract_precision<fp32>, transpose_lhs_hint = false} : vector<2000x64xf32>, vector<64x8xf32>, vector<2000x8xf32> -> vector<2000x8xf32>
    %swap3A_63 = arith.constant 0 : index
    %swap3A_64 = arith.constant 0 : index
    %swap3A_65 = vector.load %arg12[%swap3A_63, %swap3A_64] : memref<2000x8xf32, #tpu.memory_space<vmem>>, vector<2000x8xf32>
    tpu.vector_store %arg12[%swap3A_63, %swap3A_64], %dot_general3A_62 {strides = array<i32>} : memref<2000x8xf32, #tpu.memory_space<vmem>>, vector<2000x8xf32>,
    return
  }
  func.func @transform_0(%arg0: i32) -> (i32, i32) {
    %c0_i32 = arith.constant 0 : i32
    %c0_i32_0 = arith.constant 0 : i32
    return %arg0, %c0_i32 : i32, i32
  }
  func.func @transform_1(%arg0: i32) -> (i32, i32) {
    %c0_i32 = arith.constant 0 : i32
    %c0_i32_0 = arith.constant 0 : i32
    return %arg0, %c0_i32 : i32, i32
  }
  func.func @transform_2(%arg0: i32) -> (i32, i32, i32) {
    %c0_i32 = arith.constant 0 : i32
    %c0_i32_0 = arith.constant 0 : i32
    %c0_i32_1 = arith.constant 0 : i32
    return %c0_i32, %arg0, %c0_i32_0 : i32, i32, i32
  }
  func.func @transform_3(%arg0: i32) -> (i32, i32) {
    %c0_i32 = arith.constant 0 : i32
    %c0_i32_0 = arith.constant 0 : i32
    %c0_i32_1 = arith.constant 0 : i32
    return %c0_i32, %c0_i32_0 : i32, i32
  }
  func.func @transform_4(%arg0: i32) -> (i32, i32) {
    %c0_i32 = arith.constant 0 : i32
    %c0_i32_0 = arith.constant 0 : i32
    %c0_i32_1 = arith.constant 0 : i32
    return %c0_i32, %c0_i32_0 : i32, i32
  }
  func.func @transform_5(%arg0: i32) -> (i32, i32) {
    %c0_i32 = arith.constant 0 : i32
    %c0_i32_0 = arith.constant 0 : i32
    %c0_i32_1 = arith.constant 0 : i32
    return %c0_i32, %c0_i32_0 : i32, i32
  }
  func.func @transform_6(%arg0: i32) -> (i32, i32) {
    %c0_i32 = arith.constant 0 : i32
    %c0_i32_0 = arith.constant 0 : i32
    %c0_i32_1 = arith.constant 0 : i32
    return %c0_i32, %c0_i32_0 : i32, i32
  }
  func.func @transform_7(%arg0: i32) -> (i32, i32) {
    %c0_i32 = arith.constant 0 : i32
    %c0_i32_0 = arith.constant 0 : i32
    %c0_i32_1 = arith.constant 0 : i32
    return %c0_i32, %c0_i32_0 : i32, i32
  }
  func.func @transform_8(%arg0: i32) -> (i32, i32) {
    %c0_i32 = arith.constant 0 : i32
    %c0_i32_0 = arith.constant 0 : i32
    %c0_i32_1 = arith.constant 0 : i32
    return %c0_i32, %c0_i32_0 : i32, i32
  }
  func.func @transform_9(%arg0: i32) -> (i32, i32) {
    %c0_i32 = arith.constant 0 : i32
    %c0_i32_0 = arith.constant 0 : i32
    return %arg0, %c0_i32 : i32, i32
  }
  func.func @transform_10(%arg0: i32) -> (i32, i32) {
    %c0_i32 = arith.constant 0 : i32
    %c0_i32_0 = arith.constant 0 : i32
    return %arg0, %c0_i32 : i32, i32
  }
  func.func @transform_11(%arg0: i32) -> (i32, i32) {
    %c0_i32 = arith.constant 0 : i32
    %c0_i32_0 = arith.constant 0 : i32
    return %arg0, %c0_i32 : i32, i32
  }
}

module attributes {stable_mosaic.version = 14 : i64} {
  func.func @body(%arg0: i32, %arg1: memref<2000x8xf32, #tpu.memory_space<vmem>>, %arg2: memref<2000x8xf32, #tpu.memory_space<vmem>>, %arg3: memref<2x2000x8xf32, #tpu.memory_space<vmem>>, %arg4: memref<1x8xf32, #tpu.memory_space<vmem>>, %arg5: memref<2000x8xf32, #tpu.memory_space<vmem>>) attributes {dimension_semantics = [#tpu.dimension_semantics<arbitrary>], iteration_bounds = array<i64: 5>, scalar_prefetch = 0 : i64, scratch_operands = 0 : i64, tpu.core_type = #tpu.core_type<tc>, window_params = [{transform_indices = @transform_0, window_bounds = array<i64: 2000, 8>}, {transform_indices = @transform_1, window_bounds = array<i64: 2000, 8>}, {transform_indices = @transform_2, window_bounds = array<i64: 2, 2000, 8>}, {pipeline_mode = #tpu.pipeline_mode<synchronous>, transform_indices = @transform_3, window_bounds = array<i64: 1, 8>}, {transform_indices = @transform_4, window_bounds = array<i64: 2000, 8>}]} {
    %get3A = arith.constant 0 : index
    %get3A_0 = arith.constant 0 : index
    %get3A_1 = arith.constant 0 : index
    %get3A_2 = vector.load %arg3[%get3A, %get3A_0, %get3A_1] : memref<2x2000x8xf32, #tpu.memory_space<vmem>>, vector<1x2000x8xf32>
    %get3A_3 = vector.shape_cast %get3A_2 : vector<1x2000x8xf32> to vector<2000x8xf32>
    %get3A_4 = arith.constant 1 : index
    %get3A_5 = arith.constant 0 : index
    %get3A_6 = arith.constant 0 : index
    %get3A_7 = vector.load %arg3[%get3A_4, %get3A_5, %get3A_6] : memref<2x2000x8xf32, #tpu.memory_space<vmem>>, vector<1x2000x8xf32>
    %get3A_8 = vector.shape_cast %get3A_7 : vector<1x2000x8xf32> to vector<2000x8xf32>
    %add3A = arith.addf %get3A_3, %get3A_8 : vector<2000x8xf32>
    %add3A_9 = arith.constant 1.000000e-16 : f32
    %add3A_10 = vector.broadcast %add3A_9 : f32 to vector<2000x8xf32>
    %add3A_11 = arith.addf %add3A, %add3A_10 : vector<2000x8xf32>
    %get3A_12 = arith.constant 0 : index
    %get3A_13 = arith.constant 0 : index
    %get3A_14 = vector.load %arg1[%get3A_12, %get3A_13] : memref<2000x8xf32, #tpu.memory_space<vmem>>, vector<2000x8xf32>
    %get3A_15 = arith.constant 0 : index
    %get3A_16 = arith.constant 0 : index
    %get3A_17 = vector.load %arg2[%get3A_15, %get3A_16] : memref<2000x8xf32, #tpu.memory_space<vmem>>, vector<2000x8xf32>
    %add3A_18 = arith.addf %get3A_14, %get3A_17 : vector<2000x8xf32>
    %div3A = arith.divf %add3A_18, %add3A_11 : vector<2000x8xf32>
    %get3A_19 = arith.constant 0 : index
    %get3A_20 = arith.constant 0 : index
    %get3A_21 = vector.load %arg4[%get3A_19, %get3A_20] : memref<1x8xf32, #tpu.memory_space<vmem>>, vector<1x8xf32>
    %add3A_22 = vector.broadcast %get3A_21 : vector<1x8xf32> to vector<2000x8xf32>
    %add3A_23 = arith.addf %div3A, %add3A_22 : vector<2000x8xf32>
    %swap3A = arith.constant 0 : index
    %swap3A_24 = arith.constant 0 : index
    %swap3A_25 = vector.load %arg5[%swap3A, %swap3A_24] : memref<2000x8xf32, #tpu.memory_space<vmem>>, vector<2000x8xf32>
    tpu.vector_store %arg5[%swap3A, %swap3A_24], %add3A_23 {strides = array<i32>} : memref<2000x8xf32, #tpu.memory_space<vmem>>, vector<2000x8xf32>,
    return
  }
  func.func @transform_0(%arg0: i32) -> (i32, i32) {
    %c0_i32 = arith.constant 0 : i32
    %c0_i32_0 = arith.constant 0 : i32
    return %arg0, %c0_i32 : i32, i32
  }
  func.func @transform_1(%arg0: i32) -> (i32, i32) {
    %c0_i32 = arith.constant 0 : i32
    %c0_i32_0 = arith.constant 0 : i32
    return %arg0, %c0_i32 : i32, i32
  }
  func.func @transform_2(%arg0: i32) -> (i32, i32, i32) {
    %c0_i32 = arith.constant 0 : i32
    %c0_i32_0 = arith.constant 0 : i32
    %c0_i32_1 = arith.constant 0 : i32
    return %c0_i32, %arg0, %c0_i32_0 : i32, i32, i32
  }
  func.func @transform_3(%arg0: i32) -> (i32, i32) {
    %c0_i32 = arith.constant 0 : i32
    %c0_i32_0 = arith.constant 0 : i32
    %c0_i32_1 = arith.constant 0 : i32
    return %c0_i32, %c0_i32_0 : i32, i32
  }
  func.func @transform_4(%arg0: i32) -> (i32, i32) {
    %c0_i32 = arith.constant 0 : i32
    %c0_i32_0 = arith.constant 0 : i32
    return %arg0, %c0_i32 : i32, i32
  }
}

</mosaic_0001>

<sc_bundles>
// kernel: kernel.10.cloned.1.call-start
scs
__scs_entry_jumppad:
0x0: {  	(pc) =	sbr.rel $0x88, $3  }
0x1: {  	(tag) =	ssettag $0x0;
	lr =	simm.s32 $0x1  }
0x2: {  	[smem:$0x3F93] =	sst lr;
	_ =	strace $0xD0000000  }
0x3: {  	_ = 	snop  }
0x4: {  	_ = 	snop  }
0x5: {  	_ = 	snop  }
0x6: {  	_ = 	snop  }
0x7: {  	_ = 	snop  }
__scs_overlays_trampoline_lowered:
0x8: {  	[smem:$0x3FA2] =	sst s0  }
0x9: {  	[smem:$0x3FA3] =	sst s1  }
0xa: {  	[smem:$0x3FA4] =	sst s2  }
0xb: {  	[smem:$0x3FA5] =	sst s3  }
0xc: {  	[smem:$0x3FA6] =	sst s4  }
0xd: {  	[smem:$0x3FA7] =	sst s5  }
0xe: {  	[smem:$0x3FA8] =	sst s6  }
0xf: {  	[smem:$0x3FA9] =	sst s7  }
0x10: {  	[smem:$0x3FAA] =	sst s8  }
0x11: {  	[smem:$0x3FAB] =	sst s9;
	s0 =	simm.s32 @!p0 $0x0  }
0x12: {  	s1 =	sld [smem:$0x3F91];
	s0 =	simm.s32 @p0 $0x1  }
0x13: {  	[smem:$0x3FAC] =	sst s0;
	s0 =	simm.s32 @!p1 $0x0  }
0x14: {  	s2 =	sld [smem:$0x3F90];
	s0 =	simm.s32 @p1 $0x1  }
0x15: {  	[smem:$0x3FAD] =	sst s0;
	s0 =	simm.s32 @!p2 $0x0  }
0x16: {  	s3 =	sld [smem:$0x3FDB];
	s0 =	simm.s32 @p2 $0x1  }
0x17: {  	s4 =	simm.s32 $0x1BF5;
	[smem:$0x3FAF] =	sst s0  }
0x18: {  	s0 =	sld [smem:$0x3F92];
	_ =	swait.ge [sflag:s4], $0x0  }
0x19: {  	s7 =	sld [smem:$0x3F93]  }
0x1a: {  	s8 =	sadd.s32 $0xFFFFE003, lr  }
0x1b: {  	s9 =	sadd.s32 $0xFFFFFEF7, lr;
	s5 =	simm.s32 $0xFFFFFFFF;
	p2 =	slt.u32 s8, $0xFFFFF086  }
0x1c: {  	p1 =	slt.u32 s9, $0xF7A;
	s5 =	simm.s32 @!p2 $0x0  }
0x1d: {  	s5 =	simm.s32 @p1 $0x1;
	p0 =	seq.s32 s7, s2  }
0x1e: {  	s7 =	smul.u32 @!p0 $0xF7A, s2;
	p2 =	seq.s32 @!p0 s5, $0x0  }
0x1f: {  	s9 =	smul.u32 $0xF7A, s1;
	s8 =	simm.s32 @!p0 $0x1BF5;
	p2 =	por !p2, p0  }
0x20: {  	[sflag:s8] =	ssyncset.s32 @!p0 $0xFFFFF086;
	s6 =	sadd.s32 @!p0 s3, s7;
	s7 =	simm.s32 @!p0 $0x108  }
0x21: {  	s3 =	sadd.s32 s3, s9;
	s6 =	sadd.s32 @!p0 $0x88, s6;
	s7 =	simm.s32 @p2 $0x1082  }
0x22: {  	[simem:s7], [sflag:s8] =	dma.local @!p0 [hbm:s6], $0xF7A  }
0x23: {  	s9 =	sor.u32 $0xD0000000, s2;
	s6 =	simm.s32 $0x108;
	_ =	swait.ge @!p0 [sflag:s8], $0x0  }
0x24: {  	s3 =	sadd.s32 $0x88, s3;
	s6 =	simm.s32 @!p1 $0x1082;
	[sflag:s4] =	ssyncset.s32 $0xFFFFF086  }
0x25: {  	[simem:s6], [sflag:s4] =	dma.local [hbm:s3], $0xF7A  }
0x26: {  	[smem:$0x3F93] =	sst s1;
	(tag) =	ssettag s2;
	_ =	strace s9  }
0x27: {  	s1 =	sld [smem:$0x3FA3]  }
0x28: {  	s2 =	sld [smem:$0x3FA4]  }
0x29: {  	s4 =	sld [smem:$0x3FA6]  }
0x2a: {  	p0 =	seq.s32 s5, $0x0;
	s5 =	sld [smem:$0x3FA7]  }
0x2b: {  	s6 =	sld [smem:$0x3FA8]  }
0x2c: {  	s7 =	sld [smem:$0x3FA9]  }
0x2d: {  	s3 =	simm.s32 $0x108;
	s8 =	sld [smem:$0x3FAA]  }
0x2e: {  	s3 =	simm.s32 @!p0 $0x1082;
	s9 =	sld [smem:$0x3FAB]  }
0x2f: {  	lr =	sadd.s32 s0, s3;
	s0 =	sld [smem:$0x3FA2]  }
0x30: {  	s3 =	sld [smem:$0x3FA5]  }
0x31: {  	[smem:$0x3FAE] =	sst s10  }
0x32: {  	s10 =	sld [smem:$0x3FAC];
	_ =	sdelay $0x3  }
0x33: {  	p0 =	seq.s32 s10, $0x1;
	s10 =	sld [smem:$0x3FAE];
	_ =	sdelay $0x3  }
0x34: {  	[smem:$0x3FAE] =	sst s10  }
0x35: {  	s10 =	sld [smem:$0x3FAD];
	_ =	sdelay $0x3  }
0x36: {  	p1 =	seq.s32 s10, $0x1;
	s10 =	sld [smem:$0x3FAE];
	_ =	sdelay $0x3  }
0x37: {  	[smem:$0x3FAE] =	sst s10  }
0x38: {  	s10 =	sld [smem:$0x3FAF]  }
0x39: {  	_ = 	snop;
	(pc) =	sbr.ind lr, $3  }
0x3a: {  	_ = 	snop  }
0x3b: {  	_ = 	snop  }
0x3c: {  	p2 =	seq.s32 s10, $0x1;
	s10 =	sld [smem:$0x3FAE]  }
0x3d: {  	_ =	shalt  }
0x3e: {  	_ =	shalt  }
0x3f: {  	_ =	shalt  }
0x40: {  	_ =	shalt  }
0x41: {  	_ =	shalt  }
0x42: {  	_ =	shalt  }
0x43: {  	_ =	shalt  }
0x44: {  	_ =	shalt  }
0x45: {  	_ =	shalt  }
0x46: {  	_ =	shalt  }
0x47: {  	_ =	shalt  }
0x48: {  	_ =	shalt  }
0x49: {  	_ =	shalt  }
0x4a: {  	_ =	shalt  }
0x4b: {  	_ =	shalt  }
0x4c: {  	_ =	shalt  }
0x4d: {  	_ =	shalt  }
0x4e: {  	_ =	shalt  }
0x4f: {  	_ =	shalt  }
0x50: {  	_ =	shalt  }
0x51: {  	_ =	shalt  }
0x52: {  	_ =	shalt  }
0x53: {  	_ =	shalt  }
0x54: {  	_ =	shalt  }
0x55: {  	_ =	shalt  }
0x56: {  	_ =	shalt  }
0x57: {  	_ =	shalt  }
0x58: {  	_ =	shalt  }
0x59: {  	_ =	shalt  }
0x5a: {  	_ =	shalt  }
0x5b: {  	_ =	shalt  }
0x5c: {  	_ =	shalt  }
0x5d: {  	_ =	shalt  }
0x5e: {  	_ =	shalt  }
0x5f: {  	_ =	shalt  }
0x60: {  	_ =	shalt  }
0x61: {  	_ =	shalt  }
0x62: {  	_ =	shalt  }
0x63: {  	_ =	shalt  }
0x64: {  	_ =	shalt  }
0x65: {  	_ =	shalt  }
0x66: {  	_ =	shalt  }
0x67: {  	_ =	shalt  }
0x68: {  	_ =	shalt  }
0x69: {  	_ =	shalt  }
0x6a: {  	_ =	shalt  }
0x6b: {  	_ =	shalt  }
0x6c: {  	_ =	shalt  }
0x6d: {  	_ =	shalt  }
0x6e: {  	_ =	shalt  }
0x6f: {  	_ =	shalt  }
0x70: {  	_ =	shalt  }
0x71: {  	_ =	shalt  }
0x72: {  	_ =	shalt  }
0x73: {  	_ =	shalt  }
0x74: {  	_ =	shalt  }
0x75: {  	_ =	shalt  }
0x76: {  	_ =	shalt  }
0x77: {  	_ =	shalt  }
0x78: {  	_ =	shalt  }
0x79: {  	_ =	shalt  }
0x7a: {  	_ =	shalt  }
0x7b: {  	_ =	shalt  }
0x7c: {  	_ =	shalt  }
0x7d: {  	_ =	shalt  }
0x7e: {  	_ =	shalt  }
0x7f: {  	_ =	shalt  }
0x80: {  	_ =	shalt  }
0x81: {  	_ =	shalt  }
0x82: {  	_ =	shalt  }
0x83: {  	_ =	shalt  }
0x84: {  	_ =	shalt  }
0x85: {  	_ =	shalt  }
0x86: {  	_ =	shalt  }
0x87: {  	_ =	shalt  }
.Lfunc_end0:
.L_simem_size_0:
called_computation.1_lowered:
.L_overlay_start_0:
0x88: {  	s2 =	sld [smem:$0x3FD9]  }
0x89: {  	s3 =	sld [smem:$0x3FFE];
	_ =	sdelay $0x1  }
0x8a: {  	s1 =	srdreg.scid  }
0x8b: {  	s0 =	sand.u32 $0x1, s1  }
0x8c: {  	s17 =	sshll.u32 s0, $0xA;
	s2 =	sadd.s32 s3, s2  }
0x8d: {  	s2 =	sadd.s32 s2, s17  }
0x8e: {  	[smem:$0x3FBA] =	sst s2  }
0x8f: {  	_ = 	snop  }
0x90: {  	s2 =	sld [smem:$0x3FD0];
	(tm) =	ssettm $0x1  }
0x91: {  	s18 =	sld [smem:$0x3FFB];
	_ =	sdelay $0x3  }
0x92: {  	_ =	strace s18  }
0x93: {  	s3 =	sld [smem:$0x3FFC];
	_ =	sdelay $0x3  }
0x94: {  	_ =	strace s3  }
0x95: {  	s3 =	sld [smem:$0x3FFD];
	_ =	sdelay $0x3  }
0x96: {  	_ =	strace s3  }
0x97: {  	_ =	strace $0x8FFFFFFF  }
0x98: {  	s19 =	sld [smem:$0x3FDB];
	_ =	sdelay $0x1  }
0x99: {  	s4 =	simm.s32 $_scs_section_size  }
0x9a: {  	s5 =	simm.s32 $_size__tile_overlayer_lowered;
	s6 =	simm.s32 $_tile_overlayer_lowered  }
0x9b: {  	s22 =	simm.s32 $0x1BFF;
	s21 =	sshll.u32 s6, $0x1;
	s3 =	sadd.s32 s4, s19  }
0x9c: {  	s7 =	simm.s32 $0x0;
	s20 =	sshll.u32 s5, $0x1;
	s5 =	sadd.s32 s21, s3  }
0x9d: {  	[timem:s7], [sflag:s22] =	dma.local [hbm:s5], s20  }
0x9e: {  	_ =	swait.ge [sflag:s22], s20  }
0x9f: {  	s4 =	ssub.s32 $0x0, s20;
	[sflag:s22] =	ssyncset.done $0x0  }
0xa0: {  	[sflag:s22] =	ssyncadd.s32 s4;
	_ =	sdelay $0x1  }
0xa1: {  	s23 =	simm.s32 $0x1B8B  }
0xa2: {  	_ =	swait.ge [sflag:s23], $0x1  }
0xa3: {  	[sflag:s23] =	ssyncset.done $0x0  }
0xa4: {  	s25 =	simm.s32 $0x1B8E;
	s24 =	sld [smem:$0x3FFE];
	[sflag:s23] =	ssyncadd.s32 $0xFFFFFFFF  }
0xa5: {  	s26 =	simm.s32 $execute0_lowered;
	[smem:$0x3FD2] =	sst s25  }
0xa6: {  	s5 =	sshll.u32 s26, $0x1;
	_ =	strace $0x80000049;
	[dreg:$0x1] =	wrdreg $0xFFFFFFFF  }
0xa7: {  	s28 =	simm.s32 $_size_execute0_lowered;
	s3 =	sadd.s32 s3, s5;
	[dreg:$0x0] =	wrdreg $0x0  }
0xa8: {  	s5 =	sshll.u32 s28, $0x1;
	[dreg:$0x2] =	wrdreg s3  }
0xa9: {  	[dreg:$0x3] =	wrdreg s5  }
0xaa: {  	[dreg:$0x4] =	wrdreg $0xC0  }
0xab: {  	_ =	task [dreg:s7], $0x5FFFF  }
0xac: {  	[dreg:$0x1] =	wrdreg $0xFFFFFFFF  }
0xad: {  	[dreg:$0x0] =	wrdreg $0x60  }
0xae: {  	[dreg:$0x2] =	wrdreg s2  }
0xaf: {  	[dreg:$0x3] =	wrdreg s24  }
0xb0: {  	[dreg:$0x4] =	wrdreg $0x162600  }
0xb1: {  	[dreg:$0x5] =	wrdreg $0x175F00  }
0xb2: {  	[dreg:$0x6] =	wrdreg $0x9  }
0xb3: {  	_ =	task.clear_ibuf [dreg:s7], $0x7FFFF;
	_ =	strace $0x90000049  }
0xb4: {  	s29 =	simm.s32 $0x9;
	_ =	strace $0x8000004B  }
0xb5: {  	_ =	swait.ge [sflag:s29], $0x1  }
0xb6: {  	[sflag:s29] =	ssyncadd.s32 $0xFFFFFFFF  }
0xb7: {  	_ =	strace $0x9000004B  }
0xb8: {  	_ =	sfence  }
0xb9: {  	s30 =	sld [smem:$0x0];
	_ =	sdelay $0x2  }
0xba: {  	s31 =	sshll.u32 s1, $0xD;
	s1 =	sshrl.u32 s1, $0x2  }
0xbb: {  	s3 =	sand.u32 $0x4000, s31;
	s1 =	sadd.s32 s1, s30  }
0xbc: {  	s0 =	sor.u32 s3, s0;
	s1 =	sshll.u32 s1, $0x11  }
0xbd: {  	s0 =	sor.u32 s1, s0  }
0xbe: {  	s0 =	sadd.s32 $0x8F2B, s0  }
0xbf: {  	[sflag:s0] =	ssyncadd.remote.s32 $0x1  }
0xc0: {  	_ =	sfence.sel $0xFFFF  }
0xc1: {  	[dreg:$0x0] =	wrdreg $0xFFFFFFFF;
	(pc) =	sbr.abs _section_cstart, $3  }
0xc2: {  	[dreg:$0x1] =	wrdreg $0xFFFFFFFF  }
0xc3: {  	_ =	task.clear_ibuf [dreg:s7], $0x2FFFF;
	_ =	strace $0x9FFFFFFF  }
0xc4: {  	(tm) =	ssettm $0x7FFFFFFF  }
0xc5: {  	_ =	shalt  }
tec
execute0_lowered:
.L_overlay_start_1:
0x0: {  	(tag) =	ssettag $0x1  }
0x1: {  	s0 =	rddreg [dreg:$0x1]  }
0x2: {  	s1 =	rddreg [dreg:$0x2]  }
0x3: {  	s13 =	rddreg [dreg:$0x3];
	s2 =	simm.s32 $0x0  }
0x4: {  	s4 =	srdreg.scid;
	s14 =	stileid.u32;
	s30 =	simm.s32 $0x510  }
0x5: {  	s31 =	simm.s32 $0x1E60;
	s29 =	simm.s32 $0x4;
	[smem:$0x7FF] =	sst s2  }
0x6: {  	s2 =	sand.u32 $0x1, s4;
	s3 =	smul.u32 $0x1390, s14;
	s6 =	sadd.s32 $0x4E00, s0  }
0x7: {  	s7 =	sadd.s32 $0x2600, s0;
	s8 =	sadd.s32 $0x3D400, s0;
	s9 =	sadd.s32 $0x51800, s0  }
0x8: {  	s10 =	sadd.s32 $0x47600, s0;
	s11 =	sadd.s32 $0x5BA00, s0;
	s5 =	sshll.u32 s14, $0x1  }
0x9: {  	_ =	strace $0x8000004A;
	s4 =	smul.u32 $0x13900, s2;
	[dreg:$0x5] =	wrdreg s11  }
0xa: {  	s12 =	ssub.s32 $0x2, s2;
	s2 =	sor.u32 s2, s5;
	s5 =	simm.s32 $0xA20  }
0xb: {  	s2 =	smul.u32 $0x2880, s2;
	s1 =	sadd.s32 s3, s1;
	s4 =	sadd.s32 s3, s4  }
0xc: {  	s11 =	sshrl.u32 s12, $0x1;
	[dreg:$0x6] =	wrdreg s1;
	s4 =	sshrl.u32 s4, $0x3  }
0xd: {  	s15 =	sshrl.u32 s2, $0x3;
	s24 =	sadd.s32 $0xA20, s2;
	s25 =	sadd.s32 $0xF30, s2  }
0xe: {  	s2 =	simm.s32 $0x0;
	s0 =	sadd.s32 s4, s0;
	s4 =	ssub.s32 s12, s11  }
0xf: {  	s12 =	sshll.u32 s14, $0x6;
	s14 =	sadd.s32 s3, s13;
	[dreg:$0xf] =	wrdreg s24  }
0x10: {  	s16 =	sadd.s32 s8, s15;
	s17 =	sadd.s32 s9, s15;
	[dreg:$0x10] =	wrdreg s25  }
0x11: {  	s18 =	sadd.s32 $0xA2, s15;
	s19 =	sadd.s32 s10, s15;
	[dreg:$0x8] =	wrdreg s14  }
0x12: {  	s15 =	simm.s32 $0x46E0;
	s24 =	simm.s32 $0x11160;
	[dreg:$0x9] =	wrdreg s16  }
0x13: {  	s25 =	simm.s32 $0x2;
	s11 =	simm.s32 $0x6;
	[dreg:$0xa] =	wrdreg s17  }
0x14: {  	s21 =	sor.u32 $0x1C07, s12;
	[dreg:$0xb] =	wrdreg s19;
	s20 =	sadd.s32 s8, s18  }
0x15: {  	s22 =	sadd.s32 s9, s18;
	s23 =	sadd.s32 s10, s18;
	s26 =	sadd.s32 $0xC600, s0  }
0x16: {  	s0 =	sadd.s32 $0x7600, s0;
	s28 =	smax.u32 s4, $0x1;
	[dreg:$0xc] =	wrdreg s20  }
0x17: {  	s4 =	simm.s32 $0xC060;
	s12 =	simm.s32 $0xF30;
	[dreg:$0xd] =	wrdreg s22  }
.Ltmp0:
0x18: {  	s14 =	simm.s32 $0x1950;
	[dreg:$0xe] =	wrdreg s23;
	(pc) =	sbr.rel .LBB2_1-.Ltmp0, $4  }
0x19: {  	s16 =	simm.s32 $0x97E0;
	s17 =	simm.s32 $0xE8E0;
	[dreg:$0x11] =	wrdreg s26  }
0x1a: {  	v1 =	vlaneseq.u32;
	s18 =	simm.s32 $0x1;
	s19 =	simm.s32 $0x3;
	[dreg:$0x12] =	wrdreg s0  }
0x1b: {  	v0 =	vshrl.u32 v1, $0x3;
	[dreg:$0x13] =	wrdreg s28;
	s26 =	simm.s32 $0x7;
	s0 =	simm.s32 $0x6F60  }
0x1c: {  	v1 =	vand.u32 $0x7, v1;
	v0 =	vmul.u32 $0x8, v0;
	s20 =	simm.s32 $0x5;
	s23 =	simm.s32 $0x139E0;
	[dreg:$0x7] =	wrdreg s21  }
.LBB2_8:
0x1d: {  	[bflag:$0x0] =	sbarrier.arrive $0xFFFF  }
0x1e: {  	s21 =	rddreg [dreg:$0x7]  }
0x1f: {  	s1 =	rddreg [dreg:$0x11]  }
0x20: {  	s2 =	rddreg [dreg:$0x15]  }
0x21: {  	[hbm:s1], [sflag:s21] =	dma.local [spmem:s2], $0x272  }
0x22: {  	_ =	swait.ge [sflag:s26], $0x272  }
0x23: {  	[sflag:s26] =	ssyncset.done $0x0;
	s3 =	rddreg [dreg:$0x12]  }
0x24: {  	s13 =	rddreg [dreg:$0x16];
	[sflag:s26] =	ssyncadd.s32 $0xFFFFFD8E  }
0x25: {  	[hbm:s3], [sflag:s21] =	dma.local [spmem:s13], $0x272  }
0x26: {  	_ =	swait.ge [sflag:s26], $0x272  }
0x27: {  	s22 =	rddreg [dreg:$0x14]  }
0x28: {  	s28 =	rddreg [dreg:$0x13];
	s2 =	sadd.s32 $0x1, s22  }
0x29: {  	p0 =	sne.s32 s2, s28  }
.Ltmp1:
0x2a: {  	_ = 	snop;
	(pc) =	sbr.rel @!p0 .LBB2_9-.Ltmp1, $3  }
0x2b: {  	_ =	sdelay $0x1  }
0x2c: {  	[sflag:s26] =	ssyncset.done $0x0  }
0x2d: {  	[sflag:s26] =	ssyncadd.s32 $0xFFFFFD8E  }
.LBB2_1:
0x2e: {  	[dreg:$0x14] =	wrdreg s2  }
0x2f: {  	s1 =	rddreg [dreg:$0x6]  }
0x30: {  	s3 =	rddreg [dreg:$0x5];
	s1 =	sshrl.u32 s1, $0x3  }
0x31: {  	[dreg:$0x15] =	wrdreg s1  }
0x32: {  	[spmem:s1], [sflag:s21] =	dma.local [hbm:s3], $0x272  }
0x33: {  	_ =	swait.ge [sflag:s26], $0x272  }
0x34: {  	s13 =	rddreg [dreg:$0x8]  }
0x35: {  	[sflag:s26] =	ssyncset.done $0x0;
	s2 =	sshrl.u32 s13, $0x3  }
0x36: {  	[sflag:s26] =	ssyncadd.s32 $0xFFFFFD8E;
	[dreg:$0x16] =	wrdreg s2  }
0x37: {  	[spmem:s2], [sflag:s21] =	dma.local [hbm:s3], $0x272  }
0x38: {  	_ =	swait.ge [sflag:s26], $0x272  }
0x39: {  	[sflag:s26] =	ssyncset.done $0x0  }
0x3a: {  	[sflag:s26] =	ssyncadd.s32 $0xFFFFFD8E  }
0x3b: {  	[bflag:$0x0] =	sbarrier.arrive $0xFFFF  }
0x3c: {  	s3 =	simm.s32 $0x0;
	s22 =	rddreg [dreg:$0x9]  }
0x3d: {  	[tilespmem:s3], [sflag:$0x7] =	stream.linear.gather [hbm4b:s22+s3], $0x510, $0x38;
	[tilespmem:$0x18980] =	vst v63  }
0x3e: {  	_ =	swait.ge [sflag:s26], $0x510  }
0x3f: {  	[sflag:s26] =	ssyncset.done $0x0  }
0x40: {  	s28 =	rddreg [dreg:$0xa];
	[sflag:s26] =	ssyncadd.s32 $0xFFFFFAF0  }
0x41: {  	[tilespmem:s5], [sflag:$0x7] =	stream.linear.gather [hbm4b:s28+s3], $0x510, $0x38;
	[tilespmem:$0x18980] =	vst v63  }
0x42: {  	_ =	swait.ge [sflag:s26], $0x510  }
0x43: {  	[sflag:s26] =	ssyncset.done $0x0  }
0x44: {  	s5 =	simm.s32 $0x1440;
	s2 =	rddreg [dreg:$0xb];
	[sflag:s26] =	ssyncadd.s32 $0xFFFFFAF0  }
0x45: {  	[tilespmem:s5], [sflag:$0x7] =	stream.linear.gather [hbm4b:s2+s3], $0x510, $0x38;
	[tilespmem:$0x18980] =	vst v63  }
0x46: {  	_ =	swait.ge [sflag:s26], $0x510  }
0x47: {  	[sflag:s26] =	ssyncset.done $0x0  }
0x48: {  	[sflag:s26] =	ssyncadd.s32 $0xFFFFFAF0  }
0x49: {  	s13 =	rddreg [dreg:$0x0]  }
0x4a: {  	[tilespmem:s31], [sflag:$0x1] =	stream.indirect.gather [hbm4b:s13+s30], $0x8, s3, s30, $0xb8;
	[tilespmem:$0x18980] =	vst v63  }
0x4b: {  	_ = 	snop  }
0x4c: {  	[tilespmem:s0], [sflag:$0x3] =	stream.indirect.gather [hbm4b:s6+s30], $0x8, s5, s30, $0xb8;
	[tilespmem:$0x18980] =	vst v63  }
0x4d: {  	_ = 	snop  }
0x4e: {  	[tilespmem:s4], [sflag:$0x5] =	stream.indirect.gather [hbm4b:s7+s30], $0x8, s5, s30, $0xb8;
	[tilespmem:$0x18980] =	vst v63  }
0x4f: {  	s21 =	rddreg [dreg:$0xc]  }
0x50: {  	[tilespmem:s30], [sflag:$0x7] =	stream.linear.gather [hbm4b:s21+s3], $0x510, $0x38;
	[tilespmem:$0x18980] =	vst v63  }
0x51: {  	_ =	swait.ge [sflag:s26], $0x510  }
0x52: {  	[sflag:s26] =	ssyncset.done $0x0  }
0x53: {  	s22 =	rddreg [dreg:$0xd];
	[sflag:s26] =	ssyncadd.s32 $0xFFFFFAF0  }
0x54: {  	[tilespmem:s12], [sflag:$0x7] =	stream.linear.gather [hbm4b:s22+s3], $0x510, $0x38;
	[tilespmem:$0x18980] =	vst v63  }
0x55: {  	_ =	swait.ge [sflag:s26], $0x510  }
0x56: {  	[sflag:s26] =	ssyncset.done $0x0  }
0x57: {  	s28 =	rddreg [dreg:$0xe];
	[sflag:s26] =	ssyncadd.s32 $0xFFFFFAF0  }
0x58: {  	[tilespmem:s14], [sflag:$0x7] =	stream.linear.gather [hbm4b:s28+s3], $0x510, $0x38;
	[tilespmem:$0x18980] =	vst v63  }
0x59: {  	_ =	swait.ge [sflag:s26], $0x510  }
0x5a: {  	[sflag:s26] =	ssyncset.done $0x0  }
0x5b: {  	[sflag:s26] =	ssyncadd.s32 $0xFFFFFAF0  }
0x5c: {  	[tilespmem:s15], [sflag:$0x2] =	stream.indirect.gather [hbm4b:s13+s30], $0x8, s30, s30, $0xb8;
	[tilespmem:$0x18980] =	vst v63  }
0x5d: {  	_ = 	snop  }
0x5e: {  	[tilespmem:s16], [sflag:$0x4] =	stream.indirect.gather [hbm4b:s6+s30], $0x8, s14, s30, $0xb8;
	[tilespmem:$0x18980] =	vst v63  }
0x5f: {  	s13 =	simm.s32 $0x0  }
0x60: {  	[tilespmem:s17], [sflag:$0x6] =	stream.indirect.gather [hbm4b:s7+s30], $0x8, s14, s30, $0xb8;
	[tilespmem:$0x18980] =	vst v63  }
.LBB2_2:
0x61: {  	_ =	swait.ge [sflag:s18], $0x2880;
	s2 =	simm.s32 $0x6  }
0x62: {  	[sflag:s18] =	ssyncset.done $0x0;
	v2 =	vmov s2  }
0x63: {  	[sflag:s18] =	ssyncadd.s32 $0xFFFFD780;
	v2 =	vshll.u32 v2, $0x3  }
0x64: {  	s1 =	simm.s32 $0xC;
	_ =	swait.ge [sflag:s19], $0x2880;
	v2 =	vor.u32 v0, v2  }
0x65: {  	v4 =	vmov s1;
	[sflag:s19] =	ssyncset.done $0x0;
	v5 =	vor.u32 v1, v2  }
0x66: {  	s22 =	simm.s32 $0x0;
	s5 =	simm.s32 $0x8;
	v4 =	vshll.u32 v4, $0x3;
	[sflag:s19] =	ssyncadd.s32 $0xFFFFD780  }
0x67: {  	v3 =	vmov s22;
	v10 =	vmov s5;
	v4 =	vor.u32 v0, v4;
	_ =	swait.ge [sflag:s20], $0x2880  }
0x68: {  	s3 =	simm.s32 $0x2;
	v3 =	vshll.u32 v3, $0x3;
	v13 =	vshll.u32 v10, $0x3;
	v4 =	vor.u32 v1, v4;
	[sflag:s20] =	ssyncset.done $0x0  }
0x69: {  	v13 =	vor.u32 v0, v13;
	v2 =	vor.u32 v0, v3;
	v3 =	vmov s3;
	s3 =	simm.s32 $0x4;
	[sflag:s20] =	ssyncadd.s32 $0xFFFFD780  }
0x6a: {  	v15 =	vor.u32 v1, v13;
	v8 =	vmov s3;
	v9 =	vld.idx.msk [tilespmem:v5+s4+$0x0], $0xffff  }
0x6b: {  	v8 =	vshll.u32 v8, $0x3;
	v7 =	vld.idx.msk [tilespmem:v5+s0+$0x0], $0xffff  }
0x6c: {  	v8 =	vor.u32 v0, v8;
	v12 =	vld.idx.msk [tilespmem:v5+s31+$0x0], $0xffff  }
0x6d: {  	v17 =	vor.u32 v1, v8;
	v8 =	vld.idx.msk [tilespmem:v4+s4+$0x0], $0xffff  }
0x6e: {  	v19 =	vor.u32 v1, v2;
	v22 =	vld.idx.msk [tilespmem:v4+s0+$0x0], $0xffff  }
0x6f: {  	v3 =	vshll.u32 v3, $0x3;
	v25 =	vld.idx.msk [tilespmem:v15+s0+$0x0], $0xffff  }
0x70: {  	s28 =	simm.s32 $0xA;
	v3 =	vor.u32 v0, v3;
	v28 =	vld.idx.msk [tilespmem:v4+s31+$0x0], $0xffff  }
0x71: {  	v2 =	vmov s28;
	v3 =	vor.u32 v1, v3;
	v16 =	vld.idx.msk [tilespmem:v15+s4+$0x0], $0xffff  }
0x72: {  	v2 =	vshll.u32 v2, $0x3;
	v29 =	vld.idx.msk [tilespmem:v15+s31+$0x0], $0xffff  }
0x73: {  	v2 =	vor.u32 v0, v2;
	v6 =	vld.idx.msk [tilespmem:v19+s0+$0x0], $0xffff  }
0x74: {  	v2 =	vor.u32 v1, v2;
	v11 =	vld.idx.msk [tilespmem:v19+s31+$0x0], $0xffff  }
0x75: {  	v38 =	vld.idx.msk [tilespmem:v19+s4+$0x0], $0xffff  }
0x76: {  	s21 =	simm.s32 $0xE;
	v20 =	vld.idx.msk [tilespmem:v3+s4+$0x0], $0xffff  }
0x77: {  	v13 =	vmov s21;
	v26 =	vld.idx.msk [tilespmem:v3+s0+$0x0], $0xffff  }
0x78: {  	v13 =	vshll.u32 v13, $0x3;
	v27 =	vld.idx.msk [tilespmem:v3+s31+$0x0], $0xffff  }
0x79: {  	s22 =	simm.s32 $0x16;
	v13 =	vor.u32 v0, v13;
	v10 =	vld.idx.msk [tilespmem:v2+s4+$0x0], $0xffff  }
0x7a: {  	s1 =	simm.s32 $0x12;
	s21 =	simm.s32 $0x1C;
	v14 =	vld.idx.msk [tilespmem:v2+s31+$0x0], $0xffff;
	v11 =	vmul.f32 v6, v11;
	v6 =	vor.u32 v1, v13;
	v13 =	vmov s22  }
0x7b: {  	v30 =	vmov s1;
	v32 =	vmov s21;
	v23 =	vld.idx.msk [tilespmem:v2+s0+$0x0], $0xffff;
	v13 =	vshll.u32 v13, $0x3  }
0x7c: {  	s28 =	simm.s32 $0x10;
	v32 =	vshll.u32 v32, $0x3;
	v24 =	vld.idx.msk [tilespmem:v17+s31+$0x0], $0xffff;
	v7 =	vmul.f32 v7, v12;
	v13 =	vor.u32 v0, v13  }
0x7d: {  	s3 =	simm.s32 $0x18;
	v18 =	vld.idx.msk [tilespmem:v17+s4+$0x0], $0xffff;
	v12 =	vmov s28;
	v11 =	vmul.f32 $1.442695020e+00, v11;
	v13 =	vor.u32 v1, v13  }
0x7e: {  	v33 =	vmov s3;
	v36 =	vor.u32 v0, v32;
	v31 =	vld.idx.msk [tilespmem:v17+s0+$0x0], $0xffff;
	v12 =	vshll.u32 v12, $0x3  }
0x7f: {  	v25 =	vmul.f32 v25, v29;
	(erf) = vpow2.f32 v11;
	v11 =	vor.u32 v0, v12;
	v21 =	vld.idx.msk [tilespmem:v6+s4+$0x0], $0xffff  }
0x80: {  	v14 =	vmul.f32 v23, v14;
	v23 =	vshll.u32 v30, $0x3;
	v12 =	vor.u32 v1, v11;
	v34 =	vld.idx.msk [tilespmem:v6+s31+$0x0], $0xffff  }
0x81: {  	s5 =	simm.s32 $0x1A;
	v29 =	vshll.u32 v33, $0x3;
	v30 =	vmul.f32 $1.442695020e+00, v7;
	v7 =	vor.u32 v0, v23;
	v37 =	vld.idx.msk [tilespmem:v6+s0+$0x0], $0xffff  }
0x82: {  	v22 =	vmul.f32 v22, v28;
	v11 =	vmov s5;
	v7 =	vor.u32 v1, v7;
	v23 =	vld.idx.msk [tilespmem:v13+s4+$0x0], $0xffff  }
0x83: {  	(erf) = vpow2.f32 v30;
	v30 =	vor.u32 v1, v36;
	v11 =	vshll.u32 v11, $0x3;
	v32 =	vld.idx.msk [tilespmem:v13+s0+$0x0], $0xffff  }
0x84: {  	s22 =	simm.s32 $0x14;
	v29 =	vor.u32 v0, v29;
	v25 =	vmul.f32 $1.442695020e+00, v25;
	v11 =	vor.u32 v0, v11;
	v36 =	vld.idx.msk [tilespmem:v13+s31+$0x0], $0xffff  }
0x85: {  	v35 =	vmov s22;
	v14 =	vmul.f32 $1.442695020e+00, v14;
	v11 =	vor.u32 v1, v11;
	v61 =	vld.idx.msk [tilespmem:v12+s0+$0x0], $0xffff  }
0x86: {  	v26 =	vmul.f32 v26, v27;
	v27 =	vshll.u32 v35, $0x3;
	(erf) = vpow2.f32 v25;
	v39 =	vld.idx.msk [tilespmem:v12+s31+$0x0], $0xffff  }
0x87: {  	v31 =	vmul.f32 v31, v24;
	v25 =	vor.u32 v0, v27;
	(erf) = vpow2.f32 v14;
	v14 =	vld.idx.msk [tilespmem:v7+s4+$0x0], $0xffff  }
0x88: {  	v22 =	vmul.f32 $1.442695020e+00, v22;
	v28 =	vor.u32 v1, v25;
	v25 =	vor.u32 v1, v29;
	v29 =	vld.idx.msk [tilespmem:v30+s4+$0x0], $0xffff  }
0x89: {  	v40 =	vmul.f32 $1.442695020e+00, v26;
	v31 =	vmul.f32 $1.442695020e+00, v31;
	v26 =	vld.idx.msk [tilespmem:v30+s0+$0x0], $0xffff  }
0x8a: {  	s28 =	simm.s32 $0x1E;
	v34 =	vmul.f32 v37, v34;
	v24 =	vld.idx.msk [tilespmem:v11+s4+$0x0], $0xffff;
	v27 =	vpop (erf);
	(erf) = vpow2.f32 v22  }
0x8b: {  	v62 =	vmov s28;
	v35 =	vld.idx.msk [tilespmem:v11+s31+$0x0], $0xffff;
	v38 =	vmul.f32 v27, v38;
	v22 =	vmul.f32 v61, v39  }
0x8c: {  	v37 =	vld.idx.msk [tilespmem:v11+s0+$0x0], $0xffff;
	[tilespmem:v19+s23+$0x0] =	vst.idx.msk $0xffff, v27;
	v27 =	vshll.u32 v62, $0x3  }
0x8d: {  	(erf) = vpow2.f32 v31;
	v31 =	vmul.f32 $1.442695020e+00, v34;
	v34 =	vld.idx.msk [tilespmem:v25+s0+$0x0], $0xffff;
	v63 =	vor.u32 v0, v27  }
0x8e: {  	v39 =	vpop (erf);
	(erf) = vpow2.f32 v40;
	v27 =	vld.idx.msk [tilespmem:v28+s31+$0x0], $0xffff;
	[tilespmem:v19+s24+$0x0] =	vst.idx.msk $0xffff, v38;
	v33 =	vor.u32 v1, v63  }
0x8f: {  	s2 =	simm.s32 $0x8;
	s3 =	simm.s32 $0x2E;
	[tilespmem:v5+s23+$0x0] =	vst.idx.msk $0xffff, v39;
	(erf) = vpow2.f32 v31;
	v19 =	vmovc v30;
	v40 =	vmul.f32 $1.442695020e+00, v22;
	v38 =	vmovc v15;
	v22 =	vmov v25  }
.LBB2_3:
0x90: {  	v32 =	vmul.f32 v32, v36;
	v36 =	vmul.f32 v39, v9;
	v39 =	vpop (erf);
	v9 =	vmov v23  }
0x91: {  	s22 =	sadd.s32 $0xFFFFFFF2, s3;
	s1 =	sadd.s32 $0xFFFFFFF4, s3;
	s21 =	sadd.s32 $0xFFFFFFF6, s3;
	v41 =	vld.idx.msk [tilespmem:v7+s0+$0x0], $0xffff;
	v31 =	vmovc v28;
	v23 =	vmovc v8;
	v8 =	vmov v29;
	v28 =	vmov v6;
	v6 =	vmov v33  }
0x92: {  	s28 =	sadd.s32 $0xFFFFFFFC, s3;
	v29 =	vmov s22;
	v33 =	vmov s1;
	s1 =	sadd.s32 $0xFFFFFFF8, s3;
	s22 =	sadd.s32 $0xFFFFFFFA, s3;
	v42 =	vld.idx.msk [tilespmem:v7+s31+$0x0], $0xffff;
	(erf) = vpow2.f32 v40;
	[tilespmem:v15+s23+$0x0] =	vst.idx.msk $0xffff, v39;
	v40 =	vpop (erf)  }
0x93: {  	s2 =	sadd.s32 $0x8, s2;
	v46 =	vmul.f32 v39, v16;
	v15 =	vmovc v25;
	v43 =	vmov s1;
	v44 =	vmov s22;
	s1 =	sadd.s32 $0xFFFFFFFE, s3;
	v45 =	vld.idx.msk [tilespmem:v30+s31+$0x0], $0xffff;
	[tilespmem:v5+s24+$0x0] =	vst.idx.msk $0xffff, v36;
	v5 =	vmovc v13  }
0x94: {  	p0 =	slt.u32 s2, $0x280;
	v25 =	vshll.u32 v29, $0x3;
	v29 =	vmul.f32 v40, v10;
	v10 =	vmovc v24;
	v13 =	vmov s1;
	v16 =	vld.idx.msk [tilespmem:v22+s4+$0x0], $0xffff;
	[tilespmem:v2+s23+$0x0] =	vst.idx.msk $0xffff, v40  }
0x95: {  	v24 =	vmov s21;
	v35 =	vmul.f32 v37, v35;
	v36 =	vshll.u32 v43, $0x3;
	v39 =	vld.idx.msk [tilespmem:v22+s31+$0x0], $0xffff;
	[tilespmem:v38+s24+$0x0] =	vst.idx.msk $0xffff, v46;
	v30 =	vpop (erf)  }
0x96: {  	v32 =	vmul.f32 $1.442695020e+00, v32;
	v36 =	vor.u32 v0, v36;
	v37 =	vshll.u32 v13, $0x3;
	v38 =	vld.idx.msk [tilespmem:v31+s4+$0x0], $0xffff;
	[tilespmem:v4+s23+$0x0] =	vst.idx.msk $0xffff, v30;
	v40 =	vpop (erf)  }
0x97: {  	v35 =	vmul.f32 $1.442695020e+00, v35;
	v13 =	vor.u32 v1, v36;
	v36 =	vshll.u32 v44, $0x3;
	v43 =	vld.idx.msk [tilespmem:v31+s0+$0x0], $0xffff;
	[tilespmem:v17+s23+$0x0] =	vst.idx.msk $0xffff, v40;
	v44 =	vpop (erf)  }
0x98: {  	v33 =	vshll.u32 v33, $0x3;
	v25 =	vor.u32 v0, v25;
	v46 =	vld.idx.msk [tilespmem:v6+s4+$0x0], $0xffff;
	(erf) = vpow2.f32 v32;
	[tilespmem:v3+s23+$0x0] =	vst.idx.msk $0xffff, v44  }
0x99: {  	v47 =	vor.u32 v1, v25;
	v25 =	vmov s28;
	v18 =	vmul.f32 v40, v18;
	v48 =	vld.idx.msk [tilespmem:v6+s31+$0x0], $0xffff;
	[tilespmem:v2+s24+$0x0] =	vst.idx.msk $0xffff, v29;
	v29 =	vpop (erf)  }
0x9a: {  	v25 =	vshll.u32 v25, $0x3;
	v37 =	vor.u32 v0, v37;
	v2 =	vmov v11;
	v40 =	vld.idx.msk [tilespmem:v6+s0+$0x0], $0xffff;
	[tilespmem:v28+s23+$0x0] =	vst.idx.msk $0xffff, v29  }
0x9b: {  	v50 =	vmul.f32 v30, v23;
	v11 =	vor.u32 v0, v25;
	v25 =	vmul.f32 v34, v39;
	v49 =	vld.idx.msk [tilespmem:v12+s4+$0x0], $0xffff;
	v34 =	vpop (erf)  }
0x9c: {  	v30 =	vor.u32 v0, v33;
	v20 =	vmul.f32 v44, v20;
	v11 =	vor.u32 v1, v11;
	v23 =	vld.idx.msk [tilespmem:v13+s4+$0x0], $0xffff  }
0x9d: {  	v33 =	vor.u32 v1, v30;
	v30 =	vor.u32 v1, v37;
	v21 =	vmul.f32 v29, v21;
	v32 =	vld.idx.msk [tilespmem:v13+s0+$0x0], $0xffff  }
0x9e: {  	v29 =	vor.u32 v0, v36;
	v44 =	vmul.f32 $1.442695020e+00, v25;
	v37 =	vld.idx.msk [tilespmem:v47+s0+$0x0], $0xffff;
	[tilespmem:v17+s24+$0x0] =	vst.idx.msk $0xffff, v18;
	v18 =	vmov v38  }
0x9f: {  	v26 =	vmul.f32 v26, v45;
	v25 =	vor.u32 v1, v29;
	v38 =	vmul.f32 v41, v42;
	v17 =	vld.idx.msk [tilespmem:v47+s31+$0x0], $0xffff  }
0xa0: {  	v24 =	vshll.u32 v24, $0x3;
	v27 =	vmul.f32 v43, v27;
	v36 =	vld.idx.msk [tilespmem:v13+s31+$0x0], $0xffff;
	(erf) = vpow2.f32 v44;
	[tilespmem:v28+s24+$0x0] =	vst.idx.msk $0xffff, v21  }
0xa1: {  	v26 =	vmul.f32 $1.442695020e+00, v26;
	v29 =	vor.u32 v0, v24;
	v24 =	vld.idx.msk [tilespmem:v11+s4+$0x0], $0xffff;
	v39 =	vpop (erf);
	(erf) = vpow2.f32 v35;
	[tilespmem:v3+s24+$0x0] =	vst.idx.msk $0xffff, v20  }
0xa2: {  	v28 =	vor.u32 v1, v29;
	v21 =	vmov v46;
	v20 =	vmul.f32 $1.442695020e+00, v27;
	v41 =	vld.idx.msk [tilespmem:v33+s4+$0x0], $0xffff;
	[tilespmem:v4+s24+$0x0] =	vst.idx.msk $0xffff, v50  }
0xa3: {  	v42 =	vmov s3;
	v27 =	vmul.f32 v34, v49;
	v29 =	vld.idx.msk [tilespmem:v30+s4+$0x0], $0xffff;
	[tilespmem:v12+s23+$0x0] =	vst.idx.msk $0xffff, v34;
	v34 =	vmul.f32 v40, v48  }
.Ltmp2:
0xa4: {  	v43 =	vmul.f32 $1.442695020e+00, v38;
	v3 =	vmovc v7;
	v7 =	vmovc v33;
	v40 =	vshll.u32 v42, $0x3;
	v35 =	vld.idx.msk [tilespmem:v11+s31+$0x0], $0xffff;
	(erf) = vpow2.f32 v26;
	(pc) =	sbr.rel @p0 .LBB2_3-.Ltmp2, $4  }
0xa5: {  	v4 =	vmovc v19;
	v44 =	vmul.f32 v37, v17;
	v33 =	vor.u32 v0, v40;
	v26 =	vld.idx.msk [tilespmem:v30+s0+$0x0], $0xffff;
	(erf) = vpow2.f32 v20  }
0xa6: {  	v33 =	vor.u32 v1, v33;
	v42 =	vmul.f32 $1.442695020e+00, v34;
	v37 =	vld.idx.msk [tilespmem:v11+s0+$0x0], $0xffff;
	[tilespmem:v12+s24+$0x0] =	vst.idx.msk $0xffff, v27;
	(erf) = vpow2.f32 v43  }
0xa7: {  	v19 =	vmovc v30;
	v38 =	vmovc v22;
	v22 =	vmov v25;
	v20 =	vmov v14;
	v12 =	vmov v47;
	v27 =	vld.idx.msk [tilespmem:v28+s31+$0x0], $0xffff  }
0xa8: {  	s3 =	sadd.s32 $0x10, s3;
	v17 =	vmovc v31;
	v40 =	vmul.f32 $1.442695020e+00, v44;
	v14 =	vmov v41;
	v34 =	vld.idx.msk [tilespmem:v25+s0+$0x0], $0xffff;
	[tilespmem:v5+s23+$0x0] =	vst.idx.msk $0xffff, v39;
	(erf) = vpow2.f32 v42  }
0xa9: {  	_ =	sdelay $0x3  }
0xaa: {  	v31 =	vld.idx.msk [tilespmem:v22+s31+$0x0], $0xffff;
	v9 =	vmul.f32 v39, v9  }
0xab: {  	v47 =	vpop (erf)  }
0xac: {  	v32 =	vmul.f32 v32, v36;
	v46 =	vld.idx.msk [tilespmem:v7+s0+$0x0], $0xffff;
	v16 =	vmul.f32 v47, v16  }
0xad: {  	v48 =	vld.idx.msk [tilespmem:v7+s31+$0x0], $0xffff;
	(erf) = vpow2.f32 v40;
	[tilespmem:v15+s23+$0x0] =	vst.idx.msk $0xffff, v47;
	v15 =	vpop (erf);
	v35 =	vmul.f32 v37, v35  }
0xae: {  	v30 =	vld.idx.msk [tilespmem:v30+s31+$0x0], $0xffff;
	[tilespmem:v5+s24+$0x0] =	vst.idx.msk $0xffff, v9;
	v5 =	vmul.f32 v15, v10;
	v10 =	vmul.f32 $1.442695020e+00, v32;
	v9 =	vpop (erf)  }
0xaf: {  	v49 =	vld.idx.msk [tilespmem:v28+s0+$0x0], $0xffff;
	[tilespmem:v2+s23+$0x0] =	vst.idx.msk $0xffff, v15;
	v35 =	vmul.f32 $1.442695020e+00, v35;
	v15 =	vpop (erf);
	v31 =	vmul.f32 v34, v31  }
0xb0: {  	[tilespmem:v38+s24+$0x0] =	vst.idx.msk $0xffff, v16;
	(erf) = vpow2.f32 v10;
	v8 =	vmul.f32 v9, v8;
	v16 =	vpop (erf)  }
0xb1: {  	v51 =	vld.idx.msk [tilespmem:v33+s0+$0x0], $0xffff;
	[tilespmem:v4+s23+$0x0] =	vst.idx.msk $0xffff, v9;
	v18 =	vmul.f32 v15, v18;
	v9 =	vmul.f32 $1.442695020e+00, v31;
	v50 =	vpop (erf)  }
0xb2: {  	v10 =	vld.idx.msk [tilespmem:v33+s31+$0x0], $0xffff;
	[tilespmem:v17+s23+$0x0] =	vst.idx.msk $0xffff, v15;
	v15 =	vmul.f32 v16, v20;
	v20 =	vmul.f32 v50, v21  }
0xb3: {  	[tilespmem:v3+s23+$0x0] =	vst.idx.msk $0xffff, v16;
	v16 =	vld.idx.msk [tilespmem:v12+s4+$0x0], $0xffff;
	v21 =	vmul.f32 v26, v30;
	(erf) = vpow2.f32 v9  }
0xb4: {  	[tilespmem:v2+s24+$0x0] =	vst.idx.msk $0xffff, v5;
	v2 =	vmul.f32 v46, v48;
	v5 =	vmul.f32 v49, v27  }
0xb5: {  	[tilespmem:v4+s24+$0x0] =	vst.idx.msk $0xffff, v8;
	(erf) = vpow2.f32 v35;
	v9 =	vmul.f32 $1.442695020e+00, v21  }
0xb6: {  	v5 =	vmul.f32 $1.442695020e+00, v5;
	v2 =	vmul.f32 $1.442695020e+00, v2;
	[tilespmem:v17+s24+$0x0] =	vst.idx.msk $0xffff, v18  }
0xb7: {  	[tilespmem:v6+s23+$0x0] =	vst.idx.msk $0xffff, v50;
	v10 =	vmul.f32 v51, v10;
	v17 =	vpop (erf);
	(erf) = vpow2.f32 v9  }
0xb8: {  	[tilespmem:v3+s24+$0x0] =	vst.idx.msk $0xffff, v15;
	v3 =	vmul.f32 v17, v16;
	(erf) = vpow2.f32 v5;
	v5 =	vld.idx.msk [tilespmem:v22+s4+$0x0], $0xffff  }
0xb9: {  	[tilespmem:v6+s24+$0x0] =	vst.idx.msk $0xffff, v20  }
0xba: {  	v4 =	vmul.f32 $1.442695020e+00, v10;
	[tilespmem:v12+s23+$0x0] =	vst.idx.msk $0xffff, v17;
	(erf) = vpow2.f32 v2;
	v2 =	vpop (erf)  }
0xbb: {  	[tilespmem:v13+s23+$0x0] =	vst.idx.msk $0xffff, v2;
	v2 =	vmul.f32 v2, v23  }
0xbc: {  	[tilespmem:v12+s24+$0x0] =	vst.idx.msk $0xffff, v3;
	(erf) = vpow2.f32 v4;
	v3 =	vpop (erf)  }
0xbd: {  	[tilespmem:v13+s24+$0x0] =	vst.idx.msk $0xffff, v2;
	v2 =	vmul.f32 v3, v5  }
0xbe: {  	[tilespmem:v25+s23+$0x0] =	vst.idx.msk $0xffff, v3;
	v4 =	vpop (erf)  }
0xbf: {  	[tilespmem:v11+s23+$0x0] =	vst.idx.msk $0xffff, v4;
	v4 =	vmul.f32 v4, v24  }
0xc0: {  	v3 =	vld.idx.msk [tilespmem:v28+s4+$0x0], $0xffff;
	[tilespmem:v22+s24+$0x0] =	vst.idx.msk $0xffff, v2  }
0xc1: {  	v5 =	vld.idx.msk [tilespmem:v33+s4+$0x0], $0xffff;
	[tilespmem:v11+s24+$0x0] =	vst.idx.msk $0xffff, v4;
	v2 =	vpop (erf)  }
0xc2: {  	[tilespmem:v19+s23+$0x0] =	vst.idx.msk $0xffff, v2;
	v6 =	vpop (erf)  }
0xc3: {  	v2 =	vmul.f32 v2, v29;
	[tilespmem:v28+s23+$0x0] =	vst.idx.msk $0xffff, v6;
	v8 =	vpop (erf)  }
0xc4: {  	[tilespmem:v7+s23+$0x0] =	vst.idx.msk $0xffff, v8  }
0xc5: {  	v3 =	vmul.f32 v6, v3;
	v4 =	vpop (erf);
	[tilespmem:v19+s24+$0x0] =	vst.idx.msk $0xffff, v2  }
0xc6: {  	[tilespmem:v33+s23+$0x0] =	vst.idx.msk $0xffff, v4;
	v4 =	vmul.f32 v4, v5  }
0xc7: {  	v5 =	vmul.f32 v8, v14;
	[tilespmem:v28+s24+$0x0] =	vst.idx.msk $0xffff, v3  }
0xc8: {  	[tilespmem:v33+s24+$0x0] =	vst.idx.msk $0xffff, v4  }
0xc9: {  	s1 =	rddreg [dreg:$0x2];
	s3 =	simm.s32 $0xA20;
	[tilespmem:v7+s24+$0x0] =	vst.idx.msk $0xffff, v5  }
0xca: {  	[spmem:s1] =	stream.indirect.scatter.add.f32 [tilespmem:s23], [sflag:$0x7], $0x8, s3, s30, $0xb8;
	[tilespmem:$0x18980] =	vst v63  }
0xcb: {  	_ =	swait.ge [sflag:s26], $0x2880  }
0xcc: {  	[sflag:s26] =	ssyncset.done $0x0  }
0xcd: {  	[sflag:s26] =	ssyncadd.s32 $0xFFFFD780  }
0xce: {  	p0 =	seq.s32 s13, $0x3;
	s2 =	rddreg [dreg:$0x3]  }
0xcf: {  	[spmem:s2] =	stream.indirect.scatter.add.f32 [tilespmem:s24], [sflag:$0x7], $0x8, s3, s30, $0xb8;
	[tilespmem:$0x18980] =	vst v63  }
0xd0: {  	s1 =	smul.u32 @!p0 $0xA20, s13;
	_ =	swait.ge [sflag:s26], $0x2880  }
0xd1: {  	s2 =	rddreg [dreg:$0xf]  }
0xd2: {  	s1 =	sadd.s32 @!p0 s1, s2  }
0xd3: {  	[sflag:s26] =	ssyncset.done $0x0;
	s1 =	sshrl.u32 @!p0 s1, $0x3  }
0xd4: {  	s3 =	simm.s32 @!p0 $0x0;
	[sflag:s26] =	ssyncadd.s32 $0xFFFFD780;
	s2 =	sadd.s32 @!p0 s8, s1  }
0xd5: {  	[tilespmem:s3], [sflag:$0x7] =	stream.linear.gather @!p0 [hbm4b:s2+s3], $0x510, $0x38;
	[tilespmem:$0x18980] =	vst v63  }
0xd6: {  	s2 =	simm.s32 @!p0 $0x7  }
0xd7: {  	_ =	swait.ge @!p0 [sflag:s2], $0x510  }
0xd8: {  	[sflag:s2] =	ssyncset.done @!p0 $0x0  }
0xd9: {  	s22 =	simm.s32 @!p0 $0xA20;
	s21 =	sadd.s32 @!p0 s9, s1;
	[sflag:s2] =	ssyncadd.s32 @!p0 $0xFFFFFAF0  }
0xda: {  	[tilespmem:s22], [sflag:$0x7] =	stream.linear.gather @!p0 [hbm4b:s21+s3], $0x510, $0x38;
	[tilespmem:$0x18980] =	vst v63  }
0xdb: {  	_ =	swait.ge @!p0 [sflag:s2], $0x510  }
0xdc: {  	[sflag:s2] =	ssyncset.done @!p0 $0x0  }
0xdd: {  	s1 =	sadd.s32 @!p0 s10, s1;
	s21 =	simm.s32 @!p0 $0x1440;
	[sflag:s2] =	ssyncadd.s32 @!p0 $0xFFFFFAF0  }
0xde: {  	[tilespmem:s21], [sflag:$0x7] =	stream.linear.gather @!p0 [hbm4b:s1+s3], $0x510, $0x38;
	[tilespmem:$0x18980] =	vst v63  }
0xdf: {  	_ =	swait.ge @!p0 [sflag:s2], $0x510  }
0xe0: {  	[sflag:s2] =	ssyncset.done @!p0 $0x0  }
0xe1: {  	[sflag:s2] =	ssyncadd.s32 @!p0 $0xFFFFFAF0  }
0xe2: {  	s1 =	simm.s32 @!p0 $0x510;
	s2 =	simm.s32 @!p0 $0x1E60;
	s22 =	rddreg [dreg:$0x0]  }
0xe3: {  	[tilespmem:s2], [sflag:$0x1] =	stream.indirect.gather @!p0 [hbm4b:s22+s1], $0x8, s3, s1, $0xb8;
	[tilespmem:$0x18980] =	vst v63  }
0xe4: {  	s2 =	simm.s32 @!p0 $0x6F60  }
0xe5: {  	[tilespmem:s2], [sflag:$0x3] =	stream.indirect.gather @!p0 [hbm4b:s6+s1], $0x8, s21, s1, $0xb8;
	[tilespmem:$0x18980] =	vst v63  }
0xe6: {  	s2 =	simm.s32 @!p0 $0xC060  }
0xe7: {  	[tilespmem:s2], [sflag:$0x5] =	stream.indirect.gather @!p0 [hbm4b:s7+s1], $0x8, s21, s1, $0xb8;
	[tilespmem:$0x18980] =	vst v63  }
0xe8: {  	s22 =	simm.s32 $0x6;
	_ =	swait.ge [sflag:s25], $0x2880  }
0xe9: {  	v2 =	vmov s22;
	[sflag:s25] =	ssyncset.done $0x0  }
0xea: {  	s28 =	simm.s32 $0x0;
	v2 =	vshll.u32 v2, $0x3;
	[sflag:s25] =	ssyncadd.s32 $0xFFFFD780  }
0xeb: {  	v3 =	vmov s28;
	v2 =	vor.u32 v0, v2;
	_ =	swait.ge [sflag:s29], $0x2880  }
0xec: {  	v3 =	vshll.u32 v3, $0x3;
	v5 =	vor.u32 v1, v2;
	[sflag:s29] =	ssyncset.done $0x0  }
0xed: {  	s2 =	simm.s32 $0xA;
	v2 =	vor.u32 v0, v3;
	[sflag:s29] =	ssyncadd.s32 $0xFFFFD780  }
0xee: {  	s3 =	simm.s32 $0x2;
	v19 =	vor.u32 v1, v2;
	v2 =	vmov s2;
	_ =	swait.ge [sflag:s11], $0x2880  }
0xef: {  	v3 =	vmov s3;
	s21 =	simm.s32 $0xC;
	v2 =	vshll.u32 v2, $0x3;
	[sflag:s11] =	ssyncset.done $0x0  }
0xf0: {  	v4 =	vmov s21;
	v3 =	vshll.u32 v3, $0x3;
	v2 =	vor.u32 v0, v2;
	[sflag:s11] =	ssyncadd.s32 $0xFFFFD780  }
0xf1: {  	v4 =	vshll.u32 v4, $0x3;
	v3 =	vor.u32 v0, v3;
	v2 =	vor.u32 v1, v2;
	v9 =	vld.idx.msk [tilespmem:v5+s17+$0x0], $0xffff  }
0xf2: {  	v4 =	vor.u32 v0, v4;
	v3 =	vor.u32 v1, v3;
	v7 =	vld.idx.msk [tilespmem:v5+s16+$0x0], $0xffff  }
0xf3: {  	s22 =	simm.s32 $0x4;
	v4 =	vor.u32 v1, v4;
	v6 =	vld.idx.msk [tilespmem:v19+s16+$0x0], $0xffff  }
0xf4: {  	s28 =	simm.s32 $0x8;
	v8 =	vmov s22;
	v11 =	vld.idx.msk [tilespmem:v19+s15+$0x0], $0xffff  }
0xf5: {  	v10 =	vmov s28;
	v8 =	vshll.u32 v8, $0x3;
	v12 =	vld.idx.msk [tilespmem:v5+s15+$0x0], $0xffff  }
0xf6: {  	v13 =	vshll.u32 v10, $0x3;
	v8 =	vor.u32 v0, v8;
	v10 =	vld.idx.msk [tilespmem:v2+s17+$0x0], $0xffff  }
0xf7: {  	v13 =	vor.u32 v0, v13;
	v17 =	vor.u32 v1, v8;
	v20 =	vld.idx.msk [tilespmem:v3+s17+$0x0], $0xffff  }
0xf8: {  	v15 =	vor.u32 v1, v13;
	v8 =	vld.idx.msk [tilespmem:v4+s17+$0x0], $0xffff  }
0xf9: {  	v14 =	vld.idx.msk [tilespmem:v2+s15+$0x0], $0xffff  }
0xfa: {  	v22 =	vld.idx.msk [tilespmem:v4+s16+$0x0], $0xffff  }
0xfb: {  	v23 =	vld.idx.msk [tilespmem:v2+s16+$0x0], $0xffff  }
0xfc: {  	v24 =	vld.idx.msk [tilespmem:v17+s15+$0x0], $0xffff  }
0xfd: {  	s3 =	simm.s32 $0xE;
	v25 =	vld.idx.msk [tilespmem:v15+s16+$0x0], $0xffff  }
0xfe: {  	v13 =	vmov s3;
	v26 =	vld.idx.msk [tilespmem:v3+s16+$0x0], $0xffff  }
0xff: {  	v13 =	vshll.u32 v13, $0x3;
	v27 =	vld.idx.msk [tilespmem:v3+s15+$0x0], $0xffff  }
0x100: {  	s21 =	simm.s32 $0x16;
	v13 =	vor.u32 v0, v13;
	v28 =	vld.idx.msk [tilespmem:v4+s15+$0x0], $0xffff  }
0x101: {  	s28 =	simm.s32 $0x12;
	s3 =	simm.s32 $0x1C;
	v16 =	vld.idx.msk [tilespmem:v15+s17+$0x0], $0xffff;
	v11 =	vmul.f32 v6, v11;
	v6 =	vor.u32 v1, v13;
	v13 =	vmov s21  }
0x102: {  	v30 =	vmov s28;
	s22 =	simm.s32 $0x10;
	v53 =	vmov s3;
	v29 =	vld.idx.msk [tilespmem:v15+s15+$0x0], $0xffff;
	v13 =	vshll.u32 v13, $0x3  }
0x103: {  	v18 =	vld.idx.msk [tilespmem:v17+s17+$0x0], $0xffff;
	v7 =	vmul.f32 v7, v12;
	v12 =	vmov s22;
	v13 =	vor.u32 v0, v13  }
0x104: {  	s2 =	simm.s32 $0x18;
	v32 =	vshll.u32 v53, $0x3;
	v31 =	vld.idx.msk [tilespmem:v17+s16+$0x0], $0xffff;
	v12 =	vshll.u32 v12, $0x3;
	v13 =	vor.u32 v1, v13  }
0x105: {  	v52 =	vmov s2;
	v58 =	vor.u32 v0, v32;
	v57 =	vld.idx.msk [tilespmem:v19+s17+$0x0], $0xffff;
	v12 =	vor.u32 v0, v12  }
0x106: {  	v14 =	vmul.f32 v23, v14;
	v11 =	vmul.f32 $1.442695020e+00, v11;
	v12 =	vor.u32 v1, v12;
	v21 =	vld.idx.msk [tilespmem:v6+s17+$0x0], $0xffff  }
0x107: {  	v23 =	vshll.u32 v30, $0x3;
	v25 =	vmul.f32 v25, v29;
	v29 =	vshll.u32 v52, $0x3;
	v54 =	vld.idx.msk [tilespmem:v6+s15+$0x0], $0xffff  }
0x108: {  	s21 =	simm.s32 $0x1A;
	v30 =	vmul.f32 $1.442695020e+00, v7;
	v7 =	vor.u32 v0, v23;
	(erf) = vpow2.f32 v11;
	v56 =	vld.idx.msk [tilespmem:v6+s16+$0x0], $0xffff  }
0x109: {  	v26 =	vmul.f32 v26, v27;
	v7 =	vor.u32 v1, v7;
	v11 =	vmov s21;
	v23 =	vld.idx.msk [tilespmem:v13+s17+$0x0], $0xffff  }
0x10a: {  	v11 =	vshll.u32 v11, $0x3;
	(erf) = vpow2.f32 v30;
	v30 =	vor.u32 v1, v58;
	v32 =	vld.idx.msk [tilespmem:v13+s16+$0x0], $0xffff  }
0x10b: {  	s22 =	simm.s32 $0x14;
	v22 =	vmul.f32 v22, v28;
	v25 =	vmul.f32 $1.442695020e+00, v25;
	v11 =	vor.u32 v0, v11;
	v59 =	vld.idx.msk [tilespmem:v12+s16+$0x0], $0xffff  }
0x10c: {  	v55 =	vmov s22;
	v14 =	vmul.f32 $1.442695020e+00, v14;
	v11 =	vor.u32 v1, v11;
	v60 =	vld.idx.msk [tilespmem:v12+s15+$0x0], $0xffff  }
0x10d: {  	v31 =	vmul.f32 v31, v24;
	v27 =	vshll.u32 v55, $0x3;
	(erf) = vpow2.f32 v25;
	v36 =	vld.idx.msk [tilespmem:v13+s15+$0x0], $0xffff  }
0x10e: {  	v29 =	vor.u32 v0, v29;
	v25 =	vor.u32 v0, v27;
	(erf) = vpow2.f32 v14;
	v14 =	vld.idx.msk [tilespmem:v7+s17+$0x0], $0xffff  }
0x10f: {  	v22 =	vmul.f32 $1.442695020e+00, v22;
	v28 =	vor.u32 v1, v25;
	v25 =	vor.u32 v1, v29;
	v29 =	vld.idx.msk [tilespmem:v30+s17+$0x0], $0xffff  }
0x110: {  	v31 =	vmul.f32 $1.442695020e+00, v31;
	v61 =	vmul.f32 $1.442695020e+00, v26;
	v26 =	vld.idx.msk [tilespmem:v30+s16+$0x0], $0xffff  }
0x111: {  	(erf) = vpow2.f32 v22;
	v34 =	vmul.f32 v56, v54;
	v24 =	vld.idx.msk [tilespmem:v11+s17+$0x0], $0xffff;
	v27 =	vpop (erf)  }
0x112: {  	s28 =	simm.s32 $0x1E;
	v35 =	vld.idx.msk [tilespmem:v11+s15+$0x0], $0xffff;
	v22 =	vmul.f32 v59, v60;
	v38 =	vmul.f32 v27, v57  }
0x113: {  	v62 =	vmov s28;
	(erf) = vpow2.f32 v31;
	v37 =	vld.idx.msk [tilespmem:v11+s16+$0x0], $0xffff;
	v31 =	vmul.f32 $1.442695020e+00, v34  }
0x114: {  	v34 =	vld.idx.msk [tilespmem:v25+s16+$0x0], $0xffff;
	(erf) = vpow2.f32 v61;
	[tilespmem:v19+s23+$0x0] =	vst.idx.msk $0xffff, v27;
	v27 =	vshll.u32 v62, $0x3;
	v39 =	vpop (erf)  }
0x115: {  	(erf) = vpow2.f32 v31;
	v63 =	vor.u32 v0, v27;
	v27 =	vld.idx.msk [tilespmem:v28+s15+$0x0], $0xffff;
	v40 =	vmul.f32 $1.442695020e+00, v22;
	[tilespmem:v5+s23+$0x0] =	vst.idx.msk $0xffff, v39  }
0x116: {  	s5 =	simm.s32 $0xA20;
	s2 =	simm.s32 $0x8;
	s3 =	simm.s32 $0x2E;
	[tilespmem:v19+s24+$0x0] =	vst.idx.msk $0xffff, v38;
	v33 =	vor.u32 v1, v63;
	v19 =	vmovc v30;
	v22 =	vmov v25;
	v38 =	vmov v15  }
.LBB2_5:
0x117: {  	v32 =	vmul.f32 v32, v36;
	v36 =	vmul.f32 v39, v9;
	v39 =	vpop (erf);
	v9 =	vmov v23  }
0x118: {  	s1 =	sadd.s32 $0xFFFFFFF2, s3;
	s21 =	sadd.s32 $0xFFFFFFF4, s3;
	s22 =	sadd.s32 $0xFFFFFFF6, s3;
	v41 =	vld.idx.msk [tilespmem:v7+s16+$0x0], $0xffff;
	v31 =	vmovc v28;
	v23 =	vmovc v8;
	v8 =	vmov v29;
	v28 =	vmov v6;
	v6 =	vmov v33  }
0x119: {  	s28 =	sadd.s32 $0xFFFFFFFC, s3;
	v29 =	vmov s1;
	v33 =	vmov s21;
	s1 =	sadd.s32 $0xFFFFFFF8, s3;
	s21 =	sadd.s32 $0xFFFFFFFA, s3;
	v42 =	vld.idx.msk [tilespmem:v7+s15+$0x0], $0xffff;
	(erf) = vpow2.f32 v40;
	[tilespmem:v15+s23+$0x0] =	vst.idx.msk $0xffff, v39;
	v40 =	vpop (erf)  }
0x11a: {  	s2 =	sadd.s32 $0x8, s2;
	v46 =	vmul.f32 v39, v16;
	v15 =	vmovc v25;
	v43 =	vmov s1;
	v44 =	vmov s21;
	s1 =	sadd.s32 $0xFFFFFFFE, s3;
	v45 =	vld.idx.msk [tilespmem:v30+s15+$0x0], $0xffff;
	[tilespmem:v5+s24+$0x0] =	vst.idx.msk $0xffff, v36;
	v5 =	vmovc v13  }
0x11b: {  	p1 =	slt.u32 s2, $0x280;
	v25 =	vshll.u32 v29, $0x3;
	v29 =	vmul.f32 v40, v10;
	v10 =	vmovc v24;
	v13 =	vmov s1;
	v16 =	vld.idx.msk [tilespmem:v22+s17+$0x0], $0xffff;
	[tilespmem:v2+s23+$0x0] =	vst.idx.msk $0xffff, v40  }
0x11c: {  	v24 =	vmov s22;
	v35 =	vmul.f32 v37, v35;
	v36 =	vshll.u32 v43, $0x3;
	v39 =	vld.idx.msk [tilespmem:v22+s15+$0x0], $0xffff;
	[tilespmem:v38+s24+$0x0] =	vst.idx.msk $0xffff, v46;
	v30 =	vpop (erf)  }
0x11d: {  	v32 =	vmul.f32 $1.442695020e+00, v32;
	v36 =	vor.u32 v0, v36;
	v37 =	vshll.u32 v13, $0x3;
	v38 =	vld.idx.msk [tilespmem:v31+s17+$0x0], $0xffff;
	[tilespmem:v4+s23+$0x0] =	vst.idx.msk $0xffff, v30;
	v40 =	vpop (erf)  }
0x11e: {  	v35 =	vmul.f32 $1.442695020e+00, v35;
	v13 =	vor.u32 v1, v36;
	v36 =	vshll.u32 v44, $0x3;
	v43 =	vld.idx.msk [tilespmem:v31+s16+$0x0], $0xffff;
	[tilespmem:v17+s23+$0x0] =	vst.idx.msk $0xffff, v40;
	v44 =	vpop (erf)  }
0x11f: {  	v33 =	vshll.u32 v33, $0x3;
	v25 =	vor.u32 v0, v25;
	v46 =	vld.idx.msk [tilespmem:v6+s17+$0x0], $0xffff;
	(erf) = vpow2.f32 v32;
	[tilespmem:v3+s23+$0x0] =	vst.idx.msk $0xffff, v44  }
0x120: {  	v47 =	vor.u32 v1, v25;
	v25 =	vmov s28;
	v18 =	vmul.f32 v40, v18;
	v48 =	vld.idx.msk [tilespmem:v6+s15+$0x0], $0xffff;
	[tilespmem:v2+s24+$0x0] =	vst.idx.msk $0xffff, v29;
	v29 =	vpop (erf)  }
0x121: {  	v25 =	vshll.u32 v25, $0x3;
	v37 =	vor.u32 v0, v37;
	v2 =	vmov v11;
	v40 =	vld.idx.msk [tilespmem:v6+s16+$0x0], $0xffff;
	[tilespmem:v28+s23+$0x0] =	vst.idx.msk $0xffff, v29  }
0x122: {  	v50 =	vmul.f32 v30, v23;
	v11 =	vor.u32 v0, v25;
	v25 =	vmul.f32 v34, v39;
	v49 =	vld.idx.msk [tilespmem:v12+s17+$0x0], $0xffff;
	v34 =	vpop (erf)  }
0x123: {  	v30 =	vor.u32 v0, v33;
	v20 =	vmul.f32 v44, v20;
	v11 =	vor.u32 v1, v11;
	v23 =	vld.idx.msk [tilespmem:v13+s17+$0x0], $0xffff  }
0x124: {  	v33 =	vor.u32 v1, v30;
	v30 =	vor.u32 v1, v37;
	v21 =	vmul.f32 v29, v21;
	v32 =	vld.idx.msk [tilespmem:v13+s16+$0x0], $0xffff  }
0x125: {  	v29 =	vor.u32 v0, v36;
	v44 =	vmul.f32 $1.442695020e+00, v25;
	v37 =	vld.idx.msk [tilespmem:v47+s16+$0x0], $0xffff;
	[tilespmem:v17+s24+$0x0] =	vst.idx.msk $0xffff, v18;
	v18 =	vmov v38  }
0x126: {  	v26 =	vmul.f32 v26, v45;
	v25 =	vor.u32 v1, v29;
	v38 =	vmul.f32 v41, v42;
	v17 =	vld.idx.msk [tilespmem:v47+s15+$0x0], $0xffff  }
0x127: {  	v24 =	vshll.u32 v24, $0x3;
	v27 =	vmul.f32 v43, v27;
	v36 =	vld.idx.msk [tilespmem:v13+s15+$0x0], $0xffff;
	(erf) = vpow2.f32 v44;
	[tilespmem:v28+s24+$0x0] =	vst.idx.msk $0xffff, v21  }
0x128: {  	v26 =	vmul.f32 $1.442695020e+00, v26;
	v29 =	vor.u32 v0, v24;
	v24 =	vld.idx.msk [tilespmem:v11+s17+$0x0], $0xffff;
	v39 =	vpop (erf);
	(erf) = vpow2.f32 v35;
	[tilespmem:v3+s24+$0x0] =	vst.idx.msk $0xffff, v20  }
0x129: {  	v28 =	vor.u32 v1, v29;
	v21 =	vmov v46;
	v20 =	vmul.f32 $1.442695020e+00, v27;
	v41 =	vld.idx.msk [tilespmem:v33+s17+$0x0], $0xffff;
	[tilespmem:v4+s24+$0x0] =	vst.idx.msk $0xffff, v50  }
0x12a: {  	v42 =	vmov s3;
	v27 =	vmul.f32 v34, v49;
	v29 =	vld.idx.msk [tilespmem:v30+s17+$0x0], $0xffff;
	[tilespmem:v12+s23+$0x0] =	vst.idx.msk $0xffff, v34;
	v34 =	vmul.f32 v40, v48  }
.Ltmp3:
0x12b: {  	v43 =	vmul.f32 $1.442695020e+00, v38;
	v3 =	vmovc v7;
	v7 =	vmovc v33;
	v40 =	vshll.u32 v42, $0x3;
	v35 =	vld.idx.msk [tilespmem:v11+s15+$0x0], $0xffff;
	(erf) = vpow2.f32 v26;
	(pc) =	sbr.rel @p1 .LBB2_5-.Ltmp3, $4  }
0x12c: {  	v4 =	vmovc v19;
	v44 =	vmul.f32 v37, v17;
	v33 =	vor.u32 v0, v40;
	v26 =	vld.idx.msk [tilespmem:v30+s16+$0x0], $0xffff;
	(erf) = vpow2.f32 v20  }
0x12d: {  	v33 =	vor.u32 v1, v33;
	v42 =	vmul.f32 $1.442695020e+00, v34;
	v37 =	vld.idx.msk [tilespmem:v11+s16+$0x0], $0xffff;
	[tilespmem:v12+s24+$0x0] =	vst.idx.msk $0xffff, v27;
	(erf) = vpow2.f32 v43  }
0x12e: {  	v19 =	vmovc v30;
	v38 =	vmovc v22;
	v22 =	vmov v25;
	v20 =	vmov v14;
	v12 =	vmov v47;
	v27 =	vld.idx.msk [tilespmem:v28+s15+$0x0], $0xffff  }
0x12f: {  	s3 =	sadd.s32 $0x10, s3;
	v17 =	vmovc v31;
	v40 =	vmul.f32 $1.442695020e+00, v44;
	v14 =	vmov v41;
	v34 =	vld.idx.msk [tilespmem:v25+s16+$0x0], $0xffff;
	[tilespmem:v5+s23+$0x0] =	vst.idx.msk $0xffff, v39;
	(erf) = vpow2.f32 v42  }
0x130: {  	_ =	sdelay $0x3  }
0x131: {  	v31 =	vld.idx.msk [tilespmem:v22+s15+$0x0], $0xffff  }
0x132: {  	v58 =	vld.idx.msk [tilespmem:v7+s16+$0x0], $0xffff  }
0x133: {  	v60 =	vld.idx.msk [tilespmem:v7+s15+$0x0], $0xffff  }
0x134: {  	v32 =	vmul.f32 v32, v36;
	v9 =	vmul.f32 v39, v9;
	v59 =	vpop (erf);
	v30 =	vld.idx.msk [tilespmem:v30+s15+$0x0], $0xffff  }
0x135: {  	v43 =	vld.idx.msk [tilespmem:v28+s16+$0x0], $0xffff;
	(erf) = vpow2.f32 v40;
	[tilespmem:v15+s23+$0x0] =	vst.idx.msk $0xffff, v59;
	v16 =	vmul.f32 v59, v16  }
0x136: {  	v45 =	vld.idx.msk [tilespmem:v33+s15+$0x0], $0xffff;
	v61 =	vpop (erf);
	v35 =	vmul.f32 v37, v35;
	[tilespmem:v5+s24+$0x0] =	vst.idx.msk $0xffff, v9;
	v41 =	vmul.f32 $1.442695020e+00, v32  }
0x137: {  	v47 =	vld.idx.msk [tilespmem:v33+s16+$0x0], $0xffff;
	v62 =	vmul.f32 v61, v10;
	[tilespmem:v2+s23+$0x0] =	vst.idx.msk $0xffff, v61;
	v31 =	vmul.f32 v34, v31  }
0x138: {  	[tilespmem:v38+s24+$0x0] =	vst.idx.msk $0xffff, v16;
	v63 =	vpop (erf);
	v35 =	vmul.f32 $1.442695020e+00, v35;
	(erf) = vpow2.f32 v41  }
0x139: {  	[tilespmem:v2+s24+$0x0] =	vst.idx.msk $0xffff, v62;
	v8 =	vmul.f32 v63, v8;
	v48 =	vmul.f32 $1.442695020e+00, v31  }
0x13a: {  	v42 =	vpop (erf);
	[tilespmem:v4+s23+$0x0] =	vst.idx.msk $0xffff, v63;
	v52 =	vmul.f32 v26, v30;
	v2 =	vmul.f32 v58, v60  }
0x13b: {  	v51 =	vld.idx.msk [tilespmem:v12+s17+$0x0], $0xffff;
	v53 =	vmul.f32 v43, v27;
	v44 =	vpop (erf);
	[tilespmem:v17+s23+$0x0] =	vst.idx.msk $0xffff, v42;
	(erf) = vpow2.f32 v48  }
0x13c: {  	v10 =	vmul.f32 v47, v45;
	v18 =	vmul.f32 v42, v18;
	[tilespmem:v3+s23+$0x0] =	vst.idx.msk $0xffff, v44  }
0x13d: {  	v49 =	vmul.f32 v44, v20;
	[tilespmem:v4+s24+$0x0] =	vst.idx.msk $0xffff, v8;
	(erf) = vpow2.f32 v35  }
0x13e: {  	v54 =	vmul.f32 $1.442695020e+00, v52;
	v2 =	vmul.f32 $1.442695020e+00, v2;
	v46 =	vpop (erf);
	[tilespmem:v17+s24+$0x0] =	vst.idx.msk $0xffff, v18  }
0x13f: {  	v5 =	vmul.f32 $1.442695020e+00, v53;
	v50 =	vmul.f32 v46, v21;
	[tilespmem:v6+s23+$0x0] =	vst.idx.msk $0xffff, v46;
	v55 =	vpop (erf)  }
0x140: {  	v56 =	vld.idx.msk [tilespmem:v22+s17+$0x0], $0xffff;
	[tilespmem:v3+s24+$0x0] =	vst.idx.msk $0xffff, v49;
	(erf) = vpow2.f32 v54;
	v3 =	vmul.f32 v55, v51  }
0x141: {  	[tilespmem:v6+s24+$0x0] =	vst.idx.msk $0xffff, v50;
	(erf) = vpow2.f32 v5  }
0x142: {  	v57 =	vmul.f32 $1.442695020e+00, v10;
	[tilespmem:v12+s23+$0x0] =	vst.idx.msk $0xffff, v55;
	(erf) = vpow2.f32 v2;
	v2 =	vpop (erf)  }
0x143: {  	[tilespmem:v13+s23+$0x0] =	vst.idx.msk $0xffff, v2;
	v2 =	vmul.f32 v2, v23  }
0x144: {  	[tilespmem:v12+s24+$0x0] =	vst.idx.msk $0xffff, v3;
	(erf) = vpow2.f32 v57;
	v3 =	vpop (erf)  }
0x145: {  	[tilespmem:v13+s24+$0x0] =	vst.idx.msk $0xffff, v2;
	v2 =	vmul.f32 v3, v56  }
0x146: {  	[tilespmem:v25+s23+$0x0] =	vst.idx.msk $0xffff, v3;
	v58 =	vpop (erf)  }
0x147: {  	[tilespmem:v11+s23+$0x0] =	vst.idx.msk $0xffff, v58;
	v4 =	vmul.f32 v58, v24  }
0x148: {  	v3 =	vld.idx.msk [tilespmem:v28+s17+$0x0], $0xffff;
	[tilespmem:v22+s24+$0x0] =	vst.idx.msk $0xffff, v2  }
0x149: {  	[tilespmem:v11+s24+$0x0] =	vst.idx.msk $0xffff, v4;
	v2 =	vpop (erf)  }
0x14a: {  	v59 =	vld.idx.msk [tilespmem:v33+s17+$0x0], $0xffff;
	[tilespmem:v19+s23+$0x0] =	vst.idx.msk $0xffff, v2;
	v60 =	vpop (erf)  }
0x14b: {  	v2 =	vmul.f32 v2, v29;
	[tilespmem:v28+s23+$0x0] =	vst.idx.msk $0xffff, v60;
	v61 =	vpop (erf)  }
0x14c: {  	[tilespmem:v7+s23+$0x0] =	vst.idx.msk $0xffff, v61  }
0x14d: {  	v3 =	vmul.f32 v60, v3;
	v62 =	vpop (erf);
	[tilespmem:v19+s24+$0x0] =	vst.idx.msk $0xffff, v2  }
0x14e: {  	v63 =	vmul.f32 v61, v14;
	[tilespmem:v33+s23+$0x0] =	vst.idx.msk $0xffff, v62  }
0x14f: {  	v4 =	vmul.f32 v62, v59;
	[tilespmem:v28+s24+$0x0] =	vst.idx.msk $0xffff, v3  }
0x150: {  	[tilespmem:v7+s24+$0x0] =	vst.idx.msk $0xffff, v63  }
0x151: {  	s1 =	rddreg [dreg:$0x2];
	[tilespmem:v33+s24+$0x0] =	vst.idx.msk $0xffff, v4  }
0x152: {  	[spmem:s1] =	stream.indirect.scatter.add.f32 [tilespmem:s23], [sflag:$0x7], $0x8, s12, s30, $0xb8;
	[tilespmem:$0x18980] =	vst v63  }
0x153: {  	_ =	swait.ge [sflag:s26], $0x2880  }
0x154: {  	[sflag:s26] =	ssyncset.done $0x0  }
0x155: {  	[sflag:s26] =	ssyncadd.s32 $0xFFFFD780  }
.Ltmp4:
0x156: {  	s28 =	rddreg [dreg:$0x3];
	(pc) =	sbr.rel @p0 .LBB2_8-.Ltmp4, $4  }
0x157: {  	[spmem:s28] =	stream.indirect.scatter.add.f32 [tilespmem:s24], [sflag:$0x7], $0x8, s12, s30, $0xb8;
	[tilespmem:$0x18980] =	vst v63  }
0x158: {  	_ =	swait.ge [sflag:s26], $0x2880  }
0x159: {  	[sflag:s26] =	ssyncset.done $0x0  }
0x15a: {  	[sflag:s26] =	ssyncadd.s32 $0xFFFFD780  }
0x15b: {  	s1 =	smul.u32 $0xA20, s13  }
0x15c: {  	s2 =	rddreg [dreg:$0x10]  }
0x15d: {  	s1 =	sadd.s32 s1, s2  }
0x15e: {  	s1 =	sshrl.u32 s1, $0x3  }
0x15f: {  	s3 =	simm.s32 $0x0;
	s21 =	sadd.s32 s8, s1  }
0x160: {  	[tilespmem:s30], [sflag:$0x7] =	stream.linear.gather [hbm4b:s21+s3], $0x510, $0x38;
	[tilespmem:$0x18980] =	vst v63  }
0x161: {  	_ =	swait.ge [sflag:s26], $0x510  }
0x162: {  	[sflag:s26] =	ssyncset.done $0x0  }
0x163: {  	s22 =	sadd.s32 s9, s1;
	[sflag:s26] =	ssyncadd.s32 $0xFFFFFAF0  }
0x164: {  	[tilespmem:s12], [sflag:$0x7] =	stream.linear.gather [hbm4b:s22+s3], $0x510, $0x38;
	[tilespmem:$0x18980] =	vst v63  }
0x165: {  	_ =	swait.ge [sflag:s26], $0x510  }
0x166: {  	[sflag:s26] =	ssyncset.done $0x0  }
0x167: {  	s1 =	sadd.s32 s10, s1;
	[sflag:s26] =	ssyncadd.s32 $0xFFFFFAF0  }
0x168: {  	[tilespmem:s14], [sflag:$0x7] =	stream.linear.gather [hbm4b:s1+s3], $0x510, $0x38;
	[tilespmem:$0x18980] =	vst v63  }
0x169: {  	_ =	swait.ge [sflag:s26], $0x510  }
0x16a: {  	[sflag:s26] =	ssyncset.done $0x0  }
0x16b: {  	[sflag:s26] =	ssyncadd.s32 $0xFFFFFAF0  }
0x16c: {  	s28 =	rddreg [dreg:$0x0]  }
0x16d: {  	[tilespmem:s15], [sflag:$0x2] =	stream.indirect.gather [hbm4b:s28+s30], $0x8, s30, s30, $0xb8;
	[tilespmem:$0x18980] =	vst v63  }
.Ltmp5:
0x16e: {  	_ = 	snop;
	(pc) =	sbr.rel .LBB2_2-.Ltmp5, $4  }
0x16f: {  	_ = 	snop  }
0x170: {  	[tilespmem:s16], [sflag:$0x4] =	stream.indirect.gather [hbm4b:s6+s30], $0x8, s14, s30, $0xb8;
	[tilespmem:$0x18980] =	vst v63  }
0x171: {  	s13 =	sadd.s32 $0x1, s13  }
0x172: {  	[tilespmem:s17], [sflag:$0x6] =	stream.indirect.gather [hbm4b:s7+s30], $0x8, s14, s30, $0xb8;
	[tilespmem:$0x18980] =	vst v63  }
.LBB2_9:
0x173: {  	_ =	sfence.sel $0x180000  }
0x174: {  	[bflag:$0x0] =	sbarrier.arrive $0xFFFF  }
0x175: {  	_ =	strace $0x9000004A  }
0x176: {  	s0 =	stileid.u32;
	[bflag:$0x2] =	sbarrier.arrive $0xFFFF  }
0x177: {  	p0 =	sne.s32 s0, $0x0;
	s0 =	rddreg [dreg:$0x4]  }
0x178: {  	s0 =	sadd.s32 @!p0 $0x100000, s0  }
0x179: {  	[sflag:s0] =	ssyncadd.tile.s32 @!p0 $0x1;
	_ =	shalt  }
.Lfunc_end2:
_tile_overlayer_lowered:
.L_overlay_start_2:
0x17a: {  	(tag) =	ssettag $0x2  }
0x17b: {  	s0 =	rddreg [dreg:$0x0];
	s2 =	stileid.u32  }
0x17c: {  	s1 =	rddreg [dreg:$0x1];
	p0 =	sne.s32 s2, $0x0  }
0x17d: {  	s3 =	rddreg [dreg:$0x2];
	[bflag:$0x3] =	sbarrier.arrive $0xFFFF;
	s2 =	simm.s32 @!p0 $0x1C07  }
0x17e: {  	[timem:s3], [sflag:s2] =	dma.local @!p0 [hbm:s0], s1  }
0x17f: {  	s0 =	simm.s32 @!p0 $0x7  }
0x180: {  	_ =	swait.ge @!p0 [sflag:s0], s1  }
0x181: {  	s1 =	ssub.s32 @!p0 $0x0, s1;
	[sflag:s0] =	ssyncset.done @!p0 $0x0  }
0x182: {  	[sflag:s0] =	ssyncadd.s32 @!p0 s1  }
0x183: {  	[bflag:$0x3] =	sbarrier.arrive $0xFFFF  }
0x184: {  	_ =	shalt  }

// kernel: kernel.7.cloned.1.call-start
scs
__scs_entry_jumppad:
0x0: {  	(pc) =	sbr.rel $0x88, $3  }
0x1: {  	(tag) =	ssettag $0x0;
	lr =	simm.s32 $0x1  }
0x2: {  	[smem:$0x3F93] =	sst lr;
	_ =	strace $0xD0000000  }
0x3: {  	_ = 	snop  }
0x4: {  	_ = 	snop  }
0x5: {  	_ = 	snop  }
0x6: {  	_ = 	snop  }
0x7: {  	_ = 	snop  }
__scs_overlays_trampoline_lowered:
0x8: {  	[smem:$0x3FA2] =	sst s0  }
0x9: {  	[smem:$0x3FA3] =	sst s1  }
0xa: {  	[smem:$0x3FA4] =	sst s2  }
0xb: {  	[smem:$0x3FA5] =	sst s3  }
0xc: {  	[smem:$0x3FA6] =	sst s4  }
0xd: {  	[smem:$0x3FA7] =	sst s5  }
0xe: {  	[smem:$0x3FA8] =	sst s6  }
0xf: {  	[smem:$0x3FA9] =	sst s7  }
0x10: {  	[smem:$0x3FAA] =	sst s8  }
0x11: {  	[smem:$0x3FAB] =	sst s9;
	s0 =	simm.s32 @!p0 $0x0  }
0x12: {  	s1 =	sld [smem:$0x3F91];
	s0 =	simm.s32 @p0 $0x1  }
0x13: {  	[smem:$0x3FAC] =	sst s0;
	s0 =	simm.s32 @!p1 $0x0  }
0x14: {  	s2 =	sld [smem:$0x3F90];
	s0 =	simm.s32 @p1 $0x1  }
0x15: {  	[smem:$0x3FAD] =	sst s0;
	s0 =	simm.s32 @!p2 $0x0  }
0x16: {  	s3 =	sld [smem:$0x3FDB];
	s0 =	simm.s32 @p2 $0x1  }
0x17: {  	s4 =	simm.s32 $0x1BF5;
	[smem:$0x3FAF] =	sst s0  }
0x18: {  	s0 =	sld [smem:$0x3F92];
	_ =	swait.ge [sflag:s4], $0x0  }
0x19: {  	s7 =	sld [smem:$0x3F93]  }
0x1a: {  	s8 =	sadd.s32 $0xFFFFE003, lr  }
0x1b: {  	s9 =	sadd.s32 $0xFFFFFEF7, lr;
	s5 =	simm.s32 $0xFFFFFFFF;
	p2 =	slt.u32 s8, $0xFFFFF086  }
0x1c: {  	p1 =	slt.u32 s9, $0xF7A;
	s5 =	simm.s32 @!p2 $0x0  }
0x1d: {  	s5 =	simm.s32 @p1 $0x1;
	p0 =	seq.s32 s7, s2  }
0x1e: {  	s7 =	smul.u32 @!p0 $0xF7A, s2;
	p2 =	seq.s32 @!p0 s5, $0x0  }
0x1f: {  	s9 =	smul.u32 $0xF7A, s1;
	s8 =	simm.s32 @!p0 $0x1BF5;
	p2 =	por !p2, p0  }
0x20: {  	[sflag:s8] =	ssyncset.s32 @!p0 $0xFFFFF086;
	s6 =	sadd.s32 @!p0 s3, s7;
	s7 =	simm.s32 @!p0 $0x108  }
0x21: {  	s3 =	sadd.s32 s3, s9;
	s6 =	sadd.s32 @!p0 $0x88, s6;
	s7 =	simm.s32 @p2 $0x1082  }
0x22: {  	[simem:s7], [sflag:s8] =	dma.local @!p0 [hbm:s6], $0xF7A  }
0x23: {  	s9 =	sor.u32 $0xD0000000, s2;
	s6 =	simm.s32 $0x108;
	_ =	swait.ge @!p0 [sflag:s8], $0x0  }
0x24: {  	s3 =	sadd.s32 $0x88, s3;
	s6 =	simm.s32 @!p1 $0x1082;
	[sflag:s4] =	ssyncset.s32 $0xFFFFF086  }
0x25: {  	[simem:s6], [sflag:s4] =	dma.local [hbm:s3], $0xF7A  }
0x26: {  	[smem:$0x3F93] =	sst s1;
	(tag) =	ssettag s2;
	_ =	strace s9  }
0x27: {  	s1 =	sld [smem:$0x3FA3]  }
0x28: {  	s2 =	sld [smem:$0x3FA4]  }
0x29: {  	s4 =	sld [smem:$0x3FA6]  }
0x2a: {  	p0 =	seq.s32 s5, $0x0;
	s5 =	sld [smem:$0x3FA7]  }
0x2b: {  	s6 =	sld [smem:$0x3FA8]  }
0x2c: {  	s7 =	sld [smem:$0x3FA9]  }
0x2d: {  	s3 =	simm.s32 $0x108;
	s8 =	sld [smem:$0x3FAA]  }
0x2e: {  	s3 =	simm.s32 @!p0 $0x1082;
	s9 =	sld [smem:$0x3FAB]  }
0x2f: {  	lr =	sadd.s32 s0, s3;
	s0 =	sld [smem:$0x3FA2]  }
0x30: {  	s3 =	sld [smem:$0x3FA5]  }
0x31: {  	[smem:$0x3FAE] =	sst s10  }
0x32: {  	s10 =	sld [smem:$0x3FAC];
	_ =	sdelay $0x3  }
0x33: {  	p0 =	seq.s32 s10, $0x1;
	s10 =	sld [smem:$0x3FAE];
	_ =	sdelay $0x3  }
0x34: {  	[smem:$0x3FAE] =	sst s10  }
0x35: {  	s10 =	sld [smem:$0x3FAD];
	_ =	sdelay $0x3  }
0x36: {  	p1 =	seq.s32 s10, $0x1;
	s10 =	sld [smem:$0x3FAE];
	_ =	sdelay $0x3  }
0x37: {  	[smem:$0x3FAE] =	sst s10  }
0x38: {  	s10 =	sld [smem:$0x3FAF]  }
0x39: {  	_ = 	snop;
	(pc) =	sbr.ind lr, $3  }
0x3a: {  	_ = 	snop  }
0x3b: {  	_ = 	snop  }
0x3c: {  	p2 =	seq.s32 s10, $0x1;
	s10 =	sld [smem:$0x3FAE]  }
0x3d: {  	_ =	shalt  }
0x3e: {  	_ =	shalt  }
0x3f: {  	_ =	shalt  }
0x40: {  	_ =	shalt  }
0x41: {  	_ =	shalt  }
0x42: {  	_ =	shalt  }
0x43: {  	_ =	shalt  }
0x44: {  	_ =	shalt  }
0x45: {  	_ =	shalt  }
0x46: {  	_ =	shalt  }
0x47: {  	_ =	shalt  }
0x48: {  	_ =	shalt  }
0x49: {  	_ =	shalt  }
0x4a: {  	_ =	shalt  }
0x4b: {  	_ =	shalt  }
0x4c: {  	_ =	shalt  }
0x4d: {  	_ =	shalt  }
0x4e: {  	_ =	shalt  }
0x4f: {  	_ =	shalt  }
0x50: {  	_ =	shalt  }
0x51: {  	_ =	shalt  }
0x52: {  	_ =	shalt  }
0x53: {  	_ =	shalt  }
0x54: {  	_ =	shalt  }
0x55: {  	_ =	shalt  }
0x56: {  	_ =	shalt  }
0x57: {  	_ =	shalt  }
0x58: {  	_ =	shalt  }
0x59: {  	_ =	shalt  }
0x5a: {  	_ =	shalt  }
0x5b: {  	_ =	shalt  }
0x5c: {  	_ =	shalt  }
0x5d: {  	_ =	shalt  }
0x5e: {  	_ =	shalt  }
0x5f: {  	_ =	shalt  }
0x60: {  	_ =	shalt  }
0x61: {  	_ =	shalt  }
0x62: {  	_ =	shalt  }
0x63: {  	_ =	shalt  }
0x64: {  	_ =	shalt  }
0x65: {  	_ =	shalt  }
0x66: {  	_ =	shalt  }
0x67: {  	_ =	shalt  }
0x68: {  	_ =	shalt  }
0x69: {  	_ =	shalt  }
0x6a: {  	_ =	shalt  }
0x6b: {  	_ =	shalt  }
0x6c: {  	_ =	shalt  }
0x6d: {  	_ =	shalt  }
0x6e: {  	_ =	shalt  }
0x6f: {  	_ =	shalt  }
0x70: {  	_ =	shalt  }
0x71: {  	_ =	shalt  }
0x72: {  	_ =	shalt  }
0x73: {  	_ =	shalt  }
0x74: {  	_ =	shalt  }
0x75: {  	_ =	shalt  }
0x76: {  	_ =	shalt  }
0x77: {  	_ =	shalt  }
0x78: {  	_ =	shalt  }
0x79: {  	_ =	shalt  }
0x7a: {  	_ =	shalt  }
0x7b: {  	_ =	shalt  }
0x7c: {  	_ =	shalt  }
0x7d: {  	_ =	shalt  }
0x7e: {  	_ =	shalt  }
0x7f: {  	_ =	shalt  }
0x80: {  	_ =	shalt  }
0x81: {  	_ =	shalt  }
0x82: {  	_ =	shalt  }
0x83: {  	_ =	shalt  }
0x84: {  	_ =	shalt  }
0x85: {  	_ =	shalt  }
0x86: {  	_ =	shalt  }
0x87: {  	_ =	shalt  }
.Lfunc_end0:
.L_simem_size_0:
called_computation_lowered:
.L_overlay_start_0:
0x88: {  	s2 =	sld [smem:$0x3FD9]  }
0x89: {  	s3 =	sld [smem:$0x3FFE];
	_ =	sdelay $0x1  }
0x8a: {  	s1 =	srdreg.scid  }
0x8b: {  	s0 =	sand.u32 $0x1, s1  }
0x8c: {  	s17 =	sshll.u32 s0, $0xA;
	s2 =	sadd.s32 s3, s2  }
0x8d: {  	s2 =	sadd.s32 s2, s17  }
0x8e: {  	[smem:$0x3FBA] =	sst s2  }
0x8f: {  	_ = 	snop  }
0x90: {  	s2 =	sld [smem:$0x3FD0];
	(tm) =	ssettm $0x1  }
0x91: {  	s18 =	sld [smem:$0x3FFB];
	_ =	sdelay $0x3  }
0x92: {  	_ =	strace s18  }
0x93: {  	s3 =	sld [smem:$0x3FFC];
	_ =	sdelay $0x3  }
0x94: {  	_ =	strace s3  }
0x95: {  	s3 =	sld [smem:$0x3FFD];
	_ =	sdelay $0x3  }
0x96: {  	_ =	strace s3  }
0x97: {  	_ =	strace $0x8FFFFFFF  }
0x98: {  	s19 =	sld [smem:$0x3FDB];
	_ =	sdelay $0x1  }
0x99: {  	s4 =	simm.s32 $_scs_section_size  }
0x9a: {  	s5 =	simm.s32 $_size__tile_overlayer_lowered;
	s6 =	simm.s32 $_tile_overlayer_lowered  }
0x9b: {  	s22 =	simm.s32 $0x1BFF;
	s21 =	sshll.u32 s6, $0x1;
	s3 =	sadd.s32 s4, s19  }
0x9c: {  	s7 =	simm.s32 $0x0;
	s20 =	sshll.u32 s5, $0x1;
	s5 =	sadd.s32 s21, s3  }
0x9d: {  	[timem:s7], [sflag:s22] =	dma.local [hbm:s5], s20  }
0x9e: {  	_ =	swait.ge [sflag:s22], s20  }
0x9f: {  	s4 =	ssub.s32 $0x0, s20;
	[sflag:s22] =	ssyncset.done $0x0  }
0xa0: {  	[sflag:s22] =	ssyncadd.s32 s4;
	_ =	sdelay $0x1  }
0xa1: {  	s23 =	simm.s32 $0x1B8B  }
0xa2: {  	_ =	swait.ge [sflag:s23], $0x1  }
0xa3: {  	[sflag:s23] =	ssyncset.done $0x0  }
0xa4: {  	s25 =	simm.s32 $0x1B8E;
	s24 =	sld [smem:$0x3FFE];
	[sflag:s23] =	ssyncadd.s32 $0xFFFFFFFF  }
0xa5: {  	s26 =	simm.s32 $execute0_lowered;
	[smem:$0x3FD2] =	sst s25  }
0xa6: {  	s5 =	sshll.u32 s26, $0x1;
	_ =	strace $0x80000046;
	[dreg:$0x1] =	wrdreg $0xFFFFFFFF  }
0xa7: {  	s28 =	simm.s32 $_size_execute0_lowered;
	s3 =	sadd.s32 s3, s5;
	[dreg:$0x0] =	wrdreg $0x0  }
0xa8: {  	s5 =	sshll.u32 s28, $0x1;
	[dreg:$0x2] =	wrdreg s3  }
0xa9: {  	[dreg:$0x3] =	wrdreg s5  }
0xaa: {  	[dreg:$0x4] =	wrdreg $0xC0  }
0xab: {  	_ =	task [dreg:s7], $0x5FFFF  }
0xac: {  	[dreg:$0x1] =	wrdreg $0xFFFFFFFF  }
0xad: {  	[dreg:$0x0] =	wrdreg $0x60  }
0xae: {  	[dreg:$0x2] =	wrdreg s24  }
0xaf: {  	[dreg:$0x3] =	wrdreg s2  }
0xb0: {  	[dreg:$0x4] =	wrdreg $0x103E00  }
0xb1: {  	[dreg:$0x5] =	wrdreg $0x117700  }
0xb2: {  	[dreg:$0x6] =	wrdreg $0x9  }
0xb3: {  	_ =	task.clear_ibuf [dreg:s7], $0x7FFFF;
	_ =	strace $0x90000046  }
0xb4: {  	s29 =	simm.s32 $0x9;
	_ =	strace $0x80000048  }
0xb5: {  	_ =	swait.ge [sflag:s29], $0x1  }
0xb6: {  	[sflag:s29] =	ssyncadd.s32 $0xFFFFFFFF  }
0xb7: {  	_ =	strace $0x90000048  }
0xb8: {  	_ =	sfence  }
0xb9: {  	s30 =	sld [smem:$0x0];
	_ =	sdelay $0x2  }
0xba: {  	s31 =	sshll.u32 s1, $0xD;
	s1 =	sshrl.u32 s1, $0x2  }
0xbb: {  	s3 =	sand.u32 $0x4000, s31;
	s1 =	sadd.s32 s1, s30  }
0xbc: {  	s0 =	sor.u32 s3, s0;
	s1 =	sshll.u32 s1, $0x11  }
0xbd: {  	s0 =	sor.u32 s1, s0  }
0xbe: {  	s0 =	sadd.s32 $0x8F2B, s0  }
0xbf: {  	[sflag:s0] =	ssyncadd.remote.s32 $0x1  }
0xc0: {  	_ =	sfence.sel $0xFFFF  }
0xc1: {  	[dreg:$0x0] =	wrdreg $0xFFFFFFFF;
	(pc) =	sbr.abs _section_cstart, $3  }
0xc2: {  	[dreg:$0x1] =	wrdreg $0xFFFFFFFF  }
0xc3: {  	_ =	task.clear_ibuf [dreg:s7], $0x2FFFF;
	_ =	strace $0x9FFFFFFF  }
0xc4: {  	(tm) =	ssettm $0x7FFFFFFF  }
0xc5: {  	_ =	shalt  }
tec
execute0_lowered:
.L_overlay_start_1:
0x0: {  	(tag) =	ssettag $0x1  }
0x1: {  	s0 =	rddreg [dreg:$0x0]  }
0x2: {  	s15 =	rddreg [dreg:$0x2]  }
0x3: {  	s16 =	rddreg [dreg:$0x3];
	s5 =	simm.s32 $0x0;
	s1 =	srdreg.scid  }
0x4: {  	s17 =	stileid.u32;
	s28 =	simm.s32 $0x7;
	s31 =	simm.s32 $0x90  }
0x5: {  	[smem:$0x7FF] =	sst s5;
	s1 =	sand.u32 $0x1, s1;
	s2 =	smul.u32 $0x9C80, s17  }
0x6: {  	s6 =	sadd.s32 $0x29A00, s0;
	s7 =	sadd.s32 $0x16000, s0;
	s8 =	sadd.s32 $0x2600, s0  }
0x7: {  	s9 =	sadd.s32 $0x3D400, s0;
	s4 =	smul.u32 $0x1390, s17;
	s10 =	sadd.s32 $0x51800, s0  }
0x8: {  	s11 =	sadd.s32 $0x47600, s0;
	s13 =	sadd.s32 $0x5BA00, s0;
	s30 =	sshll.u32 s17, $0x1  }
0x9: {  	s18 =	sshll.u32 s17, $0x6;
	_ =	strace $0x80000047;
	s3 =	smul.u32 $0x9C800, s1  }
0xa: {  	s12 =	smul.u32 $0x13900, s1;
	s14 =	ssub.s32 $0x2, s1;
	s1 =	sor.u32 s1, s30  }
0xb: {  	[dreg:$0x5] =	wrdreg s13;
	s13 =	sshrl.u32 s14, $0x1;
	s1 =	smul.u32 $0x2880, s1  }
0xc: {  	s3 =	sadd.s32 s2, s3;
	s12 =	sadd.s32 s4, s12;
	s4 =	sadd.s32 s4, s15  }
0xd: {  	s2 =	sadd.s32 s2, s16;
	s3 =	sshrl.u32 s3, $0x3;
	[dreg:$0x6] =	wrdreg s4  }
0xe: {  	s12 =	sshrl.u32 s12, $0x3;
	[dreg:$0x8] =	wrdreg s2;
	s26 =	sadd.s32 $0x120, s1  }
0xf: {  	s19 =	sshrl.u32 s1, $0x3;
	s1 =	sadd.s32 $0x1B0, s1;
	[dreg:$0xf] =	wrdreg s26  }
0x10: {  	s3 =	sadd.s32 s3, s0;
	s20 =	sadd.s32 s9, s19;
	[dreg:$0x10] =	wrdreg s1  }
0x11: {  	s0 =	sadd.s32 s12, s0;
	s21 =	sadd.s32 s10, s19;
	[dreg:$0x9] =	wrdreg s20  }
0x12: {  	s12 =	ssub.s32 s14, s13;
	s2 =	sadd.s32 s11, s19;
	[dreg:$0xa] =	wrdreg s21  }
0x13: {  	v0 =	vimm.s32 $0xFEDCBA98;
	s13 =	sor.u32 $0x1C07, s18;
	s22 =	sadd.s32 $0x12, s19;
	[dreg:$0xb] =	wrdreg s2  }
0x14: {  	v1 =	vimm.s32 $0x76543210;
	v0 =	vunpack.c.l.s4.s8 v0;
	s17 =	simm.s32 $0x120;
	s23 =	sadd.s32 s9, s22;
	[dreg:$0x7] =	wrdreg s13  }
0x15: {  	v1 =	vunpack.c.l.s4.s8 v1;
	s18 =	simm.s32 $0xFF60;
	s24 =	sadd.s32 s10, s22;
	[dreg:$0xc] =	wrdreg s23  }
.Ltmp0:
0x16: {  	v0 =	vunpack.c.0.s8.s32 v0;
	s25 =	sadd.s32 s11, s22;
	[dreg:$0xd] =	wrdreg s24;
	(pc) =	sbr.rel .LBB2_1-.Ltmp0, $4  }
0x17: {  	v1 =	vunpack.c.0.s8.s32 v1;
	s1 =	simm.s32 $0x0;
	s0 =	sadd.s32 $0x83000, s0;
	[dreg:$0xe] =	wrdreg s25  }
0x18: {  	v2 =	vlaneseq.u32;
	v0 =	vand.u32 $0xF, v0;
	s29 =	sadd.s32 $0x5BE00, s3;
	s30 =	smax.u32 s12, $0x1;
	[dreg:$0x11] =	wrdreg s0  }
0x19: {  	v0 =	vcombine.low v0, v1;
	v1 =	vand.u32 $0x7, v2;
	v2 =	vshrl.u32 v2, $0x3;
	s2 =	simm.s32 $0x1B0;
	s20 =	simm.s32 $0x2;
	[dreg:$0x12] =	wrdreg s29  }
0x1a: {  	v3 =	vor.u32 $0x2, v2;
	v4 =	vor.u32 $0x4, v2;
	v5 =	vor.u32 $0x6, v2;
	s21 =	simm.s32 $0x4;
	[dreg:$0x13] =	wrdreg s30;
	s24 =	simm.s32 $0x6  }
.LBB2_8:
0x1b: {  	[bflag:$0x0] =	sbarrier.arrive $0xFFFF  }
0x1c: {  	s13 =	rddreg [dreg:$0x7]  }
0x1d: {  	s0 =	rddreg [dreg:$0x11]  }
0x1e: {  	s1 =	rddreg [dreg:$0x15]  }
0x1f: {  	[hbm:s0], [sflag:s13] =	dma.local [spmem:s1], $0x272  }
0x20: {  	_ =	swait.ge [sflag:s28], $0x272  }
0x21: {  	[sflag:s28] =	ssyncset.done $0x0;
	s25 =	rddreg [dreg:$0x12]  }
0x22: {  	s26 =	rddreg [dreg:$0x16];
	[sflag:s28] =	ssyncadd.s32 $0xFFFFFD8E  }
0x23: {  	[hbm:s25], [sflag:s13] =	dma.local [spmem:s26], $0x1390  }
0x24: {  	_ =	swait.ge [sflag:s28], $0x1390  }
0x25: {  	s29 =	rddreg [dreg:$0x14]  }
0x26: {  	s30 =	rddreg [dreg:$0x13];
	s1 =	sadd.s32 $0x1, s29  }
0x27: {  	p0 =	sne.s32 s1, s30  }
.Ltmp1:
0x28: {  	_ = 	snop;
	(pc) =	sbr.rel @!p0 .LBB2_9-.Ltmp1, $3  }
0x29: {  	_ =	sdelay $0x1  }
0x2a: {  	[sflag:s28] =	ssyncset.done $0x0  }
0x2b: {  	v0 =	vmovc v37;
	v3 =	vmov v14;
	v4 =	vmov v16;
	v5 =	vmov v9;
	[sflag:s28] =	ssyncadd.s32 $0xFFFFEC70  }
.LBB2_1:
0x2c: {  	[dreg:$0x14] =	wrdreg s1  }
0x2d: {  	s0 =	rddreg [dreg:$0x6]  }
0x2e: {  	s29 =	rddreg [dreg:$0x5];
	s26 =	sshrl.u32 s0, $0x3  }
0x2f: {  	[dreg:$0x15] =	wrdreg s26  }
0x30: {  	[spmem:s26], [sflag:s13] =	dma.local [hbm:s29], $0x272  }
0x31: {  	_ =	swait.ge [sflag:s28], $0x272  }
0x32: {  	[sflag:s28] =	ssyncset.done $0x0  }
0x33: {  	s30 =	rddreg [dreg:$0x8];
	[sflag:s28] =	ssyncadd.s32 $0xFFFFFD8E  }
0x34: {  	s0 =	sshrl.u32 s30, $0x3;
	s3 =	rddreg [dreg:$0x1]  }
0x35: {  	[dreg:$0x16] =	wrdreg s0  }
0x36: {  	[spmem:s0], [sflag:s13] =	dma.local [hbm:s3], $0x1390  }
0x37: {  	_ =	swait.ge [sflag:s28], $0x1390  }
0x38: {  	[sflag:s28] =	ssyncset.done $0x0  }
0x39: {  	[sflag:s28] =	ssyncadd.s32 $0xFFFFEC70  }
0x3a: {  	[bflag:$0x0] =	sbarrier.arrive $0xFFFF  }
0x3b: {  	s4 =	rddreg [dreg:$0x9]  }
0x3c: {  	[tilespmem:s5], [sflag:$0x7] =	stream.linear.gather [hbm4b:s4+s5], $0x90, $0x38;
	[tilespmem:$0x1B3F0] =	vst v63  }
0x3d: {  	_ =	swait.ge [sflag:s28], $0x90  }
0x3e: {  	[sflag:s28] =	ssyncset.done $0x0  }
0x3f: {  	s12 =	rddreg [dreg:$0xa];
	[sflag:s28] =	ssyncadd.s32 $0xFFFFFF70  }
0x40: {  	[tilespmem:s17], [sflag:$0x7] =	stream.linear.gather [hbm4b:s12+s5], $0x90, $0x38;
	[tilespmem:$0x1B3F0] =	vst v63  }
0x41: {  	_ =	swait.ge [sflag:s28], $0x90  }
0x42: {  	[sflag:s28] =	ssyncset.done $0x0  }
0x43: {  	s14 =	simm.s32 $0x240;
	s13 =	rddreg [dreg:$0xb];
	[sflag:s28] =	ssyncadd.s32 $0xFFFFFF70  }
0x44: {  	[tilespmem:s14], [sflag:$0x7] =	stream.linear.gather [hbm4b:s13+s5], $0x90, $0x38;
	[tilespmem:$0x1B3F0] =	vst v63  }
0x45: {  	_ =	swait.ge [sflag:s28], $0x90  }
0x46: {  	[sflag:s28] =	ssyncset.done $0x0  }
0x47: {  	s15 =	simm.s32 $0x360;
	[sflag:s28] =	ssyncadd.s32 $0xFFFFFF70  }
0x48: {  	[tilespmem:s15], [sflag:$0x1] =	stream.indirect.gather [hbm4b:s6+s31], $0x40, s5, s31, $0xb8;
	[tilespmem:$0x1B3F0] =	vst v63  }
0x49: {  	s16 =	simm.s32 $0x4B60  }
0x4a: {  	[tilespmem:s16], [sflag:$0x3] =	stream.indirect.gather [hbm4b:s7+s31], $0x40, s14, s31, $0xb8;
	[tilespmem:$0x1B3F0] =	vst v63  }
0x4b: {  	s17 =	simm.s32 $0x9360  }
0x4c: {  	[tilespmem:s17], [sflag:$0x5] =	stream.indirect.gather [hbm4b:s8+s31], $0x40, s14, s31, $0xb8;
	[tilespmem:$0x1B3F0] =	vst v63  }
0x4d: {  	s19 =	rddreg [dreg:$0xc]  }
0x4e: {  	[tilespmem:s31], [sflag:$0x7] =	stream.linear.gather [hbm4b:s19+s5], $0x90, $0x38;
	[tilespmem:$0x1B3F0] =	vst v63  }
0x4f: {  	_ =	swait.ge [sflag:s28], $0x90  }
0x50: {  	[sflag:s28] =	ssyncset.done $0x0  }
0x51: {  	s22 =	rddreg [dreg:$0xd];
	[sflag:s28] =	ssyncadd.s32 $0xFFFFFF70  }
0x52: {  	[tilespmem:s2], [sflag:$0x7] =	stream.linear.gather [hbm4b:s22+s5], $0x90, $0x38;
	[tilespmem:$0x1B3F0] =	vst v63  }
0x53: {  	_ =	swait.ge [sflag:s28], $0x90  }
0x54: {  	[sflag:s28] =	ssyncset.done $0x0  }
0x55: {  	s25 =	simm.s32 $0x2D0;
	s23 =	rddreg [dreg:$0xe];
	[sflag:s28] =	ssyncadd.s32 $0xFFFFFF70  }
0x56: {  	[tilespmem:s25], [sflag:$0x7] =	stream.linear.gather [hbm4b:s23+s5], $0x90, $0x38;
	[tilespmem:$0x1B3F0] =	vst v63  }
0x57: {  	_ =	swait.ge [sflag:s28], $0x90  }
0x58: {  	[sflag:s28] =	ssyncset.done $0x0  }
0x59: {  	s26 =	simm.s32 $0x2760;
	[sflag:s28] =	ssyncadd.s32 $0xFFFFFF70  }
0x5a: {  	[tilespmem:s26], [sflag:$0x2] =	stream.indirect.gather [hbm4b:s6+s31], $0x40, s31, s31, $0xb8;
	[tilespmem:$0x1B3F0] =	vst v63  }
0x5b: {  	s29 =	simm.s32 $0x6F60  }
0x5c: {  	[tilespmem:s29], [sflag:$0x4] =	stream.indirect.gather [hbm4b:s7+s31], $0x40, s25, s31, $0xb8;
	[tilespmem:$0x1B3F0] =	vst v63  }
0x5d: {  	s30 =	simm.s32 $0xB760;
	s26 =	simm.s32 $0x0  }
0x5e: {  	[tilespmem:s30], [sflag:$0x6] =	stream.indirect.gather [hbm4b:s8+s31], $0x40, s25, s31, $0xb8;
	[tilespmem:$0x1B3F0] =	vst v63  }
.LBB2_2:
0x5f: {  	s0 =	simm.s32 $0x1  }
0x60: {  	_ =	swait.ge [sflag:s0], $0x2400  }
0x61: {  	[sflag:s0] =	ssyncset.done $0x0  }
0x62: {  	s17 =	simm.s32 $0x3;
	[sflag:s0] =	ssyncadd.s32 $0xFFFFDC00  }
0x63: {  	_ =	swait.ge [sflag:s17], $0x2400  }
0x64: {  	[sflag:s17] =	ssyncset.done $0x0  }
0x65: {  	s19 =	simm.s32 $0x5;
	[sflag:s17] =	ssyncadd.s32 $0xFFFFDC00  }
0x66: {  	_ =	swait.ge [sflag:s19], $0x2400  }
0x67: {  	[sflag:s19] =	ssyncset.done $0x0  }
0x68: {  	s2 =	simm.s32 $0x460;
	[sflag:s19] =	ssyncadd.s32 $0xFFFFDC00  }
0x69: {  	s1 =	simm.s32 $0x4C60;
	v6 =	vld [tilespmem:s2+$0xC0]  }
0x6a: {  	v7 =	vld [tilespmem:s1+$0xC0]  }
0x6b: {  	v8 =	vld [tilespmem:s2+$0xD0]  }
0x6c: {  	v9 =	vld [tilespmem:s1+$0xD0]  }
0x6d: {  	v10 =	vld [tilespmem:s2+$0xE0]  }
0x6e: {  	v11 =	vld [tilespmem:s1+$0xE0]  }
0x6f: {  	v12 =	vld [tilespmem:s2+$0xF0]  }
0x70: {  	v13 =	vld [tilespmem:s1+$0xF0]  }
0x71: {  	v14 =	vld [tilespmem:s1+$0xFFFFFF00]  }
0x72: {  	v62 =	vld [tilespmem:s2+$0xFFFFFF10]  }
0x73: {  	v63 =	vld [tilespmem:s1+$0xFFFFFF10]  }
0x74: {  	v48 =	vld [tilespmem:s2+$0xFFFFFF40]  }
0x75: {  	v49 =	vld [tilespmem:s1+$0xFFFFFF40]  }
0x76: {  	v15 =	vld [tilespmem:s1+$0xFFFFFF80]  }
0x77: {  	v17 =	vld [tilespmem:s2+$0xFFFFFF90]  }
0x78: {  	v18 =	vld [tilespmem:s1+$0xFFFFFF90]  }
0x79: {  	v19 =	vld [tilespmem:s1+$0xFFFFFFC0]  }
0x7a: {  	v20 =	vld [tilespmem:s2+$0xFFFFFFD0]  }
0x7b: {  	v21 =	vld [tilespmem:s1+$0xFFFFFFD0]  }
0x7c: {  	v22 =	vld [tilespmem:s2+$0x0]  }
0x7d: {  	v23 =	vld [tilespmem:s1+$0x0]  }
0x7e: {  	v24 =	vld [tilespmem:s2+$0x10]  }
0x7f: {  	v25 =	vld [tilespmem:s1+$0x10]  }
0x80: {  	v26 =	vld [tilespmem:s2+$0x40]  }
0x81: {  	v28 =	vld [tilespmem:s1+$0x40]  }
0x82: {  	v29 =	vld [tilespmem:s2+$0x50]  }
0x83: {  	v30 =	vld [tilespmem:s1+$0x50]  }
0x84: {  	v31 =	vld [tilespmem:s2+$0x80]  }
0x85: {  	v32 =	vld [tilespmem:s1+$0x80]  }
0x86: {  	v33 =	vld [tilespmem:s2+$0x90]  }
0x87: {  	v34 =	vld [tilespmem:s1+$0x90]  }
0x88: {  	v35 =	vld [tilespmem:s2+$0xFFFFFF00]  }
0x89: {  	v36 =	vld [tilespmem:s2+$0xFFFFFF20]  }
0x8a: {  	v37 =	vld [tilespmem:s1+$0xFFFFFF20]  }
0x8b: {  	v38 =	vld [tilespmem:s2+$0xFFFFFF60]  }
0x8c: {  	v39 =	vld [tilespmem:s1+$0xFFFFFF60]  }
0x8d: {  	v40 =	vld [tilespmem:s2+$0xFFFFFFA0];
	v6 =	vmul.f32 v7, v6;
	v7 =	vmul.f32 v9, v8  }
0x8e: {  	v41 =	vld [tilespmem:s1+$0xFFFFFFA0]  }
0x8f: {  	v42 =	vld [tilespmem:s2+$0xFFFFFFE0];
	v6 =	vadd.f32 v7, v6;
	v7 =	vmul.f32 v11, v10  }
0x90: {  	v43 =	vld [tilespmem:s1+$0xFFFFFFE0]  }
0x91: {  	v6 =	vadd.f32 v7, v6;
	v7 =	vmul.f32 v13, v12;
	v12 =	vld [tilespmem:s2+$0xFFFFFF50]  }
0x92: {  	v13 =	vld [tilespmem:s1+$0xFFFFFF50]  }
0x93: {  	v44 =	vld [tilespmem:s2+$0x20]  }
0x94: {  	v52 =	vmul.f32 v23, v22;
	v22 =	vld [tilespmem:s2+$0xFFFFFF70];
	v6 =	vadd.f32 v7, v6  }
0x95: {  	v23 =	vld [tilespmem:s1+$0xFFFFFF70]  }
0x96: {  	v7 =	vld [tilespmem:s2+$0xFFFFFF80];
	v16 =	vperm.xlane v6, v0  }
0x97: {  	v51 =	vmul.f32 v13, v12;
	v13 =	vmul.f32 v18, v17;
	v18 =	vld [tilespmem:s2+$0xFFFFFF30]  }
0x98: {  	v8 =	vmul.f32 v63, v62;
	v14 =	vmul.f32 v14, v35;
	v6 =	vadd.f32 v6, v16;
	v16 =	vld [tilespmem:s2+$0xFFFFFFC0]  }
0x99: {  	v10 =	vmul.f32 v49, v48;
	v17 =	vmul.f32 v21, v20;
	v20 =	vld [tilespmem:s1+$0xFFFFFF30]  }
0x9a: {  	v45 =	vld [tilespmem:s1+$0x20];
	v8 =	vadd.f32 v8, v14;
	v14 =	vmul.f32 v37, v36;
	v6 =	vmul.f32 $1.442695020e+00, v6  }
0x9b: {  	v46 =	vld [tilespmem:s2+$0x60];
	v22 =	vmul.f32 v23, v22;
	v21 =	vmul.f32 v30, v29  }
0x9c: {  	s3 =	simm.s32 $0x38;
	v50 =	vld [tilespmem:s1+$0x60];
	v7 =	vmul.f32 v15, v7;
	(erf) = vpow2.f32 v6  }
0x9d: {  	v27 =	vor.u32 s3, v1;
	v23 =	vld [tilespmem:s2+$0x30];
	v16 =	vmul.f32 v19, v16;
	v19 =	vmul.f32 v25, v24  }
0x9e: {  	v7 =	vadd.f32 v13, v7;
	v13 =	vmul.f32 v28, v26;
	v26 =	vld [tilespmem:s2+$0xFFFFFFF0];
	v18 =	vmul.f32 v20, v18  }
0x9f: {  	v20 =	vld [tilespmem:s1+$0xFFFFFFF0];
	v24 =	vmul.f32 v34, v33;
	v11 =	vadd.f32 v19, v52;
	v19 =	vmul.f32 v32, v31  }
0xa0: {  	v8 =	vadd.f32 v14, v8;
	v14 =	vmul.f32 v41, v40;
	v10 =	vadd.f32 v51, v10;
	v25 =	vld [tilespmem:s2+$0xFFFFFFB0]  }
0xa1: {  	v13 =	vadd.f32 v21, v13;
	v21 =	vld [tilespmem:s1+$0xFFFFFFB0];
	v19 =	vadd.f32 v24, v19;
	v24 =	vmul.f32 v39, v38  }
0xa2: {  	v12 =	vld [tilespmem:s2+$0xA0];
	v7 =	vadd.f32 v14, v7;
	v14 =	vmul.f32 v45, v44;
	v8 =	vadd.f32 v18, v8  }
0xa3: {  	v9 =	vmul.f32 v50, v46;
	v15 =	vld [tilespmem:s1+$0xA0];
	v10 =	vadd.f32 v24, v10  }
0xa4: {  	v18 =	vld [tilespmem:s1+$0x30];
	v16 =	vadd.f32 v17, v16;
	v11 =	vadd.f32 v14, v11;
	v14 =	vperm.xlane v8, v0  }
0xa5: {  	v9 =	vadd.f32 v9, v13;
	v24 =	vmul.f32 v43, v42;
	v10 =	vadd.f32 v22, v10  }
0xa6: {  	v21 =	vmul.f32 v21, v25;
	v8 =	vadd.f32 v8, v14;
	v14 =	vmul.f32 v20, v26;
	v6 =	vpop (erf);
	v22 =	vld [tilespmem:s2+$0x70]  }
0xa7: {  	s12 =	simm.s32 $0x9460;
	v16 =	vadd.f32 v24, v16;
	v24 =	vld [tilespmem:s1+$0x70];
	[tilespmem:v27+s18+$0x0] =	vst.idx.msk $0xff, v6;
	v13 =	vperm.xlane v10, v0  }
0xa8: {  	v12 =	vmul.f32 v15, v12;
	v7 =	vadd.f32 v21, v7;
	v8 =	vmul.f32 $1.442695020e+00, v8;
	v27 =	vld [tilespmem:s12+$0xC0]  }
0xa9: {  	v15 =	vld [tilespmem:s2+$0xB0];
	v14 =	vadd.f32 v14, v16;
	v10 =	vadd.f32 v10, v13;
	v13 =	vmul.f32 v18, v23  }
0xaa: {  	v20 =	vld [tilespmem:s1+$0xB0];
	v17 =	vperm.xlane v6, v2;
	v18 =	vperm.xlane v7, v0  }
0xab: {  	(erf) = vpow2.f32 v8;
	v53 =	vperm.xlane v14, v0;
	v11 =	vadd.f32 v13, v11  }
0xac: {  	v10 =	vmul.f32 $1.442695020e+00, v10;
	v13 =	vmul.f32 v24, v22;
	v7 =	vadd.f32 v7, v18  }
0xad: {  	v12 =	vadd.f32 v12, v19;
	v17 =	vmul.f32 v27, v17;
	v16 =	vperm.xlane v11, v0  }
0xae: {  	v8 =	vadd.f32 v14, v53;
	(erf) = vpow2.f32 v10;
	v7 =	vmul.f32 $1.442695020e+00, v7  }
0xaf: {  	v9 =	vadd.f32 v13, v9;
	v13 =	vmul.f32 v20, v15;
	v54 =	vadd.f32 v11, v16  }
0xb0: {  	s22 =	simm.s32 $0x0;
	v8 =	vmul.f32 $1.442695020e+00, v8;
	(erf) = vpow2.f32 v7  }
0xb1: {  	v12 =	vadd.f32 v13, v12;
	v13 =	vor.u32 s22, v1;
	v7 =	vmul.f32 $1.442695020e+00, v54  }
0xb2: {  	s23 =	simm.s32 $0x8;
	s14 =	simm.s32 $0xDC60;
	v55 =	vperm.xlane v9, v0  }
0xb3: {  	v57 =	vor.u32 s23, v1;
	[tilespmem:s14+$0xC0] =	vst v17;
	(erf) = vpow2.f32 v8;
	v56 =	vperm.xlane v12, v0  }
0xb4: {  	s25 =	simm.s32 $0x10;
	v60 =	vld [tilespmem:s12+$0xD0];
	v9 =	vadd.f32 v9, v55;
	(erf) = vpow2.f32 v7  }
0xb5: {  	v59 =	vadd.f32 v12, v56;
	v12 =	vor.u32 s25, v1;
	v7 =	vpop (erf)  }
0xb6: {  	v58 =	vmul.f32 $1.442695020e+00, v9;
	[tilespmem:v13+s18+$0x0] =	vst.idx.msk $0xff, v7  }
0xb7: {  	s29 =	simm.s32 $0x18;
	v62 =	vperm.xlane v6, v3;
	v14 =	vmul.f32 $1.442695020e+00, v59;
	v21 =	vpop (erf);
	[tilespmem:$0x1FE50] =	vst v6  }
0xb8: {  	s0 =	simm.s32 $0x20;
	(erf) = vpow2.f32 v58;
	v61 =	vmov v7;
	v13 =	vor.u32 s29, v1;
	v15 =	vld [tilespmem:s12+$0xFFFFFF00];
	[tilespmem:v57+s18+$0x0] =	vst.idx.msk $0xff, v21  }
0xb9: {  	v10 =	vmul.f32 v60, v62;
	(erf) = vpow2.f32 v14;
	v14 =	vor.u32 s0, v1;
	v7 =	vpop (erf);
	v16 =	vld [tilespmem:s12+$0xFFFFFF40];
	[tilespmem:$0x1FE60] =	vst v61  }
0xba: {  	[tilespmem:v12+s18+$0x0] =	vst.idx.msk $0xff, v7  }
0xbb: {  	[tilespmem:s14+$0xD0] =	vst v10;
	v18 =	vld [tilespmem:s12+$0xFFFFFF80]  }
0xbc: {  	v8 =	vpop (erf);
	v20 =	vld [tilespmem:s12+$0xE0];
	[tilespmem:$0x1FE70] =	vst v21  }
0xbd: {  	v63 =	vperm.xlane v61, v2;
	[tilespmem:v13+s18+$0x0] =	vst.idx.msk $0xff, v8;
	v9 =	vpop (erf)  }
0xbe: {  	v12 =	vperm.xlane v21, v2;
	[tilespmem:v14+s18+$0x0] =	vst.idx.msk $0xff, v9  }
0xbf: {  	v58 =	vmov v21;
	v15 =	vmul.f32 v15, v63;
	v21 =	vld [tilespmem:s12+$0xFFFFFFC0];
	[tilespmem:$0x1FE80] =	vst v7  }
0xc0: {  	s13 =	simm.s32 $0x4E60;
	v14 =	vmul.f32 v16, v12;
	v16 =	vld [tilespmem:s12+$0x0]  }
0xc1: {  	s4 =	simm.s32 $0x660;
	[tilespmem:s14+$0xFFFFFF00] =	vst v15;
	v15 =	vld [tilespmem:s13+$0xC0]  }
0xc2: {  	v24 =	vld [tilespmem:s4+$0xD0]  }
0xc3: {  	v25 =	vld [tilespmem:s13+$0xD0]  }
0xc4: {  	v26 =	vld [tilespmem:s4+$0xE0]  }
0xc5: {  	v27 =	vld [tilespmem:s13+$0xE0]  }
0xc6: {  	v28 =	vld [tilespmem:s4+$0xF0]  }
0xc7: {  	v13 =	vperm.xlane v7, v2;
	v29 =	vld [tilespmem:s13+$0xF0]  }
0xc8: {  	v30 =	vld [tilespmem:s13+$0xFFFFFF00]  }
0xc9: {  	v31 =	vld [tilespmem:s4+$0xFFFFFF80];
	[tilespmem:s14+$0xFFFFFF40] =	vst v14;
	v14 =	vmul.f32 v18, v13  }
0xca: {  	v32 =	vld [tilespmem:s13+$0xFFFFFF80]  }
0xcb: {  	[tilespmem:s14+$0xFFFFFF80] =	vst v14;
	v14 =	vld [tilespmem:s4+$0xC0]  }
0xcc: {  	v33 =	vld [tilespmem:s4+$0xFFFFFF90]  }
0xcd: {  	v34 =	vld [tilespmem:s13+$0xFFFFFF90]  }
0xce: {  	v35 =	vld [tilespmem:s4+$0xFFFFFFC0]  }
0xcf: {  	v36 =	vld [tilespmem:s13+$0xFFFFFFC0]  }
0xd0: {  	v37 =	vld [tilespmem:s4+$0xFFFFFFD0];
	v14 =	vmul.f32 v15, v14;
	v15 =	vmul.f32 v25, v24  }
0xd1: {  	v38 =	vld [tilespmem:s13+$0xFFFFFFD0]  }
0xd2: {  	v39 =	vld [tilespmem:s4+$0x0];
	v14 =	vadd.f32 v15, v14;
	v15 =	vmul.f32 v27, v26  }
0xd3: {  	v40 =	vld [tilespmem:s13+$0x0]  }
0xd4: {  	v41 =	vld [tilespmem:s4+$0x10];
	v14 =	vadd.f32 v15, v14;
	v15 =	vmul.f32 v29, v28  }
0xd5: {  	v42 =	vld [tilespmem:s13+$0x10]  }
0xd6: {  	v43 =	vld [tilespmem:s4+$0x40];
	v14 =	vadd.f32 v15, v14  }
0xd7: {  	v44 =	vld [tilespmem:s13+$0x40]  }
0xd8: {  	v45 =	vld [tilespmem:s4+$0x50];
	v15 =	vperm.xlane v14, v0  }
0xd9: {  	v46 =	vld [tilespmem:s13+$0x50]  }
0xda: {  	v47 =	vld [tilespmem:s4+$0x80];
	v14 =	vadd.f32 v14, v15  }
0xdb: {  	v48 =	vld [tilespmem:s13+$0x80]  }
0xdc: {  	v49 =	vld [tilespmem:s4+$0x90];
	v14 =	vmul.f32 $1.442695020e+00, v14  }
0xdd: {  	v50 =	vld [tilespmem:s13+$0x90]  }
0xde: {  	v51 =	vld [tilespmem:s4+$0xFFFFFF00];
	(erf) = vpow2.f32 v14  }
0xdf: {  	s2 =	simm.s32 $0x28;
	v53 =	vld [tilespmem:s4+$0xFFFFFF20]  }
0xe0: {  	v17 =	vor.u32 s2, v1;
	v54 =	vld [tilespmem:s13+$0xFFFFFF20]  }
0xe1: {  	s3 =	simm.s32 $0x30;
	v55 =	vld [tilespmem:s4+$0xFFFFFF60]  }
0xe2: {  	s15 =	simm.s32 $0x78;
	v19 =	vor.u32 s3, v1;
	v56 =	vld [tilespmem:s13+$0xFFFFFF60]  }
0xe3: {  	v60 =	vld [tilespmem:s4+$0xFFFFFFA0];
	v15 =	vor.u32 s15, v1  }
0xe4: {  	v12 =	vpop (erf);
	v63 =	vld [tilespmem:s13+$0xFFFFFFA0]  }
0xe5: {  	[tilespmem:v17+s18+$0x0] =	vst.idx.msk $0xff, v12;
	v22 =	vld [tilespmem:s12+$0xFFFFFF10]  }
0xe6: {  	v17 =	vld [tilespmem:s12+$0x40];
	v62 =	vpop (erf)  }
0xe7: {  	v18 =	vld [tilespmem:s12+$0xFFFFFF50];
	[tilespmem:v19+s18+$0x0] =	vst.idx.msk $0xff, v62;
	v14 =	vpop (erf)  }
0xe8: {  	s25 =	simm.s32 $0x9660;
	v19 =	vld [tilespmem:s12+$0x80];
	[tilespmem:v15+s18+$0x0] =	vst.idx.msk $0xff, v14  }
0xe9: {  	v15 =	vld [tilespmem:s25+$0xC0]  }
0xea: {  	v23 =	vld [tilespmem:s12+$0xFFFFFF90]  }
0xeb: {  	v24 =	vld [tilespmem:s4+$0xFFFFFF10]  }
0xec: {  	v25 =	vld [tilespmem:s13+$0xFFFFFF10];
	v52 =	vperm.xlane v14, v2  }
0xed: {  	v26 =	vld [tilespmem:s4+$0xFFFFFF40]  }
0xee: {  	v11 =	vperm.xlane v6, v4;
	v27 =	vld [tilespmem:s13+$0xFFFFFF40];
	v15 =	vmul.f32 v15, v52  }
0xef: {  	s30 =	simm.s32 $0xDE60;
	v57 =	vmov v61;
	v59 =	vperm.xlane v7, v3;
	v61 =	vperm.xlane v8, v2;
	v28 =	vld [tilespmem:s4+$0xFFFFFF50]  }
0xf0: {  	v7 =	vperm.xlane v9, v3;
	v20 =	vmul.f32 v20, v11;
	v29 =	vld [tilespmem:s13+$0xFFFFFF50];
	[tilespmem:s30+$0xC0] =	vst v15  }
0xf1: {  	v52 =	vperm.xlane v57, v3;
	v15 =	vperm.xlane v8, v3;
	v57 =	vld [tilespmem:s25+$0xD0];
	[tilespmem:$0x1FE90] =	vst v9  }
0xf2: {  	v13 =	vmov v8;
	v8 =	vperm.xlane v9, v2;
	v9 =	vperm.xlane v62, v2;
	v11 =	vld [tilespmem:s4+$0xFFFFFFE0];
	[tilespmem:$0x1FE40] =	vst v7  }
0xf3: {  	v58 =	vperm.xlane v58, v3;
	v21 =	vmul.f32 v21, v61;
	v10 =	vld [tilespmem:s13+$0xFFFFFFE0]  }
0xf4: {  	v8 =	vmul.f32 v16, v8;
	v16 =	vld [tilespmem:s13+$0x20];
	v9 =	vmul.f32 v19, v9  }
0xf5: {  	v19 =	vmul.f32 v23, v59;
	v23 =	vmul.f32 v25, v24;
	v24 =	vld [tilespmem:s13+$0x60]  }
0xf6: {  	v30 =	vmul.f32 v30, v51;
	v25 =	vmul.f32 v27, v26;
	v27 =	vld [tilespmem:s4+$0xA0]  }
0xf7: {  	v26 =	vmul.f32 v29, v28;
	v28 =	vmul.f32 v32, v31;
	v31 =	vld [tilespmem:s13+$0xA0]  }
0xf8: {  	v46 =	vmul.f32 v46, v45;
	v6 =	vperm.xlane v14, v3;
	v61 =	vld [tilespmem:s13+$0xFFFFFF30]  }
0xf9: {  	v47 =	vmul.f32 v48, v47;
	v49 =	vmul.f32 v50, v49;
	v48 =	vld [tilespmem:s13+$0xFFFFFF70]  }
0xfa: {  	v51 =	vmul.f32 v56, v55;
	v50 =	vld [tilespmem:s4+$0xFFFFFFB0];
	v6 =	vmul.f32 v57, v6  }
0xfb: {  	v7 =	vperm.xlane v12, v2;
	v29 =	vmul.f32 v34, v33;
	v55 =	vld [tilespmem:s13+$0xFFFFFFF0]  }
0xfc: {  	v22 =	vmul.f32 v22, v52;
	[tilespmem:s30+$0xD0] =	vst v6;
	v6 =	vmul.f32 v18, v58;
	v58 =	vld [tilespmem:s4+$0xFFFFFF30]  }
0xfd: {  	v52 =	vmul.f32 v38, v37;
	v7 =	vmul.f32 v17, v7;
	v17 =	vld [tilespmem:s4+$0x60];
	v28 =	vadd.f32 v29, v28  }
0xfe: {  	v29 =	vmul.f32 v44, v43;
	v44 =	vld [tilespmem:s4+$0xFFFFFF70];
	v23 =	vadd.f32 v23, v30;
	v30 =	vmul.f32 v54, v53  }
0xff: {  	v32 =	vmul.f32 v36, v35;
	v59 =	vmul.f32 v42, v41;
	v57 =	vld [tilespmem:s4+$0x20]  }
0x100: {  	v25 =	vadd.f32 v26, v25;
	v23 =	vadd.f32 v30, v23;
	v30 =	vmul.f32 v63, v60;
	v18 =	vld [tilespmem:s25+$0xE0]  }
0x101: {  	v26 =	vmul.f32 v40, v39;
	v32 =	vadd.f32 v52, v32;
	v52 =	vld [tilespmem:s13+$0xFFFFFFB0];
	v54 =	vmul.f32 v61, v58  }
0x102: {  	v25 =	vadd.f32 v51, v25;
	v10 =	vmul.f32 v10, v11;
	v28 =	vadd.f32 v30, v28;
	v58 =	vld [tilespmem:s4+$0x30]  }
0x103: {  	v30 =	vperm.xlane v14, v4;
	v56 =	vmul.f32 v48, v44;
	v11 =	vadd.f32 v54, v23;
	v23 =	vld [tilespmem:s13+$0x30]  }
0x104: {  	v26 =	vadd.f32 v59, v26;
	v29 =	vadd.f32 v46, v29;
	v59 =	vld [tilespmem:s13+$0x70];
	v16 =	vmul.f32 v16, v57  }
0x105: {  	[tilespmem:s14+$0xFFFFFFC0] =	vst v21;
	v17 =	vmul.f32 v24, v17;
	v24 =	vadd.f32 v56, v25;
	v25 =	vld [tilespmem:s4+$0x70];
	v18 =	vmul.f32 v18, v30  }
0x106: {  	[tilespmem:s14+$0xE0] =	vst v20;
	v20 =	vld [tilespmem:s12+$0xFFFFFFD0];
	v16 =	vadd.f32 v16, v26;
	v30 =	vmul.f32 v52, v50;
	v26 =	vperm.xlane v11, v0  }
0x107: {  	[tilespmem:s14+$0x0] =	vst v8;
	v53 =	vld [tilespmem:s4+$0xFFFFFFF0];
	v17 =	vadd.f32 v17, v29;
	v29 =	vperm.xlane v24, v0  }
0x108: {  	[tilespmem:s14+$0xFFFFFF10] =	vst v22;
	v63 =	vld [tilespmem:s12+$0x10];
	v11 =	vadd.f32 v11, v26;
	v26 =	vadd.f32 v30, v28;
	v23 =	vmul.f32 v23, v58  }
0x109: {  	v46 =	vld [tilespmem:s12+$0xFFFFFF20];
	v27 =	vmul.f32 v31, v27;
	v24 =	vadd.f32 v24, v29  }
0x10a: {  	[tilespmem:s14+$0x40] =	vst v7;
	v31 =	vld [tilespmem:s4+$0xB0];
	v29 =	vperm.xlane v26, v0;
	v23 =	vadd.f32 v23, v16;
	v16 =	vmul.f32 v59, v25  }
0x10b: {  	v35 =	vperm.xlane v12, v3;
	v10 =	vadd.f32 v10, v32;
	v32 =	vld [tilespmem:s12+$0x50];
	[tilespmem:s14+$0xFFFFFF50] =	vst v6;
	v6 =	vmov v12  }
0x10c: {  	v12 =	vld [tilespmem:s12+$0xFFFFFF60];
	[tilespmem:s30+$0xE0] =	vst v18;
	v21 =	vadd.f32 v26, v29;
	v25 =	vperm.xlane v23, v0;
	v17 =	vadd.f32 v16, v17  }
0x10d: {  	v45 =	vld [tilespmem:s25+$0xF0]  }
0x10e: {  	v30 =	vld [tilespmem:s13+$0xB0];
	v61 =	vmul.f32 $1.442695020e+00, v21;
	v21 =	vadd.f32 v23, v25;
	v23 =	vperm.xlane v17, v0  }
0x10f: {  	[tilespmem:s14+$0x80] =	vst v9;
	v16 =	vld [tilespmem:s12+$0xF0]  }
0x110: {  	[tilespmem:s14+$0xFFFFFF90] =	vst v19;
	v17 =	vadd.f32 v17, v23;
	v23 =	vld [tilespmem:s12+$0x90]  }
0x111: {  	[tilespmem:$0x1FEA0] =	vst v12;
	v12 =	vld [tilespmem:$0x1FE40];
	_ =	sdelay $0x2  }
0x112: {  	v11 =	vmul.f32 $1.442695020e+00, v11;
	_ =	sdelay $0x1  }
0x113: {  	(erf) = vpow2.f32 v11;
	v11 =	vmul.f32 v63, v12;
	v12 =	vld [tilespmem:s12+$0xFFFFFFA0];
	_ =	sdelay $0x3  }
0x114: {  	v15 =	vmul.f32 v20, v15  }
0x115: {  	[tilespmem:$0x1FEB0] =	vst v12  }
0x116: {  	v24 =	vmul.f32 $1.442695020e+00, v24;
	[tilespmem:s14+$0xFFFFFFD0] =	vst v15  }
0x117: {  	v12 =	vld [tilespmem:s12+$0xFFFFFFE0]  }
0x118: {  	(erf) = vpow2.f32 v24  }
0x119: {  	v38 =	vadd.f32 v49, v47;
	_ =	sdelay $0x1  }
0x11a: {  	s16 =	simm.s32 $0x40;
	v27 =	vadd.f32 v27, v38;
	v26 =	vmul.f32 v30, v31  }
0x11b: {  	s17 =	simm.s32 $0x48;
	v7 =	vor.u32 s16, v1;
	[tilespmem:$0x1FEC0] =	vst v12  }
0x11c: {  	v22 =	vor.u32 s17, v1;
	v24 =	vadd.f32 v26, v27;
	[tilespmem:s14+$0x10] =	vst v11  }
0x11d: {  	v28 =	vmul.f32 v55, v53;
	(erf) = vpow2.f32 v61;
	v11 =	vld [tilespmem:s12+$0x20]  }
0x11e: {  	v33 =	vmul.f32 $1.442695020e+00, v21;
	v21 =	vperm.xlane v24, v0  }
0x11f: {  	v20 =	vpop (erf)  }
0x120: {  	v10 =	vadd.f32 v28, v10;
	v34 =	vmul.f32 $1.442695020e+00, v17;
	v17 =	vadd.f32 v24, v21;
	v26 =	vpop (erf);
	[tilespmem:v7+s18+$0x0] =	vst.idx.msk $0xff, v20  }
0x121: {  	v8 =	vmul.f32 v32, v35;
	[tilespmem:v22+s18+$0x0] =	vst.idx.msk $0xff, v26  }
0x122: {  	s19 =	simm.s32 $0x50;
	v60 =	vperm.xlane v10, v0;
	v15 =	vmul.f32 $1.442695020e+00, v17;
	v17 =	vld [tilespmem:s25+$0xFFFFFF00];
	[tilespmem:$0x1FED0] =	vst v11  }
0x123: {  	v19 =	vor.u32 s19, v1;
	[tilespmem:s14+$0x50] =	vst v8  }
0x124: {  	v10 =	vadd.f32 v10, v60;
	v11 =	vld [tilespmem:s12+$0x60];
	_ =	sdelay $0x1  }
0x125: {  	v10 =	vmul.f32 $1.442695020e+00, v10  }
0x126: {  	v22 =	vpop (erf)  }
0x127: {  	(erf) = vpow2.f32 v10;
	[tilespmem:v19+s18+$0x0] =	vst.idx.msk $0xff, v22  }
0x128: {  	v27 =	vld [tilespmem:s25+$0xFFFFFF40];
	[tilespmem:$0x1FEE0] =	vst v11  }
0x129: {  	s4 =	simm.s32 $0x5060;
	(erf) = vpow2.f32 v33;
	v29 =	vld [tilespmem:s25+$0xFFFFFF80]  }
0x12a: {  	s2 =	simm.s32 $0x860;
	v55 =	vld [tilespmem:s4+$0xC0]  }
0x12b: {  	s22 =	simm.s32 $0x58;
	(erf) = vpow2.f32 v34;
	v56 =	vld [tilespmem:s2+$0xD0]  }
0x12c: {  	v36 =	vperm.xlane v62, v3;
	v7 =	vor.u32 s22, v1;
	v57 =	vld [tilespmem:s4+$0xD0]  }
0x12d: {  	s23 =	simm.s32 $0x60;
	(erf) = vpow2.f32 v15;
	v58 =	vld [tilespmem:s2+$0xE0]  }
0x12e: {  	v37 =	vor.u32 s23, v1;
	v10 =	vmul.f32 v23, v36;
	v59 =	vld [tilespmem:s4+$0xE0]  }
0x12f: {  	s29 =	simm.s32 $0x68;
	v60 =	vld [tilespmem:s2+$0xF0]  }
0x130: {  	v38 =	vor.u32 s29, v1;
	v15 =	vperm.xlane v20, v2;
	v23 =	vpop (erf);
	[tilespmem:s14+$0x90] =	vst v10;
	v61 =	vld [tilespmem:s4+$0xF0]  }
0x131: {  	s0 =	simm.s32 $0x70;
	[tilespmem:v7+s18+$0x0] =	vst.idx.msk $0xff, v23;
	v7 =	vld [tilespmem:s4+$0xFFFFFF00]  }
0x132: {  	v39 =	vor.u32 s0, v1;
	v51 =	vpop (erf);
	v17 =	vmul.f32 v17, v15;
	v19 =	vperm.xlane v26, v2;
	v52 =	vld [tilespmem:s12+$0xA0]  }
0x133: {  	[tilespmem:v37+s18+$0x0] =	vst.idx.msk $0xff, v51;
	v12 =	vld [tilespmem:s25+$0xFFFFFFC0]  }
0x134: {  	v31 =	vpop (erf);
	v27 =	vmul.f32 v27, v19;
	[tilespmem:s30+$0xFFFFFF00] =	vst v17;
	v11 =	vld [tilespmem:s25+$0x0]  }
0x135: {  	v53 =	vperm.xlane v22, v2;
	[tilespmem:v38+s18+$0x0] =	vst.idx.msk $0xff, v31;
	v32 =	vld [tilespmem:s25+$0xFFFFFF10]  }
0x136: {  	v43 =	vpop (erf);
	[tilespmem:s30+$0xFFFFFF40] =	vst v27;
	v25 =	vld [tilespmem:s25+$0x40]  }
0x137: {  	[tilespmem:v39+s18+$0x0] =	vst.idx.msk $0xff, v43;
	v44 =	vld [tilespmem:s25+$0xFFFFFF50];
	v54 =	vmul.f32 v29, v53  }
0x138: {  	v49 =	vld [tilespmem:s25+$0x80]  }
0x139: {  	v29 =	vld [tilespmem:s2+$0xC0];
	[tilespmem:s30+$0xFFFFFF80] =	vst v54  }
0x13a: {  	v50 =	vld [tilespmem:s25+$0xFFFFFF90]  }
0x13b: {  	[tilespmem:$0x1FF10] =	vst v7;
	v7 =	vld [tilespmem:$0x1FE50]  }
0x13c: {  	v28 =	vld [tilespmem:s2+$0xFFFFFF10]  }
0x13d: {  	v35 =	vld [tilespmem:s4+$0xFFFFFF10]  }
0x13e: {  	v41 =	vld [tilespmem:s2+$0xFFFFFF40]  }
0x13f: {  	v47 =	vld [tilespmem:s4+$0xFFFFFF40]  }
0x140: {  	v38 =	vld [tilespmem:s2+$0xFFFFFF50]  }
0x141: {  	v63 =	vmul.f32 v57, v56;
	v48 =	vld [tilespmem:s4+$0xFFFFFF50];
	v29 =	vmul.f32 v55, v29  }
0x142: {  	v53 =	vld [tilespmem:s2+$0xFFFFFF80]  }
0x143: {  	v8 =	vmul.f32 v59, v58;
	v54 =	vld [tilespmem:s4+$0xFFFFFF80];
	v29 =	vadd.f32 v63, v29  }
0x144: {  	v56 =	vld [tilespmem:s4+$0xFFFFFF90]  }
0x145: {  	v9 =	vmul.f32 v61, v60;
	v57 =	vld [tilespmem:s2+$0xFFFFFFC0];
	v29 =	vadd.f32 v8, v29  }
0x146: {  	v58 =	vld [tilespmem:s4+$0xFFFFFFC0];
	v10 =	vperm.xlane v7, v5  }
0x147: {  	v59 =	vld [tilespmem:s2+$0xFFFFFFD0];
	v29 =	vadd.f32 v9, v29  }
0x148: {  	v60 =	vld [tilespmem:s4+$0xFFFFFFD0];
	v7 =	vmul.f32 v16, v10  }
0x149: {  	v55 =	vld [tilespmem:s2+$0xFFFFFF90];
	v33 =	vperm.xlane v29, v0  }
0x14a: {  	[tilespmem:$0x1FF30] =	vst v7;
	v7 =	vld [tilespmem:$0x1FE60]  }
0x14b: {  	v29 =	vadd.f32 v29, v33;
	_ =	sdelay $0x1  }
0x14c: {  	v8 =	vld [tilespmem:$0x1FE70];
	v29 =	vmul.f32 $1.442695020e+00, v29  }
0x14d: {  	v61 =	vld [tilespmem:s2+$0x0]  }
0x14e: {  	v63 =	vld [tilespmem:s4+$0x0];
	v16 =	vperm.xlane v7, v4;
	(erf) = vpow2.f32 v29  }
0x14f: {  	v14 =	vperm.xlane v14, v5;
	v42 =	vld [tilespmem:s2+$0x10]  }
0x150: {  	v29 =	vperm.xlane v23, v2;
	v37 =	vmul.f32 v46, v16;
	v46 =	vld [tilespmem:$0x1FEA0]  }
0x151: {  	v39 =	vmul.f32 v45, v14;
	v21 =	vld [tilespmem:s4+$0x10];
	v16 =	vperm.xlane v51, v2  }
0x152: {  	s13 =	simm.s32 $0xB8;
	v14 =	vperm.xlane v20, v3;
	v19 =	vld [tilespmem:s2+$0x40];
	v12 =	vmul.f32 v12, v29  }
0x153: {  	v45 =	vor.u32 s13, v1;
	v15 =	vld [tilespmem:s4+$0x40];
	v33 =	vperm.xlane v8, v4;
	v11 =	vmul.f32 v11, v16  }
0x154: {  	v32 =	vmul.f32 v32, v14;
	v27 =	vld [tilespmem:s2+$0x50];
	[tilespmem:$0x1FF50] =	vst v12  }
0x155: {  	v17 =	vld [tilespmem:s4+$0x50];
	[tilespmem:$0x1FF70] =	vst v11;
	v11 =	vmul.f32 v46, v33  }
0x156: {  	v9 =	vld [tilespmem:$0x1FE80];
	[tilespmem:$0x1FF80] =	vst v32  }
0x157: {  	v32 =	vld [tilespmem:s2+$0x80];
	[tilespmem:$0x1FF90] =	vst v11;
	v29 =	vpop (erf)  }
0x158: {  	v10 =	vld [tilespmem:$0x1FE90];
	[tilespmem:v45+s18+$0x0] =	vst.idx.msk $0xff, v29  }
0x159: {  	v45 =	vld [tilespmem:$0x1FEB0];
	_ =	sdelay $0x2  }
0x15a: {  	v30 =	vperm.xlane v26, v3;
	v36 =	vperm.xlane v9, v4;
	_ =	sdelay $0x1  }
0x15b: {  	v36 =	vmul.f32 v45, v36;
	v45 =	vmul.f32 v44, v30;
	v44 =	vld [tilespmem:$0x1FEC0];
	_ =	sdelay $0x2  }
0x15c: {  	v40 =	vperm.xlane v13, v4;
	v16 =	vperm.xlane v43, v2  }
0x15d: {  	v14 =	vperm.xlane v22, v3  }
0x15e: {  	v11 =	vmul.f32 v44, v40;
	v40 =	vmul.f32 v49, v16;
	v16 =	vld [tilespmem:$0x1FED0];
	_ =	sdelay $0x1  }
0x15f: {  	v30 =	vmul.f32 v50, v14;
	v14 =	vld [tilespmem:$0x1FEE0]  }
0x160: {  	v18 =	vperm.xlane v10, v4  }
0x161: {  	v24 =	vperm.xlane v6, v4;
	v34 =	vmov v6;
	v6 =	vperm.xlane v31, v2;
	v46 =	vld [tilespmem:s4+$0x80]  }
0x162: {  	s13 =	simm.s32 $0x9860;
	v12 =	vld [tilespmem:s2+$0x90];
	v16 =	vmul.f32 v16, v18  }
0x163: {  	v33 =	vmul.f32 v25, v6;
	v6 =	vld [tilespmem:s13+$0xC0];
	[tilespmem:$0x1FFA0] =	vst v11  }
0x164: {  	v14 =	vmul.f32 v14, v24;
	v11 =	vld [tilespmem:s4+$0x90];
	v18 =	vperm.xlane v62, v4;
	[tilespmem:$0x1FFD0] =	vst v16  }
0x165: {  	v44 =	vld [tilespmem:s2+$0xFFFFFF00]  }
0x166: {  	v25 =	vld [tilespmem:s2+$0xFFFFFF20];
	[tilespmem:$0x1FFE0] =	vst v14;
	v14 =	vmul.f32 v52, v18  }
0x167: {  	v16 =	vperm.xlane v29, v2  }
0x168: {  	v24 =	vld [tilespmem:s4+$0xFFFFFF20];
	[tilespmem:$0x1FFF0] =	vst v14  }
0x169: {  	v28 =	vmul.f32 v35, v28;
	v6 =	vmul.f32 v6, v16;
	v35 =	vld [tilespmem:s2+$0xFFFFFF60]  }
0x16a: {  	s1 =	simm.s32 $0xE060;
	v49 =	vld [tilespmem:s4+$0xFFFFFF60]  }
0x16b: {  	v41 =	vmul.f32 v47, v41;
	v47 =	vmul.f32 v54, v53;
	[tilespmem:s1+$0xC0] =	vst v6;
	v54 =	vld [tilespmem:s2+$0xFFFFFFA0]  }
0x16c: {  	v14 =	vld [tilespmem:s13+$0xD0]  }
0x16d: {  	v53 =	vmul.f32 v58, v57;
	v57 =	vmul.f32 v60, v59;
	v58 =	vld [tilespmem:s4+$0xFFFFFFA0]  }
0x16e: {  	v59 =	vmul.f32 v63, v61;
	v50 =	vperm.xlane v34, v5;
	v60 =	vld [tilespmem:s2+$0xFFFFFFE0]  }
0x16f: {  	v16 =	vperm.xlane v8, v5;
	v8 =	vperm.xlane v29, v3;
	v61 =	vld [tilespmem:s4+$0xFFFFFFE0]  }
0x170: {  	v38 =	vmul.f32 v48, v38;
	v34 =	vperm.xlane v62, v5;
	v63 =	vld [tilespmem:s2+$0x20]  }
0x171: {  	v48 =	vmul.f32 v56, v55;
	v6 =	vld [tilespmem:s4+$0x20];
	[tilespmem:$0x1FEF0] =	vst v50;
	v55 =	vmul.f32 v14, v8  }
0x172: {  	[tilespmem:$0x1FF00] =	vst v34  }
0x173: {  	[tilespmem:s1+$0xD0] =	vst v55  }
0x174: {  	v52 =	vperm.xlane v7, v5;
	v7 =	vld [tilespmem:$0x1FF10]  }
0x175: {  	v18 =	vperm.xlane v9, v5;
	v9 =	vld [tilespmem:s2+$0x60]  }
0x176: {  	v32 =	vmul.f32 v46, v32;
	v46 =	vld [tilespmem:s2+$0xFFFFFF30]  }
0x177: {  	v8 =	vmul.f32 v11, v12;
	v11 =	vld [tilespmem:s4+$0xFFFFFF30]  }
0x178: {  	v50 =	vld [tilespmem:s4+$0x60]  }
0x179: {  	v24 =	vmul.f32 v24, v25;
	v25 =	vld [tilespmem:s2+$0xFFFFFF70];
	v44 =	vmul.f32 v7, v44  }
0x17a: {  	v56 =	vmul.f32 v15, v19;
	v15 =	vld [tilespmem:s13+$0xE0]  }
0x17b: {  	v41 =	vadd.f32 v38, v41;
	v7 =	vmul.f32 v49, v35;
	v35 =	vld [tilespmem:s4+$0xFFFFFF70];
	v28 =	vadd.f32 v28, v44  }
0x17c: {  	v11 =	vmul.f32 v11, v46;
	v49 =	vmul.f32 v58, v54;
	v58 =	vld [tilespmem:s2+$0xFFFFFFB0]  }
0x17d: {  	v7 =	vadd.f32 v7, v41;
	v41 =	vmul.f32 v61, v60;
	v24 =	vadd.f32 v24, v28;
	v28 =	vld [tilespmem:s4+$0xFFFFFFB0]  }
0x17e: {  	v46 =	vld [tilespmem:s2+$0xFFFFFFF0];
	v60 =	vmul.f32 v6, v63;
	v6 =	vperm.xlane v29, v4  }
0x17f: {  	v61 =	vld [tilespmem:s4+$0xFFFFFFF0]  }
0x180: {  	v63 =	vld [tilespmem:s4+$0x30];
	v15 =	vmul.f32 v15, v6  }
0x181: {  	v6 =	vperm.xlane v26, v5;
	v11 =	vadd.f32 v11, v24;
	v24 =	vmul.f32 v35, v25;
	v35 =	vld [tilespmem:s2+$0x30]  }
0x182: {  	v28 =	vmul.f32 v28, v58;
	v58 =	vld [tilespmem:s2+$0xA0]  }
0x183: {  	[tilespmem:$0x1FF20] =	vst v6;
	v6 =	vld [tilespmem:$0x1FF30];
	_ =	sdelay $0x2  }
0x184: {  	v48 =	vadd.f32 v48, v47;
	v47 =	vadd.f32 v57, v53  }
0x185: {  	v62 =	vperm.xlane v20, v4;
	v25 =	vperm.xlane v20, v5;
	v20 =	vld [tilespmem:s2+$0x70];
	[tilespmem:s30+$0xF0] =	vst v39  }
0x186: {  	v41 =	vadd.f32 v41, v47;
	v47 =	vld [tilespmem:s4+$0x70];
	[tilespmem:s14+$0xF0] =	vst v6;
	v6 =	vperm.xlane v22, v5  }
0x187: {  	v12 =	vmul.f32 v50, v9;
	v50 =	vld [tilespmem:s4+$0xA0];
	[tilespmem:s14+$0xFFFFFF20] =	vst v37  }
0x188: {  	[tilespmem:$0x1FF40] =	vst v6;
	v6 =	vld [tilespmem:$0x1FF50];
	_ =	sdelay $0x4  }
0x189: {  	[tilespmem:s30+$0xFFFFFFC0] =	vst v6;
	v6 =	vperm.xlane v23, v5  }
0x18a: {  	v32 =	vadd.f32 v8, v32;
	v8 =	vadd.f32 v49, v48;
	v49 =	vmul.f32 v61, v46;
	v61 =	vld [tilespmem:s2+$0xB0]  }
0x18b: {  	[tilespmem:$0x1FF60] =	vst v6;
	v6 =	vld [tilespmem:$0x1FF70];
	_ =	sdelay $0x3  }
0x18c: {  	[tilespmem:s1+$0xE0] =	vst v15  }
0x18d: {  	[tilespmem:s30+$0x0] =	vst v6  }
0x18e: {  	v6 =	vld [tilespmem:$0x1FF80]  }
0x18f: {  	[tilespmem:s30+$0x40] =	vst v33  }
0x190: {  	v42 =	vmul.f32 v21, v42;
	[tilespmem:s30+$0xFFFFFF50] =	vst v45  }
0x191: {  	v21 =	vperm.xlane v13, v5;
	v13 =	vmul.f32 v17, v27;
	[tilespmem:s30+$0x80] =	vst v40  }
0x192: {  	v57 =	vperm.xlane v22, v4;
	v42 =	vadd.f32 v42, v59;
	v59 =	vperm.xlane v23, v3;
	[tilespmem:s30+$0xFFFFFF90] =	vst v30  }
0x193: {  	v13 =	vadd.f32 v13, v56;
	v14 =	vperm.xlane v10, v5;
	v10 =	vperm.xlane v11, v0;
	[tilespmem:s30+$0xFFFFFF10] =	vst v6  }
0x194: {  	v55 =	vperm.xlane v26, v4;
	v26 =	vadd.f32 v60, v42;
	v7 =	vadd.f32 v24, v7;
	v6 =	vld [tilespmem:$0x1FF90]  }
0x195: {  	v11 =	vadd.f32 v11, v10;
	v28 =	vadd.f32 v28, v8;
	v22 =	vmul.f32 v63, v35  }
0x196: {  	v56 =	vperm.xlane v23, v4;
	v34 =	vperm.xlane v7, v0;
	v39 =	vadd.f32 v49, v41  }
0x197: {  	v11 =	vmul.f32 $1.442695020e+00, v11;
	v22 =	vadd.f32 v22, v26;
	v23 =	vperm.xlane v28, v0;
	v63 =	vld [tilespmem:s4+$0xB0]  }
0x198: {  	v12 =	vadd.f32 v12, v13;
	v60 =	vadd.f32 v7, v34;
	v13 =	vperm.xlane v39, v0;
	v15 =	vld [tilespmem:s12+$0xFFFFFF30];
	[tilespmem:s14+$0xFFFFFFA0] =	vst v36  }
0x199: {  	(erf) = vpow2.f32 v11;
	v23 =	vadd.f32 v28, v23;
	v28 =	vperm.xlane v22, v0;
	v49 =	vld [tilespmem:s25+$0xFFFFFFD0];
	[tilespmem:s14+$0xFFFFFF60] =	vst v6  }
0x19a: {  	v13 =	vadd.f32 v39, v13;
	v20 =	vmul.f32 v47, v20;
	v26 =	vmul.f32 $1.442695020e+00, v60;
	v6 =	vld [tilespmem:$0x1FFA0]  }
0x19b: {  	v47 =	vmul.f32 v50, v58;
	v41 =	vld [tilespmem:s13+$0xF0];
	v23 =	vmul.f32 $1.442695020e+00, v23;
	v22 =	vadd.f32 v22, v28  }
0x19c: {  	s15 =	simm.s32 $0x80;
	v13 =	vmul.f32 $1.442695020e+00, v13;
	v12 =	vadd.f32 v20, v12;
	(erf) = vpow2.f32 v26;
	v20 =	vld [tilespmem:s25+$0x10]  }
0x19d: {  	v27 =	vor.u32 s15, v1;
	(erf) = vpow2.f32 v23;
	v22 =	vmul.f32 $1.442695020e+00, v22;
	v28 =	vld [tilespmem:s25+$0x50]  }
0x19e: {  	v26 =	vadd.f32 v47, v32;
	(erf) = vpow2.f32 v13;
	v11 =	vmul.f32 v63, v61;
	v58 =	vld [tilespmem:s25+$0x90]  }
0x19f: {  	(erf) = vpow2.f32 v22;
	v22 =	vld [tilespmem:s25+$0xFFFFFFA0];
	[tilespmem:s14+$0xFFFFFFE0] =	vst v6;
	v6 =	vperm.xlane v31, v5  }
0x1a0: {  	v59 =	vmul.f32 v49, v59;
	v11 =	vadd.f32 v11, v26;
	v26 =	vld [tilespmem:s25+$0xFFFFFF60]  }
0x1a1: {  	v23 =	vld [tilespmem:s25+$0xFFFFFF20];
	[tilespmem:$0x1FFB0] =	vst v6  }
0x1a2: {  	v33 =	vpop (erf);
	v6 =	vperm.xlane v43, v5;
	[tilespmem:s30+$0xFFFFFFD0] =	vst v59;
	v40 =	vld [tilespmem:s12+$0xFFFFFF70]  }
0x1a3: {  	[tilespmem:v27+s18+$0x0] =	vst.idx.msk $0xff, v33;
	v46 =	vld [tilespmem:s25+$0xFFFFFFE0]  }
0x1a4: {  	[tilespmem:$0x1FFC0] =	vst v6;
	v6 =	vld [tilespmem:$0x1FFD0];
	_ =	sdelay $0x1  }
0x1a5: {  	v50 =	vperm.xlane v12, v0;
	_ =	sdelay $0x1  }
0x1a6: {  	v12 =	vadd.f32 v12, v50  }
0x1a7: {  	s16 =	simm.s32 $0x88;
	v38 =	vperm.xlane v31, v3;
	[tilespmem:s14+$0x20] =	vst v6  }
0x1a8: {  	s19 =	simm.s32 $0x98;
	v53 =	vperm.xlane v51, v3;
	v19 =	vor.u32 s16, v1;
	v60 =	vmul.f32 $1.442695020e+00, v12;
	v6 =	vld [tilespmem:$0x1FFE0]  }
0x1a9: {  	s17 =	simm.s32 $0x90;
	v17 =	vor.u32 s19, v1;
	v54 =	vperm.xlane v51, v4;
	v30 =	vperm.xlane v11, v0  }
0x1aa: {  	v44 =	vperm.xlane v43, v3;
	v61 =	vor.u32 s17, v1;
	(erf) = vpow2.f32 v60  }
0x1ab: {  	s22 =	simm.s32 $0xA0;
	v48 =	vperm.xlane v31, v4;
	v24 =	vperm.xlane v43, v4;
	v30 =	vadd.f32 v11, v30;
	v63 =	vld [tilespmem:s13+$0xFFFFFF00]  }
0x1ac: {  	v13 =	vperm.xlane v51, v5;
	v39 =	vmul.f32 v15, v52;
	v15 =	vor.u32 s22, v1;
	v42 =	vld [tilespmem:s12+$0xFFFFFFB0]  }
0x1ad: {  	v30 =	vmul.f32 $1.442695020e+00, v30;
	v27 =	vperm.xlane v29, v5;
	v29 =	vpop (erf);
	v43 =	vld [tilespmem:s12+$0xFFFFFFF0];
	[tilespmem:s14+$0x60] =	vst v6  }
0x1ae: {  	s23 =	simm.s32 $0xA8;
	s2 =	simm.s32 $0xA60;
	v9 =	vperm.xlane v33, v2;
	v52 =	vmul.f32 v58, v44;
	v31 =	vpop (erf);
	v6 =	vld [tilespmem:$0x1FFF0];
	[tilespmem:v19+s18+$0x0] =	vst.idx.msk $0xff, v29  }
0x1af: {  	v44 =	vmul.f32 v26, v55;
	(erf) = vpow2.f32 v30;
	v30 =	vor.u32 s23, v1;
	s23 =	simm.s32 $0x5260;
	v32 =	vpop (erf);
	v55 =	vld [tilespmem:s2+$0xD0];
	[tilespmem:v61+s18+$0x0] =	vst.idx.msk $0xff, v31  }
0x1b0: {  	v34 =	vpop (erf);
	v46 =	vmul.f32 v46, v56;
	v56 =	vld [tilespmem:s23+$0xD0];
	v36 =	vmul.f32 v63, v9;
	[tilespmem:v17+s18+$0x0] =	vst.idx.msk $0xff, v32  }
0x1b1: {  	v20 =	vmul.f32 v20, v53;
	v28 =	vmul.f32 v28, v38;
	v37 =	vld [tilespmem:s12+$0x30];
	[tilespmem:v15+s18+$0x0] =	vst.idx.msk $0xff, v34  }
0x1b2: {  	v45 =	vmul.f32 v22, v57;
	v23 =	vmul.f32 v23, v62;
	[tilespmem:s1+$0xFFFFFF00] =	vst v36;
	v38 =	vld [tilespmem:s12+$0x70]  }
0x1b3: {  	v10 =	vperm.xlane v29, v2;
	v49 =	vperm.xlane v29, v3;
	v35 =	vpop (erf);
	[tilespmem:s30+$0x10] =	vst v20;
	v11 =	vld [tilespmem:s13+$0xFFFFFF40]  }
0x1b4: {  	v27 =	vmul.f32 v41, v27;
	v41 =	vperm.xlane v33, v3;
	[tilespmem:v30+s18+$0x0] =	vst.idx.msk $0xff, v35;
	v60 =	vld [tilespmem:s13+$0xFFFFFF80]  }
0x1b5: {  	s29 =	simm.s32 $0xB0;
	v59 =	vperm.xlane v31, v3;
	v22 =	vperm.xlane v34, v4;
	[tilespmem:s14+$0xFFFFFF30] =	vst v39;
	v63 =	vld [tilespmem:s13+$0x0]  }
0x1b6: {  	v53 =	vor.u32 s29, v1;
	v26 =	vperm.xlane v35, v3;
	v9 =	vperm.xlane v34, v2;
	[tilespmem:s1+$0xF0] =	vst v27;
	v61 =	vld [tilespmem:s13+$0xFFFFFFC0]  }
0x1b7: {  	v19 =	vperm.xlane v33, v4;
	v15 =	vperm.xlane v29, v4;
	[tilespmem:s30+$0x50] =	vst v28;
	v20 =	vld [tilespmem:s13+$0xFFFFFF10]  }
0x1b8: {  	v17 =	vperm.xlane v31, v2;
	[tilespmem:s30+$0x90] =	vst v52;
	v58 =	vld [tilespmem:s25+$0x20];
	v8 =	vmul.f32 v11, v10  }
0x1b9: {  	v30 =	vperm.xlane v32, v2;
	v28 =	vperm.xlane v34, v3;
	[tilespmem:s30+$0xFFFFFF20] =	vst v23;
	v10 =	vld [tilespmem:s13+$0x40]  }
0x1ba: {  	v36 =	vpop (erf);
	v11 =	vmul.f32 v60, v17;
	v51 =	vmul.f32 v63, v9;
	v9 =	vld [tilespmem:s25+$0x60];
	[tilespmem:s1+$0xFFFFFF40] =	vst v8  }
0x1bb: {  	[tilespmem:v53+s18+$0x0] =	vst.idx.msk $0xff, v36;
	v23 =	vperm.xlane v36, v2;
	v17 =	vperm.xlane v31, v4;
	v60 =	vld [tilespmem:s13+$0xFFFFFF50]  }
0x1bc: {  	v27 =	vmul.f32 v61, v30;
	v41 =	vmul.f32 v20, v41;
	v8 =	vld [tilespmem:s13+$0x80];
	[tilespmem:s1+$0xFFFFFF80] =	vst v11  }
0x1bd: {  	[tilespmem:s14+$0xA0] =	vst v6;
	v20 =	vperm.xlane v35, v2;
	v30 =	vperm.xlane v32, v3;
	v11 =	vld [tilespmem:s13+$0xFFFFFF90]  }
0x1be: {  	v50 =	vld [tilespmem:s25+$0xA0];
	v47 =	vmul.f32 v58, v54;
	[tilespmem:s1+$0xFFFFFFC0] =	vst v27;
	v27 =	vperm.xlane v36, v3  }
0x1bf: {  	v53 =	vld [tilespmem:s25+$0xFFFFFF30];
	[tilespmem:s1+$0xFFFFFF10] =	vst v41;
	v41 =	vperm.xlane v36, v4;
	v10 =	vmul.f32 v10, v20  }
0x1c0: {  	v39 =	vld [tilespmem:s12+$0xB0];
	[tilespmem:s1+$0x0] =	vst v51;
	v20 =	vperm.xlane v32, v4;
	v63 =	vmul.f32 v60, v49  }
0x1c1: {  	v54 =	vld [tilespmem:s23+$0xC0];
	v48 =	vmul.f32 v9, v48;
	v51 =	vmul.f32 v8, v23;
	[tilespmem:s1+$0x40] =	vst v10  }
0x1c2: {  	s3 =	simm.s32 $0x18;
	s22 =	simm.s32 $0x20;
	s12 =	simm.s32 $0x9860;
	v23 =	vperm.xlane v35, v4;
	v49 =	vld [tilespmem:s2+$0xC0];
	v52 =	vmul.f32 v11, v59;
	[tilespmem:s1+$0xFFFFFF50] =	vst v63  }
.LBB2_3:
0x1c3: {  	v57 =	vld [tilespmem:s2+$0xE0]  }
0x1c4: {  	v62 =	vld [tilespmem:s23+$0xE0]  }
0x1c5: {  	v63 =	vld [tilespmem:s2+$0xF0]  }
0x1c6: {  	v9 =	vld [tilespmem:s23+$0xF0];
	[tilespmem:s1+$0x80] =	vst v51  }
0x1c7: {  	v58 =	vperm.xlane v33, v5;
	v33 =	vld [tilespmem:s23+$0xFFFFFF00];
	[tilespmem:s1+$0xFFFFFF90] =	vst v52  }
0x1c8: {  	v6 =	vld [tilespmem:$0x1FF20];
	[tilespmem:s30+$0xFFFFFF60] =	vst v44  }
0x1c9: {  	v60 =	vld [tilespmem:s23+$0xFFFFFF10];
	v43 =	vmul.f32 v43, v21;
	[tilespmem:s30+$0xFFFFFFE0] =	vst v46  }
0x1ca: {  	v7 =	vld [tilespmem:$0x1FFB0];
	[tilespmem:s30+$0x20] =	vst v47  }
0x1cb: {  	v50 =	vmul.f32 v50, v24;
	v61 =	vld [tilespmem:s2+$0xFFFFFF40];
	[tilespmem:s14+$0xFFFFFFF0] =	vst v43  }
0x1cc: {  	v37 =	vmul.f32 v37, v14;
	[tilespmem:s30+$0x60] =	vst v48;
	v48 =	vld [tilespmem:s2+$0xFFFFFFC0]  }
0x1cd: {  	v29 =	vperm.xlane v29, v5;
	[tilespmem:s30+$0xA0] =	vst v50;
	v50 =	vld [tilespmem:s2+$0xFFFFFFD0]  }
0x1ce: {  	[tilespmem:s14+$0x30] =	vst v37;
	v51 =	vld [tilespmem:s23+$0xFFFFFFD0]  }
0x1cf: {  	v40 =	vmul.f32 v40, v16;
	v42 =	vmul.f32 v42, v18;
	[tilespmem:s30+$0xFFFFFFA0] =	vst v45;
	v52 =	vld [tilespmem:s2+$0x0];
	v16 =	vmovc v6;
	v6 =	vmov v29  }
0x1d0: {  	[tilespmem:$0x1FF20] =	vst v6;
	v6 =	vld [tilespmem:$0x1FF40]  }
0x1d1: {  	[tilespmem:s14+$0xFFFFFFB0] =	vst v42;
	v11 =	vmul.f32 v56, v55;
	v56 =	vld [tilespmem:s2+$0xFFFFFF10]  }
0x1d2: {  	v46 =	vld [tilespmem:s2+$0xFFFFFF90]  }
0x1d3: {  	v10 =	vmul.f32 v54, v49;
	v47 =	vld [tilespmem:s23+$0xFFFFFF90]  }
0x1d4: {  	v49 =	vld [tilespmem:s23+$0xFFFFFFC0]  }
0x1d5: {  	v24 =	vmovc v41;
	v41 =	vmul.f32 v62, v57;
	v45 =	vadd.f32 v11, v10;
	v18 =	vmov v6;
	v6 =	vld [tilespmem:$0x1FEF0]  }
0x1d6: {  	v59 =	vmul.f32 v53, v25;
	v53 =	vld [tilespmem:s23+$0x0]  }
0x1d7: {  	v54 =	vld [tilespmem:s2+$0x10];
	v44 =	vmul.f32 v9, v63;
	v41 =	vadd.f32 v41, v45  }
0x1d8: {  	v55 =	vld [tilespmem:s23+$0x10]  }
0x1d9: {  	v29 =	vld [tilespmem:s23+$0xFFFFFF40];
	v63 =	vadd.f32 v44, v41  }
0x1da: {  	v62 =	vld [tilespmem:s2+$0xFFFFFF50];
	v38 =	vmul.f32 v38, v6  }
0x1db: {  	v32 =	vperm.xlane v32, v5;
	v11 =	vld [tilespmem:s23+$0xFFFFFF80];
	v44 =	vperm.xlane v63, v0  }
0x1dc: {  	v6 =	vld [tilespmem:$0x1FF00];
	[tilespmem:s14+$0x70] =	vst v38  }
0x1dd: {  	v10 =	vmov v32;
	v32 =	vadd.f32 v63, v44;
	v57 =	vld [tilespmem:s2+$0x40]  }
0x1de: {  	v31 =	vperm.xlane v31, v5;
	[tilespmem:s30+$0xFFFFFF30] =	vst v59;
	v59 =	vld [tilespmem:s23+$0x40]  }
0x1df: {  	[tilespmem:s14+$0xFFFFFF70] =	vst v40;
	v40 =	vmul.f32 v60, v56;
	v32 =	vmul.f32 $1.442695020e+00, v32;
	v60 =	vld [tilespmem:s2+$0x50]  }
0x1e0: {  	v29 =	vmul.f32 v29, v61;
	v61 =	vld [tilespmem:s23+$0x50]  }
0x1e1: {  	(erf) = vpow2.f32 v32;
	v39 =	vmul.f32 v39, v6;
	v6 =	vmov v31;
	v31 =	vld [tilespmem:s23+$0xFFFFFF50]  }
0x1e2: {  	[tilespmem:$0x1FF40] =	vst v6;
	v6 =	vld [tilespmem:$0x1FF60]  }
0x1e3: {  	[tilespmem:$0x1FF60] =	vst v10;
	v10 =	vld [tilespmem:s2+$0xFFFFFF80]  }
0x1e4: {  	s19 =	sshll.u32 s3, $0x3;
	[tilespmem:s14+$0xB0] =	vst v39;
	v39 =	vmul.f32 v55, v54;
	v54 =	vld [tilespmem:s23+$0x30]  }
0x1e5: {  	s4 =	sadd.s32 $0x38, s19;
	v63 =	vld [tilespmem:s23+$0x80]  }
0x1e6: {  	v25 =	vmov v58;
	v58 =	vor.u32 s4, v1;
	v38 =	vmul.f32 v61, v60;
	v60 =	vld [tilespmem:s23+$0xFFFFFF20]  }
0x1e7: {  	v61 =	vld [tilespmem:s2+$0xFFFFFF60];
	v31 =	vmul.f32 v31, v62  }
0x1e8: {  	v62 =	vld [tilespmem:s2+$0x80]  }
0x1e9: {  	v36 =	vperm.xlane v36, v5;
	v42 =	vadd.f32 v31, v29;
	v29 =	vmul.f32 v11, v10;
	v10 =	vld [tilespmem:s2+$0x90]  }
0x1ea: {  	v35 =	vperm.xlane v35, v5;
	v56 =	vmul.f32 v51, v50;
	v50 =	vpop (erf);
	v11 =	vld [tilespmem:s23+$0x90]  }
0x1eb: {  	s13 =	sadd.s32 $0x200, s13;
	v9 =	vmovc v7;
	v21 =	vmov v6;
	v6 =	vmov v36;
	v36 =	vmul.f32 v49, v48;
	[tilespmem:v58+s18+$0x0] =	vst.idx.msk $0xff, v50;
	v58 =	vld [tilespmem:s2+$0xFFFFFF20]  }
0x1ec: {  	[tilespmem:$0x1FEF0] =	vst v9;
	v9 =	vld [tilespmem:s13+$0xC0]  }
0x1ed: {  	v8 =	vmov v35;
	v48 =	vadd.f32 v56, v36;
	v56 =	vld [tilespmem:s2+$0xFFFFFF00]  }
0x1ee: {  	[tilespmem:$0x1FFB0] =	vst v8;
	v8 =	vmul.f32 v59, v57;
	v59 =	vmul.f32 v63, v62;
	v62 =	vld [tilespmem:s23+$0xFFFFFF60]  }
0x1ef: {  	v63 =	vld [tilespmem:s2+$0xFFFFFFA0]  }
0x1f0: {  	v31 =	vmul.f32 v47, v46;
	v46 =	vmul.f32 v11, v10;
	v10 =	vld [tilespmem:s2+$0xFFFFFFE0]  }
0x1f1: {  	v38 =	vadd.f32 v38, v8;
	v57 =	vperm.xlane v50, v2;
	v8 =	vmul.f32 v60, v58;
	v58 =	vld [tilespmem:s2+$0x20]  }
0x1f2: {  	v60 =	vld [tilespmem:s2+$0x60]  }
0x1f3: {  	v37 =	vmul.f32 v53, v52;
	v45 =	vmul.f32 v9, v57;
	v9 =	vld [tilespmem:s23+$0xFFFFFFA0]  }
0x1f4: {  	s14 =	smov.u32 s30;
	s30 =	smov.u32 s1;
	s1 =	sadd.s32 $0x200, s1;
	v33 =	vmul.f32 v33, v56;
	v57 =	vld [tilespmem:s23+$0xFFFFFFE0]  }
0x1f5: {  	v37 =	vadd.f32 v39, v37;
	v39 =	vadd.f32 v46, v59;
	v59 =	vld [tilespmem:s23+$0x20];
	[tilespmem:s1+$0xC0] =	vst v45  }
0x1f6: {  	v33 =	vadd.f32 v40, v33;
	v45 =	vld [tilespmem:s13+$0xD0]  }
0x1f7: {  	v56 =	vmul.f32 v62, v61;
	v62 =	vld [tilespmem:s23+$0x60]  }
0x1f8: {  	v33 =	vadd.f32 v8, v33;
	v8 =	vld [tilespmem:s23+$0xA0]  }
0x1f9: {  	v11 =	vperm.xlane v50, v3;
	v44 =	vmul.f32 v9, v63;
	v63 =	vld [tilespmem:s2+$0xA0]  }
0x1fa: {  	v61 =	vmul.f32 v57, v10;
	v10 =	vld [tilespmem:s2+$0xFFFFFF30]  }
0x1fb: {  	v57 =	vld [tilespmem:s2+$0xFFFFFF70];
	v45 =	vmul.f32 v45, v11  }
0x1fc: {  	v40 =	vadd.f32 v56, v42;
	v42 =	vmul.f32 v59, v58;
	v58 =	vld [tilespmem:s23+$0xFFFFFF70]  }
0x1fd: {  	v43 =	vadd.f32 v31, v29;
	v11 =	vld [tilespmem:s23+$0xFFFFFF30];
	[tilespmem:s1+$0xD0] =	vst v45  }
0x1fe: {  	v45 =	vld [tilespmem:s13+$0xE0]  }
0x1ff: {  	v43 =	vadd.f32 v44, v43;
	v44 =	vadd.f32 v61, v48;
	v61 =	vld [tilespmem:s2+$0xFFFFFFB0]  }
0x200: {  	v59 =	vmul.f32 v8, v63;
	v63 =	vld [tilespmem:s23+$0xFFFFFFB0]  }
0x201: {  	v55 =	vld [tilespmem:s2+$0x70];
	v9 =	vperm.xlane v50, v4  }
0x202: {  	v46 =	vmul.f32 v62, v60;
	v8 =	vld [tilespmem:s2+$0xFFFFFFF0];
	v62 =	vmul.f32 v11, v10  }
0x203: {  	v10 =	vld [tilespmem:s2+$0x30];
	v56 =	vmul.f32 v45, v9  }
0x204: {  	v33 =	vadd.f32 v62, v33;
	v45 =	vmul.f32 v58, v57;
	v9 =	vld [tilespmem:s23+$0xFFFFFFF0]  }
0x205: {  	v48 =	vmul.f32 v63, v61;
	v61 =	vld [tilespmem:s12+$0xFFFFFFD0];
	[tilespmem:s1+$0xE0] =	vst v56  }
0x206: {  	v34 =	vperm.xlane v34, v5;
	v11 =	vperm.xlane v33, v0;
	v40 =	vadd.f32 v45, v40;
	v60 =	vld [tilespmem:s13+$0xF0]  }
0x207: {  	v50 =	vperm.xlane v50, v5;
	v37 =	vadd.f32 v42, v37;
	v57 =	vld [tilespmem:s23+$0x70];
	v43 =	vadd.f32 v48, v43  }
0x208: {  	v39 =	vadd.f32 v59, v39;
	v59 =	vld [tilespmem:s23+$0xB0];
	v33 =	vadd.f32 v33, v11;
	v56 =	vperm.xlane v40, v0  }
0x209: {  	v38 =	vadd.f32 v46, v38;
	v58 =	vld [tilespmem:s2+$0xB0];
	v48 =	vperm.xlane v43, v0;
	v42 =	vmul.f32 v9, v8  }
0x20a: {  	v30 =	vmul.f32 v61, v30;
	v33 =	vmul.f32 $1.442695020e+00, v33;
	v40 =	vadd.f32 v40, v56  }
0x20b: {  	v7 =	vld [tilespmem:$0x1FFC0];
	v42 =	vadd.f32 v42, v44;
	v46 =	vmul.f32 v60, v50;
	v60 =	vmul.f32 v54, v10  }
0x20c: {  	v51 =	vld [tilespmem:s12+$0xFFFFFFA0];
	v8 =	vmul.f32 v57, v55;
	v43 =	vadd.f32 v43, v48;
	(erf) = vpow2.f32 v33  }
0x20d: {  	v47 =	vld [tilespmem:s12+$0xFFFFFF60];
	v40 =	vmul.f32 $1.442695020e+00, v40;
	v63 =	vperm.xlane v42, v0;
	v37 =	vadd.f32 v60, v37  }
0x20e: {  	v62 =	vld [tilespmem:s12+$0x10];
	v43 =	vmul.f32 $1.442695020e+00, v43;
	v10 =	vmul.f32 v59, v58  }
0x20f: {  	v11 =	vld [tilespmem:s12+$0xFFFFFF20];
	(erf) = vpow2.f32 v40;
	v42 =	vadd.f32 v42, v63;
	v9 =	vperm.xlane v37, v0  }
0x210: {  	v48 =	vld [tilespmem:s12+$0x90];
	[tilespmem:s30+$0xFFFFFFD0] =	vst v30;
	v38 =	vadd.f32 v8, v38;
	v39 =	vadd.f32 v10, v39;
	(erf) = vpow2.f32 v43  }
0x211: {  	v29 =	vor.u32 s19, v1;
	v52 =	vld [tilespmem:s12+$0xFFFFFFE0];
	v42 =	vmul.f32 $1.442695020e+00, v42;
	v37 =	vadd.f32 v37, v9  }
0x212: {  	s0 =	sadd.s32 $0x10, s19;
	v50 =	vld [tilespmem:s12+$0x50];
	v59 =	vperm.xlane v38, v0;
	v61 =	vperm.xlane v39, v0  }
0x213: {  	s29 =	sadd.s32 $0x8, s19;
	v7 =	vmovc v7;
	v32 =	vor.u32 s0, v1;
	v40 =	vld [tilespmem:s25+$0xFFFFFF70];
	(erf) = vpow2.f32 v42;
	v30 =	vmul.f32 $1.442695020e+00, v37  }
0x214: {  	[tilespmem:$0x1FF00] =	vst v7;
	v31 =	vor.u32 s29, v1;
	v28 =	vmul.f32 v62, v28;
	v60 =	vadd.f32 v38, v59;
	v43 =	vld [tilespmem:s25+$0xFFFFFFF0]  }
0x215: {  	[tilespmem:s1+$0xF0] =	vst v46;
	v27 =	vmul.f32 v48, v27;
	v38 =	vadd.f32 v39, v61;
	v39 =	vld [tilespmem:s25+$0xB0];
	v33 =	vpop (erf);
	(erf) = vpow2.f32 v30  }
0x216: {  	v46 =	vmul.f32 v11, v19;
	v62 =	vmul.f32 $1.442695020e+00, v60;
	v42 =	vld [tilespmem:s25+$0xFFFFFFB0];
	[tilespmem:v29+s18+$0x0] =	vst.idx.msk $0xff, v33  }
0x217: {  	v14 =	vmovc v13;
	s17 =	sadd.s32 $0x18, s19;
	v13 =	vmov v34;
	[tilespmem:$0x1FFC0] =	vst v6;
	v26 =	vmul.f32 v50, v26;
	v38 =	vmul.f32 $1.442695020e+00, v38;
	v63 =	vld [tilespmem:s13+$0xFFFFFF00]  }
0x218: {  	v34 =	vor.u32 s17, v1;
	v37 =	vld [tilespmem:s25+$0x30];
	[tilespmem:s30+$0x10] =	vst v28;
	v45 =	vperm.xlane v33, v3;
	v29 =	vpop (erf);
	(erf) = vpow2.f32 v62  }
0x219: {  	s15 =	sadd.s32 $0x20, s19;
	v56 =	vld [tilespmem:s12+$0x20];
	v9 =	vperm.xlane v33, v4;
	[tilespmem:v31+s18+$0x0] =	vst.idx.msk $0xff, v29;
	(erf) = vpow2.f32 v38;
	v31 =	vpop (erf)  }
0x21a: {  	v35 =	vor.u32 s15, v1;
	v30 =	vperm.xlane v33, v2;
	v28 =	vperm.xlane v29, v2;
	v8 =	vld [tilespmem:s13+$0xFFFFFF40];
	[tilespmem:v32+s18+$0x0] =	vst.idx.msk $0xff, v31  }
0x21b: {  	[tilespmem:s30+$0x90] =	vst v27;
	v55 =	vperm.xlane v29, v3;
	v48 =	vperm.xlane v29, v4;
	v11 =	vld [tilespmem:s13+$0xFFFFFF80]  }
0x21c: {  	s16 =	sadd.s32 $0x28, s19;
	v38 =	vld [tilespmem:s25+$0x70];
	[tilespmem:s30+$0x50] =	vst v26;
	s25 =	smov.u32 s12;
	v10 =	vperm.xlane v31, v2;
	v26 =	vmul.f32 v63, v30;
	v32 =	vpop (erf)  }
0x21d: {  	v36 =	vor.u32 s16, v1;
	v57 =	vld [tilespmem:s25+$0x60];
	v58 =	vperm.xlane v31, v3;
	v54 =	vperm.xlane v31, v4;
	[tilespmem:v34+s18+$0x0] =	vst.idx.msk $0xff, v32  }
0x21e: {  	s29 =	sadd.s32 $0x30, s19;
	v44 =	vperm.xlane v32, v2;
	v30 =	vperm.xlane v32, v3;
	[tilespmem:s1+$0xFFFFFF00] =	vst v26;
	v59 =	vld [tilespmem:s13+$0xFFFFFFC0];
	v34 =	vpop (erf)  }
0x21f: {  	v41 =	vor.u32 s29, v1;
	v61 =	vperm.xlane v32, v4;
	v27 =	vmul.f32 v8, v28;
	v63 =	vld [tilespmem:s13+$0xFFFFFF10];
	[tilespmem:v35+s18+$0x0] =	vst.idx.msk $0xff, v34  }
0x220: {  	[tilespmem:s30+$0xFFFFFF20] =	vst v46;
	v46 =	vmul.f32 v52, v20;
	v49 =	vmul.f32 v11, v10;
	v62 =	vld [tilespmem:s13+$0x0]  }
0x221: {  	v50 =	vld [tilespmem:s25+$0xA0];
	v60 =	vperm.xlane v34, v2;
	v28 =	vperm.xlane v34, v3;
	v35 =	vpop (erf);
	[tilespmem:s1+$0xFFFFFF40] =	vst v27  }
0x222: {  	v19 =	vmov v9;
	v7 =	vperm.xlane v34, v4;
	[tilespmem:v36+s18+$0x0] =	vst.idx.msk $0xff, v35;
	v6 =	vperm.xlane v35, v2;
	v36 =	vpop (erf);
	v9 =	vld [tilespmem:s13+$0xFFFFFF50]  }
0x223: {  	v26 =	vperm.xlane v35, v3;
	[tilespmem:s1+$0xFFFFFF80] =	vst v49;
	v8 =	vld [tilespmem:s13+$0x40];
	v10 =	vperm.xlane v36, v2  }
0x224: {  	[tilespmem:v41+s18+$0x0] =	vst.idx.msk $0xff, v36;
	v27 =	vperm.xlane v36, v3;
	v12 =	vld [tilespmem:s13+$0xFFFFFF90];
	v44 =	vmul.f32 v59, v44  }
0x225: {  	p0 =	slt.u32 s22, $0x88;
	v41 =	vperm.xlane v36, v4;
	v11 =	vld [tilespmem:s13+$0x80];
	v60 =	vmul.f32 v62, v60  }
.Ltmp2:
0x226: {  	s2 =	sadd.s32 $0x200, s2;
	v53 =	vld [tilespmem:s25+$0xFFFFFF30];
	v59 =	vperm.xlane v35, v4;
	[tilespmem:s1+$0xFFFFFFC0] =	vst v44;
	v62 =	vmul.f32 v63, v45;
	(pc) =	sbr.rel @p0 .LBB2_3-.Ltmp2, $4  }
0x227: {  	s23 =	sadd.s32 $0x200, s23;
	v49 =	vld [tilespmem:s2+$0xC0];
	v44 =	vmul.f32 v47, v15;
	v63 =	vmul.f32 v9, v55;
	[tilespmem:s1+$0x0] =	vst v60  }
0x228: {  	v20 =	vmov v61;
	v47 =	vmul.f32 v56, v22;
	v56 =	vld [tilespmem:s23+$0xD0];
	v6 =	vmul.f32 v8, v6;
	[tilespmem:s1+$0xFFFFFF10] =	vst v62  }
0x229: {  	v15 =	vmovc v48;
	v48 =	vmul.f32 v57, v23;
	v45 =	vmul.f32 v51, v17;
	v17 =	vmov v54;
	v54 =	vld [tilespmem:s23+$0xC0];
	[tilespmem:s1+$0xFFFFFF50] =	vst v63  }
0x22a: {  	s3 =	smov.u32 s22;
	s22 =	sadd.s32 $0x8, s22;
	s12 =	smov.u32 s13;
	v22 =	vmovc v7;
	v23 =	vmov v59;
	v55 =	vld [tilespmem:s2+$0xD0];
	v52 =	vmul.f32 v12, v58;
	v51 =	vmul.f32 v11, v10;
	[tilespmem:s1+$0x40] =	vst v6  }
0x22b: {  	v10 =	vld [tilespmem:s23+$0xFFFFFF00];
	_ =	sdelay $0x1  }
0x22c: {  	v6 =	vld [tilespmem:s2+$0xE0]  }
0x22d: {  	v7 =	vld [tilespmem:s23+$0xE0]  }
0x22e: {  	v8 =	vld [tilespmem:s2+$0xF0]  }
0x22f: {  	v9 =	vld [tilespmem:s23+$0xF0];
	[tilespmem:$0x1FB80] =	vst v10  }
0x230: {  	v58 =	vld [tilespmem:s23+$0xFFFFFF10];
	_ =	sdelay $0x4  }
0x231: {  	v10 =	vld [tilespmem:s2+$0xFFFFFF10];
	[tilespmem:$0x1FAF0] =	vst v58  }
0x232: {  	v6 =	vmul.f32 v7, v6;
	v7 =	vld [tilespmem:s23+$0xFFFFFF40];
	_ =	sdelay $0x2  }
0x233: {  	v11 =	vmul.f32 v54, v49;
	v12 =	vmul.f32 v56, v55;
	_ =	sdelay $0x1  }
0x234: {  	v11 =	vadd.f32 v12, v11;
	v12 =	vld [tilespmem:s2+$0xFFFFFF40];
	[tilespmem:$0x1FB00] =	vst v7  }
0x235: {  	v7 =	vld [tilespmem:s23+$0xFFFFFF50];
	_ =	sdelay $0x4  }
0x236: {  	v8 =	vmul.f32 v9, v8;
	v9 =	vld [tilespmem:s2+$0xFFFFFF50];
	[tilespmem:$0x1FB10] =	vst v7  }
0x237: {  	v7 =	vld [tilespmem:s23+$0xFFFFFF80];
	_ =	sdelay $0x2  }
0x238: {  	v6 =	vadd.f32 v6, v11;
	_ =	sdelay $0x1  }
0x239: {  	v6 =	vadd.f32 v8, v6;
	v8 =	vld [tilespmem:s2+$0xFFFFFF80];
	[tilespmem:$0x1FB20] =	vst v7  }
0x23a: {  	v7 =	vld [tilespmem:s2+$0xFFFFFF90];
	_ =	sdelay $0x4  }
0x23b: {  	[tilespmem:$0x1FB30] =	vst v7  }
0x23c: {  	v7 =	vld [tilespmem:s2+$0xFFFFFFC0];
	_ =	sdelay $0x4  }
0x23d: {  	v63 =	vld [tilespmem:s23+$0xFFFFFF90];
	[tilespmem:$0x1FB40] =	vst v7  }
0x23e: {  	v7 =	vld [tilespmem:s23+$0xFFFFFFC0];
	_ =	sdelay $0x4  }
0x23f: {  	[tilespmem:$0x1FB50] =	vst v7  }
0x240: {  	v7 =	vld [tilespmem:s2+$0xFFFFFFD0];
	_ =	sdelay $0x4  }
0x241: {  	[tilespmem:$0x1FB60] =	vst v7  }
0x242: {  	v59 =	vperm.xlane v6, v0;
	v7 =	vld [tilespmem:s23+$0xFFFFFFD0];
	_ =	sdelay $0x1  }
0x243: {  	v6 =	vadd.f32 v6, v59;
	_ =	sdelay $0x1  }
0x244: {  	v6 =	vmul.f32 $1.442695020e+00, v6  }
0x245: {  	[tilespmem:$0x1FB70] =	vst v7  }
0x246: {  	(erf) = vpow2.f32 v6;
	v6 =	vld [tilespmem:s2+$0x0];
	_ =	sdelay $0x4  }
0x247: {  	[tilespmem:$0x1FB90] =	vst v6  }
0x248: {  	v6 =	vld [tilespmem:s23+$0x0];
	_ =	sdelay $0x4  }
0x249: {  	[tilespmem:$0x1FBA0] =	vst v6  }
0x24a: {  	v6 =	vld [tilespmem:s2+$0x10];
	_ =	sdelay $0x4  }
0x24b: {  	[tilespmem:$0x1FBB0] =	vst v6  }
0x24c: {  	v6 =	vld [tilespmem:s23+$0x10];
	_ =	sdelay $0x4  }
0x24d: {  	[tilespmem:$0x1FBC0] =	vst v6  }
0x24e: {  	v6 =	vld [tilespmem:s2+$0x40];
	_ =	sdelay $0x4  }
0x24f: {  	[tilespmem:$0x1FBD0] =	vst v6  }
0x250: {  	v7 =	vld [tilespmem:s23+$0x40];
	_ =	sdelay $0x4  }
0x251: {  	[tilespmem:$0x1FBE0] =	vst v7  }
0x252: {  	v7 =	vld [tilespmem:s2+$0x50];
	_ =	sdelay $0x4  }
0x253: {  	[tilespmem:$0x1FBF0] =	vst v7  }
0x254: {  	v7 =	vld [tilespmem:s23+$0x50];
	_ =	sdelay $0x4  }
0x255: {  	s22 =	sshll.u32 s3, $0x3;
	[tilespmem:$0x1FC00] =	vst v7  }
0x256: {  	s0 =	sadd.s32 $0x38, s22;
	v7 =	vld [tilespmem:s2+$0x80]  }
0x257: {  	v6 =	vor.u32 s0, v1;
	_ =	sdelay $0x3  }
0x258: {  	v54 =	vpop (erf);
	[tilespmem:$0x1FC10] =	vst v7  }
0x259: {  	[tilespmem:v6+s18+$0x0] =	vst.idx.msk $0xff, v54;
	v6 =	vld [tilespmem:s23+$0x80];
	_ =	sdelay $0x4  }
0x25a: {  	[tilespmem:$0x1FC20] =	vst v6  }
0x25b: {  	v6 =	vld [tilespmem:s2+$0x90];
	_ =	sdelay $0x3  }
0x25c: {  	s13 =	sadd.s32 $0x200, s13  }
0x25d: {  	v7 =	vld [tilespmem:s13+$0xC0];
	[tilespmem:$0x1FC30] =	vst v6  }
0x25e: {  	v6 =	vld [tilespmem:s23+$0x90];
	_ =	sdelay $0x4  }
0x25f: {  	[tilespmem:$0x1FC40] =	vst v6;
	v6 =	vperm.xlane v54, v2;
	_ =	sdelay $0x1  }
0x260: {  	v6 =	vmul.f32 v7, v6  }
0x261: {  	s16 =	sadd.s32 $0x200, s1;
	v11 =	vld [tilespmem:s2+$0xFFFFFF00]  }
0x262: {  	[tilespmem:s16+$0xC0] =	vst v6;
	v6 =	vld [tilespmem:s2+$0xFFFFFFA0]  }
0x263: {  	v55 =	vld [tilespmem:s2+$0xFFFFFF20]  }
0x264: {  	v49 =	vld [tilespmem:s23+$0xFFFFFF20]  }
0x265: {  	v7 =	vld [tilespmem:s13+$0xD0]  }
0x266: {  	v57 =	vld [tilespmem:s2+$0xFFFFFF60]  }
0x267: {  	v56 =	vld [tilespmem:s23+$0xFFFFFF60];
	[tilespmem:$0x1FC50] =	vst v6  }
0x268: {  	v6 =	vperm.xlane v54, v3;
	v61 =	vld [tilespmem:s23+$0xFFFFFFA0]  }
0x269: {  	v62 =	vld [tilespmem:s2+$0xFFFFFFE0]  }
0x26a: {  	v60 =	vld [tilespmem:s23+$0xFFFFFFE0];
	v6 =	vmul.f32 v7, v6;
	v7 =	vmul.f32 v50, v24  }
0x26b: {  	v59 =	vld [tilespmem:s2+$0x20]  }
0x26c: {  	v58 =	vld [tilespmem:s23+$0x20];
	[tilespmem:$0x1FC60] =	vst v7  }
0x26d: {  	[tilespmem:s16+$0xD0] =	vst v6;
	v6 =	vmul.f32 v40, v16;
	_ =	sdelay $0x1  }
0x26e: {  	v24 =	vld [tilespmem:s2+$0x60];
	[tilespmem:$0x1FC70] =	vst v6;
	v6 =	vmul.f32 v42, v18;
	_ =	sdelay $0x1  }
0x26f: {  	v40 =	vld [tilespmem:s13+$0xE0];
	[tilespmem:$0x1FC80] =	vst v6;
	v6 =	vmul.f32 v43, v21;
	_ =	sdelay $0x1  }
0x270: {  	[tilespmem:$0x1FC90] =	vst v6;
	v6 =	vld [tilespmem:$0x1FAF0];
	_ =	sdelay $0x4  }
0x271: {  	v21 =	vmul.f32 v6, v10;
	v6 =	vld [tilespmem:$0x1FB00];
	_ =	sdelay $0x4  }
0x272: {  	v50 =	vmul.f32 v6, v12;
	v6 =	vld [tilespmem:$0x1FB10];
	_ =	sdelay $0x4  }
0x273: {  	v7 =	vmul.f32 v6, v9;
	v9 =	vld [tilespmem:$0x1FB20];
	_ =	sdelay $0x4  }
0x274: {  	v9 =	vmul.f32 v9, v8;
	v8 =	vld [tilespmem:$0x1FB30];
	_ =	sdelay $0x3  }
0x275: {  	v10 =	vld [tilespmem:$0x1FB50]  }
0x276: {  	v63 =	vmul.f32 v63, v8;
	v8 =	vld [tilespmem:$0x1FB40];
	_ =	sdelay $0x2  }
0x277: {  	v6 =	vperm.xlane v54, v4  }
0x278: {  	v16 =	vadd.f32 v7, v50;
	v7 =	vld [tilespmem:$0x1FB70]  }
0x279: {  	v10 =	vmul.f32 v10, v8;
	v8 =	vmul.f32 v40, v6;
	v6 =	vld [tilespmem:$0x1FB60];
	_ =	sdelay $0x4  }
0x27a: {  	v50 =	vmul.f32 v7, v6;
	v6 =	vld [tilespmem:$0x1FB80];
	_ =	sdelay $0x3  }
0x27b: {  	v42 =	vld [tilespmem:$0x1FBA0]  }
0x27c: {  	v11 =	vmul.f32 v6, v11;
	v6 =	vld [tilespmem:$0x1FB90];
	_ =	sdelay $0x4  }
0x27d: {  	v9 =	vadd.f32 v63, v9;
	v63 =	vmul.f32 v42, v6;
	v6 =	vld [tilespmem:$0x1FBB0]  }
0x27e: {  	v42 =	vld [tilespmem:$0x1FBC0];
	_ =	sdelay $0x4  }
0x27f: {  	[tilespmem:s16+$0xE0] =	vst v8;
	v6 =	vmul.f32 v42, v6  }
0x280: {  	v42 =	vld [tilespmem:$0x1FBD0]  }
0x281: {  	v6 =	vadd.f32 v6, v63;
	v63 =	vld [tilespmem:$0x1FBE0];
	_ =	sdelay $0x3  }
0x282: {  	v49 =	vmul.f32 v49, v55;
	v55 =	vld [tilespmem:$0x1FBF0]  }
0x283: {  	v10 =	vadd.f32 v50, v10;
	v50 =	vmul.f32 v63, v42;
	v42 =	vld [tilespmem:$0x1FC00];
	_ =	sdelay $0x4  }
0x284: {  	v55 =	vmul.f32 v42, v55  }
0x285: {  	v42 =	vld [tilespmem:$0x1FC20]  }
0x286: {  	v50 =	vadd.f32 v55, v50;
	v55 =	vld [tilespmem:$0x1FC10];
	_ =	sdelay $0x1  }
0x287: {  	v12 =	vld [tilespmem:s2+$0xFFFFFF30];
	v11 =	vadd.f32 v21, v11  }
0x288: {  	v40 =	vld [tilespmem:s23+$0xFFFFFF30]  }
0x289: {  	v11 =	vadd.f32 v49, v11;
	v49 =	vmul.f32 v56, v57;
	v56 =	vld [tilespmem:$0x1FC30]  }
0x28a: {  	v55 =	vmul.f32 v42, v55;
	v42 =	vld [tilespmem:$0x1FC40];
	_ =	sdelay $0x2  }
0x28b: {  	v7 =	vld [tilespmem:s2+$0xFFFFFF70]  }
0x28c: {  	v8 =	vld [tilespmem:s23+$0xFFFFFF70]  }
0x28d: {  	v12 =	vmul.f32 v40, v12;
	v56 =	vmul.f32 v42, v56  }
0x28e: {  	v43 =	vld [tilespmem:s23+$0x60]  }
0x28f: {  	v11 =	vadd.f32 v12, v11;
	v12 =	vadd.f32 v56, v55;
	v56 =	vld [tilespmem:$0x1FC50];
	[tilespmem:s1+$0x80] =	vst v51  }
0x290: {  	v25 =	vmul.f32 v53, v25;
	v53 =	vld [tilespmem:s2+$0xA0];
	[tilespmem:s1+$0xFFFFFF90] =	vst v52  }
0x291: {  	v40 =	vld [tilespmem:s23+$0xFFFFFFB0];
	v16 =	vadd.f32 v49, v16;
	v7 =	vmul.f32 v8, v7;
	[tilespmem:s30+$0xFFFFFF60] =	vst v44  }
0x292: {  	v58 =	vmul.f32 v58, v59;
	v63 =	vld [tilespmem:s2+$0xFFFFFFB0];
	[tilespmem:s30+$0xFFFFFFA0] =	vst v45  }
0x293: {  	v18 =	vld [tilespmem:s23+$0xA0];
	v7 =	vadd.f32 v7, v16;
	v16 =	vperm.xlane v11, v0;
	[tilespmem:s30+$0xFFFFFFE0] =	vst v46  }
0x294: {  	v6 =	vadd.f32 v58, v6;
	v58 =	vld [tilespmem:s23+$0x70];
	[tilespmem:s30+$0x20] =	vst v47  }
0x295: {  	v11 =	vadd.f32 v11, v16;
	v55 =	vld [tilespmem:s2+$0x70];
	[tilespmem:s30+$0x60] =	vst v48  }
0x296: {  	v24 =	vmul.f32 v43, v24;
	v49 =	vld [tilespmem:$0x1FC60];
	v42 =	vmul.f32 v61, v56  }
0x297: {  	v11 =	vmul.f32 $1.442695020e+00, v11;
	v40 =	vmul.f32 v40, v63;
	v63 =	vld [tilespmem:s12+$0xFFFFFFD0]  }
0x298: {  	v18 =	vmul.f32 v18, v53;
	v9 =	vadd.f32 v42, v9  }
0x299: {  	(erf) = vpow2.f32 v11;
	v24 =	vadd.f32 v24, v50;
	v61 =	vmul.f32 v60, v62  }
0x29a: {  	[tilespmem:s30+$0xFFFFFF30] =	vst v25;
	v11 =	vadd.f32 v18, v12;
	v12 =	vmul.f32 v58, v55;
	v9 =	vadd.f32 v40, v9  }
0x29b: {  	v16 =	vperm.xlane v7, v0;
	[tilespmem:s30+$0xA0] =	vst v49;
	v10 =	vadd.f32 v61, v10  }
0x29c: {  	v12 =	vadd.f32 v12, v24;
	v24 =	vmul.f32 v63, v30;
	v30 =	vld [tilespmem:$0x1FC70];
	v61 =	vperm.xlane v9, v0  }
0x29d: {  	v7 =	vadd.f32 v7, v16  }
0x29e: {  	v9 =	vadd.f32 v9, v61  }
0x29f: {  	v7 =	vmul.f32 $1.442695020e+00, v7  }
0x2a0: {  	[tilespmem:s1+$0xFFFFFFD0] =	vst v24;
	v9 =	vmul.f32 $1.442695020e+00, v9  }
0x2a1: {  	(erf) = vpow2.f32 v7;
	[tilespmem:s14+$0xFFFFFF70] =	vst v30  }
0x2a2: {  	(erf) = vpow2.f32 v9;
	v9 =	vmul.f32 v37, v14;
	v14 =	vld [tilespmem:$0x1FC80]  }
0x2a3: {  	v57 =	vld [tilespmem:s2+$0xFFFFFFF0]  }
0x2a4: {  	v8 =	vld [tilespmem:s23+$0xFFFFFFF0]  }
0x2a5: {  	v16 =	vld [tilespmem:s23+$0xB0]  }
0x2a6: {  	v56 =	vld [tilespmem:s2+$0x30]  }
0x2a7: {  	v62 =	vld [tilespmem:s23+$0x30];
	[tilespmem:s14+$0xFFFFFFB0] =	vst v14  }
0x2a8: {  	v14 =	vld [tilespmem:$0x1FC90]  }
0x2a9: {  	v60 =	vld [tilespmem:s2+$0xB0];
	v30 =	vor.u32 s22, v1;
	_ =	sdelay $0x1  }
0x2aa: {  	v21 =	vld [tilespmem:s13+$0xF0]  }
0x2ab: {  	v8 =	vmul.f32 v8, v57;
	v51 =	vld [tilespmem:s12+$0xFFFFFF20];
	[tilespmem:s14+$0x30] =	vst v9  }
0x2ac: {  	v59 =	vperm.xlane v54, v5;
	v7 =	vld [tilespmem:s12+$0x90];
	v62 =	vmul.f32 v62, v56;
	[tilespmem:s14+$0xFFFFFFF0] =	vst v14;
	v14 =	vpop (erf)  }
0x2ad: {  	v8 =	vadd.f32 v8, v10;
	v10 =	vld [tilespmem:s12+$0x10];
	v16 =	vmul.f32 v16, v60;
	[tilespmem:v30+s18+$0x0] =	vst.idx.msk $0xff, v14  }
0x2ae: {  	v6 =	vadd.f32 v62, v6;
	v9 =	vld [tilespmem:$0x1FEF0]  }
0x2af: {  	v21 =	vmul.f32 v21, v59;
	v48 =	vperm.xlane v8, v0;
	v11 =	vadd.f32 v16, v11  }
0x2b0: {  	v25 =	vld [tilespmem:s12+$0xFFFFFF60];
	v19 =	vmul.f32 v51, v19;
	v50 =	vperm.xlane v6, v0  }
0x2b1: {  	v7 =	vmul.f32 v7, v27;
	v8 =	vadd.f32 v8, v48;
	v24 =	vperm.xlane v11, v0  }
0x2b2: {  	v55 =	vperm.xlane v12, v0;
	v10 =	vmul.f32 v10, v28;
	v6 =	vadd.f32 v6, v50  }
0x2b3: {  	s17 =	sadd.s32 $0x8, s22;
	v8 =	vmul.f32 $1.442695020e+00, v8;
	v11 =	vadd.f32 v11, v24;
	v24 =	vmul.f32 v38, v9;
	v9 =	vld [tilespmem:$0x1FF00]  }
0x2b4: {  	v44 =	vld [tilespmem:s12+$0xFFFFFFA0];
	v12 =	vadd.f32 v12, v55;
	v16 =	vor.u32 s17, v1;
	v6 =	vmul.f32 $1.442695020e+00, v6;
	[tilespmem:s1+$0x10] =	vst v10  }
0x2b5: {  	v18 =	vld [tilespmem:s12+$0x50];
	v15 =	vmul.f32 v25, v15;
	(erf) = vpow2.f32 v8;
	[tilespmem:s1+$0x90] =	vst v7  }
0x2b6: {  	v12 =	vmul.f32 $1.442695020e+00, v12;
	(erf) = vpow2.f32 v6;
	[tilespmem:s16+$0xF0] =	vst v21  }
0x2b7: {  	s19 =	sadd.s32 $0x10, s22;
	v10 =	vmul.f32 $1.442695020e+00, v11;
	[tilespmem:s1+$0xFFFFFF20] =	vst v19  }
0x2b8: {  	v56 =	vor.u32 s19, v1;
	[tilespmem:s1+$0xFFFFFF60] =	vst v15;
	v30 =	vmul.f32 v39, v9;
	v9 =	vpop (erf);
	(erf) = vpow2.f32 v12  }
0x2b9: {  	s23 =	sadd.s32 $0x18, s22;
	v17 =	vmul.f32 v44, v17;
	v57 =	vld [tilespmem:s13+$0xFFFFFF00];
	[tilespmem:v16+s18+$0x0] =	vst.idx.msk $0xff, v9  }
0x2ba: {  	s29 =	sadd.s32 $0x20, s22;
	[tilespmem:s14+$0x70] =	vst v24;
	v12 =	vor.u32 s23, v1;
	v16 =	vmul.f32 v18, v26;
	(erf) = vpow2.f32 v10;
	v24 =	vld [tilespmem:s13+$0xFFFFFF40]  }
0x2bb: {  	[tilespmem:s1+$0xFFFFFFA0] =	vst v17;
	v26 =	vor.u32 s29, v1;
	v18 =	vperm.xlane v14, v2  }
0x2bc: {  	s4 =	sadd.s32 $0x28, s22;
	v10 =	vpop (erf);
	[tilespmem:s14+$0xB0] =	vst v30  }
0x2bd: {  	v58 =	vor.u32 s4, v1;
	v62 =	vperm.xlane v9, v2;
	[tilespmem:v56+s18+$0x0] =	vst.idx.msk $0xff, v10  }
0x2be: {  	s14 =	sadd.s32 $0x30, s22;
	[tilespmem:s1+$0x50] =	vst v16;
	v60 =	vld [tilespmem:s13+$0xFFFFFF80];
	v16 =	vpop (erf)  }
0x2bf: {  	v11 =	vld [tilespmem:s12+$0x20];
	v7 =	vmul.f32 v57, v18;
	v61 =	vor.u32 s14, v1;
	[tilespmem:v12+s18+$0x0] =	vst.idx.msk $0xff, v16;
	v18 =	vpop (erf);
	v24 =	vmul.f32 v24, v62  }
0x2c0: {  	v63 =	vld [tilespmem:s13+$0xFFFFFFC0];
	[tilespmem:v26+s18+$0x0] =	vst.idx.msk $0xff, v18  }
0x2c1: {  	[tilespmem:s16+$0xFFFFFF00] =	vst v7;
	v26 =	vperm.xlane v10, v2;
	v7 =	vld [tilespmem:s13+$0x0];
	v21 =	vpop (erf)  }
0x2c2: {  	v38 =	vld [tilespmem:s12+$0x60];
	[tilespmem:v58+s18+$0x0] =	vst.idx.msk $0xff, v21  }
0x2c3: {  	v53 =	vperm.xlane v16, v2;
	[tilespmem:s16+$0xFFFFFF40] =	vst v24;
	v26 =	vmul.f32 v60, v26;
	v54 =	vld [tilespmem:s13+$0x40];
	v24 =	vpop (erf)  }
0x2c4: {  	v11 =	vmul.f32 v11, v22;
	v55 =	vperm.xlane v18, v2;
	v56 =	vld [tilespmem:s13+$0xFFFFFF50];
	[tilespmem:v61+s18+$0x0] =	vst.idx.msk $0xff, v24  }
0x2c5: {  	[tilespmem:s16+$0xFFFFFF80] =	vst v26;
	v26 =	vmul.f32 v63, v53;
	v58 =	vld [tilespmem:s13+$0x80]  }
0x2c6: {  	[tilespmem:s1+$0x20] =	vst v11;
	v59 =	vperm.xlane v21, v2;
	v60 =	vld [tilespmem:s13+$0xFFFFFF90];
	v7 =	vmul.f32 v7, v55  }
0x2c7: {  	v19 =	vperm.xlane v9, v3;
	v52 =	vld [tilespmem:s13+$0xFFFFFF10];
	v17 =	vmul.f32 v38, v23;
	[tilespmem:s16+$0xFFFFFFC0] =	vst v26  }
0x2c8: {  	v37 =	vld [tilespmem:s12+$0xFFFFFFE0];
	v26 =	vperm.xlane v24, v2;
	[tilespmem:s16+$0x0] =	vst v7;
	v7 =	vmul.f32 v54, v59  }
0x2c9: {  	v12 =	vld [tilespmem:s12+$0xA0];
	[tilespmem:s1+$0x60] =	vst v17;
	v61 =	vperm.xlane v10, v3;
	v19 =	vmul.f32 v56, v19  }
0x2ca: {  	v57 =	vperm.xlane v14, v3;
	[tilespmem:s16+$0x40] =	vst v7;
	v7 =	vmul.f32 v58, v26  }
0x2cb: {  	[tilespmem:s16+$0xFFFFFF50] =	vst v19;
	v19 =	vmul.f32 v60, v61  }
0x2cc: {  	v39 =	vmul.f32 v52, v57;
	[tilespmem:s16+$0x80] =	vst v7;
	v7 =	vld [tilespmem:s12+$0xFFFFFF30]  }
0x2cd: {  	[tilespmem:s16+$0xFFFFFF90] =	vst v19;
	v19 =	vmul.f32 v37, v20  }
0x2ce: {  	v45 =	vld [tilespmem:s25+$0xFFFFFF70];
	v12 =	vmul.f32 v12, v41;
	[tilespmem:s16+$0xFFFFFF10] =	vst v39  }
0x2cf: {  	v8 =	vld [tilespmem:s25+$0xFFFFFFB0];
	v15 =	vperm.xlane v33, v5;
	[tilespmem:s1+$0xFFFFFFE0] =	vst v19  }
0x2d0: {  	v11 =	vld [tilespmem:$0x1FF20];
	[tilespmem:s1+$0xA0] =	vst v12  }
0x2d1: {  	v7 =	vmul.f32 v7, v15;
	v15 =	vld [tilespmem:$0x1FF40];
	_ =	sdelay $0x1  }
0x2d2: {  	v28 =	vld [tilespmem:s25+$0x30]  }
0x2d3: {  	v6 =	vld [tilespmem:s25+$0xFFFFFFF0]  }
0x2d4: {  	v30 =	vld [tilespmem:s25+$0x70];
	[tilespmem:s1+$0xFFFFFF30] =	vst v7  }
0x2d5: {  	v11 =	vmul.f32 v45, v11;
	v8 =	vmul.f32 v8, v15;
	v15 =	vld [tilespmem:$0x1FF60]  }
0x2d6: {  	v7 =	vld [tilespmem:s13+$0x10]  }
0x2d7: {  	[tilespmem:s30+$0xFFFFFF70] =	vst v11;
	v11 =	vld [tilespmem:s13+$0x50]  }
0x2d8: {  	v12 =	vld [tilespmem:s13+$0xFFFFFFD0];
	[tilespmem:s30+$0xFFFFFFB0] =	vst v8  }
0x2d9: {  	v13 =	vmul.f32 v28, v13;
	v17 =	vperm.xlane v18, v3;
	v19 =	vld [tilespmem:$0x1FFB0]  }
0x2da: {  	v20 =	vperm.xlane v21, v3;
	v6 =	vmul.f32 v6, v15  }
0x2db: {  	v7 =	vmul.f32 v7, v17;
	[tilespmem:s30+$0x30] =	vst v13;
	v15 =	vperm.xlane v16, v3  }
0x2dc: {  	v11 =	vmul.f32 v11, v20;
	[tilespmem:s30+$0xFFFFFFF0] =	vst v6;
	v6 =	vld [tilespmem:s13+$0xFFFFFF20]  }
0x2dd: {  	[tilespmem:s16+$0x10] =	vst v7;
	v12 =	vmul.f32 v12, v15  }
0x2de: {  	[tilespmem:s16+$0x50] =	vst v11;
	v19 =	vmul.f32 v30, v19  }
0x2df: {  	v8 =	vld [tilespmem:s13+$0x90];
	v17 =	vperm.xlane v14, v4;
	[tilespmem:s16+$0xFFFFFFD0] =	vst v12  }
0x2e0: {  	v27 =	vld [tilespmem:s25+$0xB0];
	[tilespmem:s30+$0x70] =	vst v19  }
0x2e1: {  	v6 =	vmul.f32 v6, v17;
	v17 =	vld [tilespmem:$0x1FFC0]  }
0x2e2: {  	v13 =	vperm.xlane v24, v3;
	v15 =	vld [tilespmem:s13+$0xFFFFFF60]  }
0x2e3: {  	v19 =	vld [tilespmem:s13+$0xFFFFFFA0]  }
0x2e4: {  	v7 =	vmul.f32 v8, v13;
	v12 =	vld [tilespmem:s13+$0xFFFFFFE0]  }
0x2e5: {  	v8 =	vperm.xlane v9, v4;
	v13 =	vld [tilespmem:s13+$0x20]  }
0x2e6: {  	v11 =	vperm.xlane v10, v4;
	v20 =	vld [tilespmem:s13+$0x60];
	[tilespmem:s16+$0x90] =	vst v7;
	v17 =	vmul.f32 v27, v17  }
0x2e7: {  	v7 =	vperm.xlane v16, v4;
	v22 =	vld [tilespmem:s13+$0xA0];
	[tilespmem:s16+$0xFFFFFF20] =	vst v6;
	v6 =	vmul.f32 v15, v8  }
0x2e8: {  	v8 =	vperm.xlane v18, v4;
	v15 =	vld [tilespmem:s13+$0xFFFFFF30];
	v11 =	vmul.f32 v19, v11;
	[tilespmem:s30+$0xB0] =	vst v17  }
0x2e9: {  	v7 =	vmul.f32 v12, v7;
	v17 =	vperm.xlane v21, v4;
	v19 =	vld [tilespmem:s12+$0xFFFFFF70];
	[tilespmem:s16+$0xFFFFFF60] =	vst v6  }
0x2ea: {  	v8 =	vmul.f32 v13, v8;
	v6 =	vperm.xlane v24, v4;
	v12 =	vld [tilespmem:s12+$0xFFFFFFB0];
	[tilespmem:s16+$0xFFFFFFA0] =	vst v11  }
0x2eb: {  	v11 =	vperm.xlane v14, v5;
	v13 =	vld [tilespmem:s12+$0xFFFFFFF0];
	[tilespmem:s16+$0xFFFFFFE0] =	vst v7;
	v14 =	vmul.f32 v20, v17  }
0x2ec: {  	v7 =	vperm.xlane v29, v5;
	[tilespmem:s16+$0x20] =	vst v8;
	v17 =	vld [tilespmem:s12+$0x30];
	v6 =	vmul.f32 v22, v6  }
0x2ed: {  	v8 =	vperm.xlane v31, v5;
	v20 =	vld [tilespmem:s12+$0x70];
	v11 =	vmul.f32 v15, v11;
	[tilespmem:s16+$0x60] =	vst v14  }
0x2ee: {  	v15 =	vld [tilespmem:s12+$0xB0];
	v14 =	vperm.xlane v32, v5;
	[tilespmem:s16+$0xA0] =	vst v6;
	v7 =	vmul.f32 v19, v7  }
0x2ef: {  	v6 =	vperm.xlane v34, v5;
	[tilespmem:s16+$0xFFFFFF30] =	vst v11;
	v11 =	vld [tilespmem:s13+$0xFFFFFF70];
	v8 =	vmul.f32 v12, v8  }
0x2f0: {  	v12 =	vperm.xlane v35, v5;
	v13 =	vmul.f32 v13, v14;
	[tilespmem:s1+$0xFFFFFF70] =	vst v7;
	v7 =	vld [tilespmem:s13+$0xFFFFFFB0]  }
0x2f1: {  	v14 =	vperm.xlane v36, v5;
	v6 =	vmul.f32 v17, v6;
	[tilespmem:s1+$0xFFFFFFB0] =	vst v8;
	v8 =	vld [tilespmem:s13+$0xFFFFFFF0]  }
0x2f2: {  	v9 =	vperm.xlane v9, v5;
	v12 =	vmul.f32 v20, v12;
	[tilespmem:s1+$0xFFFFFFF0] =	vst v13;
	v13 =	vld [tilespmem:s13+$0x30]  }
0x2f3: {  	v10 =	vperm.xlane v10, v5;
	v14 =	vmul.f32 v15, v14;
	[tilespmem:s1+$0x30] =	vst v6;
	v6 =	vld [tilespmem:s13+$0x70]  }
0x2f4: {  	v15 =	vperm.xlane v16, v5;
	[tilespmem:s1+$0x70] =	vst v12;
	v12 =	vld [tilespmem:s13+$0xB0];
	v9 =	vmul.f32 v11, v9  }
0x2f5: {  	v11 =	vperm.xlane v18, v5;
	[tilespmem:s1+$0xB0] =	vst v14;
	v7 =	vmul.f32 v7, v10  }
0x2f6: {  	[tilespmem:s16+$0xFFFFFF70] =	vst v9;
	v10 =	vperm.xlane v21, v5;
	v8 =	vmul.f32 v8, v15  }
0x2f7: {  	v9 =	vperm.xlane v24, v5;
	v11 =	vmul.f32 v13, v11;
	[tilespmem:s16+$0xFFFFFFB0] =	vst v7  }
0x2f8: {  	v6 =	vmul.f32 v6, v10;
	[tilespmem:s16+$0xFFFFFFF0] =	vst v8  }
0x2f9: {  	v7 =	vmul.f32 v12, v9;
	[tilespmem:s16+$0x30] =	vst v11  }
0x2fa: {  	[tilespmem:s16+$0x70] =	vst v6  }
0x2fb: {  	s15 =	rddreg [dreg:$0x2];
	[tilespmem:s16+$0xB0] =	vst v7;
	s16 =	simm.s32 $0x120  }
0x2fc: {  	[spmem:s15] =	stream.indirect.scatter.add.f32 [tilespmem:s18], [sflag:$0x7], $0x8, s16, s31, $0xb8;
	[tilespmem:$0x1B3F0] =	vst v63  }
0x2fd: {  	_ =	swait.ge [sflag:s28], $0x480  }
0x2fe: {  	[sflag:s28] =	ssyncset.done $0x0  }
0x2ff: {  	[sflag:s28] =	ssyncadd.s32 $0xFFFFFB80  }
0x300: {  	p0 =	seq.s32 s26, $0x23;
	s22 =	simm.s32 $0xDB60;
	s19 =	rddreg [dreg:$0x3]  }
0x301: {  	[spmem:s19] =	stream.indirect.scatter.add.f32 [tilespmem:s22], [sflag:$0x7], $0x40, s16, s31, $0xb8;
	[tilespmem:$0x1B3F0] =	vst v63  }
0x302: {  	s0 =	smul.u32 @!p0 $0x120, s26;
	_ =	swait.ge [sflag:s28], $0x2400  }
0x303: {  	s1 =	rddreg [dreg:$0xf]  }
0x304: {  	s0 =	sadd.s32 @!p0 s0, s1  }
0x305: {  	[sflag:s28] =	ssyncset.done $0x0;
	s0 =	sshrl.u32 @!p0 s0, $0x3  }
0x306: {  	s2 =	simm.s32 @!p0 $0x0;
	[sflag:s28] =	ssyncadd.s32 $0xFFFFDC00;
	s1 =	sadd.s32 @!p0 s9, s0  }
0x307: {  	[tilespmem:s2], [sflag:$0x7] =	stream.linear.gather @!p0 [hbm4b:s1+s2], $0x90, $0x38;
	[tilespmem:$0x1B3F0] =	vst v63  }
0x308: {  	s1 =	simm.s32 @!p0 $0x7  }
0x309: {  	_ =	swait.ge @!p0 [sflag:s1], $0x90  }
0x30a: {  	[sflag:s1] =	ssyncset.done @!p0 $0x0  }
0x30b: {  	s4 =	simm.s32 @!p0 $0x120;
	s3 =	sadd.s32 @!p0 s10, s0;
	[sflag:s1] =	ssyncadd.s32 @!p0 $0xFFFFFF70  }
0x30c: {  	[tilespmem:s4], [sflag:$0x7] =	stream.linear.gather @!p0 [hbm4b:s3+s2], $0x90, $0x38;
	[tilespmem:$0x1B3F0] =	vst v63  }
0x30d: {  	_ =	swait.ge @!p0 [sflag:s1], $0x90  }
0x30e: {  	[sflag:s1] =	ssyncset.done @!p0 $0x0  }
0x30f: {  	s0 =	sadd.s32 @!p0 s11, s0;
	s3 =	simm.s32 @!p0 $0x240;
	[sflag:s1] =	ssyncadd.s32 @!p0 $0xFFFFFF70  }
0x310: {  	[tilespmem:s3], [sflag:$0x7] =	stream.linear.gather @!p0 [hbm4b:s0+s2], $0x90, $0x38;
	[tilespmem:$0x1B3F0] =	vst v63  }
0x311: {  	_ =	swait.ge @!p0 [sflag:s1], $0x90  }
0x312: {  	[sflag:s1] =	ssyncset.done @!p0 $0x0  }
0x313: {  	s0 =	simm.s32 @!p0 $0x90;
	[sflag:s1] =	ssyncadd.s32 @!p0 $0xFFFFFF70;
	s1 =	simm.s32 @!p0 $0x360  }
0x314: {  	[tilespmem:s1], [sflag:$0x1] =	stream.indirect.gather @!p0 [hbm4b:s6+s0], $0x40, s2, s0, $0xb8;
	[tilespmem:$0x1B3F0] =	vst v63  }
0x315: {  	s1 =	simm.s32 @!p0 $0x4B60  }
0x316: {  	[tilespmem:s1], [sflag:$0x3] =	stream.indirect.gather @!p0 [hbm4b:s7+s0], $0x40, s3, s0, $0xb8;
	[tilespmem:$0x1B3F0] =	vst v63  }
0x317: {  	s1 =	simm.s32 @!p0 $0x9360  }
0x318: {  	[tilespmem:s1], [sflag:$0x5] =	stream.indirect.gather @!p0 [hbm4b:s8+s0], $0x40, s3, s0, $0xb8;
	[tilespmem:$0x1B3F0] =	vst v63  }
0x319: {  	_ =	swait.ge [sflag:s20], $0x2400  }
0x31a: {  	[sflag:s20] =	ssyncset.done $0x0  }
0x31b: {  	[sflag:s20] =	ssyncadd.s32 $0xFFFFDC00  }
0x31c: {  	_ =	swait.ge [sflag:s21], $0x2400  }
0x31d: {  	[sflag:s21] =	ssyncset.done $0x0  }
0x31e: {  	[sflag:s21] =	ssyncadd.s32 $0xFFFFDC00  }
0x31f: {  	_ =	swait.ge [sflag:s24], $0x2400  }
0x320: {  	[sflag:s24] =	ssyncset.done $0x0  }
0x321: {  	s23 =	simm.s32 $0x2860;
	[sflag:s24] =	ssyncadd.s32 $0xFFFFDC00  }
0x322: {  	s25 =	simm.s32 $0x7060;
	v6 =	vld [tilespmem:s23+$0xC0]  }
0x323: {  	v7 =	vld [tilespmem:s25+$0xC0]  }
0x324: {  	v8 =	vld [tilespmem:s23+$0xD0]  }
0x325: {  	v9 =	vld [tilespmem:s25+$0xD0]  }
0x326: {  	v10 =	vld [tilespmem:s23+$0xE0]  }
0x327: {  	v11 =	vld [tilespmem:s25+$0xE0]  }
0x328: {  	v12 =	vld [tilespmem:s23+$0xF0]  }
0x329: {  	v13 =	vld [tilespmem:s25+$0xF0]  }
0x32a: {  	v14 =	vld [tilespmem:s25+$0xFFFFFF00]  }
0x32b: {  	v15 =	vld [tilespmem:s25+$0xFFFFFF80]  }
0x32c: {  	v17 =	vld [tilespmem:s23+$0xFFFFFF90]  }
0x32d: {  	v18 =	vld [tilespmem:s25+$0xFFFFFF90]  }
0x32e: {  	v19 =	vld [tilespmem:s25+$0xFFFFFFC0]  }
0x32f: {  	v20 =	vld [tilespmem:s23+$0xFFFFFFD0]  }
0x330: {  	v21 =	vld [tilespmem:s25+$0xFFFFFFD0]  }
0x331: {  	v22 =	vld [tilespmem:s23+$0x0]  }
0x332: {  	v23 =	vld [tilespmem:s25+$0x0]  }
0x333: {  	v24 =	vld [tilespmem:s23+$0x10]  }
0x334: {  	v25 =	vld [tilespmem:s25+$0x10]  }
0x335: {  	v26 =	vld [tilespmem:s23+$0x40]  }
0x336: {  	v28 =	vld [tilespmem:s25+$0x40]  }
0x337: {  	v29 =	vld [tilespmem:s23+$0x50]  }
0x338: {  	v30 =	vld [tilespmem:s25+$0x50]  }
0x339: {  	v31 =	vld [tilespmem:s23+$0x80]  }
0x33a: {  	v62 =	vld [tilespmem:s25+$0x80]  }
0x33b: {  	v63 =	vld [tilespmem:s23+$0x90]  }
0x33c: {  	v48 =	vld [tilespmem:s25+$0x90]  }
0x33d: {  	v49 =	vld [tilespmem:s23+$0xFFFFFF00]  }
0x33e: {  	v50 =	vld [tilespmem:s23+$0xFFFFFF20]  }
0x33f: {  	v51 =	vld [tilespmem:s25+$0xFFFFFF20]  }
0x340: {  	v52 =	vld [tilespmem:s23+$0xFFFFFF60]  }
0x341: {  	v53 =	vld [tilespmem:s25+$0xFFFFFF60]  }
0x342: {  	v54 =	vld [tilespmem:s23+$0xFFFFFFA0]  }
0x343: {  	v55 =	vld [tilespmem:s25+$0xFFFFFFA0]  }
0x344: {  	v56 =	vld [tilespmem:s23+$0xFFFFFFE0]  }
0x345: {  	v57 =	vld [tilespmem:s25+$0xFFFFFFE0]  }
0x346: {  	v58 =	vld [tilespmem:s23+$0x20]  }
0x347: {  	v59 =	vld [tilespmem:s25+$0x20];
	v6 =	vmul.f32 v7, v6;
	v7 =	vmul.f32 v9, v8  }
0x348: {  	v8 =	vld [tilespmem:s23+$0xFFFFFF10]  }
0x349: {  	v9 =	vld [tilespmem:s25+$0xFFFFFF10];
	v6 =	vadd.f32 v7, v6;
	v7 =	vmul.f32 v11, v10  }
0x34a: {  	v10 =	vld [tilespmem:s23+$0xFFFFFF40]  }
0x34b: {  	v11 =	vld [tilespmem:s25+$0xFFFFFF40];
	v6 =	vadd.f32 v7, v6;
	v7 =	vmul.f32 v13, v12  }
0x34c: {  	v12 =	vld [tilespmem:s23+$0xFFFFFF50]  }
0x34d: {  	v13 =	vld [tilespmem:s25+$0xFFFFFF50];
	v6 =	vadd.f32 v7, v6  }
0x34e: {  	v60 =	vld [tilespmem:s23+$0x60]  }
0x34f: {  	v7 =	vld [tilespmem:s23+$0xFFFFFF80];
	v16 =	vperm.xlane v6, v0  }
0x350: {  	v14 =	vmul.f32 v14, v49;
	v8 =	vmul.f32 v9, v8;
	v9 =	vld [tilespmem:s25+$0x60]  }
0x351: {  	v10 =	vmul.f32 v11, v10;
	v6 =	vadd.f32 v6, v16;
	v16 =	vld [tilespmem:s23+$0xFFFFFFC0]  }
0x352: {  	v8 =	vadd.f32 v8, v14;
	v14 =	vmul.f32 v51, v50;
	v11 =	vmul.f32 v13, v12;
	v12 =	vld [tilespmem:s23+$0xA0]  }
0x353: {  	v13 =	vmul.f32 v18, v17;
	v17 =	vmul.f32 v21, v20;
	v18 =	vld [tilespmem:s23+$0xFFFFFF30]  }
0x354: {  	v20 =	vld [tilespmem:s25+$0xFFFFFF30];
	v21 =	vmul.f32 v30, v29;
	v7 =	vmul.f32 v15, v7  }
0x355: {  	v15 =	vld [tilespmem:s25+$0xA0];
	v10 =	vadd.f32 v11, v10;
	v11 =	vmul.f32 v23, v22;
	v6 =	vmul.f32 $1.442695020e+00, v6  }
0x356: {  	v22 =	vld [tilespmem:s23+$0xFFFFFF70];
	v16 =	vmul.f32 v19, v16;
	v19 =	vmul.f32 v25, v24  }
0x357: {  	v23 =	vld [tilespmem:s25+$0xFFFFFF70];
	v7 =	vadd.f32 v13, v7;
	v13 =	vmul.f32 v28, v26;
	(erf) = vpow2.f32 v6  }
0x358: {  	v26 =	vld [tilespmem:s23+$0xFFFFFFF0];
	v24 =	vmul.f32 v48, v63;
	v11 =	vadd.f32 v19, v11;
	v19 =	vmul.f32 v62, v31  }
0x359: {  	v8 =	vadd.f32 v14, v8;
	v14 =	vmul.f32 v55, v54;
	v18 =	vmul.f32 v20, v18;
	v25 =	vld [tilespmem:s23+$0xFFFFFFB0]  }
0x35a: {  	s29 =	simm.s32 $0x38;
	v13 =	vadd.f32 v21, v13;
	v21 =	vld [tilespmem:s25+$0xFFFFFFB0];
	v19 =	vadd.f32 v24, v19;
	v24 =	vmul.f32 v53, v52  }
0x35b: {  	v27 =	vor.u32 s29, v1;
	v20 =	vld [tilespmem:s25+$0xFFFFFFF0];
	v7 =	vadd.f32 v14, v7;
	v14 =	vmul.f32 v59, v58  }
0x35c: {  	v22 =	vmul.f32 v23, v22;
	v23 =	vld [tilespmem:s23+$0x30];
	v8 =	vadd.f32 v18, v8;
	v10 =	vadd.f32 v24, v10  }
0x35d: {  	v9 =	vmul.f32 v9, v60;
	v18 =	vld [tilespmem:s25+$0x30];
	v16 =	vadd.f32 v17, v16;
	v24 =	vmul.f32 v57, v56  }
0x35e: {  	v11 =	vadd.f32 v14, v11;
	v14 =	vperm.xlane v8, v0;
	v10 =	vadd.f32 v22, v10;
	v22 =	vld [tilespmem:s23+$0x70]  }
0x35f: {  	v12 =	vmul.f32 v15, v12;
	v21 =	vmul.f32 v21, v25;
	v16 =	vadd.f32 v24, v16;
	v24 =	vld [tilespmem:s25+$0x70]  }
0x360: {  	v15 =	vld [tilespmem:s23+$0xB0];
	v9 =	vadd.f32 v9, v13;
	v8 =	vadd.f32 v8, v14;
	v13 =	vperm.xlane v10, v0  }
0x361: {  	v14 =	vmul.f32 v20, v26;
	v20 =	vld [tilespmem:s25+$0xB0];
	v7 =	vadd.f32 v21, v7;
	v6 =	vpop (erf)  }
0x362: {  	s12 =	simm.s32 $0xB860;
	v8 =	vmul.f32 $1.442695020e+00, v8;
	[tilespmem:v27+s18+$0x0] =	vst.idx.msk $0xff, v6;
	v10 =	vadd.f32 v10, v13;
	v13 =	vmul.f32 v18, v23  }
0x363: {  	v17 =	vperm.xlane v6, v2;
	v27 =	vld [tilespmem:s12+$0xC0];
	v14 =	vadd.f32 v14, v16;
	v18 =	vperm.xlane v7, v0  }
0x364: {  	(erf) = vpow2.f32 v8;
	v11 =	vadd.f32 v13, v11;
	v13 =	vmul.f32 v24, v22  }
0x365: {  	v8 =	vperm.xlane v14, v0;
	v10 =	vmul.f32 $1.442695020e+00, v10;
	v7 =	vadd.f32 v7, v18  }
0x366: {  	v16 =	vperm.xlane v11, v0;
	v9 =	vadd.f32 v13, v9;
	v13 =	vmul.f32 v20, v15  }
0x367: {  	v12 =	vadd.f32 v12, v19;
	(erf) = vpow2.f32 v10;
	v7 =	vmul.f32 $1.442695020e+00, v7  }
0x368: {  	v8 =	vadd.f32 v14, v8;
	v17 =	vmul.f32 v27, v17;
	v10 =	vadd.f32 v11, v16  }
0x369: {  	s3 =	simm.s32 $0x0;
	v11 =	vperm.xlane v9, v0;
	v12 =	vadd.f32 v13, v12;
	(erf) = vpow2.f32 v7  }
0x36a: {  	v8 =	vmul.f32 $1.442695020e+00, v8;
	v13 =	vor.u32 s3, v1;
	v7 =	vmul.f32 $1.442695020e+00, v10  }
0x36b: {  	s4 =	simm.s32 $0x8;
	s25 =	simm.s32 $0xDC60;
	v9 =	vadd.f32 v9, v11;
	v10 =	vperm.xlane v12, v0  }
0x36c: {  	[tilespmem:s25+$0xC0] =	vst v17;
	(erf) = vpow2.f32 v8;
	v11 =	vor.u32 s4, v1  }
0x36d: {  	s13 =	simm.s32 $0x10;
	v8 =	vmul.f32 $1.442695020e+00, v9;
	v9 =	vadd.f32 v12, v10;
	(erf) = vpow2.f32 v7;
	v10 =	vld [tilespmem:s12+$0xD0]  }
0x36e: {  	v12 =	vor.u32 s13, v1;
	v7 =	vpop (erf)  }
0x36f: {  	v14 =	vmul.f32 $1.442695020e+00, v9;
	[tilespmem:v13+s18+$0x0] =	vst.idx.msk $0xff, v7  }
0x370: {  	s14 =	simm.s32 $0x18;
	(erf) = vpow2.f32 v8;
	v8 =	vperm.xlane v6, v3;
	v21 =	vpop (erf);
	[tilespmem:$0x1FCB0] =	vst v6  }
0x371: {  	s15 =	simm.s32 $0x20;
	v13 =	vor.u32 s14, v1;
	v9 =	vmov v7;
	v15 =	vld [tilespmem:s12+$0xFFFFFF00];
	[tilespmem:v11+s18+$0x0] =	vst.idx.msk $0xff, v21  }
0x372: {  	(erf) = vpow2.f32 v14;
	v14 =	vor.u32 s15, v1;
	v10 =	vmul.f32 v10, v8;
	v7 =	vpop (erf);
	v16 =	vld [tilespmem:s12+$0xFFFFFF40];
	[tilespmem:$0x1FCC0] =	vst v9  }
0x373: {  	[tilespmem:v12+s18+$0x0] =	vst.idx.msk $0xff, v7  }
0x374: {  	[tilespmem:s25+$0xD0] =	vst v10;
	v18 =	vld [tilespmem:s12+$0xFFFFFF80]  }
0x375: {  	v8 =	vpop (erf);
	v20 =	vld [tilespmem:s12+$0xE0];
	[tilespmem:$0x1FCD0] =	vst v21  }
0x376: {  	v11 =	vperm.xlane v9, v2;
	v57 =	vmov v9;
	[tilespmem:v13+s18+$0x0] =	vst.idx.msk $0xff, v8;
	v9 =	vpop (erf)  }
0x377: {  	v12 =	vperm.xlane v21, v2;
	[tilespmem:v14+s18+$0x0] =	vst.idx.msk $0xff, v9  }
0x378: {  	v58 =	vmov v21;
	v15 =	vmul.f32 v15, v11;
	v21 =	vld [tilespmem:s12+$0xFFFFFFC0];
	[tilespmem:$0x1FCE0] =	vst v7  }
0x379: {  	s23 =	simm.s32 $0x7260;
	v14 =	vmul.f32 v16, v12;
	v16 =	vld [tilespmem:s12+$0x0]  }
0x37a: {  	s22 =	simm.s32 $0x2A60;
	[tilespmem:s25+$0xFFFFFF00] =	vst v15;
	v15 =	vld [tilespmem:s23+$0xC0]  }
0x37b: {  	v24 =	vld [tilespmem:s22+$0xD0]  }
0x37c: {  	v25 =	vld [tilespmem:s23+$0xD0]  }
0x37d: {  	v26 =	vld [tilespmem:s22+$0xE0]  }
0x37e: {  	v27 =	vld [tilespmem:s23+$0xE0]  }
0x37f: {  	v28 =	vld [tilespmem:s22+$0xF0]  }
0x380: {  	v13 =	vperm.xlane v7, v2;
	v29 =	vld [tilespmem:s23+$0xF0]  }
0x381: {  	v30 =	vld [tilespmem:s23+$0xFFFFFF00]  }
0x382: {  	v31 =	vld [tilespmem:s22+$0xFFFFFF80];
	v13 =	vmul.f32 v18, v13  }
0x383: {  	v32 =	vld [tilespmem:s23+$0xFFFFFF80]  }
0x384: {  	[tilespmem:s25+$0xFFFFFF80] =	vst v13;
	v13 =	vld [tilespmem:s22+$0xC0]  }
0x385: {  	v33 =	vld [tilespmem:s22+$0xFFFFFF90]  }
0x386: {  	v34 =	vld [tilespmem:s23+$0xFFFFFF90]  }
0x387: {  	v35 =	vld [tilespmem:s22+$0xFFFFFFC0]  }
0x388: {  	v36 =	vld [tilespmem:s23+$0xFFFFFFC0]  }
0x389: {  	v37 =	vld [tilespmem:s22+$0xFFFFFFD0];
	v13 =	vmul.f32 v15, v13;
	v15 =	vmul.f32 v25, v24  }
0x38a: {  	v38 =	vld [tilespmem:s23+$0xFFFFFFD0]  }
0x38b: {  	v39 =	vld [tilespmem:s22+$0x0];
	v13 =	vadd.f32 v15, v13;
	v15 =	vmul.f32 v27, v26  }
0x38c: {  	v40 =	vld [tilespmem:s23+$0x0]  }
0x38d: {  	v41 =	vld [tilespmem:s22+$0x10];
	v13 =	vadd.f32 v15, v13;
	v15 =	vmul.f32 v29, v28  }
0x38e: {  	v42 =	vld [tilespmem:s23+$0x10]  }
0x38f: {  	v43 =	vld [tilespmem:s22+$0x40];
	v13 =	vadd.f32 v15, v13  }
0x390: {  	v44 =	vld [tilespmem:s23+$0x40]  }
0x391: {  	v45 =	vld [tilespmem:s22+$0x50];
	v15 =	vperm.xlane v13, v0  }
0x392: {  	v46 =	vld [tilespmem:s23+$0x50]  }
0x393: {  	v47 =	vld [tilespmem:s22+$0x80];
	v13 =	vadd.f32 v13, v15  }
0x394: {  	v48 =	vld [tilespmem:s23+$0x80]  }
0x395: {  	v49 =	vld [tilespmem:s22+$0x90];
	v13 =	vmul.f32 $1.442695020e+00, v13  }
0x396: {  	v50 =	vld [tilespmem:s23+$0x90]  }
0x397: {  	s16 =	simm.s32 $0x28;
	v51 =	vld [tilespmem:s22+$0xFFFFFF00];
	(erf) = vpow2.f32 v13  }
0x398: {  	v17 =	vor.u32 s16, v1;
	v53 =	vld [tilespmem:s22+$0xFFFFFF20]  }
0x399: {  	v54 =	vld [tilespmem:s23+$0xFFFFFF20]  }
0x39a: {  	s19 =	simm.s32 $0x30;
	v55 =	vld [tilespmem:s22+$0xFFFFFF60]  }
0x39b: {  	s29 =	simm.s32 $0x78;
	v19 =	vor.u32 s19, v1;
	v56 =	vld [tilespmem:s23+$0xFFFFFF60]  }
0x39c: {  	v12 =	vpop (erf);
	v60 =	vld [tilespmem:s22+$0xFFFFFFA0];
	v15 =	vor.u32 s29, v1  }
0x39d: {  	v63 =	vperm.xlane v6, v4;
	[tilespmem:v17+s18+$0x0] =	vst.idx.msk $0xff, v12;
	v22 =	vld [tilespmem:s12+$0xFFFFFF10]  }
0x39e: {  	v17 =	vld [tilespmem:s12+$0x40]  }
0x39f: {  	[tilespmem:s25+$0xFFFFFF40] =	vst v14;
	v62 =	vpop (erf);
	v20 =	vmul.f32 v20, v63;
	v63 =	vld [tilespmem:s23+$0xFFFFFFA0]  }
0x3a0: {  	v18 =	vld [tilespmem:s12+$0xFFFFFF50];
	[tilespmem:v19+s18+$0x0] =	vst.idx.msk $0xff, v62;
	v13 =	vpop (erf)  }
0x3a1: {  	s14 =	simm.s32 $0xBA60;
	v19 =	vld [tilespmem:s12+$0x80];
	[tilespmem:v15+s18+$0x0] =	vst.idx.msk $0xff, v13  }
0x3a2: {  	v15 =	vld [tilespmem:s14+$0xC0]  }
0x3a3: {  	v23 =	vld [tilespmem:s12+$0xFFFFFF90]  }
0x3a4: {  	v24 =	vld [tilespmem:s22+$0xFFFFFF10]  }
0x3a5: {  	v25 =	vld [tilespmem:s23+$0xFFFFFF10];
	v61 =	vperm.xlane v13, v2  }
0x3a6: {  	v26 =	vld [tilespmem:s22+$0xFFFFFF40]  }
0x3a7: {  	v27 =	vld [tilespmem:s23+$0xFFFFFF40];
	v15 =	vmul.f32 v15, v61  }
0x3a8: {  	s30 =	simm.s32 $0xDE60;
	v28 =	vld [tilespmem:s22+$0xFFFFFF50]  }
0x3a9: {  	v59 =	vperm.xlane v7, v3;
	v7 =	vperm.xlane v9, v3;
	v29 =	vld [tilespmem:s23+$0xFFFFFF50];
	[tilespmem:s30+$0xC0] =	vst v15  }
0x3aa: {  	v52 =	vperm.xlane v57, v3;
	v61 =	vperm.xlane v8, v2;
	v57 =	vld [tilespmem:s14+$0xD0];
	[tilespmem:$0x1FCF0] =	vst v9  }
0x3ab: {  	v14 =	vmov v8;
	v15 =	vperm.xlane v8, v3;
	v8 =	vperm.xlane v9, v2;
	v11 =	vld [tilespmem:s22+$0xFFFFFFE0];
	[tilespmem:$0x1FCA0] =	vst v7  }
0x3ac: {  	v9 =	vperm.xlane v62, v2;
	v10 =	vld [tilespmem:s23+$0xFFFFFFE0]  }
0x3ad: {  	v58 =	vperm.xlane v58, v3;
	v8 =	vmul.f32 v16, v8;
	v16 =	vld [tilespmem:s23+$0x20]  }
0x3ae: {  	v9 =	vmul.f32 v19, v9;
	v19 =	vmul.f32 v25, v24;
	v24 =	vld [tilespmem:s23+$0x60]  }
0x3af: {  	v23 =	vmul.f32 v23, v59;
	v25 =	vmul.f32 v27, v26;
	v27 =	vld [tilespmem:s22+$0xA0]  }
0x3b0: {  	v26 =	vmul.f32 v29, v28;
	v28 =	vmul.f32 v32, v31;
	v31 =	vld [tilespmem:s23+$0xA0]  }
0x3b1: {  	v59 =	vmul.f32 v36, v35;
	v29 =	vmul.f32 v34, v33;
	v34 =	vld [tilespmem:s22+$0xFFFFFF30]  }
0x3b2: {  	v21 =	vmul.f32 v21, v61;
	v61 =	vmul.f32 v38, v37;
	v36 =	vld [tilespmem:s23+$0xFFFFFF30]  }
0x3b3: {  	v30 =	vmul.f32 v30, v51;
	v22 =	vmul.f32 v22, v52;
	v52 =	vld [tilespmem:s22+$0xFFFFFF70]  }
0x3b4: {  	v35 =	vmul.f32 v42, v41;
	v7 =	vperm.xlane v12, v2;
	v32 =	vadd.f32 v61, v59;
	v61 =	vld [tilespmem:s23+$0xFFFFFF70]  }
0x3b5: {  	v6 =	vperm.xlane v13, v3;
	v59 =	vmul.f32 v48, v47;
	v47 =	vld [tilespmem:s23+$0xFFFFFFB0]  }
0x3b6: {  	v48 =	vld [tilespmem:s22+$0xFFFFFFF0];
	v7 =	vmul.f32 v17, v7;
	v25 =	vadd.f32 v26, v25;
	v26 =	vmul.f32 v40, v39  }
0x3b7: {  	v51 =	vld [tilespmem:s22+$0x30];
	v28 =	vadd.f32 v29, v28;
	v29 =	vmul.f32 v44, v43;
	v6 =	vmul.f32 v57, v6  }
0x3b8: {  	v44 =	vmul.f32 v50, v49;
	v19 =	vadd.f32 v19, v30;
	v30 =	vmul.f32 v54, v53;
	v57 =	vld [tilespmem:s22+$0x20]  }
0x3b9: {  	v17 =	vld [tilespmem:s22+$0x60];
	[tilespmem:s30+$0xD0] =	vst v6;
	v6 =	vmul.f32 v18, v58;
	v58 =	vmul.f32 v46, v45  }
0x3ba: {  	v19 =	vadd.f32 v30, v19;
	v45 =	vld [tilespmem:s22+$0xFFFFFFB0];
	v10 =	vmul.f32 v10, v11;
	v11 =	vmul.f32 v36, v34  }
0x3bb: {  	v26 =	vadd.f32 v35, v26;
	v30 =	vmul.f32 v63, v60;
	v46 =	vmul.f32 v56, v55;
	v18 =	vld [tilespmem:s14+$0xE0]  }
0x3bc: {  	v50 =	vmul.f32 v61, v52;
	v27 =	vmul.f32 v31, v27;
	v11 =	vadd.f32 v11, v19;
	v19 =	vld [tilespmem:s23+$0x30]  }
0x3bd: {  	v49 =	vld [tilespmem:s23+$0xFFFFFFF0];
	v28 =	vadd.f32 v30, v28;
	v25 =	vadd.f32 v46, v25;
	v16 =	vmul.f32 v16, v57  }
0x3be: {  	v52 =	vld [tilespmem:s23+$0x70];
	v30 =	vperm.xlane v13, v4;
	v17 =	vmul.f32 v24, v17;
	v29 =	vadd.f32 v58, v29  }
0x3bf: {  	v24 =	vadd.f32 v50, v25;
	v25 =	vld [tilespmem:s22+$0x70];
	v16 =	vadd.f32 v16, v26;
	v26 =	vperm.xlane v11, v0  }
0x3c0: {  	v17 =	vadd.f32 v17, v29;
	v18 =	vmul.f32 v18, v30;
	v30 =	vmul.f32 v47, v45  }
0x3c1: {  	v31 =	vld [tilespmem:s22+$0xB0];
	v29 =	vperm.xlane v24, v0;
	v11 =	vadd.f32 v11, v26;
	v19 =	vmul.f32 v19, v51  }
0x3c2: {  	v10 =	vadd.f32 v10, v32;
	v26 =	vadd.f32 v30, v28;
	v28 =	vmul.f32 v49, v48;
	v30 =	vld [tilespmem:s23+$0xB0]  }
0x3c3: {  	v24 =	vadd.f32 v24, v29;
	v11 =	vmul.f32 $1.442695020e+00, v11;
	v16 =	vadd.f32 v19, v16  }
0x3c4: {  	v19 =	vmul.f32 v52, v25;
	v29 =	vperm.xlane v26, v0;
	v10 =	vadd.f32 v28, v10  }
0x3c5: {  	[tilespmem:s25+$0xFFFFFFC0] =	vst v21;
	v38 =	vadd.f32 v44, v59;
	(erf) = vpow2.f32 v11;
	v25 =	vperm.xlane v16, v0  }
0x3c6: {  	[tilespmem:s25+$0xE0] =	vst v20;
	v11 =	vperm.xlane v10, v0;
	v21 =	vadd.f32 v26, v29;
	v26 =	vadd.f32 v19, v17  }
0x3c7: {  	[tilespmem:s25+$0xFFFFFF10] =	vst v22;
	v27 =	vadd.f32 v27, v38;
	v24 =	vmul.f32 $1.442695020e+00, v24;
	v19 =	vmul.f32 v30, v31  }
0x3c8: {  	[tilespmem:s30+$0xE0] =	vst v18;
	v16 =	vadd.f32 v16, v25;
	v10 =	vadd.f32 v10, v11;
	v18 =	vperm.xlane v26, v0  }
0x3c9: {  	[tilespmem:s25+$0x0] =	vst v8;
	(erf) = vpow2.f32 v24;
	v8 =	vmul.f32 $1.442695020e+00, v21;
	v21 =	vadd.f32 v19, v27  }
0x3ca: {  	v20 =	vld [tilespmem:s12+$0xFFFFFFD0];
	[tilespmem:s25+$0x80] =	vst v9;
	v9 =	vmul.f32 $1.442695020e+00, v16;
	v10 =	vmul.f32 $1.442695020e+00, v10;
	v16 =	vadd.f32 v26, v18  }
0x3cb: {  	[tilespmem:s25+$0xFFFFFF50] =	vst v6;
	v6 =	vld [tilespmem:s12+$0xFFFFFF20];
	(erf) = vpow2.f32 v8;
	v18 =	vperm.xlane v21, v0  }
0x3cc: {  	v46 =	vld [tilespmem:s14+$0xF0];
	(erf) = vpow2.f32 v10;
	v10 =	vmul.f32 $1.442695020e+00, v16  }
0x3cd: {  	v16 =	vadd.f32 v21, v18;
	(erf) = vpow2.f32 v9;
	v21 =	vmovc v12;
	v9 =	vperm.xlane v12, v3;
	v12 =	vld [tilespmem:s12+$0xFFFFFF60]  }
0x3ce: {  	v17 =	vld [tilespmem:s12+$0xF0]  }
0x3cf: {  	v24 =	vld [tilespmem:s12+$0x90]  }
0x3d0: {  	[tilespmem:s25+$0x40] =	vst v7;
	v11 =	vld [tilespmem:s12+$0x10]  }
0x3d1: {  	[tilespmem:s25+$0xFFFFFF90] =	vst v23;
	v8 =	vld [tilespmem:s12+$0x50]  }
0x3d2: {  	[tilespmem:$0x1FD00] =	vst v12;
	v12 =	vld [tilespmem:$0x1FCA0];
	_ =	sdelay $0x1  }
0x3d3: {  	v20 =	vmul.f32 v20, v15;
	_ =	sdelay $0x1  }
0x3d4: {  	[tilespmem:s25+$0xFFFFFFD0] =	vst v20  }
0x3d5: {  	v11 =	vmul.f32 v11, v12;
	v12 =	vld [tilespmem:s12+$0xFFFFFFE0];
	_ =	sdelay $0x4  }
0x3d6: {  	s3 =	simm.s32 $0x40;
	s29 =	simm.s32 $0x7460;
	v23 =	vld [tilespmem:s12+$0xFFFFFFA0];
	[tilespmem:$0x1FD10] =	vst v12  }
0x3d7: {  	v7 =	vor.u32 s3, v1;
	s23 =	simm.s32 $0x2C60;
	v53 =	vld [tilespmem:s29+$0xC0]  }
0x3d8: {  	s4 =	simm.s32 $0x48;
	v54 =	vld [tilespmem:s23+$0xD0]  }
0x3d9: {  	v22 =	vor.u32 s4, v1;
	v55 =	vld [tilespmem:s29+$0xD0]  }
0x3da: {  	s13 =	simm.s32 $0x50;
	v16 =	vmul.f32 $1.442695020e+00, v16;
	v56 =	vld [tilespmem:s23+$0xE0]  }
0x3db: {  	v18 =	vor.u32 s13, v1;
	v30 =	vpop (erf);
	(erf) = vpow2.f32 v10;
	v57 =	vld [tilespmem:s29+$0xE0]  }
0x3dc: {  	v28 =	vpop (erf);
	(erf) = vpow2.f32 v16;
	[tilespmem:v7+s18+$0x0] =	vst.idx.msk $0xff, v30;
	v58 =	vld [tilespmem:s23+$0xF0]  }
0x3dd: {  	s16 =	simm.s32 $0x60;
	v10 =	vperm.xlane v62, v3;
	v8 =	vmul.f32 v8, v9;
	[tilespmem:s25+$0x10] =	vst v11;
	v59 =	vld [tilespmem:s29+$0xF0]  }
0x3de: {  	s15 =	simm.s32 $0x58;
	v9 =	vor.u32 s16, v1;
	[tilespmem:v22+s18+$0x0] =	vst.idx.msk $0xff, v28;
	v25 =	vld [tilespmem:s14+$0xFFFFFF00]  }
0x3df: {  	s19 =	simm.s32 $0x68;
	v10 =	vmul.f32 v24, v10;
	v26 =	vpop (erf);
	v7 =	vor.u32 s15, v1;
	[tilespmem:s25+$0x50] =	vst v8;
	v51 =	vld [tilespmem:s12+$0x20]  }
0x3e0: {  	s22 =	simm.s32 $0x70;
	v8 =	vor.u32 s19, v1;
	[tilespmem:v18+s18+$0x0] =	vst.idx.msk $0xff, v26;
	v22 =	vld [tilespmem:s14+$0xFFFFFF40]  }
0x3e1: {  	v27 =	vpop (erf);
	[tilespmem:s25+$0x90] =	vst v10;
	v10 =	vor.u32 s22, v1;
	v18 =	vld [tilespmem:s14+$0xFFFFFF80]  }
0x3e2: {  	v52 =	vpop (erf);
	v50 =	vld [tilespmem:s12+$0x60]  }
0x3e3: {  	v16 =	vperm.xlane v30, v2;
	[tilespmem:v9+s18+$0x0] =	vst.idx.msk $0xff, v52;
	v49 =	vld [tilespmem:s12+$0xA0]  }
0x3e4: {  	v41 =	vpop (erf);
	v9 =	vperm.xlane v26, v2;
	[tilespmem:v7+s18+$0x0] =	vst.idx.msk $0xff, v27;
	v7 =	vld [tilespmem:s29+$0xFFFFFF00]  }
0x3e5: {  	v29 =	vperm.xlane v28, v2;
	v43 =	vpop (erf);
	[tilespmem:v8+s18+$0x0] =	vst.idx.msk $0xff, v41;
	v25 =	vmul.f32 v25, v16;
	v16 =	vld [tilespmem:s14+$0xFFFFFFC0]  }
0x3e6: {  	[tilespmem:v10+s18+$0x0] =	vst.idx.msk $0xff, v43;
	v8 =	vmul.f32 v18, v9;
	v18 =	vld [tilespmem:s14+$0x40]  }
0x3e7: {  	v29 =	vmul.f32 v22, v29;
	v24 =	vld [tilespmem:s14+$0x80]  }
0x3e8: {  	[tilespmem:s30+$0xFFFFFF00] =	vst v25;
	v25 =	vld [tilespmem:s14+$0x0]  }
0x3e9: {  	[tilespmem:s30+$0xFFFFFF40] =	vst v29;
	v29 =	vld [tilespmem:s23+$0xC0]  }
0x3ea: {  	v11 =	vld [tilespmem:s14+$0xFFFFFF10]  }
0x3eb: {  	[tilespmem:s30+$0xFFFFFF80] =	vst v8;
	v22 =	vld [tilespmem:s14+$0xFFFFFF50]  }
0x3ec: {  	v42 =	vld [tilespmem:s14+$0xFFFFFF90]  }
0x3ed: {  	v8 =	vld [tilespmem:$0x1FCC0]  }
0x3ee: {  	v12 =	vld [tilespmem:$0x1FCD0]  }
0x3ef: {  	[tilespmem:$0x1FD20] =	vst v7;
	v7 =	vld [tilespmem:$0x1FCB0]  }
0x3f0: {  	v44 =	vld [tilespmem:s23+$0xFFFFFF10]  }
0x3f1: {  	v45 =	vld [tilespmem:s29+$0xFFFFFF10]  }
0x3f2: {  	v60 =	vmul.f32 v55, v54;
	v47 =	vld [tilespmem:s23+$0xFFFFFF40];
	v29 =	vmul.f32 v53, v29  }
0x3f3: {  	v48 =	vld [tilespmem:s29+$0xFFFFFF40]  }
0x3f4: {  	v61 =	vmul.f32 v57, v56;
	v38 =	vld [tilespmem:s23+$0xFFFFFF50];
	v29 =	vadd.f32 v60, v29  }
0x3f5: {  	v54 =	vld [tilespmem:s23+$0xFFFFFF80]  }
0x3f6: {  	v63 =	vmul.f32 v59, v58;
	v55 =	vld [tilespmem:s29+$0xFFFFFF80];
	v29 =	vadd.f32 v61, v29  }
0x3f7: {  	v56 =	vld [tilespmem:s23+$0xFFFFFF90]  }
0x3f8: {  	v57 =	vld [tilespmem:s29+$0xFFFFFF90];
	v29 =	vadd.f32 v63, v29  }
0x3f9: {  	v58 =	vld [tilespmem:s23+$0xFFFFFFC0];
	v40 =	vperm.xlane v7, v5  }
0x3fa: {  	v59 =	vld [tilespmem:s29+$0xFFFFFFC0];
	v33 =	vperm.xlane v29, v0  }
0x3fb: {  	v53 =	vld [tilespmem:s29+$0xFFFFFF50];
	v7 =	vmul.f32 v17, v40  }
0x3fc: {  	v60 =	vld [tilespmem:s23+$0xFFFFFFD0];
	v29 =	vadd.f32 v29, v33  }
0x3fd: {  	v13 =	vperm.xlane v13, v5;
	v61 =	vld [tilespmem:s29+$0xFFFFFFD0];
	[tilespmem:$0x1FD40] =	vst v7  }
0x3fe: {  	v63 =	vld [tilespmem:s23+$0x0];
	v29 =	vmul.f32 $1.442695020e+00, v29  }
0x3ff: {  	v7 =	vmul.f32 v46, v13;
	v36 =	vld [tilespmem:s29+$0x0]  }
0x400: {  	v40 =	vld [tilespmem:s23+$0x10];
	(erf) = vpow2.f32 v29;
	v29 =	vperm.xlane v27, v2  }
0x401: {  	v20 =	vld [tilespmem:s29+$0x10];
	[tilespmem:$0x1FD50] =	vst v7  }
0x402: {  	v13 =	vperm.xlane v30, v3;
	v31 =	vld [tilespmem:s23+$0x40];
	v16 =	vmul.f32 v16, v29  }
0x403: {  	v19 =	vperm.xlane v21, v4;
	v34 =	vmov v21;
	v21 =	vld [tilespmem:s29+$0x40]  }
0x404: {  	v11 =	vmul.f32 v11, v13;
	v32 =	vld [tilespmem:s23+$0x50];
	[tilespmem:$0x1FD70] =	vst v16  }
0x405: {  	v16 =	vld [tilespmem:s29+$0x50]  }
0x406: {  	v17 =	vperm.xlane v8, v4;
	[tilespmem:$0x1FDA0] =	vst v11;
	v11 =	vld [tilespmem:$0x1FD00];
	_ =	sdelay $0x1  }
0x407: {  	s1 =	simm.s32 $0xB8;
	v37 =	vmul.f32 v6, v17;
	v17 =	vperm.xlane v52, v2  }
0x408: {  	v46 =	vor.u32 s1, v1;
	v33 =	vperm.xlane v12, v4  }
0x409: {  	v17 =	vmul.f32 v25, v17  }
0x40a: {  	v11 =	vmul.f32 v11, v33  }
0x40b: {  	v9 =	vld [tilespmem:$0x1FCE0];
	[tilespmem:$0x1FD90] =	vst v17  }
0x40c: {  	v7 =	vperm.xlane v28, v3;
	v25 =	vld [tilespmem:s23+$0x80];
	v29 =	vpop (erf);
	[tilespmem:$0x1FDB0] =	vst v11  }
0x40d: {  	v10 =	vld [tilespmem:$0x1FCF0];
	[tilespmem:v46+s18+$0x0] =	vst.idx.msk $0xff, v29  }
0x40e: {  	v33 =	vmul.f32 v22, v7;
	v7 =	vld [tilespmem:$0x1FD10];
	_ =	sdelay $0x2  }
0x40f: {  	v39 =	vperm.xlane v14, v4  }
0x410: {  	v35 =	vperm.xlane v9, v4;
	v15 =	vperm.xlane v10, v4  }
0x411: {  	v6 =	vperm.xlane v41, v2;
	v11 =	vld [tilespmem:s29+$0x80];
	v7 =	vmul.f32 v7, v39  }
0x412: {  	s13 =	simm.s32 $0xBC60;
	v35 =	vmul.f32 v23, v35;
	v23 =	vld [tilespmem:s23+$0x90]  }
0x413: {  	v46 =	vmul.f32 v18, v6;
	v6 =	vld [tilespmem:s13+$0xC0];
	[tilespmem:$0x1FDC0] =	vst v7;
	v7 =	vmul.f32 v51, v15;
	_ =	sdelay $0x1  }
0x414: {  	v17 =	vperm.xlane v43, v2;
	v18 =	vld [tilespmem:s29+$0x90];
	[tilespmem:$0x1FE00] =	vst v7;
	v7 =	vmul.f32 v50, v19  }
0x415: {  	v15 =	vperm.xlane v29, v2;
	v22 =	vld [tilespmem:s23+$0xFFFFFF00]  }
0x416: {  	v13 =	vperm.xlane v26, v3;
	v39 =	vmul.f32 v24, v17;
	v24 =	vld [tilespmem:s23+$0xFFFFFF20];
	[tilespmem:$0x1FE10] =	vst v7  }
0x417: {  	v17 =	vperm.xlane v62, v4;
	v6 =	vmul.f32 v6, v15;
	v7 =	vld [tilespmem:s29+$0xFFFFFF20]  }
0x418: {  	s1 =	simm.s32 $0xE060;
	v51 =	vmul.f32 v42, v13;
	v42 =	vmul.f32 v45, v44;
	v45 =	vld [tilespmem:s23+$0xFFFFFF60]  }
0x419: {  	[tilespmem:s1+$0xC0] =	vst v6;
	v6 =	vld [tilespmem:s29+$0xFFFFFF60]  }
0x41a: {  	v38 =	vmul.f32 v53, v38;
	v49 =	vmul.f32 v49, v17;
	v17 =	vld [tilespmem:s13+$0xD0]  }
0x41b: {  	v44 =	vmul.f32 v48, v47;
	v47 =	vmul.f32 v55, v54;
	v55 =	vld [tilespmem:s23+$0xFFFFFFA0]  }
0x41c: {  	v53 =	vmul.f32 v59, v58;
	v48 =	vmul.f32 v57, v56;
	v56 =	vld [tilespmem:s29+$0xFFFFFFA0]  }
0x41d: {  	v57 =	vmul.f32 v36, v63;
	v63 =	vperm.xlane v29, v3;
	v58 =	vld [tilespmem:s23+$0xFFFFFFE0]  }
0x41e: {  	v59 =	vld [tilespmem:s29+$0xFFFFFFE0]  }
0x41f: {  	v54 =	vmul.f32 v61, v60;
	v60 =	vld [tilespmem:s23+$0x20];
	v36 =	vmul.f32 v17, v63  }
0x420: {  	v11 =	vmul.f32 v11, v25;
	v61 =	vld [tilespmem:s29+$0x20]  }
0x421: {  	v13 =	vmul.f32 v16, v32;
	v15 =	vperm.xlane v9, v5;
	v25 =	vld [tilespmem:s23+$0xFFFFFF30];
	[tilespmem:s1+$0xD0] =	vst v36  }
0x422: {  	v19 =	vperm.xlane v14, v5;
	v14 =	vmul.f32 v21, v31;
	v9 =	vld [tilespmem:$0x1FD20]  }
0x423: {  	v40 =	vmul.f32 v20, v40;
	v20 =	vperm.xlane v10, v5;
	v10 =	vld [tilespmem:s29+$0xFFFFFF30]  }
0x424: {  	v48 =	vadd.f32 v48, v47;
	v14 =	vadd.f32 v13, v14;
	v13 =	vperm.xlane v27, v4;
	v47 =	vld [tilespmem:s29+$0x60]  }
0x425: {  	v17 =	vperm.xlane v62, v5;
	v62 =	vld [tilespmem:s23+$0x60]  }
0x426: {  	v16 =	vld [tilespmem:s13+$0xE0];
	[tilespmem:$0x1FE30] =	vst v13  }
0x427: {  	v7 =	vmul.f32 v7, v24;
	v24 =	vld [tilespmem:s23+$0xFFFFFF70];
	v9 =	vmul.f32 v9, v22  }
0x428: {  	v50 =	vperm.xlane v8, v5;
	v8 =	vmul.f32 v18, v23;
	v32 =	vld [tilespmem:s29+$0xFFFFFF70]  }
0x429: {  	v21 =	vperm.xlane v34, v5;
	v9 =	vadd.f32 v42, v9  }
0x42a: {  	v34 =	vadd.f32 v38, v44;
	v11 =	vadd.f32 v8, v11;
	v8 =	vmul.f32 v56, v55;
	v56 =	vld [tilespmem:s23+$0xFFFFFFB0]  }
0x42b: {  	v6 =	vmul.f32 v6, v45;
	v7 =	vadd.f32 v7, v9;
	v9 =	vmul.f32 v10, v25;
	v10 =	vld [tilespmem:s29+$0xFFFFFFB0]  }
0x42c: {  	v45 =	vld [tilespmem:s23+$0x30]  }
0x42d: {  	v6 =	vadd.f32 v6, v34;
	v24 =	vmul.f32 v32, v24;
	v25 =	vmul.f32 v59, v58;
	v58 =	vld [tilespmem:s23+$0xFFFFFFF0]  }
0x42e: {  	v59 =	vmul.f32 v61, v60;
	v61 =	vld [tilespmem:s29+$0x30]  }
0x42f: {  	v63 =	vadd.f32 v24, v6;
	v6 =	vperm.xlane v28, v5;
	v7 =	vadd.f32 v9, v7;
	v9 =	vld [tilespmem:s29+$0xFFFFFFF0]  }
0x430: {  	v10 =	vmul.f32 v10, v56;
	v56 =	vld [tilespmem:s23+$0xA0]  }
0x431: {  	[tilespmem:$0x1FD30] =	vst v6;
	v6 =	vld [tilespmem:$0x1FD40];
	_ =	sdelay $0x4  }
0x432: {  	[tilespmem:s25+$0xF0] =	vst v6  }
0x433: {  	v6 =	vld [tilespmem:$0x1FD50];
	_ =	sdelay $0x2  }
0x434: {  	v40 =	vadd.f32 v40, v57  }
0x435: {  	v23 =	vld [tilespmem:s23+$0x70]  }
0x436: {  	v44 =	vperm.xlane v28, v4;
	v28 =	vadd.f32 v59, v40;
	v59 =	vld [tilespmem:s29+$0x70];
	[tilespmem:s30+$0xF0] =	vst v6;
	v6 =	vperm.xlane v26, v5  }
0x437: {  	v9 =	vmul.f32 v9, v58;
	v58 =	vld [tilespmem:s29+$0xA0];
	[tilespmem:s25+$0xFFFFFF20] =	vst v37  }
0x438: {  	[tilespmem:$0x1FD60] =	vst v6;
	v6 =	vld [tilespmem:$0x1FD70];
	_ =	sdelay $0x4  }
0x439: {  	[tilespmem:s30+$0xFFFFFFC0] =	vst v6;
	v6 =	vperm.xlane v27, v5  }
0x43a: {  	v38 =	vadd.f32 v54, v53;
	v54 =	vperm.xlane v26, v4;
	v26 =	vmul.f32 v61, v45;
	v45 =	vld [tilespmem:s23+$0xB0]  }
0x43b: {  	v34 =	vperm.xlane v29, v4;
	[tilespmem:$0x1FD80] =	vst v6;
	v6 =	vld [tilespmem:$0x1FD90];
	_ =	sdelay $0x1  }
0x43c: {  	v16 =	vmul.f32 v16, v34;
	_ =	sdelay $0x1  }
0x43d: {  	[tilespmem:s1+$0xE0] =	vst v16  }
0x43e: {  	[tilespmem:s30+$0x0] =	vst v6  }
0x43f: {  	v6 =	vld [tilespmem:$0x1FDA0]  }
0x440: {  	[tilespmem:s30+$0x40] =	vst v46  }
0x441: {  	[tilespmem:s30+$0xFFFFFF50] =	vst v33  }
0x442: {  	[tilespmem:s30+$0x80] =	vst v39  }
0x443: {  	[tilespmem:s30+$0xFFFFFF90] =	vst v51  }
0x444: {  	[tilespmem:s30+$0xFFFFFF10] =	vst v6  }
0x445: {  	v32 =	vperm.xlane v7, v0;
	v6 =	vld [tilespmem:$0x1FDB0]  }
0x446: {  	v8 =	vadd.f32 v8, v48  }
0x447: {  	v7 =	vadd.f32 v7, v32  }
0x448: {  	v57 =	vperm.xlane v27, v3;
	v34 =	vperm.xlane v63, v0;
	v10 =	vadd.f32 v10, v8;
	v27 =	vld [tilespmem:s29+$0xB0]  }
0x449: {  	v38 =	vadd.f32 v25, v38;
	v40 =	vmul.f32 v47, v62;
	v60 =	vmul.f32 $1.442695020e+00, v7;
	v16 =	vld [tilespmem:s12+$0xFFFFFF30];
	[tilespmem:s25+$0xFFFFFFA0] =	vst v35  }
0x44a: {  	v37 =	vadd.f32 v63, v34;
	v26 =	vadd.f32 v26, v28;
	v28 =	vperm.xlane v10, v0;
	v63 =	vld [tilespmem:s14+$0xFFFFFFD0];
	[tilespmem:s25+$0xFFFFFF60] =	vst v6  }
0x44b: {  	v14 =	vadd.f32 v40, v14;
	v9 =	vadd.f32 v9, v38;
	v23 =	vmul.f32 v59, v23;
	v6 =	vld [tilespmem:$0x1FDC0]  }
0x44c: {  	(erf) = vpow2.f32 v60;
	v10 =	vadd.f32 v10, v28;
	v28 =	vperm.xlane v26, v0;
	v62 =	vld [tilespmem:s13+$0xF0]  }
0x44d: {  	v14 =	vadd.f32 v23, v14;
	v61 =	vperm.xlane v9, v0;
	v23 =	vld [tilespmem:s14+$0x10]  }
0x44e: {  	v34 =	vmul.f32 $1.442695020e+00, v37;
	v26 =	vadd.f32 v26, v28;
	v28 =	vld [tilespmem:s14+$0x50]  }
0x44f: {  	v31 =	vmul.f32 v58, v56;
	v9 =	vadd.f32 v9, v61;
	v10 =	vmul.f32 $1.442695020e+00, v10;
	v58 =	vld [tilespmem:s14+$0x90]  }
0x450: {  	s4 =	simm.s32 $0x80;
	(erf) = vpow2.f32 v34;
	v46 =	vld [tilespmem:s14+$0xFFFFFF60];
	[tilespmem:s25+$0xFFFFFFE0] =	vst v6;
	v6 =	vperm.xlane v52, v5  }
0x451: {  	v56 =	vor.u32 s4, v1;
	v9 =	vmul.f32 $1.442695020e+00, v9;
	(erf) = vpow2.f32 v10;
	v47 =	vld [tilespmem:s14+$0xFFFFFFA0]  }
0x452: {  	v10 =	vmul.f32 $1.442695020e+00, v26;
	v26 =	vld [tilespmem:s14+$0xFFFFFF20];
	[tilespmem:$0x1FDD0] =	vst v6;
	v6 =	vperm.xlane v41, v5  }
0x453: {  	(erf) = vpow2.f32 v9;
	v9 =	vmul.f32 v63, v57  }
0x454: {  	[tilespmem:$0x1FDE0] =	vst v6  }
0x455: {  	v34 =	vpop (erf);
	v6 =	vperm.xlane v43, v5;
	[tilespmem:s30+$0xFFFFFFD0] =	vst v9;
	v37 =	vld [tilespmem:s12+$0xFFFFFF70]  }
0x456: {  	[tilespmem:v56+s18+$0x0] =	vst.idx.msk $0xff, v34;
	v51 =	vld [tilespmem:s14+$0xFFFFFFE0]  }
0x457: {  	v11 =	vadd.f32 v31, v11;
	v31 =	vperm.xlane v14, v0;
	v27 =	vmul.f32 v27, v45;
	[tilespmem:$0x1FDF0] =	vst v6;
	v6 =	vld [tilespmem:$0x1FE00];
	_ =	sdelay $0x1  }
0x458: {  	s15 =	simm.s32 $0x88;
	(erf) = vpow2.f32 v10;
	v27 =	vadd.f32 v27, v11;
	v11 =	vadd.f32 v14, v31  }
0x459: {  	s16 =	simm.s32 $0x90;
	v22 =	vor.u32 s15, v1  }
0x45a: {  	s19 =	simm.s32 $0x98;
	v12 =	vperm.xlane v12, v5;
	v59 =	vor.u32 s16, v1;
	v31 =	vmul.f32 $1.442695020e+00, v11  }
0x45b: {  	v18 =	vor.u32 s19, v1;
	v36 =	vperm.xlane v30, v4;
	v14 =	vperm.xlane v27, v0;
	[tilespmem:s25+$0x20] =	vst v6  }
0x45c: {  	s22 =	simm.s32 $0xA0;
	v25 =	vperm.xlane v30, v5;
	(erf) = vpow2.f32 v31;
	v6 =	vld [tilespmem:$0x1FE10]  }
0x45d: {  	v60 =	vor.u32 s22, v1;
	v30 =	vpop (erf);
	v14 =	vadd.f32 v27, v14;
	v27 =	vperm.xlane v29, v5;
	v29 =	vld [tilespmem:s13+$0xFFFFFF00];
	[tilespmem:s25+$0xA0] =	vst v49  }
0x45e: {  	v53 =	vperm.xlane v52, v3;
	v55 =	vperm.xlane v52, v4;
	v31 =	vpop (erf);
	v39 =	vld [tilespmem:s12+$0xFFFFFFB0];
	[tilespmem:v22+s18+$0x0] =	vst.idx.msk $0xff, v30  }
0x45f: {  	v48 =	vperm.xlane v41, v4;
	v14 =	vmul.f32 $1.442695020e+00, v14;
	v32 =	vpop (erf);
	v40 =	vld [tilespmem:s12+$0xFFFFFFF0];
	[tilespmem:v59+s18+$0x0] =	vst.idx.msk $0xff, v31  }
0x460: {  	v13 =	vperm.xlane v41, v3;
	s23 =	simm.s32 $0xA8;
	v61 =	vperm.xlane v34, v2;
	v41 =	vld [tilespmem:s12+$0x30];
	[tilespmem:v18+s18+$0x0] =	vst.idx.msk $0xff, v32  }
0x461: {  	(erf) = vpow2.f32 v14;
	v14 =	vor.u32 s23, v1;
	v33 =	vpop (erf);
	v63 =	vld [tilespmem:s13+$0xFFFFFF40];
	[tilespmem:s25+$0x60] =	vst v6;
	v6 =	vperm.xlane v30, v4  }
0x462: {  	v42 =	vperm.xlane v43, v3;
	v29 =	vmul.f32 v29, v61;
	[tilespmem:v60+s18+$0x0] =	vst.idx.msk $0xff, v33;
	v38 =	vld [tilespmem:s13+$0xFFFFFF80]  }
0x463: {  	v24 =	vperm.xlane v43, v4;
	v23 =	vmul.f32 v23, v53;
	v53 =	vld [tilespmem:s13+$0xFFFFFFC0];
	[tilespmem:$0x1FE20] =	vst v6  }
0x464: {  	v27 =	vmul.f32 v62, v27;
	v62 =	vperm.xlane v30, v2;
	[tilespmem:s1+$0xFFFFFF00] =	vst v29  }
0x465: {  	v16 =	vmul.f32 v16, v50;
	v50 =	vperm.xlane v30, v3;
	v35 =	vpop (erf);
	[tilespmem:s30+$0x10] =	vst v23  }
0x466: {  	s29 =	simm.s32 $0xB0;
	v28 =	vmul.f32 v28, v13;
	v62 =	vmul.f32 v63, v62;
	v29 =	vld [tilespmem:s13+$0x0];
	[tilespmem:v14+s18+$0x0] =	vst.idx.msk $0xff, v35  }
0x467: {  	v45 =	vmul.f32 v58, v42;
	v44 =	vmul.f32 v46, v44;
	v60 =	vor.u32 s29, v1;
	[tilespmem:s25+$0xFFFFFF30] =	vst v16;
	v42 =	vld [tilespmem:s12+$0x70]  }
0x468: {  	s2 =	simm.s32 $0x7660;
	v22 =	vperm.xlane v34, v3;
	v18 =	vperm.xlane v34, v4;
	[tilespmem:s1+$0xFFFFFF40] =	vst v62;
	v43 =	vld [tilespmem:s12+$0xB0]  }
0x469: {  	v59 =	vperm.xlane v31, v3;
	[tilespmem:s30+$0x90] =	vst v45;
	v45 =	vmul.f32 v47, v54;
	v54 =	vld [tilespmem:s2+$0xC0]  }
0x46a: {  	v23 =	vmul.f32 v26, v36;
	v26 =	vperm.xlane v31, v2;
	[tilespmem:s1+$0xF0] =	vst v27;
	v61 =	vld [tilespmem:s13+$0xFFFFFF10]  }
0x46b: {  	v63 =	vperm.xlane v33, v2;
	v16 =	vperm.xlane v32, v2;
	v36 =	vpop (erf);
	[tilespmem:s30+$0x50] =	vst v28;
	v58 =	vld [tilespmem:s14+$0x20]  }
0x46c: {  	v14 =	vperm.xlane v31, v4;
	v49 =	vld [tilespmem:s13+$0x40];
	[tilespmem:v60+s18+$0x0] =	vst.idx.msk $0xff, v36;
	v26 =	vmul.f32 v38, v26  }
0x46d: {  	v28 =	vperm.xlane v33, v3;
	v60 =	vld [tilespmem:s14+$0x60];
	v27 =	vmul.f32 v53, v16;
	[tilespmem:s30+$0xFFFFFF20] =	vst v23  }
0x46e: {  	v53 =	vld [tilespmem:s13+$0xFFFFFF50];
	v16 =	vperm.xlane v35, v2;
	v23 =	vperm.xlane v36, v2;
	[tilespmem:s1+$0xFFFFFF80] =	vst v26  }
0x46f: {  	v57 =	vld [tilespmem:s13+$0x80];
	[tilespmem:s1+$0xFFFFFFC0] =	vst v27;
	v26 =	vperm.xlane v35, v3;
	v27 =	vperm.xlane v36, v3  }
0x470: {  	v38 =	vmul.f32 v29, v63;
	v29 =	vperm.xlane v32, v3;
	v62 =	vld [tilespmem:s13+$0xFFFFFF90]  }
0x471: {  	v6 =	vld [tilespmem:$0x1FE30];
	v56 =	vmul.f32 v61, v22;
	v61 =	vmul.f32 v49, v16  }
0x472: {  	v52 =	vld [tilespmem:s14+$0xFFFFFF30];
	v16 =	vperm.xlane v32, v4;
	v22 =	vperm.xlane v33, v4  }
0x473: {  	s23 =	simm.s32 $0x2E60;
	v49 =	vld [tilespmem:s14+$0xA0];
	v47 =	vmul.f32 v58, v55;
	v48 =	vmul.f32 v60, v48;
	[tilespmem:s1+$0x0] =	vst v38  }
0x474: {  	v55 =	vld [tilespmem:s23+$0xD0];
	v63 =	vmul.f32 v53, v50;
	v50 =	vmul.f32 v57, v23;
	[tilespmem:s1+$0xFFFFFF10] =	vst v56  }
0x475: {  	s17 =	simm.s32 $0x120;
	v13 =	vmov v1;
	v53 =	vld [tilespmem:s23+$0xC0];
	v23 =	vperm.xlane v35, v4;
	v38 =	vperm.xlane v36, v4;
	[tilespmem:s1+$0x40] =	vst v61  }
0x476: {  	s3 =	simm.s32 $0x18;
	s22 =	simm.s32 $0x20;
	v11 =	vmovc v2;
	s12 =	simm.s32 $0xBC60;
	v2 =	vmov v0;
	v56 =	vld [tilespmem:s2+$0xD0];
	[tilespmem:s1+$0xFFFFFF50] =	vst v63;
	v46 =	vmul.f32 v51, v6;
	v51 =	vmul.f32 v62, v59  }
.LBB2_5:
0x477: {  	v57 =	vld [tilespmem:s23+$0xE0]  }
0x478: {  	v61 =	vld [tilespmem:s2+$0xE0]  }
0x479: {  	v62 =	vld [tilespmem:s2+$0xF0]  }
0x47a: {  	v58 =	vperm.xlane v34, v5;
	v34 =	vld [tilespmem:s2+$0xFFFFFF00]  }
0x47b: {  	v59 =	vld [tilespmem:s23+$0xFFFFFF10];
	[tilespmem:s1+$0x80] =	vst v50  }
0x47c: {  	v0 =	vld [tilespmem:$0x1FD30];
	v39 =	vmul.f32 v39, v15;
	[tilespmem:s1+$0xFFFFFF90] =	vst v51  }
0x47d: {  	v60 =	vld [tilespmem:s2+$0xFFFFFF10];
	[tilespmem:s30+$0xFFFFFFA0] =	vst v45  }
0x47e: {  	v50 =	vld [tilespmem:s23+$0xF0];
	[tilespmem:s25+$0xFFFFFFB0] =	vst v39  }
0x47f: {  	v40 =	vmul.f32 v40, v19;
	[tilespmem:s30+$0xFFFFFFE0] =	vst v46;
	v46 =	vld [tilespmem:s23+$0xFFFFFF80]  }
0x480: {  	[tilespmem:s30+$0x20] =	vst v47;
	v47 =	vld [tilespmem:s2+$0xFFFFFF80]  }
0x481: {  	v30 =	vperm.xlane v30, v5;
	[tilespmem:s25+$0xFFFFFFF0] =	vst v40;
	v51 =	vld [tilespmem:s2+$0xFFFFFF90]  }
0x482: {  	v63 =	vmul.f32 v54, v53;
	v53 =	vld [tilespmem:s2+$0xFFFFFFC0]  }
0x483: {  	v37 =	vmul.f32 v37, v12;
	v41 =	vmul.f32 v41, v20;
	v54 =	vld [tilespmem:s23+$0xFFFFFFD0];
	v12 =	vmovc v0;
	v0 =	vmov v30  }
0x484: {  	[tilespmem:$0x1FD30] =	vst v0;
	v0 =	vld [tilespmem:$0x1FD60]  }
0x485: {  	[tilespmem:s25+$0x30] =	vst v41;
	v56 =	vmul.f32 v56, v55;
	v55 =	vld [tilespmem:s2+$0xFFFFFFD0]  }
0x486: {  	v49 =	vmul.f32 v49, v24;
	[tilespmem:s30+$0xFFFFFF60] =	vst v44;
	v52 =	vmul.f32 v52, v25;
	v25 =	vmov v58;
	v58 =	vld [tilespmem:s23+$0x10]  }
0x487: {  	v31 =	vperm.xlane v31, v5;
	v24 =	vmov v38;
	v38 =	vmul.f32 v61, v57;
	v61 =	vld [tilespmem:s23+$0xFFFFFF40]  }
0x488: {  	v30 =	vld [tilespmem:s2+$0xFFFFFF40];
	v45 =	vadd.f32 v56, v63  }
0x489: {  	v57 =	vld [tilespmem:s2+$0x0];
	v15 =	vmov v0;
	v0 =	vmov v31  }
0x48a: {  	v44 =	vmul.f32 v62, v50;
	v38 =	vadd.f32 v38, v45;
	[tilespmem:$0x1FD60] =	vst v0;
	v0 =	vld [tilespmem:$0x1FD80]  }
0x48b: {  	v39 =	vmul.f32 v60, v59;
	v59 =	vld [tilespmem:s2+$0x10]  }
0x48c: {  	v42 =	vmul.f32 v42, v21;
	[tilespmem:s30+$0x60] =	vst v48;
	v62 =	vld [tilespmem:s23+$0xFFFFFF50];
	v44 =	vadd.f32 v44, v38  }
0x48d: {  	v32 =	vperm.xlane v32, v5;
	[tilespmem:s30+$0xA0] =	vst v49;
	v63 =	vmul.f32 v43, v17;
	v50 =	vld [tilespmem:s23+$0xFFFFFF90]  }
0x48e: {  	[tilespmem:s25+$0x70] =	vst v42;
	v56 =	vld [tilespmem:s23+$0x0];
	v49 =	vperm.xlane v44, v2  }
0x48f: {  	[tilespmem:s25+$0xB0] =	vst v63;
	v63 =	vld [tilespmem:s2+$0x40];
	v19 =	vmov v0;
	v0 =	vmov v32  }
0x490: {  	v32 =	vadd.f32 v44, v49;
	[tilespmem:$0x1FD80] =	vst v0;
	v0 =	vld [tilespmem:$0x1FDD0]  }
0x491: {  	v60 =	vmul.f32 v55, v54;
	v54 =	vld [tilespmem:s23+$0x50]  }
0x492: {  	v43 =	vld [tilespmem:s23+$0x80];
	v32 =	vmul.f32 $1.442695020e+00, v32  }
0x493: {  	v33 =	vperm.xlane v33, v5;
	[tilespmem:s25+$0xFFFFFF70] =	vst v37;
	v30 =	vmul.f32 v30, v61;
	v61 =	vld [tilespmem:s23+$0x40]  }
0x494: {  	v31 =	vld [tilespmem:s2+$0xFFFFFF50];
	(erf) = vpow2.f32 v32  }
0x495: {  	v40 =	vmul.f32 v57, v56;
	v56 =	vld [tilespmem:s2+$0x80];
	v20 =	vmov v0;
	v0 =	vmov v33  }
0x496: {  	[tilespmem:$0x1FDD0] =	vst v0;
	v0 =	vld [tilespmem:$0x1FDE0]  }
0x497: {  	s0 =	sshll.u32 s3, $0x3;
	v55 =	vld [tilespmem:s2+$0x50]  }
0x498: {  	v35 =	vperm.xlane v35, v5;
	s16 =	sadd.s32 $0x38, s0;
	[tilespmem:s30+$0xFFFFFF30] =	vst v52;
	v52 =	vld [tilespmem:s23+$0xFFFFFFC0]  }
0x499: {  	v57 =	vmul.f32 v63, v61;
	v61 =	vld [tilespmem:s23+$0xFFFFFF00];
	v31 =	vmul.f32 v31, v62;
	v62 =	vor.u32 s16, v13  }
0x49a: {  	v63 =	vld [tilespmem:s23+$0xFFFFFF20]  }
0x49b: {  	v43 =	vmul.f32 v56, v43;
	v56 =	vld [tilespmem:s2+$0xFFFFFF20];
	v21 =	vmov v0;
	v0 =	vmov v35  }
0x49c: {  	v37 =	vmul.f32 v59, v58;
	v59 =	vmul.f32 v55, v54;
	[tilespmem:$0x1FDE0] =	vst v0;
	v0 =	vld [tilespmem:$0x1FDF0]  }
0x49d: {  	v48 =	vld [tilespmem:s23+$0xFFFFFFA0];
	v41 =	vadd.f32 v31, v30;
	v31 =	vmul.f32 v51, v50;
	v50 =	vpop (erf)  }
0x49e: {  	s13 =	sadd.s32 $0x200, s13;
	v37 =	vadd.f32 v37, v40;
	v40 =	vadd.f32 v59, v57;
	v57 =	vld [tilespmem:s23+$0xFFFFFF60];
	[tilespmem:v62+s18+$0x0] =	vst.idx.msk $0xff, v50  }
0x49f: {  	v36 =	vperm.xlane v36, v5;
	v58 =	vld [tilespmem:s13+$0xC0]  }
0x4a0: {  	v34 =	vmul.f32 v34, v61;
	v61 =	vld [tilespmem:s23+$0xFFFFFFE0]  }
0x4a1: {  	v59 =	vmul.f32 v56, v63;
	v56 =	vld [tilespmem:s2+$0xFFFFFFE0];
	v17 =	vmovc v0;
	v0 =	vmov v36;
	v36 =	vmul.f32 v53, v52  }
0x4a2: {  	v30 =	vmul.f32 v47, v46;
	v46 =	vld [tilespmem:s23+$0x90];
	v62 =	vperm.xlane v50, v11  }
0x4a3: {  	v44 =	vadd.f32 v60, v36;
	v60 =	vld [tilespmem:s2+$0x90]  }
0x4a4: {  	v34 =	vadd.f32 v39, v34;
	v45 =	vmul.f32 v58, v62;
	v58 =	vld [tilespmem:s2+$0xFFFFFF60]  }
0x4a5: {  	s25 =	smov.u32 s30;
	s30 =	smov.u32 s1;
	s1 =	sadd.s32 $0x200, s1;
	v55 =	vld [tilespmem:s2+$0xFFFFFFB0]  }
0x4a6: {  	v34 =	vadd.f32 v59, v34;
	v59 =	vmul.f32 v56, v61;
	v61 =	vld [tilespmem:s23+$0xA0];
	[tilespmem:s1+$0xC0] =	vst v45  }
0x4a7: {  	v45 =	vld [tilespmem:s13+$0xD0]  }
0x4a8: {  	v46 =	vmul.f32 v60, v46;
	v60 =	vld [tilespmem:s2+$0xFFFFFFA0]  }
0x4a9: {  	v63 =	vmul.f32 v58, v57;
	v57 =	vld [tilespmem:s23+$0x20]  }
0x4aa: {  	v58 =	vld [tilespmem:s2+$0x20]  }
0x4ab: {  	v56 =	vld [tilespmem:s23+$0xFFFFFF30];
	v62 =	vperm.xlane v50, v3  }
0x4ac: {  	v52 =	vld [tilespmem:s23+$0xB0]  }
0x4ad: {  	v43 =	vadd.f32 v46, v43;
	v45 =	vmul.f32 v45, v62;
	v46 =	vmul.f32 v60, v48;
	v48 =	vld [tilespmem:s23+$0x60]  }
0x4ae: {  	v60 =	vld [tilespmem:s2+$0x60]  }
0x4af: {  	v39 =	vadd.f32 v63, v41;
	[tilespmem:s1+$0xD0] =	vst v45;
	v41 =	vmul.f32 v58, v57;
	v57 =	vld [tilespmem:s2+$0xFFFFFF30]  }
0x4b0: {  	v45 =	vld [tilespmem:s13+$0xE0]  }
0x4b1: {  	v44 =	vadd.f32 v59, v44;
	v59 =	vld [tilespmem:s23+$0xFFFFFF70]  }
0x4b2: {  	v62 =	vld [tilespmem:s2+$0xA0]  }
0x4b3: {  	v63 =	vperm.xlane v50, v4;
	v47 =	vmul.f32 v60, v48;
	v60 =	vld [tilespmem:s2+$0xFFFFFF70]  }
0x4b4: {  	v54 =	vmul.f32 v57, v56;
	v56 =	vld [tilespmem:s23+$0xFFFFFFF0]  }
0x4b5: {  	v57 =	vld [tilespmem:s2+$0xFFFFFFF0];
	v58 =	vmul.f32 v45, v63  }
0x4b6: {  	v63 =	vld [tilespmem:s23+$0xFFFFFFB0]  }
0x4b7: {  	v42 =	vadd.f32 v31, v30;
	[tilespmem:s1+$0xE0] =	vst v58;
	v58 =	vld [tilespmem:s23+$0x30]  }
0x4b8: {  	v50 =	vperm.xlane v50, v5;
	v61 =	vmul.f32 v62, v61;
	v34 =	vadd.f32 v54, v34;
	v62 =	vld [tilespmem:s13+$0xF0]  }
0x4b9: {  	v42 =	vadd.f32 v46, v42;
	v37 =	vadd.f32 v41, v37;
	v45 =	vmul.f32 v60, v59;
	v60 =	vld [tilespmem:s2+$0x30]  }
0x4ba: {  	v41 =	vadd.f32 v61, v43;
	v61 =	vld [tilespmem:s23+$0x70];
	v59 =	vperm.xlane v34, v2;
	v43 =	vmul.f32 v57, v56  }
0x4bb: {  	v40 =	vadd.f32 v47, v40;
	v56 =	vld [tilespmem:s12+$0xFFFFFFD0];
	v47 =	vmul.f32 v55, v63;
	v39 =	vadd.f32 v45, v39  }
0x4bc: {  	v63 =	vld [tilespmem:s2+$0x70];
	v34 =	vadd.f32 v34, v59;
	v43 =	vadd.f32 v43, v44  }
0x4bd: {  	v53 =	vld [tilespmem:s2+$0xB0];
	v42 =	vadd.f32 v47, v42;
	v46 =	vmul.f32 v62, v50;
	v62 =	vperm.xlane v39, v2  }
0x4be: {  	v34 =	vmul.f32 $1.442695020e+00, v34;
	v55 =	vmul.f32 v60, v58  }
0x4bf: {  	v54 =	vperm.xlane v42, v2;
	v58 =	vperm.xlane v43, v2;
	v39 =	vadd.f32 v39, v62  }
0x4c0: {  	v51 =	vld [tilespmem:s12+$0xFFFFFFA0];
	v29 =	vmul.f32 v56, v29;
	(erf) = vpow2.f32 v34;
	v37 =	vadd.f32 v55, v37  }
0x4c1: {  	v48 =	vld [tilespmem:s12+$0x90];
	v59 =	vmul.f32 v63, v61;
	v42 =	vadd.f32 v42, v54;
	v39 =	vmul.f32 $1.442695020e+00, v39  }
0x4c2: {  	v57 =	vld [tilespmem:s12+$0x10];
	v61 =	vmul.f32 v53, v52;
	v60 =	vperm.xlane v37, v2  }
0x4c3: {  	v47 =	vld [tilespmem:s12+$0xFFFFFF60];
	v43 =	vadd.f32 v43, v58;
	v42 =	vmul.f32 $1.442695020e+00, v42;
	(erf) = vpow2.f32 v39  }
0x4c4: {  	v50 =	vld [tilespmem:s12+$0x50];
	v40 =	vadd.f32 v59, v40;
	v41 =	vadd.f32 v61, v41  }
0x4c5: {  	v62 =	vld [tilespmem:s12+$0xFFFFFF20];
	[tilespmem:s30+$0xFFFFFFD0] =	vst v29;
	v43 =	vmul.f32 $1.442695020e+00, v43;
	v39 =	vadd.f32 v37, v60;
	(erf) = vpow2.f32 v42  }
0x4c6: {  	s4 =	sadd.s32 $0x8, s0;
	v30 =	vor.u32 s0, v13;
	v55 =	vld [tilespmem:s12+$0xFFFFFFE0];
	v63 =	vperm.xlane v40, v2;
	v49 =	vperm.xlane v41, v2  }
0x4c7: {  	v31 =	vor.u32 s4, v13;
	v37 =	vld [tilespmem:s14+$0xFFFFFF70];
	(erf) = vpow2.f32 v43;
	v29 =	vmul.f32 $1.442695020e+00, v39  }
0x4c8: {  	v28 =	vmul.f32 v57, v28;
	v40 =	vadd.f32 v40, v63;
	v42 =	vadd.f32 v41, v49;
	v41 =	vld [tilespmem:s14+$0x30]  }
0x4c9: {  	s15 =	sadd.s32 $0x10, s0;
	v43 =	vld [tilespmem:s14+$0xB0];
	v34 =	vpop (erf);
	(erf) = vpow2.f32 v29  }
0x4ca: {  	v32 =	vor.u32 s15, v13;
	[tilespmem:s30+$0x10] =	vst v28;
	v39 =	vld [tilespmem:s14+$0xFFFFFFB0];
	v52 =	vmul.f32 $1.442695020e+00, v40  }
0x4cb: {  	s4 =	sadd.s32 $0x18, s0;
	v27 =	vmul.f32 v48, v27;
	[tilespmem:s1+$0xF0] =	vst v46;
	v26 =	vmul.f32 v50, v26;
	v57 =	vld [tilespmem:s12+$0x20]  }
0x4cc: {  	v33 =	vor.u32 s4, v13;
	v46 =	vmul.f32 v62, v18;
	v40 =	vld [tilespmem:s14+$0xFFFFFFF0];
	[tilespmem:v30+s18+$0x0] =	vst.idx.msk $0xff, v34;
	v30 =	vpop (erf);
	(erf) = vpow2.f32 v52  }
0x4cd: {  	s19 =	sadd.s32 $0x20, s0;
	v42 =	vmul.f32 $1.442695020e+00, v42;
	v29 =	vperm.xlane v34, v11;
	v53 =	vld [tilespmem:s13+$0xFFFFFF00];
	[tilespmem:v31+s18+$0x0] =	vst.idx.msk $0xff, v30  }
0x4ce: {  	v35 =	vor.u32 s19, v13;
	[tilespmem:$0x1FDF0] =	vst v0;
	v44 =	vperm.xlane v34, v3;
	v61 =	vperm.xlane v34, v4;
	v31 =	vpop (erf);
	v60 =	vld [tilespmem:s13+$0xFFFFFF40]  }
0x4cf: {  	v28 =	vperm.xlane v30, v11;
	(erf) = vpow2.f32 v42;
	v42 =	vld [tilespmem:s14+$0x70];
	[tilespmem:v32+s18+$0x0] =	vst.idx.msk $0xff, v31  }
0x4d0: {  	s29 =	sadd.s32 $0x28, s0;
	v56 =	vperm.xlane v30, v3;
	v48 =	vperm.xlane v30, v4;
	[tilespmem:s30+$0x50] =	vst v26;
	s14 =	smov.u32 s12;
	v32 =	vpop (erf);
	v50 =	vld [tilespmem:s13+$0xFFFFFF80]  }
0x4d1: {  	v36 =	vor.u32 s29, v13;
	v45 =	vperm.xlane v31, v11;
	v58 =	vld [tilespmem:s14+$0x60];
	v59 =	vperm.xlane v31, v3;
	[tilespmem:v33+s18+$0x0] =	vst.idx.msk $0xff, v32  }
0x4d2: {  	[tilespmem:s30+$0x90] =	vst v27;
	v54 =	vperm.xlane v31, v4;
	v26 =	vmul.f32 v53, v29;
	v53 =	vld [tilespmem:s13+$0xFFFFFFC0];
	v33 =	vpop (erf)  }
0x4d3: {  	s0 =	sadd.s32 $0x30, s0;
	v49 =	vld [tilespmem:s14+$0xA0];
	v52 =	vperm.xlane v32, v11;
	[tilespmem:v35+s18+$0x0] =	vst.idx.msk $0xff, v33;
	v27 =	vmul.f32 v60, v28  }
0x4d4: {  	v38 =	vor.u32 s0, v13;
	v18 =	vmovc v61;
	v29 =	vperm.xlane v32, v3;
	v61 =	vperm.xlane v32, v4;
	[tilespmem:s1+$0xFFFFFF00] =	vst v26;
	v62 =	vld [tilespmem:s13+$0x0]  }
0x4d5: {  	v63 =	vld [tilespmem:s13+$0xFFFFFF10];
	v7 =	vperm.xlane v33, v4;
	v45 =	vmul.f32 v50, v45;
	v35 =	vpop (erf);
	[tilespmem:s1+$0xFFFFFF40] =	vst v27  }
0x4d6: {  	v60 =	vperm.xlane v33, v11;
	v28 =	vperm.xlane v33, v3;
	[tilespmem:v36+s18+$0x0] =	vst.idx.msk $0xff, v35;
	v8 =	vld [tilespmem:s13+$0xFFFFFF50]  }
0x4d7: {  	v53 =	vmul.f32 v53, v52;
	v6 =	vperm.xlane v35, v11;
	[tilespmem:s1+$0xFFFFFF80] =	vst v45;
	v50 =	vld [tilespmem:s13+$0x40]  }
0x4d8: {  	[tilespmem:s30+$0xFFFFFF20] =	vst v46;
	v26 =	vperm.xlane v35, v3;
	v36 =	vpop (erf);
	v10 =	vperm.xlane v35, v4;
	v1 =	vld [tilespmem:s13+$0xFFFFFF90]  }
0x4d9: {  	v45 =	vmul.f32 v51, v14;
	[tilespmem:v38+s18+$0x0] =	vst.idx.msk $0xff, v36;
	v60 =	vmul.f32 v62, v60;
	v62 =	vld [tilespmem:$0x1FE20]  }
0x4da: {  	p1 =	slt.u32 s22, $0x88;
	v9 =	vperm.xlane v36, v11;
	v46 =	vmul.f32 v63, v44;
	[tilespmem:s1+$0xFFFFFFC0] =	vst v53;
	v63 =	vmov v48;
	v0 =	vld [tilespmem:s13+$0x80]  }
.Ltmp3:
0x4db: {  	s2 =	sadd.s32 $0x200, s2;
	v52 =	vld [tilespmem:s14+$0xFFFFFF30];
	v27 =	vperm.xlane v36, v3;
	v38 =	vperm.xlane v36, v4;
	[tilespmem:$0x1FE20] =	vst v63;
	(pc) =	sbr.rel @p1 .LBB2_5-.Ltmp3, $4  }
0x4dc: {  	s23 =	sadd.s32 $0x200, s23;
	v14 =	vmov v54;
	v54 =	vld [tilespmem:s2+$0xC0];
	v48 =	vmul.f32 v58, v23;
	[tilespmem:s1+$0xFFFFFF10] =	vst v46;
	v8 =	vmul.f32 v8, v56  }
0x4dd: {  	v53 =	vld [tilespmem:s23+$0xC0];
	v46 =	vmul.f32 v55, v16;
	[tilespmem:s1+$0x0] =	vst v60;
	v6 =	vmul.f32 v50, v6  }
0x4de: {  	v23 =	vmov v10;
	v55 =	vld [tilespmem:s23+$0xD0];
	v51 =	vmul.f32 v1, v59;
	v44 =	vmul.f32 v47, v62;
	[tilespmem:s1+$0xFFFFFF50] =	vst v8  }
0x4df: {  	s3 =	smov.u32 s22;
	s22 =	sadd.s32 $0x8, s22;
	s12 =	smov.u32 s13;
	v16 =	vmovc v61;
	v56 =	vld [tilespmem:s2+$0xD0];
	v50 =	vmul.f32 v0, v9;
	v47 =	vmul.f32 v57, v22;
	v22 =	vmov v7;
	[tilespmem:s1+$0x40] =	vst v6  }
0x4e0: {  	v8 =	vld [tilespmem:s2+$0xFFFFFF00];
	_ =	sdelay $0x1  }
0x4e1: {  	v0 =	vld [tilespmem:s23+$0xE0]  }
0x4e2: {  	v1 =	vld [tilespmem:s2+$0xE0]  }
0x4e3: {  	v6 =	vld [tilespmem:s23+$0xF0]  }
0x4e4: {  	v7 =	vld [tilespmem:s2+$0xF0];
	[tilespmem:$0x1FA30] =	vst v8  }
0x4e5: {  	v8 =	vld [tilespmem:s23+$0xFFFFFF10];
	_ =	sdelay $0x4  }
0x4e6: {  	[tilespmem:$0x1F950] =	vst v8  }
0x4e7: {  	v8 =	vld [tilespmem:s2+$0xFFFFFF10];
	_ =	sdelay $0x4  }
0x4e8: {  	[tilespmem:$0x1F960] =	vst v8  }
0x4e9: {  	v0 =	vmul.f32 v1, v0;
	v1 =	vld [tilespmem:s23+$0xFFFFFF40];
	_ =	sdelay $0x4  }
0x4ea: {  	[tilespmem:$0x1F970] =	vst v1  }
0x4eb: {  	v1 =	vld [tilespmem:s2+$0xFFFFFF40];
	_ =	sdelay $0x4  }
0x4ec: {  	[tilespmem:$0x1F980] =	vst v1  }
0x4ed: {  	v1 =	vld [tilespmem:s23+$0xFFFFFF80]  }
0x4ee: {  	v9 =	vmul.f32 v54, v53;
	v10 =	vmul.f32 v56, v55;
	_ =	sdelay $0x1  }
0x4ef: {  	v9 =	vadd.f32 v10, v9  }
0x4f0: {  	v6 =	vmul.f32 v7, v6;
	v7 =	vld [tilespmem:s23+$0xFFFFFF50]  }
0x4f1: {  	v0 =	vadd.f32 v0, v9;
	v9 =	vld [tilespmem:s2+$0xFFFFFF50];
	[tilespmem:$0x1F990] =	vst v1  }
0x4f2: {  	v1 =	vld [tilespmem:s2+$0xFFFFFF80];
	_ =	sdelay $0x4  }
0x4f3: {  	[tilespmem:$0x1F9A0] =	vst v1  }
0x4f4: {  	v1 =	vld [tilespmem:s23+$0xFFFFFF90];
	_ =	sdelay $0x4  }
0x4f5: {  	[tilespmem:$0x1F9B0] =	vst v1  }
0x4f6: {  	v1 =	vld [tilespmem:s2+$0xFFFFFF90];
	_ =	sdelay $0x4  }
0x4f7: {  	[tilespmem:$0x1F9C0] =	vst v1  }
0x4f8: {  	v1 =	vld [tilespmem:s23+$0xFFFFFFC0];
	_ =	sdelay $0x4  }
0x4f9: {  	[tilespmem:$0x1F9D0] =	vst v1  }
0x4fa: {  	v1 =	vld [tilespmem:s2+$0xFFFFFFC0];
	_ =	sdelay $0x4  }
0x4fb: {  	[tilespmem:$0x1F9E0] =	vst v1  }
0x4fc: {  	v1 =	vld [tilespmem:s23+$0xFFFFFFD0];
	_ =	sdelay $0x3  }
0x4fd: {  	v0 =	vadd.f32 v6, v0  }
0x4fe: {  	[tilespmem:$0x1F9F0] =	vst v1  }
0x4ff: {  	v6 =	vperm.xlane v0, v2;
	v1 =	vld [tilespmem:s2+$0xFFFFFFD0];
	_ =	sdelay $0x1  }
0x500: {  	v0 =	vadd.f32 v0, v6;
	_ =	sdelay $0x1  }
0x501: {  	v0 =	vmul.f32 $1.442695020e+00, v0  }
0x502: {  	[tilespmem:$0x1FA00] =	vst v1  }
0x503: {  	(erf) = vpow2.f32 v0;
	v0 =	vld [tilespmem:s23+$0x0];
	_ =	sdelay $0x4  }
0x504: {  	[tilespmem:$0x1FA10] =	vst v0  }
0x505: {  	v0 =	vld [tilespmem:s2+$0x0];
	_ =	sdelay $0x4  }
0x506: {  	[tilespmem:$0x1FA20] =	vst v0  }
0x507: {  	v0 =	vld [tilespmem:s23+$0x40];
	_ =	sdelay $0x3  }
0x508: {  	v63 =	vld [tilespmem:s23+$0x10]  }
0x509: {  	v61 =	vld [tilespmem:s2+$0x10];
	[tilespmem:$0x1FA40] =	vst v0  }
0x50a: {  	v1 =	vld [tilespmem:s2+$0x40];
	_ =	sdelay $0x4  }
0x50b: {  	[tilespmem:$0x1FA50] =	vst v1  }
0x50c: {  	v1 =	vld [tilespmem:s23+$0x50];
	_ =	sdelay $0x4  }
0x50d: {  	[tilespmem:$0x1FA60] =	vst v1  }
0x50e: {  	v1 =	vld [tilespmem:s2+$0x50];
	_ =	sdelay $0x4  }
0x50f: {  	s22 =	sshll.u32 s3, $0x3;
	[tilespmem:$0x1FA70] =	vst v1  }
0x510: {  	s0 =	sadd.s32 $0x38, s22;
	v1 =	vld [tilespmem:s23+$0x80]  }
0x511: {  	v0 =	vor.u32 s0, v13;
	_ =	sdelay $0x3  }
0x512: {  	v8 =	vpop (erf);
	[tilespmem:$0x1FA80] =	vst v1  }
0x513: {  	[tilespmem:v0+s18+$0x0] =	vst.idx.msk $0xff, v8;
	v0 =	vld [tilespmem:s23+$0x90];
	_ =	sdelay $0x3  }
0x514: {  	s13 =	sadd.s32 $0x200, s13;
	v62 =	vld [tilespmem:s2+$0x80]  }
0x515: {  	v1 =	vld [tilespmem:s13+$0xC0];
	[tilespmem:$0x1FA90] =	vst v0  }
0x516: {  	v0 =	vld [tilespmem:s2+$0x90];
	_ =	sdelay $0x4  }
0x517: {  	[tilespmem:$0x1FAA0] =	vst v0;
	v0 =	vperm.xlane v8, v11;
	_ =	sdelay $0x1  }
0x518: {  	v10 =	vld [tilespmem:s23+$0xFFFFFF00];
	v0 =	vmul.f32 v1, v0  }
0x519: {  	s29 =	sadd.s32 $0x200, s1;
	v57 =	vld [tilespmem:s23+$0xFFFFFF20]  }
0x51a: {  	v55 =	vld [tilespmem:s2+$0xFFFFFF20];
	[tilespmem:s29+$0xC0] =	vst v0  }
0x51b: {  	v1 =	vld [tilespmem:s13+$0xD0]  }
0x51c: {  	v58 =	vld [tilespmem:s23+$0xFFFFFF60]  }
0x51d: {  	v53 =	vld [tilespmem:s2+$0xFFFFFF60]  }
0x51e: {  	v56 =	vld [tilespmem:s23+$0xFFFFFFA0];
	v0 =	vperm.xlane v8, v3  }
0x51f: {  	v49 =	vmul.f32 v49, v24;
	v54 =	vld [tilespmem:s2+$0xFFFFFFA0]  }
0x520: {  	v60 =	vld [tilespmem:s23+$0xFFFFFFE0];
	v0 =	vmul.f32 v1, v0;
	v1 =	vmul.f32 v37, v12  }
0x521: {  	v59 =	vld [tilespmem:s2+$0xFFFFFFE0];
	[tilespmem:$0x1FAB0] =	vst v49  }
0x522: {  	v24 =	vld [tilespmem:s23+$0x20];
	[tilespmem:$0x1FAC0] =	vst v1;
	v1 =	vmul.f32 v39, v15;
	_ =	sdelay $0x1  }
0x523: {  	v37 =	vld [tilespmem:s2+$0x20];
	[tilespmem:$0x1FAD0] =	vst v1  }
0x524: {  	[tilespmem:s29+$0xD0] =	vst v0;
	v12 =	vld [tilespmem:s23+$0x60]  }
0x525: {  	v0 =	vmul.f32 v43, v17;
	v39 =	vld [tilespmem:s13+$0xE0]  }
0x526: {  	v1 =	vld [tilespmem:$0x1F960]  }
0x527: {  	[tilespmem:$0x1FAE0] =	vst v0;
	v0 =	vld [tilespmem:$0x1F950];
	_ =	sdelay $0x4  }
0x528: {  	v19 =	vmul.f32 v40, v19;
	v40 =	vmul.f32 v1, v0;
	v0 =	vld [tilespmem:$0x1F970]  }
0x529: {  	v1 =	vld [tilespmem:$0x1F980];
	_ =	sdelay $0x4  }
0x52a: {  	v21 =	vmul.f32 v42, v21;
	v42 =	vmul.f32 v1, v0;
	v0 =	vld [tilespmem:$0x1F990]  }
0x52b: {  	v1 =	vld [tilespmem:$0x1F9A0];
	_ =	sdelay $0x3  }
0x52c: {  	v6 =	vld [tilespmem:$0x1F9C0]  }
0x52d: {  	v25 =	vmul.f32 v52, v25;
	v52 =	vmul.f32 v1, v0;
	v1 =	vld [tilespmem:$0x1F9B0];
	_ =	sdelay $0x4  }
0x52e: {  	v43 =	vmul.f32 v9, v7;
	v7 =	vmul.f32 v6, v1;
	v1 =	vld [tilespmem:$0x1F9D0]  }
0x52f: {  	v6 =	vld [tilespmem:$0x1F9E0];
	_ =	sdelay $0x3  }
0x530: {  	v17 =	vld [tilespmem:$0x1FA00]  }
0x531: {  	v6 =	vmul.f32 v6, v1;
	v1 =	vld [tilespmem:$0x1F9F0];
	_ =	sdelay $0x3  }
0x532: {  	v42 =	vadd.f32 v43, v42;
	v43 =	vld [tilespmem:$0x1FA20]  }
0x533: {  	v1 =	vmul.f32 v17, v1;
	v17 =	vld [tilespmem:$0x1FA10];
	_ =	sdelay $0x1  }
0x534: {  	v0 =	vperm.xlane v8, v4;
	v7 =	vadd.f32 v7, v52;
	v52 =	vld [tilespmem:$0x1FA30];
	_ =	sdelay $0x1  }
0x535: {  	v0 =	vmul.f32 v39, v0  }
0x536: {  	v61 =	vmul.f32 v61, v63;
	v43 =	vmul.f32 v43, v17  }
0x537: {  	[tilespmem:s29+$0xE0] =	vst v0  }
0x538: {  	v1 =	vadd.f32 v1, v6;
	v6 =	vmul.f32 v52, v10;
	v10 =	vadd.f32 v61, v43;
	v43 =	vld [tilespmem:$0x1FA40]  }
0x539: {  	v61 =	vld [tilespmem:$0x1FA50];
	_ =	sdelay $0x3  }
0x53a: {  	v17 =	vld [tilespmem:$0x1FA70]  }
0x53b: {  	v43 =	vmul.f32 v61, v43;
	v61 =	vld [tilespmem:$0x1FA60]  }
0x53c: {  	v9 =	vld [tilespmem:s23+$0xFFFFFF30]  }
0x53d: {  	v39 =	vld [tilespmem:s2+$0xFFFFFF30];
	_ =	sdelay $0x1  }
0x53e: {  	v53 =	vmul.f32 v53, v58;
	v58 =	vmul.f32 v54, v56  }
0x53f: {  	v6 =	vadd.f32 v40, v6;
	v40 =	vmul.f32 v55, v57;
	v52 =	vmul.f32 v17, v61;
	v17 =	vld [tilespmem:$0x1FA80];
	_ =	sdelay $0x1  }
0x540: {  	v9 =	vmul.f32 v39, v9;
	v7 =	vadd.f32 v58, v7;
	v58 =	vld [tilespmem:s2+$0x30];
	v6 =	vadd.f32 v40, v6  }
0x541: {  	v57 =	vld [tilespmem:$0x1FAA0]  }
0x542: {  	v6 =	vadd.f32 v9, v6;
	v9 =	vld [tilespmem:s23+$0x30]  }
0x543: {  	v62 =	vmul.f32 v62, v17;
	v17 =	vld [tilespmem:$0x1FA90];
	[tilespmem:s1+$0x80] =	vst v50  }
0x544: {  	[tilespmem:s1+$0xFFFFFF90] =	vst v51  }
0x545: {  	v49 =	vld [tilespmem:s23+$0xA0];
	[tilespmem:s30+$0xFFFFFF60] =	vst v44  }
0x546: {  	v15 =	vld [tilespmem:s2+$0xA0];
	v24 =	vmul.f32 v37, v24;
	[tilespmem:s30+$0xFFFFFFA0] =	vst v45  }
0x547: {  	v63 =	vld [tilespmem:s23+$0xFFFFFF70];
	[tilespmem:s30+$0xFFFFFFE0] =	vst v46  }
0x548: {  	v0 =	vld [tilespmem:s2+$0xFFFFFF70];
	v10 =	vadd.f32 v24, v10;
	v9 =	vmul.f32 v58, v9;
	[tilespmem:s30+$0x20] =	vst v47  }
0x549: {  	v55 =	vld [tilespmem:s23+$0xFFFFFFB0];
	[tilespmem:s30+$0x60] =	vst v48  }
0x54a: {  	v42 =	vadd.f32 v53, v42;
	v53 =	vadd.f32 v9, v10;
	v10 =	vld [tilespmem:$0x1FAB0]  }
0x54b: {  	v43 =	vadd.f32 v52, v43;
	v52 =	vmul.f32 v57, v17;
	v57 =	vld [tilespmem:s2+$0xFFFFFFB0]  }
0x54c: {  	v54 =	vld [tilespmem:s2+$0xFFFFFFF0]  }
0x54d: {  	v39 =	vld [tilespmem:s23+$0xFFFFFFF0]  }
0x54e: {  	v0 =	vmul.f32 v0, v63;
	[tilespmem:s30+$0xFFFFFF30] =	vst v25;
	v52 =	vadd.f32 v52, v62;
	v62 =	vmul.f32 v59, v60  }
0x54f: {  	v20 =	vmul.f32 v41, v20;
	[tilespmem:s30+$0xA0] =	vst v10  }
0x550: {  	v0 =	vadd.f32 v0, v42;
	v1 =	vadd.f32 v62, v1;
	v62 =	vmul.f32 v57, v55;
	v55 =	vld [tilespmem:$0x1FAC0]  }
0x551: {  	v41 =	vld [tilespmem:s2+$0x60];
	v15 =	vmul.f32 v15, v49;
	v59 =	vperm.xlane v6, v2  }
0x552: {  	v49 =	vld [tilespmem:s23+$0xB0];
	v39 =	vmul.f32 v54, v39;
	v50 =	vperm.xlane v0, v2  }
0x553: {  	v63 =	vld [tilespmem:s2+$0x70];
	v6 =	vadd.f32 v6, v59;
	v7 =	vadd.f32 v62, v7  }
0x554: {  	v0 =	vadd.f32 v0, v50;
	v60 =	vld [tilespmem:s23+$0x70];
	v1 =	vadd.f32 v39, v1  }
0x555: {  	v51 =	vld [tilespmem:s2+$0xB0];
	v15 =	vadd.f32 v15, v52;
	v6 =	vmul.f32 $1.442695020e+00, v6;
	v52 =	vperm.xlane v7, v2;
	[tilespmem:s25+$0xFFFFFF70] =	vst v55  }
0x556: {  	v0 =	vmul.f32 $1.442695020e+00, v0;
	v10 =	vperm.xlane v1, v2;
	v56 =	vld [tilespmem:$0x1FAD0]  }
0x557: {  	v12 =	vmul.f32 v41, v12;
	(erf) = vpow2.f32 v6;
	v7 =	vadd.f32 v7, v52  }
0x558: {  	(erf) = vpow2.f32 v0;
	v0 =	vadd.f32 v1, v10;
	[tilespmem:s25+$0xFFFFFFF0] =	vst v19  }
0x559: {  	v61 =	vld [tilespmem:s13+$0xF0];
	v12 =	vadd.f32 v12, v43;
	v9 =	vmul.f32 v63, v60;
	[tilespmem:s25+$0x30] =	vst v20;
	v1 =	vmul.f32 $1.442695020e+00, v7  }
0x55a: {  	v54 =	vperm.xlane v53, v2;
	[tilespmem:s25+$0x70] =	vst v21;
	v0 =	vmul.f32 $1.442695020e+00, v0  }
0x55b: {  	v24 =	vmul.f32 v51, v49;
	v9 =	vadd.f32 v9, v12;
	v12 =	vld [tilespmem:s12+$0xFFFFFFD0];
	(erf) = vpow2.f32 v1;
	[tilespmem:s25+$0xFFFFFFB0] =	vst v56  }
0x55c: {  	v8 =	vperm.xlane v8, v5;
	v6 =	vadd.f32 v53, v54;
	(erf) = vpow2.f32 v0;
	v0 =	vld [tilespmem:$0x1FAE0]  }
0x55d: {  	v57 =	vld [tilespmem:s12+$0x10];
	v10 =	vadd.f32 v24, v15;
	v15 =	vperm.xlane v9, v2  }
0x55e: {  	v8 =	vmul.f32 v61, v8;
	s2 =	sadd.s32 $0x8, s22;
	v6 =	vmul.f32 $1.442695020e+00, v6;
	v1 =	vor.u32 s22, v13  }
0x55f: {  	v58 =	vld [tilespmem:s12+$0x50];
	v19 =	vor.u32 s2, v13;
	v9 =	vadd.f32 v9, v15;
	v15 =	vperm.xlane v10, v2  }
0x560: {  	v37 =	vmov v2;
	v2 =	vmul.f32 v12, v29;
	(erf) = vpow2.f32 v6;
	[tilespmem:s29+$0xF0] =	vst v8  }
0x561: {  	s4 =	sadd.s32 $0x10, s22;
	[tilespmem:s25+$0xB0] =	vst v0;
	v0 =	vmul.f32 $1.442695020e+00, v9;
	v9 =	vadd.f32 v10, v15  }
0x562: {  	s15 =	sadd.s32 $0x18, s22;
	v59 =	vld [tilespmem:s12+$0x90];
	v7 =	vmul.f32 v57, v28;
	v8 =	vor.u32 s4, v13;
	[tilespmem:s1+$0xFFFFFFD0] =	vst v2;
	v60 =	vpop (erf)  }
0x563: {  	v28 =	vpop (erf);
	[tilespmem:v1+s18+$0x0] =	vst.idx.msk $0xff, v60;
	v9 =	vmul.f32 $1.442695020e+00, v9;
	(erf) = vpow2.f32 v0;
	v0 =	vor.u32 s15, v13  }
0x564: {  	s16 =	sadd.s32 $0x20, s22;
	v61 =	vmul.f32 v58, v26;
	[tilespmem:v19+s18+$0x0] =	vst.idx.msk $0xff, v28;
	v1 =	vld [tilespmem:s13+$0xFFFFFF00]  }
0x565: {  	[tilespmem:s1+$0x10] =	vst v7;
	v19 =	vperm.xlane v60, v11;
	v10 =	vld [tilespmem:s13+$0xFFFFFF40];
	(erf) = vpow2.f32 v9;
	v9 =	vor.u32 s16, v13  }
0x566: {  	[tilespmem:s1+$0x50] =	vst v61;
	v15 =	vpop (erf)  }
0x567: {  	s19 =	sadd.s32 $0x28, s22;
	v29 =	vld [tilespmem:s12+$0xFFFFFF20];
	v6 =	vmul.f32 v59, v27;
	[tilespmem:v8+s18+$0x0] =	vst.idx.msk $0xff, v15;
	v17 =	vpop (erf)  }
0x568: {  	v62 =	vor.u32 s19, v13;
	v39 =	vperm.xlane v28, v11;
	v8 =	vld [tilespmem:s13+$0xFFFFFF80];
	[tilespmem:v0+s18+$0x0] =	vst.idx.msk $0xff, v17  }
0x569: {  	[tilespmem:s1+$0x90] =	vst v6;
	v1 =	vmul.f32 v1, v19;
	v19 =	vpop (erf);
	v0 =	vld [tilespmem:s13+$0xFFFFFFC0]  }
0x56a: {  	v10 =	vmul.f32 v10, v39;
	[tilespmem:v9+s18+$0x0] =	vst.idx.msk $0xff, v19  }
0x56b: {  	s23 =	sadd.s32 $0x30, s22;
	[tilespmem:s29+$0xFFFFFF00] =	vst v1;
	v9 =	vperm.xlane v15, v11;
	v1 =	vld [tilespmem:s13+$0x0]  }
0x56c: {  	v63 =	vor.u32 s23, v13;
	v42 =	vperm.xlane v17, v11;
	v41 =	vld [tilespmem:s13+$0xFFFFFF10];
	[tilespmem:s29+$0xFFFFFF40] =	vst v10;
	v10 =	vmul.f32 v29, v18;
	v40 =	vpop (erf)  }
0x56d: {  	v44 =	vld [tilespmem:s13+$0xFFFFFF50];
	v8 =	vmul.f32 v8, v9;
	[tilespmem:v62+s18+$0x0] =	vst.idx.msk $0xff, v40  }
0x56e: {  	v18 =	vperm.xlane v19, v11;
	[tilespmem:s1+$0xFFFFFF20] =	vst v10;
	v9 =	vld [tilespmem:s13+$0x40];
	v0 =	vmul.f32 v0, v42  }
0x56f: {  	v46 =	vld [tilespmem:s12+$0xFFFFFF60];
	[tilespmem:s29+$0xFFFFFF80] =	vst v8;
	v8 =	vperm.xlane v60, v3  }
0x570: {  	v43 =	vpop (erf);
	v10 =	vld [tilespmem:s13+$0xFFFFFF90];
	v1 =	vmul.f32 v1, v18;
	[tilespmem:s29+$0xFFFFFFC0] =	vst v0;
	v0 =	vperm.xlane v28, v3  }
0x571: {  	v48 =	vld [tilespmem:s12+$0x60];
	[tilespmem:v63+s18+$0x0] =	vst.idx.msk $0xff, v43;
	v18 =	vperm.xlane v40, v11;
	v8 =	vmul.f32 v41, v8  }
0x572: {  	v45 =	vld [tilespmem:s13+$0x80];
	[tilespmem:s29+$0x0] =	vst v1;
	v0 =	vmul.f32 v44, v0  }
0x573: {  	v47 =	vperm.xlane v15, v3;
	v1 =	vld [tilespmem:s12+$0xFFFFFFA0];
	[tilespmem:s29+$0xFFFFFF10] =	vst v8;
	v9 =	vmul.f32 v9, v18  }
0x574: {  	v8 =	vld [tilespmem:s12+$0xFFFFFFE0];
	[tilespmem:s29+$0xFFFFFF50] =	vst v0  }
0x575: {  	v18 =	vperm.xlane v43, v11;
	v0 =	vmul.f32 v10, v47;
	[tilespmem:s29+$0x40] =	vst v9;
	v9 =	vld [tilespmem:s12+$0x20]  }
0x576: {  	v6 =	vmul.f32 v48, v23;
	v2 =	vld [tilespmem:$0x1FE20]  }
0x577: {  	v7 =	vmul.f32 v45, v18;
	[tilespmem:s29+$0xFFFFFF90] =	vst v0  }
0x578: {  	[tilespmem:s1+$0x60] =	vst v6;
	v1 =	vmul.f32 v1, v14  }
0x579: {  	[tilespmem:s29+$0x80] =	vst v7;
	v8 =	vmul.f32 v8, v16  }
0x57a: {  	[tilespmem:s1+$0xFFFFFFA0] =	vst v1;
	v9 =	vmul.f32 v9, v22  }
0x57b: {  	v49 =	vld [tilespmem:s12+$0xA0];
	[tilespmem:s1+$0xFFFFFFE0] =	vst v8;
	v10 =	vmul.f32 v46, v2  }
0x57c: {  	[tilespmem:s1+$0x20] =	vst v9  }
0x57d: {  	[tilespmem:s1+$0xFFFFFF60] =	vst v10;
	v10 =	vld [tilespmem:s14+$0xFFFFFF70]  }
0x57e: {  	v2 =	vld [tilespmem:$0x1FD30];
	_ =	sdelay $0x1  }
0x57f: {  	v0 =	vld [tilespmem:s12+$0xFFFFFF30];
	v7 =	vmul.f32 v49, v38;
	_ =	sdelay $0x1  }
0x580: {  	v1 =	vld [tilespmem:s14+$0xFFFFFFB0];
	[tilespmem:s1+$0xA0] =	vst v7  }
0x581: {  	v12 =	vperm.xlane v34, v5;
	v10 =	vmul.f32 v10, v2;
	v2 =	vld [tilespmem:$0x1FD60];
	_ =	sdelay $0x1  }
0x582: {  	v0 =	vmul.f32 v0, v12;
	_ =	sdelay $0x1  }
0x583: {  	v8 =	vld [tilespmem:s14+$0xFFFFFFF0];
	[tilespmem:s1+$0xFFFFFF30] =	vst v0  }
0x584: {  	v1 =	vmul.f32 v1, v2;
	v2 =	vld [tilespmem:$0x1FD80];
	_ =	sdelay $0x2  }
0x585: {  	v50 =	vld [tilespmem:s14+$0x70]  }
0x586: {  	v9 =	vld [tilespmem:s14+$0x30];
	[tilespmem:s30+$0xFFFFFF70] =	vst v10  }
0x587: {  	v8 =	vmul.f32 v8, v2;
	v2 =	vld [tilespmem:$0x1FDD0];
	[tilespmem:s30+$0xFFFFFFB0] =	vst v1  }
0x588: {  	v12 =	vld [tilespmem:$0x1FDE0]  }
0x589: {  	v51 =	vld [tilespmem:s13+$0xFFFFFFD0]  }
0x58a: {  	v0 =	vld [tilespmem:s13+$0x10]  }
0x58b: {  	v10 =	vld [tilespmem:s13+$0x50]  }
0x58c: {  	v9 =	vmul.f32 v9, v2;
	v2 =	vperm.xlane v17, v3  }
0x58d: {  	[tilespmem:s30+$0xFFFFFFF0] =	vst v8;
	v6 =	vmul.f32 v50, v12;
	v12 =	vperm.xlane v19, v3  }
0x58e: {  	[tilespmem:s30+$0x30] =	vst v9;
	v7 =	vmul.f32 v51, v2;
	v2 =	vperm.xlane v40, v3  }
0x58f: {  	v1 =	vld [tilespmem:s13+$0x90];
	[tilespmem:s30+$0x70] =	vst v6;
	v0 =	vmul.f32 v0, v12  }
0x590: {  	v8 =	vld [tilespmem:s13+$0xFFFFFF20];
	[tilespmem:s29+$0xFFFFFFD0] =	vst v7;
	v10 =	vmul.f32 v10, v2  }
0x591: {  	v9 =	vld [tilespmem:s14+$0xB0];
	[tilespmem:s29+$0x10] =	vst v0  }
0x592: {  	v52 =	vperm.xlane v43, v3;
	v2 =	vld [tilespmem:s13+$0xFFFFFFA0];
	[tilespmem:s29+$0x50] =	vst v10  }
0x593: {  	v53 =	vperm.xlane v60, v4;
	v14 =	vmov v3;
	v3 =	vld [tilespmem:$0x1FDF0]  }
0x594: {  	v12 =	vld [tilespmem:s13+$0xFFFFFF60];
	v0 =	vmul.f32 v1, v52  }
0x595: {  	v54 =	vmul.f32 v8, v53;
	v1 =	vld [tilespmem:s13+$0xFFFFFFE0];
	v10 =	vperm.xlane v15, v4  }
0x596: {  	[tilespmem:s29+$0x90] =	vst v0;
	v0 =	vld [tilespmem:s13+$0x60]  }
0x597: {  	v55 =	vperm.xlane v28, v4;
	v8 =	vld [tilespmem:s13+$0x20];
	[tilespmem:s29+$0xFFFFFF20] =	vst v54;
	v10 =	vmul.f32 v2, v10  }
0x598: {  	v56 =	vperm.xlane v17, v4;
	v2 =	vld [tilespmem:s13+$0xFFFFFF30];
	v9 =	vmul.f32 v9, v3  }
0x599: {  	v57 =	vperm.xlane v40, v4;
	v7 =	vmul.f32 v12, v55;
	v12 =	vld [tilespmem:s13+$0xA0];
	[tilespmem:s29+$0xFFFFFFA0] =	vst v10  }
0x59a: {  	v59 =	vperm.xlane v60, v5;
	v10 =	vld [tilespmem:s12+$0xFFFFFFB0];
	[tilespmem:s30+$0xB0] =	vst v9;
	v9 =	vperm.xlane v19, v4  }
0x59b: {  	v58 =	vld [tilespmem:s12+$0xFFFFFF70];
	v1 =	vmul.f32 v1, v56;
	v0 =	vmul.f32 v0, v57  }
0x59c: {  	[tilespmem:s29+$0xFFFFFF60] =	vst v7;
	v8 =	vmul.f32 v8, v9;
	v9 =	vperm.xlane v43, v4  }
0x59d: {  	[tilespmem:s29+$0xFFFFFFE0] =	vst v1;
	v1 =	vld [tilespmem:s12+$0xFFFFFFF0];
	v6 =	vmul.f32 v2, v59;
	v2 =	vperm.xlane v31, v5  }
0x59e: {  	v9 =	vmul.f32 v12, v9;
	v12 =	vperm.xlane v30, v5;
	[tilespmem:s29+$0x20] =	vst v8;
	v8 =	vld [tilespmem:s12+$0x30]  }
0x59f: {  	[tilespmem:s29+$0x60] =	vst v0;
	v0 =	vld [tilespmem:s12+$0x70];
	v10 =	vmul.f32 v10, v2  }
0x5a0: {  	v7 =	vmul.f32 v58, v12;
	v12 =	vperm.xlane v32, v5;
	[tilespmem:s29+$0xA0] =	vst v9;
	v9 =	vld [tilespmem:s12+$0xB0]  }
0x5a1: {  	v60 =	vld [tilespmem:s13+$0xFFFFFF70];
	v2 =	vperm.xlane v33, v5;
	[tilespmem:s29+$0xFFFFFF30] =	vst v6  }
0x5a2: {  	v61 =	vld [tilespmem:s13+$0xFFFFFFB0];
	[tilespmem:s1+$0xFFFFFFB0] =	vst v10;
	v1 =	vmul.f32 v1, v12;
	v12 =	vperm.xlane v35, v5  }
0x5a3: {  	v10 =	vld [tilespmem:s13+$0xFFFFFFF0];
	[tilespmem:s1+$0xFFFFFF70] =	vst v7;
	v8 =	vmul.f32 v8, v2;
	v2 =	vperm.xlane v36, v5  }
0x5a4: {  	v0 =	vmul.f32 v0, v12;
	v12 =	vperm.xlane v28, v5;
	[tilespmem:s1+$0xFFFFFFF0] =	vst v1;
	v1 =	vld [tilespmem:s13+$0x30]  }
0x5a5: {  	v9 =	vmul.f32 v9, v2;
	v2 =	vperm.xlane v15, v5;
	[tilespmem:s1+$0x30] =	vst v8;
	v8 =	vld [tilespmem:s13+$0x70]  }
0x5a6: {  	[tilespmem:s1+$0x70] =	vst v0;
	v0 =	vperm.xlane v17, v5;
	v6 =	vmul.f32 v60, v12;
	v12 =	vld [tilespmem:s13+$0xB0]  }
0x5a7: {  	[tilespmem:s1+$0xB0] =	vst v9;
	v7 =	vmul.f32 v61, v2;
	v9 =	vperm.xlane v19, v5  }
0x5a8: {  	v62 =	vperm.xlane v40, v5;
	v0 =	vmul.f32 v10, v0;
	[tilespmem:s29+$0xFFFFFF70] =	vst v6  }
0x5a9: {  	v63 =	vperm.xlane v43, v5;
	v1 =	vmul.f32 v1, v9;
	[tilespmem:s29+$0xFFFFFFB0] =	vst v7  }
0x5aa: {  	v6 =	vmul.f32 v8, v62;
	[tilespmem:s29+$0xFFFFFFF0] =	vst v0  }
0x5ab: {  	v0 =	vmul.f32 v12, v63;
	[tilespmem:s29+$0x30] =	vst v1  }
0x5ac: {  	[tilespmem:s29+$0x70] =	vst v6  }
0x5ad: {  	s2 =	simm.s32 $0x1B0;
	s25 =	rddreg [dreg:$0x2];
	[tilespmem:s29+$0xB0] =	vst v0  }
0x5ae: {  	[spmem:s25] =	stream.indirect.scatter.add.f32 [tilespmem:s18], [sflag:$0x7], $0x8, s2, s31, $0xb8;
	[tilespmem:$0x1B3F0] =	vst v63  }
0x5af: {  	_ =	swait.ge [sflag:s28], $0x480  }
0x5b0: {  	[sflag:s28] =	ssyncset.done $0x0  }
0x5b1: {  	[sflag:s28] =	ssyncadd.s32 $0xFFFFFB80  }
.Ltmp4:
0x5b2: {  	s30 =	simm.s32 $0xDB60;
	s29 =	rddreg [dreg:$0x3];
	(pc) =	sbr.rel @p0 .LBB2_8-.Ltmp4, $4  }
0x5b3: {  	[spmem:s29] =	stream.indirect.scatter.add.f32 [tilespmem:s30], [sflag:$0x7], $0x40, s2, s31, $0xb8;
	[tilespmem:$0x1B3F0] =	vst v63  }
0x5b4: {  	_ =	swait.ge [sflag:s28], $0x2400  }
0x5b5: {  	[sflag:s28] =	ssyncset.done $0x0  }
0x5b6: {  	v16 =	vmovc v4;
	v2 =	vmov v11;
	v9 =	vmov v5;
	v1 =	vmov v13;
	[sflag:s28] =	ssyncadd.s32 $0xFFFFDC00  }
0x5b7: {  	s0 =	smul.u32 $0x120, s26  }
0x5b8: {  	s1 =	rddreg [dreg:$0x10]  }
0x5b9: {  	s0 =	sadd.s32 s0, s1  }
0x5ba: {  	s0 =	sshrl.u32 s0, $0x3  }
0x5bb: {  	s19 =	sadd.s32 s9, s0  }
0x5bc: {  	[tilespmem:s31], [sflag:$0x7] =	stream.linear.gather [hbm4b:s19+s5], $0x90, $0x38;
	[tilespmem:$0x1B3F0] =	vst v63  }
0x5bd: {  	_ =	swait.ge [sflag:s28], $0x90  }
0x5be: {  	[sflag:s28] =	ssyncset.done $0x0  }
0x5bf: {  	s22 =	sadd.s32 s10, s0;
	[sflag:s28] =	ssyncadd.s32 $0xFFFFFF70  }
0x5c0: {  	[tilespmem:s2], [sflag:$0x7] =	stream.linear.gather [hbm4b:s22+s5], $0x90, $0x38;
	[tilespmem:$0x1B3F0] =	vst v63  }
0x5c1: {  	_ =	swait.ge [sflag:s28], $0x90  }
0x5c2: {  	[sflag:s28] =	ssyncset.done $0x0  }
0x5c3: {  	s23 =	simm.s32 $0x2D0;
	s0 =	sadd.s32 s11, s0;
	[sflag:s28] =	ssyncadd.s32 $0xFFFFFF70  }
0x5c4: {  	[tilespmem:s23], [sflag:$0x7] =	stream.linear.gather [hbm4b:s0+s5], $0x90, $0x38;
	[tilespmem:$0x1B3F0] =	vst v63  }
0x5c5: {  	_ =	swait.ge [sflag:s28], $0x90  }
0x5c6: {  	[sflag:s28] =	ssyncset.done $0x0  }
0x5c7: {  	s25 =	simm.s32 $0x2760;
	[sflag:s28] =	ssyncadd.s32 $0xFFFFFF70  }
0x5c8: {  	[tilespmem:s25], [sflag:$0x2] =	stream.indirect.gather [hbm4b:s6+s31], $0x40, s31, s31, $0xb8;
	[tilespmem:$0x1B3F0] =	vst v63  }
.Ltmp5:
0x5c9: {  	_ = 	snop;
	(pc) =	sbr.rel .LBB2_2-.Ltmp5, $4  }
0x5ca: {  	s29 =	simm.s32 $0x6F60  }
0x5cb: {  	[tilespmem:s29], [sflag:$0x4] =	stream.indirect.gather [hbm4b:s7+s31], $0x40, s23, s31, $0xb8;
	[tilespmem:$0x1B3F0] =	vst v63  }
0x5cc: {  	s30 =	simm.s32 $0xB760;
	s26 =	sadd.s32 $0x1, s26  }
0x5cd: {  	v0 =	vmovc v37;
	v3 =	vmov v14;
	v4 =	vmov v16;
	v5 =	vmov v9;
	[tilespmem:s30], [sflag:$0x6] =	stream.indirect.gather [hbm4b:s8+s31], $0x40, s23, s31, $0xb8;
	[tilespmem:$0x1B3F0] =	vst v63  }
.LBB2_9:
0x5ce: {  	_ =	sfence.sel $0x180000  }
0x5cf: {  	[bflag:$0x0] =	sbarrier.arrive $0xFFFF  }
0x5d0: {  	_ =	strace $0x90000047  }
0x5d1: {  	s0 =	stileid.u32;
	[bflag:$0x2] =	sbarrier.arrive $0xFFFF  }
0x5d2: {  	p0 =	sne.s32 s0, $0x0;
	s0 =	rddreg [dreg:$0x4]  }
0x5d3: {  	s0 =	sadd.s32 @!p0 $0x100000, s0  }
0x5d4: {  	[sflag:s0] =	ssyncadd.tile.s32 @!p0 $0x1;
	_ =	shalt  }
.Lfunc_end2:
_tile_overlayer_lowered:
.L_overlay_start_2:
0x5d5: {  	(tag) =	ssettag $0x2  }
0x5d6: {  	s0 =	rddreg [dreg:$0x0];
	s2 =	stileid.u32  }
0x5d7: {  	s1 =	rddreg [dreg:$0x1];
	p0 =	sne.s32 s2, $0x0  }
0x5d8: {  	s3 =	rddreg [dreg:$0x2];
	[bflag:$0x3] =	sbarrier.arrive $0xFFFF;
	s2 =	simm.s32 @!p0 $0x1C07  }
0x5d9: {  	[timem:s3], [sflag:s2] =	dma.local @!p0 [hbm:s0], s1  }
0x5da: {  	s0 =	simm.s32 @!p0 $0x7  }
0x5db: {  	_ =	swait.ge @!p0 [sflag:s0], s1  }
0x5dc: {  	s1 =	ssub.s32 @!p0 $0x0, s1;
	[sflag:s0] =	ssyncset.done @!p0 $0x0  }
0x5dd: {  	[sflag:s0] =	ssyncadd.s32 @!p0 s1  }
0x5de: {  	[bflag:$0x3] =	sbarrier.arrive $0xFFFF  }
0x5df: {  	_ =	shalt  }

</sc_bundles>
